<compile_context>
chip_gen: v7x
topology: tpu7x:2x2x1
jax: 0.10.2.dev20260603
libtpu: 0.0.44.dev20260713+nightly
codegen_flags: <defaults>
</compile_context>

<pallas_src>
import functools

import jax
import jax.numpy as jnp
from jax import lax
from jax.experimental import pallas as pl
from jax.experimental.pallas import tpu as pltpu, tpu_sc as plsc

_NC = 2
_NS = 16
_NW = _NC * _NS
_K = 80
_BN = 1000


def _layout(n_nodes):
    rpt = -(-n_nodes // _NS)
    rpt = -(-rpt // 8) * 8
    npad = rpt * _NS
    chunks = []
    off = 0
    while off < rpt:
        w = min(_K, rpt - off)
        chunks.append((off, w))
        off += w
    return rpt, npad, tuple(chunks)



@functools.lru_cache(maxsize=None)
def _sc_agg(n_nodes, n_edges, d):
    epw = n_edges // _NW
    nchunk = epw // _K
    rpt, npad, chunks = _layout(n_nodes)
    assert epw * _NW == n_edges and nchunk * _K == epw
    assert nchunk % 2 == 1
    npair = (nchunk - 1) // 2

    mesh = plsc.VectorSubcoreMesh(core_axis_name="c", subcore_axis_name="s")
    out_type = jax.ShapeDtypeStruct((_NC * npad, d), jnp.float32)
    scratch = [
        pltpu.VMEM((_K, d), jnp.float32),
        pltpu.VMEM((_K, d), jnp.float32),
        pltpu.VMEM((epw,), jnp.int32),
        pltpu.VMEM((epw,), jnp.int32),
        pltpu.VMEM_SHARED((npad, d), jnp.float32),
        pltpu.SemaphoreType.DMA,
        pltpu.SemaphoreType.DMA,
        pltpu.SemaphoreType.DMA,
    ]

    def body(t_h, src_h, dst_h, z_h, out_h,
             rowsA, rowsB, s_all, d_all, acc, semA, semB, isem):
        c = lax.axis_index("c")
        s = lax.axis_index("s")
        wid = s * _NC + c
        r0 = s * rpt
        base = wid * epw

        pltpu.async_copy(src_h.at[pl.ds(base, epw)], s_all, isem)
        pltpu.async_copy(dst_h.at[pl.ds(base, epw)], d_all, isem)

        pltpu.sync_copy(z_h.at[pl.ds(0, _K)], rowsA)
        for (co, cw) in chunks:
            pltpu.sync_copy(rowsA.at[pl.ds(0, cw)],
                            acc.at[pl.ds(r0 + co, cw)])
        pltpu.make_async_copy(src_h.at[pl.ds(base, epw)], s_all, isem).wait()
        pltpu.make_async_copy(dst_h.at[pl.ds(base, epw)], d_all, isem).wait()
        plsc.subcore_barrier()

        def sidx(g):
            return s_all.at[pl.ds(g * _K, _K)]

        def didx(g):
            return d_all.at[pl.ds(g * _K, _K)]

        pltpu.async_copy(t_h.at[sidx(0)], rowsA, semA)

        def pair(i, carry):
            gB = pltpu.async_copy(t_h.at[sidx(2 * i + 1)], rowsB, semB)
            pltpu.make_async_copy(t_h.at[sidx(0)], rowsA, semA).wait()
            pltpu.sync_copy(rowsA, acc.at[didx(2 * i)], add=True)
            pltpu.async_copy(t_h.at[sidx(2 * i + 2)], rowsA, semA)
            gB.wait()
            pltpu.sync_copy(rowsB, acc.at[didx(2 * i + 1)], add=True)
            return carry
        lax.fori_loop(0, npair, pair, 0)
        pltpu.make_async_copy(t_h.at[sidx(0)], rowsA, semA).wait()
        pltpu.sync_copy(rowsA, acc.at[didx(nchunk - 1)], add=True)

        plsc.subcore_barrier()
        for (co, cw) in chunks:
            pltpu.sync_copy(acc.at[pl.ds(r0 + co, cw)],
                            rowsA.at[pl.ds(0, cw)])
            pltpu.sync_copy(rowsA.at[pl.ds(0, cw)],
                            out_h.at[pl.ds(c * npad + r0 + co, cw)])

    return pl.kernel(body, out_type=out_type, mesh=mesh,
                     scratch_types=scratch)


@functools.lru_cache(maxsize=None)
def _sc_count(n_nodes, n_edges):
    d = 128
    epw = n_edges // _NW
    nchunk = epw // _K
    rpt, npad, chunks = _layout(n_nodes)

    mesh = plsc.VectorSubcoreMesh(core_axis_name="c", subcore_axis_name="s")
    out_type = jax.ShapeDtypeStruct((_NC * npad, d), jnp.float32)
    scratch = [
        pltpu.VMEM((epw,), jnp.int32),
        pltpu.VMEM((_K, d), jnp.float32),
        pltpu.VMEM((_K, d), jnp.float32),
        pltpu.VMEM_SHARED((npad, d), jnp.float32),
        pltpu.SemaphoreType.DMA,
    ]

    def body(dst_h, z_h, ones_h, out_h, d_all, rows, ones, acc, isem):
        c = lax.axis_index("c")
        s = lax.axis_index("s")
        wid = s * _NC + c
        r0 = s * rpt
        base = wid * epw

        pltpu.async_copy(dst_h.at[pl.ds(base, epw)], d_all, isem)
        pltpu.sync_copy(z_h.at[pl.ds(0, _K)], rows)
        for (co, cw) in chunks:
            pltpu.sync_copy(rows.at[pl.ds(0, cw)],
                            acc.at[pl.ds(r0 + co, cw)])
        pltpu.sync_copy(ones_h, ones)
        pltpu.make_async_copy(dst_h.at[pl.ds(base, epw)], d_all, isem).wait()
        plsc.subcore_barrier()

        def chunk(g, carry):
            pltpu.sync_copy(ones, acc.at[d_all.at[pl.ds(g * _K, _K)]],
                            add=True)
            return carry
        lax.fori_loop(0, nchunk, chunk, 0)

        plsc.subcore_barrier()
        for (co, cw) in chunks:
            pltpu.sync_copy(acc.at[pl.ds(r0 + co, cw)],
                            rows.at[pl.ds(0, cw)])
            pltpu.sync_copy(rows.at[pl.ds(0, cw)],
                            out_h.at[pl.ds(c * npad + r0 + co, cw)])

    return pl.kernel(body, out_type=out_type, mesh=mesh,
                     scratch_types=scratch)



def _tc_in_body(x_ref, wl_ref, bl_ref, wr_ref, t_ref, r_ref):
    xb = x_ref[...]
    t_ref[...] = jnp.dot(xb, wl_ref[...], preferred_element_type=jnp.float32,
                         precision=lax.Precision.HIGHEST)
    r_ref[...] = (jnp.dot(xb, wr_ref[...], preferred_element_type=jnp.float32,
                          precision=lax.Precision.HIGHEST)
                  + bl_ref[...])


def _tc_comb1_body(p0, p1, c0, c1, r, wl, bl, wr, t_o, r_o, inv_o):
    inv = 1.0 / jnp.maximum(c0[...] + c1[...], 1.0)
    h = jnp.maximum((p0[...] + p1[...]) * inv + r[...], 0.0)
    t_o[...] = jnp.dot(h, wl[...], preferred_element_type=jnp.float32,
                       precision=lax.Precision.HIGHEST)
    r_o[...] = (jnp.dot(h, wr[...], preferred_element_type=jnp.float32,
                        precision=lax.Precision.HIGHEST)
                + bl[...])
    inv_o[...] = inv


def _tc_comb2_body(p0, p1, inv_ref, r, wl, bl, wr, t_o, r_o):
    inv = inv_ref[...]
    h = jnp.maximum((p0[...] + p1[...]) * inv + r[...], 0.0)
    t_o[...] = jnp.dot(h, wl[...], preferred_element_type=jnp.float32,
                       precision=lax.Precision.HIGHEST)
    r_o[...] = (jnp.dot(h, wr[...], preferred_element_type=jnp.float32,
                        precision=lax.Precision.HIGHEST)
                + bl[...])


def _tc_final_body(p0, p1, inv_ref, r, o):
    o[...] = (p0[...] + p1[...]) * inv_ref[...] + r[...]


def _row_spec(w):
    return pl.BlockSpec((_BN, w), lambda i: (i, 0))


def _rep_spec(shape):
    return pl.BlockSpec(shape, lambda i: (0, 0))


def _tc_in(x, wl, bl, wr):
    n, d = x.shape
    return pl.pallas_call(
        _tc_in_body,
        grid=(n // _BN,),
        in_specs=[_row_spec(d), _rep_spec((d, d)), _rep_spec((1, d)),
                  _rep_spec((d, d))],
        out_specs=[_row_spec(d), _row_spec(d)],
        out_shape=[jax.ShapeDtypeStruct((n, d), jnp.float32)] * 2,
    )(x, wl, bl.reshape(1, d), wr)


def _tc_comb1(p0, p1, c0, c1, r, wl, bl, wr):
    n, d = r.shape
    do = wl.shape[1]
    return pl.pallas_call(
        _tc_comb1_body,
        grid=(n // _BN,),
        in_specs=[_row_spec(d), _row_spec(d), _row_spec(1), _row_spec(1),
                  _row_spec(d), _rep_spec((d, do)), _rep_spec((1, do)),
                  _rep_spec((d, do))],
        out_specs=[_row_spec(do), _row_spec(do), _row_spec(1)],
        out_shape=[jax.ShapeDtypeStruct((n, do), jnp.float32)] * 2
        + [jax.ShapeDtypeStruct((n, 1), jnp.float32)],
    )(p0, p1, c0, c1, r, wl, bl.reshape(1, do), wr)


def _tc_comb2(p0, p1, inv, r, wl, bl, wr):
    n, d = r.shape
    do = wl.shape[1]
    return pl.pallas_call(
        _tc_comb2_body,
        grid=(n // _BN,),
        in_specs=[_row_spec(d), _row_spec(d), _row_spec(1), _row_spec(d),
                  _rep_spec((d, do)), _rep_spec((1, do)), _rep_spec((d, do))],
        out_specs=[_row_spec(do), _row_spec(do)],
        out_shape=[jax.ShapeDtypeStruct((n, do), jnp.float32)] * 2,
    )(p0, p1, inv, r, wl, bl.reshape(1, do), wr)


def _tc_final(p0, p1, inv, r):
    n, d = r.shape
    return pl.pallas_call(
        _tc_final_body,
        grid=(n // _BN,),
        in_specs=[_row_spec(d), _row_spec(d), _row_spec(1), _row_spec(d)],
        out_specs=_row_spec(d),
        out_shape=jax.ShapeDtypeStruct((n, d), jnp.float32),
    )(p0, p1, inv, r)



def kernel(x, edge_index, Wl1, bl1, Wr1, Wl2, bl2, Wr2, Wl3, bl3, Wr3):
    n, d = x.shape
    e = edge_index.shape[1]
    src = edge_index[0]
    dst = edge_index[1]
    _, npad, _ = _layout(n)
    zs = jnp.zeros((npad, d), jnp.float32)
    ones_k = jnp.ones((_K, 128), jnp.float32)

    cnt = _sc_count(n, e)(dst, zs, ones_k)
    t1, r1 = _tc_in(x, Wl1, bl1, Wr1)
    agg1 = _sc_agg(n, e, d)(t1, src, dst, zs)
    t2, r2, invc = _tc_comb1(agg1[:n], agg1[npad:npad + n],
                             cnt[:n, :1], cnt[npad:npad + n, :1],
                             r1, Wl2, bl2, Wr2)
    agg2 = _sc_agg(n, e, d)(t2, src, dst, zs)
    wl3p = jnp.pad(Wl3, ((0, 0), (0, d - Wl3.shape[1])))
    wr3p = jnp.pad(Wr3, ((0, 0), (0, d - Wr3.shape[1])))
    bl3p = jnp.pad(bl3, (0, d - bl3.shape[0]))
    t3, r3 = _tc_comb2(agg2[:n], agg2[npad:npad + n], invc, r2,
                       wl3p, bl3p, wr3p)
    agg3 = _sc_agg(n, e, d)(t3, src, dst, zs)
    out = _tc_final(agg3[:n], agg3[npad:npad + n], invc, r3)
    return out[:, :1]

# --- scband reference (transcript-rebuilt; emitter-appended) ---
"""Pipeline reference for scband-graph-sage-regression-86053964743052 (READ-ONLY COPY).

The authoritative reference and input builder live on the scoring server;
editing this copy changes nothing except your own understanding.
"""

import jax, jax.numpy as jnp
import numpy as np

N_NODES = 10000
N_EDGES = 320000
D_IN = 128
D_HID = 128
D_OUT = 1


def sage_conv(x, src, dst, Wl, bl, Wr, n_nodes):
    # PyG SAGEConv (mean aggregation): out = lin_l(mean_j x_j) + lin_r(x)
    msgs = x[src]
    agg = jax.ops.segment_sum(msgs, dst, num_segments=n_nodes)
    cnt = jax.ops.segment_sum(jnp.ones((src.shape[0], 1), dtype=x.dtype), dst, num_segments=n_nodes)
    agg = agg / jnp.clip(cnt, 1.0, None)
    return agg @ Wl + bl + x @ Wr


def setup_inputs(seed: int = 0) -> dict:
    key = jax.random.key(seed)
    ks = jax.random.split(key, 12)
    x = jax.random.normal(ks[0], (N_NODES, D_IN), dtype=jnp.float32)
    edge_index = jax.random.randint(ks[1], (2, N_EDGES), 0, N_NODES, dtype=jnp.int64 if jax.config.read('jax_enable_x64') else jnp.int32)
    def glorot(k, shape):
        fan_in, fan_out = shape[0], shape[1]
        lim = float(np.sqrt(6.0 / (fan_in + fan_out)))
        return jax.random.uniform(k, shape, dtype=jnp.float32, minval=-lim, maxval=lim)
    params = {
        'Wl1': glorot(ks[2], (D_IN, D_HID)), 'bl1': jnp.zeros((D_HID,), jnp.float32), 'Wr1': glorot(ks[3], (D_IN, D_HID)),
        'Wl2': glorot(ks[4], (D_HID, D_HID)), 'bl2': jnp.zeros((D_HID,), jnp.float32), 'Wr2': glorot(ks[5], (D_HID, D_HID)),
        'Wl3': glorot(ks[6], (D_HID, D_OUT)), 'bl3': jnp.zeros((D_OUT,), jnp.float32), 'Wr3': glorot(ks[7], (D_HID, D_OUT)),
    }
    return {'x': x, 'edge_index': edge_index, **params}


def reference(x, edge_index, Wl1, bl1, Wr1, Wl2, bl2, Wr2, Wl3, bl3, Wr3):
    src = edge_index[0]
    dst = edge_index[1]
    n = x.shape[0]
    # conv1 + relu
    h = jax.nn.relu(sage_conv(x, src, dst, Wl1, bl1, Wr1, n))
    # hidden convs (num_layers - 1 = 1) + relu
    h = jax.nn.relu(sage_conv(h, src, dst, Wl2, bl2, Wr2, n))
    # dropout is identity in eval mode
    out = sage_conv(h, src, dst, Wl3, bl3, Wr3, n)
    return out

if __name__ == "__main__":
    import jax
    _d = setup_inputs()
    print(jax.jit(kernel)(*tuple(_d.values())))

</pallas_src>

<mosaic_0001>
#map = affine_map<(d0, d1) -> (0, 0)>
#map1 = affine_map<(d0, d1) -> (0)>
module attributes {stable_mosaic.version = 14 : i64} {
  func.func @body(%arg0: i32, %arg1: i32, %arg2: memref<10000x128xf32, #tpu.memory_space<hbm>>, %arg3: memref<320000xi32, #tpu.memory_space<hbm>>, %arg4: memref<320000xi32, #tpu.memory_space<hbm>>, %arg5: memref<10112x128xf32, #tpu.memory_space<hbm>>, %arg6: memref<20224x128xf32, #tpu.memory_space<hbm>>, %arg7: memref<80x128xf32, #tpu.memory_space<vmem>>, %arg8: memref<80x128xf32, #tpu.memory_space<vmem>>, %arg9: memref<10000xi32, #tpu.memory_space<vmem>>, %arg10: memref<10000xi32, #tpu.memory_space<vmem>>, %arg11: memref<10112x128xf32, #tpu.memory_space<vmem_shared>>, %arg12: memref<!tpu.dma_semaphore, #tpu.memory_space<semaphore_mem>>, %arg13: memref<!tpu.dma_semaphore, #tpu.memory_space<semaphore_mem>>, %arg14: memref<!tpu.dma_semaphore, #tpu.memory_space<semaphore_mem>>) attributes {dimension_semantics = [#tpu.dimension_semantics<core_parallel>, #tpu.dimension_semantics<subcore_parallel>], iteration_bounds = array<i64: 2, 16>, scalar_prefetch = 0 : i64, scratch_operands = 8 : i64, tpu.core_type = #tpu.core_type<sc_vector_subcore>, window_params = [{transform_indices = #map}, {transform_indices = #map1}, {transform_indices = #map1}, {transform_indices = #map}, {transform_indices = #map}]} {
    %mul3A = arith.constant 2 : i32
    %mul3A_0 = arith.muli %arg1, %mul3A : i32
    %add3A = arith.addi %mul3A_0, %arg0 : i32
    %mul3A_1 = arith.constant 632 : i32
    %mul3A_2 = arith.muli %arg1, %mul3A_1 : i32
    %mul3A_3 = arith.constant 10000 : i32
    %mul3A_4 = arith.muli %add3A, %mul3A_3 : i32
    %dma_start3A = tpu.memref_slice %arg3[%mul3A_4] : memref<320000xi32, #tpu.memory_space<hbm>> -> memref<10000xi32, #tpu.memory_space<hbm>>
    %dma_start3A_5 = tpu.memref_slice %arg3[%mul3A_4] : memref<320000xi32, #tpu.memory_space<hbm>> -> memref<10000xi32, #tpu.memory_space<hbm>>
    tpu.enqueue_dma source(%dma_start3A_5 : memref<10000xi32, #tpu.memory_space<hbm>>) target(%arg9 : memref<10000xi32, #tpu.memory_space<vmem>>) target_semaphore(%arg14 : memref<!tpu.dma_semaphore, #tpu.memory_space<semaphore_mem>>)
    %dma_start3A_6 = tpu.memref_slice %arg4[%mul3A_4] : memref<320000xi32, #tpu.memory_space<hbm>> -> memref<10000xi32, #tpu.memory_space<hbm>>
    %dma_start3A_7 = tpu.memref_slice %arg4[%mul3A_4] : memref<320000xi32, #tpu.memory_space<hbm>> -> memref<10000xi32, #tpu.memory_space<hbm>>
    tpu.enqueue_dma source(%dma_start3A_7 : memref<10000xi32, #tpu.memory_space<hbm>>) target(%arg10 : memref<10000xi32, #tpu.memory_space<vmem>>) target_semaphore(%arg14 : memref<!tpu.dma_semaphore, #tpu.memory_space<semaphore_mem>>)
    "tpu.region"() ({
      %run_scoped3A = tpu.sem_alloc : memref<!tpu.dma_semaphore, #tpu.memory_space<semaphore_mem>>
      %dma_start3A_99 = arith.constant 0 : i32
      %dma_start3A_100 = arith.constant 0 : i32
      %dma_start3A_101 = tpu.memref_slice %arg5[%dma_start3A_99, %dma_start3A_100] : memref<10112x128xf32, #tpu.memory_space<hbm>> -> memref<80x128xf32, #tpu.memory_space<hbm>>
      %dma_start3A_102 = arith.constant 0 : i32
      %dma_start3A_103 = arith.constant 0 : i32
      %dma_start3A_104 = tpu.memref_slice %arg5[%dma_start3A_102, %dma_start3A_103] : memref<10112x128xf32, #tpu.memory_space<hbm>> -> memref<80x128xf32, #tpu.memory_space<hbm>>
      tpu.enqueue_dma source(%dma_start3A_104 : memref<80x128xf32, #tpu.memory_space<hbm>>) target(%arg7 : memref<80x128xf32, #tpu.memory_space<vmem>>) target_semaphore(%run_scoped3A : memref<!tpu.dma_semaphore, #tpu.memory_space<semaphore_mem>>)
      %dma_wait3A_105 = arith.constant 0 : i32
      %dma_wait3A_106 = arith.constant 0 : i32
      %dma_wait3A_107 = tpu.memref_slice %arg5[%dma_wait3A_105, %dma_wait3A_106] : memref<10112x128xf32, #tpu.memory_space<hbm>> -> memref<80x128xf32, #tpu.memory_space<hbm>>
      %dma_wait3A_108 = arith.constant 0 : i32
      %dma_wait3A_109 = arith.constant 0 : i32
      %dma_wait3A_110 = tpu.memref_slice %arg5[%dma_wait3A_108, %dma_wait3A_109] : memref<10112x128xf32, #tpu.memory_space<hbm>> -> memref<80x128xf32, #tpu.memory_space<hbm>>
      tpu.wait_dma2 semaphore(%run_scoped3A : memref<!tpu.dma_semaphore, #tpu.memory_space<semaphore_mem>>) src(%dma_wait3A_110 : memref<80x128xf32, #tpu.memory_space<hbm>>) dst(%arg7 : memref<80x128xf32, #tpu.memory_space<vmem>>)
      tpu.yield
    }) : () -> ()
    %add3A_8 = arith.constant 0 : i32
    %add3A_9 = arith.addi %mul3A_2, %add3A_8 : i32
    "tpu.region"() ({
      %run_scoped3A = tpu.sem_alloc : memref<!tpu.dma_semaphore, #tpu.memory_space<semaphore_mem>>
      %dma_start3A_99 = arith.constant 0 : i32
      %dma_start3A_100 = arith.constant 0 : i32
      %dma_start3A_101 = tpu.memref_slice %arg7[%dma_start3A_99, %dma_start3A_100] : memref<80x128xf32, #tpu.memory_space<vmem>> -> memref<80x128xf32, #tpu.memory_space<vmem>>
      %dma_start3A_102 = arith.constant 0 : i32
      %dma_start3A_103 = tpu.memref_slice %arg11[%add3A_9, %dma_start3A_102] : memref<10112x128xf32, #tpu.memory_space<vmem_shared>> -> memref<80x128xf32, #tpu.memory_space<vmem_shared>>
      %dma_start3A_104 = arith.constant 0 : i32
      %dma_start3A_105 = tpu.memref_slice %arg11[%add3A_9, %dma_start3A_104] : memref<10112x128xf32, #tpu.memory_space<vmem_shared>> -> memref<80x128xf32, #tpu.memory_space<vmem_shared>>
      %dma_start3A_106 = arith.constant 0 : i32
      %dma_start3A_107 = arith.constant 0 : i32
      %dma_start3A_108 = tpu.memref_slice %arg7[%dma_start3A_106, %dma_start3A_107] : memref<80x128xf32, #tpu.memory_space<vmem>> -> memref<80x128xf32, #tpu.memory_space<vmem>>
      tpu.enqueue_dma source(%dma_start3A_108 : memref<80x128xf32, #tpu.memory_space<vmem>>) target(%dma_start3A_105 : memref<80x128xf32, #tpu.memory_space<vmem_shared>>) target_semaphore(%run_scoped3A : memref<!tpu.dma_semaphore, #tpu.memory_space<semaphore_mem>>)
      %dma_wait3A_109 = arith.constant 0 : i32
      %dma_wait3A_110 = arith.constant 0 : i32
      %dma_wait3A_111 = tpu.memref_slice %arg7[%dma_wait3A_109, %dma_wait3A_110] : memref<80x128xf32, #tpu.memory_space<vmem>> -> memref<80x128xf32, #tpu.memory_space<vmem>>
      %dma_wait3A_112 = arith.constant 0 : i32
      %dma_wait3A_113 = tpu.memref_slice %arg11[%add3A_9, %dma_wait3A_112] : memref<10112x128xf32, #tpu.memory_space<vmem_shared>> -> memref<80x128xf32, #tpu.memory_space<vmem_shared>>
      %dma_wait3A_114 = arith.constant 0 : i32
      %dma_wait3A_115 = tpu.memref_slice %arg11[%add3A_9, %dma_wait3A_114] : memref<10112x128xf32, #tpu.memory_space<vmem_shared>> -> memref<80x128xf32, #tpu.memory_space<vmem_shared>>
      %dma_wait3A_116 = arith.constant 0 : i32
      %dma_wait3A_117 = arith.constant 0 : i32
      %dma_wait3A_118 = tpu.memref_slice %arg7[%dma_wait3A_116, %dma_wait3A_117] : memref<80x128xf32, #tpu.memory_space<vmem>> -> memref<80x128xf32, #tpu.memory_space<vmem>>
      tpu.wait_dma2 semaphore(%run_scoped3A : memref<!tpu.dma_semaphore, #tpu.memory_space<semaphore_mem>>) src(%dma_wait3A_118 : memref<80x128xf32, #tpu.memory_space<vmem>>) dst(%dma_wait3A_115 : memref<80x128xf32, #tpu.memory_space<vmem_shared>>)
      tpu.yield
    }) : () -> ()
    %add3A_10 = arith.constant 80 : i32
    %add3A_11 = arith.addi %mul3A_2, %add3A_10 : i32
    "tpu.region"() ({
      %run_scoped3A = tpu.sem_alloc : memref<!tpu.dma_semaphore, #tpu.memory_space<semaphore_mem>>
      %dma_start3A_99 = arith.constant 0 : i32
      %dma_start3A_100 = arith.constant 0 : i32
      %dma_start3A_101 = tpu.memref_slice %arg7[%dma_start3A_99, %dma_start3A_100] : memref<80x128xf32, #tpu.memory_space<vmem>> -> memref<80x128xf32, #tpu.memory_space<vmem>>
      %dma_start3A_102 = arith.constant 0 : i32
      %dma_start3A_103 = tpu.memref_slice %arg11[%add3A_11, %dma_start3A_102] : memref<10112x128xf32, #tpu.memory_space<vmem_shared>> -> memref<80x128xf32, #tpu.memory_space<vmem_shared>>
      %dma_start3A_104 = arith.constant 0 : i32
      %dma_start3A_105 = tpu.memref_slice %arg11[%add3A_11, %dma_start3A_104] : memref<10112x128xf32, #tpu.memory_space<vmem_shared>> -> memref<80x128xf32, #tpu.memory_space<vmem_shared>>
      %dma_start3A_106 = arith.constant 0 : i32
      %dma_start3A_107 = arith.constant 0 : i32
      %dma_start3A_108 = tpu.memref_slice %arg7[%dma_start3A_106, %dma_start3A_107] : memref<80x128xf32, #tpu.memory_space<vmem>> -> memref<80x128xf32, #tpu.memory_space<vmem>>
      tpu.enqueue_dma source(%dma_start3A_108 : memref<80x128xf32, #tpu.memory_space<vmem>>) target(%dma_start3A_105 : memref<80x128xf32, #tpu.memory_space<vmem_shared>>) target_semaphore(%run_scoped3A : memref<!tpu.dma_semaphore, #tpu.memory_space<semaphore_mem>>)
      %dma_wait3A_109 = arith.constant 0 : i32
      %dma_wait3A_110 = arith.constant 0 : i32
      %dma_wait3A_111 = tpu.memref_slice %arg7[%dma_wait3A_109, %dma_wait3A_110] : memref<80x128xf32, #tpu.memory_space<vmem>> -> memref<80x128xf32, #tpu.memory_space<vmem>>
      %dma_wait3A_112 = arith.constant 0 : i32
      %dma_wait3A_113 = tpu.memref_slice %arg11[%add3A_11, %dma_wait3A_112] : memref<10112x128xf32, #tpu.memory_space<vmem_shared>> -> memref<80x128xf32, #tpu.memory_space<vmem_shared>>
      %dma_wait3A_114 = arith.constant 0 : i32
      %dma_wait3A_115 = tpu.memref_slice %arg11[%add3A_11, %dma_wait3A_114] : memref<10112x128xf32, #tpu.memory_space<vmem_shared>> -> memref<80x128xf32, #tpu.memory_space<vmem_shared>>
      %dma_wait3A_116 = arith.constant 0 : i32
      %dma_wait3A_117 = arith.constant 0 : i32
      %dma_wait3A_118 = tpu.memref_slice %arg7[%dma_wait3A_116, %dma_wait3A_117] : memref<80x128xf32, #tpu.memory_space<vmem>> -> memref<80x128xf32, #tpu.memory_space<vmem>>
      tpu.wait_dma2 semaphore(%run_scoped3A : memref<!tpu.dma_semaphore, #tpu.memory_space<semaphore_mem>>) src(%dma_wait3A_118 : memref<80x128xf32, #tpu.memory_space<vmem>>) dst(%dma_wait3A_115 : memref<80x128xf32, #tpu.memory_space<vmem_shared>>)
      tpu.yield
    }) : () -> ()
    %add3A_12 = arith.constant 160 : i32
    %add3A_13 = arith.addi %mul3A_2, %add3A_12 : i32
    "tpu.region"() ({
      %run_scoped3A = tpu.sem_alloc : memref<!tpu.dma_semaphore, #tpu.memory_space<semaphore_mem>>
      %dma_start3A_99 = arith.constant 0 : i32
      %dma_start3A_100 = arith.constant 0 : i32
      %dma_start3A_101 = tpu.memref_slice %arg7[%dma_start3A_99, %dma_start3A_100] : memref<80x128xf32, #tpu.memory_space<vmem>> -> memref<80x128xf32, #tpu.memory_space<vmem>>
      %dma_start3A_102 = arith.constant 0 : i32
      %dma_start3A_103 = tpu.memref_slice %arg11[%add3A_13, %dma_start3A_102] : memref<10112x128xf32, #tpu.memory_space<vmem_shared>> -> memref<80x128xf32, #tpu.memory_space<vmem_shared>>
      %dma_start3A_104 = arith.constant 0 : i32
      %dma_start3A_105 = tpu.memref_slice %arg11[%add3A_13, %dma_start3A_104] : memref<10112x128xf32, #tpu.memory_space<vmem_shared>> -> memref<80x128xf32, #tpu.memory_space<vmem_shared>>
      %dma_start3A_106 = arith.constant 0 : i32
      %dma_start3A_107 = arith.constant 0 : i32
      %dma_start3A_108 = tpu.memref_slice %arg7[%dma_start3A_106, %dma_start3A_107] : memref<80x128xf32, #tpu.memory_space<vmem>> -> memref<80x128xf32, #tpu.memory_space<vmem>>
      tpu.enqueue_dma source(%dma_start3A_108 : memref<80x128xf32, #tpu.memory_space<vmem>>) target(%dma_start3A_105 : memref<80x128xf32, #tpu.memory_space<vmem_shared>>) target_semaphore(%run_scoped3A : memref<!tpu.dma_semaphore, #tpu.memory_space<semaphore_mem>>)
      %dma_wait3A_109 = arith.constant 0 : i32
      %dma_wait3A_110 = arith.constant 0 : i32
      %dma_wait3A_111 = tpu.memref_slice %arg7[%dma_wait3A_109, %dma_wait3A_110] : memref<80x128xf32, #tpu.memory_space<vmem>> -> memref<80x128xf32, #tpu.memory_space<vmem>>
      %dma_wait3A_112 = arith.constant 0 : i32
      %dma_wait3A_113 = tpu.memref_slice %arg11[%add3A_13, %dma_wait3A_112] : memref<10112x128xf32, #tpu.memory_space<vmem_shared>> -> memref<80x128xf32, #tpu.memory_space<vmem_shared>>
      %dma_wait3A_114 = arith.constant 0 : i32
      %dma_wait3A_115 = tpu.memref_slice %arg11[%add3A_13, %dma_wait3A_114] : memref<10112x128xf32, #tpu.memory_space<vmem_shared>> -> memref<80x128xf32, #tpu.memory_space<vmem_shared>>
      %dma_wait3A_116 = arith.constant 0 : i32
      %dma_wait3A_117 = arith.constant 0 : i32
      %dma_wait3A_118 = tpu.memref_slice %arg7[%dma_wait3A_116, %dma_wait3A_117] : memref<80x128xf32, #tpu.memory_space<vmem>> -> memref<80x128xf32, #tpu.memory_space<vmem>>
      tpu.wait_dma2 semaphore(%run_scoped3A : memref<!tpu.dma_semaphore, #tpu.memory_space<semaphore_mem>>) src(%dma_wait3A_118 : memref<80x128xf32, #tpu.memory_space<vmem>>) dst(%dma_wait3A_115 : memref<80x128xf32, #tpu.memory_space<vmem_shared>>)
      tpu.yield
    }) : () -> ()
    %add3A_14 = arith.constant 240 : i32
    %add3A_15 = arith.addi %mul3A_2, %add3A_14 : i32
    "tpu.region"() ({
      %run_scoped3A = tpu.sem_alloc : memref<!tpu.dma_semaphore, #tpu.memory_space<semaphore_mem>>
      %dma_start3A_99 = arith.constant 0 : i32
      %dma_start3A_100 = arith.constant 0 : i32
      %dma_start3A_101 = tpu.memref_slice %arg7[%dma_start3A_99, %dma_start3A_100] : memref<80x128xf32, #tpu.memory_space<vmem>> -> memref<80x128xf32, #tpu.memory_space<vmem>>
      %dma_start3A_102 = arith.constant 0 : i32
      %dma_start3A_103 = tpu.memref_slice %arg11[%add3A_15, %dma_start3A_102] : memref<10112x128xf32, #tpu.memory_space<vmem_shared>> -> memref<80x128xf32, #tpu.memory_space<vmem_shared>>
      %dma_start3A_104 = arith.constant 0 : i32
      %dma_start3A_105 = tpu.memref_slice %arg11[%add3A_15, %dma_start3A_104] : memref<10112x128xf32, #tpu.memory_space<vmem_shared>> -> memref<80x128xf32, #tpu.memory_space<vmem_shared>>
      %dma_start3A_106 = arith.constant 0 : i32
      %dma_start3A_107 = arith.constant 0 : i32
      %dma_start3A_108 = tpu.memref_slice %arg7[%dma_start3A_106, %dma_start3A_107] : memref<80x128xf32, #tpu.memory_space<vmem>> -> memref<80x128xf32, #tpu.memory_space<vmem>>
      tpu.enqueue_dma source(%dma_start3A_108 : memref<80x128xf32, #tpu.memory_space<vmem>>) target(%dma_start3A_105 : memref<80x128xf32, #tpu.memory_space<vmem_shared>>) target_semaphore(%run_scoped3A : memref<!tpu.dma_semaphore, #tpu.memory_space<semaphore_mem>>)
      %dma_wait3A_109 = arith.constant 0 : i32
      %dma_wait3A_110 = arith.constant 0 : i32
      %dma_wait3A_111 = tpu.memref_slice %arg7[%dma_wait3A_109, %dma_wait3A_110] : memref<80x128xf32, #tpu.memory_space<vmem>> -> memref<80x128xf32, #tpu.memory_space<vmem>>
      %dma_wait3A_112 = arith.constant 0 : i32
      %dma_wait3A_113 = tpu.memref_slice %arg11[%add3A_15, %dma_wait3A_112] : memref<10112x128xf32, #tpu.memory_space<vmem_shared>> -> memref<80x128xf32, #tpu.memory_space<vmem_shared>>
      %dma_wait3A_114 = arith.constant 0 : i32
      %dma_wait3A_115 = tpu.memref_slice %arg11[%add3A_15, %dma_wait3A_114] : memref<10112x128xf32, #tpu.memory_space<vmem_shared>> -> memref<80x128xf32, #tpu.memory_space<vmem_shared>>
      %dma_wait3A_116 = arith.constant 0 : i32
      %dma_wait3A_117 = arith.constant 0 : i32
      %dma_wait3A_118 = tpu.memref_slice %arg7[%dma_wait3A_116, %dma_wait3A_117] : memref<80x128xf32, #tpu.memory_space<vmem>> -> memref<80x128xf32, #tpu.memory_space<vmem>>
      tpu.wait_dma2 semaphore(%run_scoped3A : memref<!tpu.dma_semaphore, #tpu.memory_space<semaphore_mem>>) src(%dma_wait3A_118 : memref<80x128xf32, #tpu.memory_space<vmem>>) dst(%dma_wait3A_115 : memref<80x128xf32, #tpu.memory_space<vmem_shared>>)
      tpu.yield
    }) : () -> ()
    %add3A_16 = arith.constant 320 : i32
    %add3A_17 = arith.addi %mul3A_2, %add3A_16 : i32
    "tpu.region"() ({
      %run_scoped3A = tpu.sem_alloc : memref<!tpu.dma_semaphore, #tpu.memory_space<semaphore_mem>>
      %dma_start3A_99 = arith.constant 0 : i32
      %dma_start3A_100 = arith.constant 0 : i32
      %dma_start3A_101 = tpu.memref_slice %arg7[%dma_start3A_99, %dma_start3A_100] : memref<80x128xf32, #tpu.memory_space<vmem>> -> memref<80x128xf32, #tpu.memory_space<vmem>>
      %dma_start3A_102 = arith.constant 0 : i32
      %dma_start3A_103 = tpu.memref_slice %arg11[%add3A_17, %dma_start3A_102] : memref<10112x128xf32, #tpu.memory_space<vmem_shared>> -> memref<80x128xf32, #tpu.memory_space<vmem_shared>>
      %dma_start3A_104 = arith.constant 0 : i32
      %dma_start3A_105 = tpu.memref_slice %arg11[%add3A_17, %dma_start3A_104] : memref<10112x128xf32, #tpu.memory_space<vmem_shared>> -> memref<80x128xf32, #tpu.memory_space<vmem_shared>>
      %dma_start3A_106 = arith.constant 0 : i32
      %dma_start3A_107 = arith.constant 0 : i32
      %dma_start3A_108 = tpu.memref_slice %arg7[%dma_start3A_106, %dma_start3A_107] : memref<80x128xf32, #tpu.memory_space<vmem>> -> memref<80x128xf32, #tpu.memory_space<vmem>>
      tpu.enqueue_dma source(%dma_start3A_108 : memref<80x128xf32, #tpu.memory_space<vmem>>) target(%dma_start3A_105 : memref<80x128xf32, #tpu.memory_space<vmem_shared>>) target_semaphore(%run_scoped3A : memref<!tpu.dma_semaphore, #tpu.memory_space<semaphore_mem>>)
      %dma_wait3A_109 = arith.constant 0 : i32
      %dma_wait3A_110 = arith.constant 0 : i32
      %dma_wait3A_111 = tpu.memref_slice %arg7[%dma_wait3A_109, %dma_wait3A_110] : memref<80x128xf32, #tpu.memory_space<vmem>> -> memref<80x128xf32, #tpu.memory_space<vmem>>
      %dma_wait3A_112 = arith.constant 0 : i32
      %dma_wait3A_113 = tpu.memref_slice %arg11[%add3A_17, %dma_wait3A_112] : memref<10112x128xf32, #tpu.memory_space<vmem_shared>> -> memref<80x128xf32, #tpu.memory_space<vmem_shared>>
      %dma_wait3A_114 = arith.constant 0 : i32
      %dma_wait3A_115 = tpu.memref_slice %arg11[%add3A_17, %dma_wait3A_114] : memref<10112x128xf32, #tpu.memory_space<vmem_shared>> -> memref<80x128xf32, #tpu.memory_space<vmem_shared>>
      %dma_wait3A_116 = arith.constant 0 : i32
      %dma_wait3A_117 = arith.constant 0 : i32
      %dma_wait3A_118 = tpu.memref_slice %arg7[%dma_wait3A_116, %dma_wait3A_117] : memref<80x128xf32, #tpu.memory_space<vmem>> -> memref<80x128xf32, #tpu.memory_space<vmem>>
      tpu.wait_dma2 semaphore(%run_scoped3A : memref<!tpu.dma_semaphore, #tpu.memory_space<semaphore_mem>>) src(%dma_wait3A_118 : memref<80x128xf32, #tpu.memory_space<vmem>>) dst(%dma_wait3A_115 : memref<80x128xf32, #tpu.memory_space<vmem_shared>>)
      tpu.yield
    }) : () -> ()
    %add3A_18 = arith.constant 400 : i32
    %add3A_19 = arith.addi %mul3A_2, %add3A_18 : i32
    "tpu.region"() ({
      %run_scoped3A = tpu.sem_alloc : memref<!tpu.dma_semaphore, #tpu.memory_space<semaphore_mem>>
      %dma_start3A_99 = arith.constant 0 : i32
      %dma_start3A_100 = arith.constant 0 : i32
      %dma_start3A_101 = tpu.memref_slice %arg7[%dma_start3A_99, %dma_start3A_100] : memref<80x128xf32, #tpu.memory_space<vmem>> -> memref<80x128xf32, #tpu.memory_space<vmem>>
      %dma_start3A_102 = arith.constant 0 : i32
      %dma_start3A_103 = tpu.memref_slice %arg11[%add3A_19, %dma_start3A_102] : memref<10112x128xf32, #tpu.memory_space<vmem_shared>> -> memref<80x128xf32, #tpu.memory_space<vmem_shared>>
      %dma_start3A_104 = arith.constant 0 : i32
      %dma_start3A_105 = tpu.memref_slice %arg11[%add3A_19, %dma_start3A_104] : memref<10112x128xf32, #tpu.memory_space<vmem_shared>> -> memref<80x128xf32, #tpu.memory_space<vmem_shared>>
      %dma_start3A_106 = arith.constant 0 : i32
      %dma_start3A_107 = arith.constant 0 : i32
      %dma_start3A_108 = tpu.memref_slice %arg7[%dma_start3A_106, %dma_start3A_107] : memref<80x128xf32, #tpu.memory_space<vmem>> -> memref<80x128xf32, #tpu.memory_space<vmem>>
      tpu.enqueue_dma source(%dma_start3A_108 : memref<80x128xf32, #tpu.memory_space<vmem>>) target(%dma_start3A_105 : memref<80x128xf32, #tpu.memory_space<vmem_shared>>) target_semaphore(%run_scoped3A : memref<!tpu.dma_semaphore, #tpu.memory_space<semaphore_mem>>)
      %dma_wait3A_109 = arith.constant 0 : i32
      %dma_wait3A_110 = arith.constant 0 : i32
      %dma_wait3A_111 = tpu.memref_slice %arg7[%dma_wait3A_109, %dma_wait3A_110] : memref<80x128xf32, #tpu.memory_space<vmem>> -> memref<80x128xf32, #tpu.memory_space<vmem>>
      %dma_wait3A_112 = arith.constant 0 : i32
      %dma_wait3A_113 = tpu.memref_slice %arg11[%add3A_19, %dma_wait3A_112] : memref<10112x128xf32, #tpu.memory_space<vmem_shared>> -> memref<80x128xf32, #tpu.memory_space<vmem_shared>>
      %dma_wait3A_114 = arith.constant 0 : i32
      %dma_wait3A_115 = tpu.memref_slice %arg11[%add3A_19, %dma_wait3A_114] : memref<10112x128xf32, #tpu.memory_space<vmem_shared>> -> memref<80x128xf32, #tpu.memory_space<vmem_shared>>
      %dma_wait3A_116 = arith.constant 0 : i32
      %dma_wait3A_117 = arith.constant 0 : i32
      %dma_wait3A_118 = tpu.memref_slice %arg7[%dma_wait3A_116, %dma_wait3A_117] : memref<80x128xf32, #tpu.memory_space<vmem>> -> memref<80x128xf32, #tpu.memory_space<vmem>>
      tpu.wait_dma2 semaphore(%run_scoped3A : memref<!tpu.dma_semaphore, #tpu.memory_space<semaphore_mem>>) src(%dma_wait3A_118 : memref<80x128xf32, #tpu.memory_space<vmem>>) dst(%dma_wait3A_115 : memref<80x128xf32, #tpu.memory_space<vmem_shared>>)
      tpu.yield
    }) : () -> ()
    %add3A_20 = arith.constant 480 : i32
    %add3A_21 = arith.addi %mul3A_2, %add3A_20 : i32
    "tpu.region"() ({
      %run_scoped3A = tpu.sem_alloc : memref<!tpu.dma_semaphore, #tpu.memory_space<semaphore_mem>>
      %dma_start3A_99 = arith.constant 0 : i32
      %dma_start3A_100 = arith.constant 0 : i32
      %dma_start3A_101 = tpu.memref_slice %arg7[%dma_start3A_99, %dma_start3A_100] : memref<80x128xf32, #tpu.memory_space<vmem>> -> memref<80x128xf32, #tpu.memory_space<vmem>>
      %dma_start3A_102 = arith.constant 0 : i32
      %dma_start3A_103 = tpu.memref_slice %arg11[%add3A_21, %dma_start3A_102] : memref<10112x128xf32, #tpu.memory_space<vmem_shared>> -> memref<80x128xf32, #tpu.memory_space<vmem_shared>>
      %dma_start3A_104 = arith.constant 0 : i32
      %dma_start3A_105 = tpu.memref_slice %arg11[%add3A_21, %dma_start3A_104] : memref<10112x128xf32, #tpu.memory_space<vmem_shared>> -> memref<80x128xf32, #tpu.memory_space<vmem_shared>>
      %dma_start3A_106 = arith.constant 0 : i32
      %dma_start3A_107 = arith.constant 0 : i32
      %dma_start3A_108 = tpu.memref_slice %arg7[%dma_start3A_106, %dma_start3A_107] : memref<80x128xf32, #tpu.memory_space<vmem>> -> memref<80x128xf32, #tpu.memory_space<vmem>>
      tpu.enqueue_dma source(%dma_start3A_108 : memref<80x128xf32, #tpu.memory_space<vmem>>) target(%dma_start3A_105 : memref<80x128xf32, #tpu.memory_space<vmem_shared>>) target_semaphore(%run_scoped3A : memref<!tpu.dma_semaphore, #tpu.memory_space<semaphore_mem>>)
      %dma_wait3A_109 = arith.constant 0 : i32
      %dma_wait3A_110 = arith.constant 0 : i32
      %dma_wait3A_111 = tpu.memref_slice %arg7[%dma_wait3A_109, %dma_wait3A_110] : memref<80x128xf32, #tpu.memory_space<vmem>> -> memref<80x128xf32, #tpu.memory_space<vmem>>
      %dma_wait3A_112 = arith.constant 0 : i32
      %dma_wait3A_113 = tpu.memref_slice %arg11[%add3A_21, %dma_wait3A_112] : memref<10112x128xf32, #tpu.memory_space<vmem_shared>> -> memref<80x128xf32, #tpu.memory_space<vmem_shared>>
      %dma_wait3A_114 = arith.constant 0 : i32
      %dma_wait3A_115 = tpu.memref_slice %arg11[%add3A_21, %dma_wait3A_114] : memref<10112x128xf32, #tpu.memory_space<vmem_shared>> -> memref<80x128xf32, #tpu.memory_space<vmem_shared>>
      %dma_wait3A_116 = arith.constant 0 : i32
      %dma_wait3A_117 = arith.constant 0 : i32
      %dma_wait3A_118 = tpu.memref_slice %arg7[%dma_wait3A_116, %dma_wait3A_117] : memref<80x128xf32, #tpu.memory_space<vmem>> -> memref<80x128xf32, #tpu.memory_space<vmem>>
      tpu.wait_dma2 semaphore(%run_scoped3A : memref<!tpu.dma_semaphore, #tpu.memory_space<semaphore_mem>>) src(%dma_wait3A_118 : memref<80x128xf32, #tpu.memory_space<vmem>>) dst(%dma_wait3A_115 : memref<80x128xf32, #tpu.memory_space<vmem_shared>>)
      tpu.yield
    }) : () -> ()
    %add3A_22 = arith.constant 560 : i32
    %add3A_23 = arith.addi %mul3A_2, %add3A_22 : i32
    "tpu.region"() ({
      %run_scoped3A = tpu.sem_alloc : memref<!tpu.dma_semaphore, #tpu.memory_space<semaphore_mem>>
      %dma_start3A_99 = arith.constant 0 : i32
      %dma_start3A_100 = arith.constant 0 : i32
      %dma_start3A_101 = tpu.memref_slice %arg7[%dma_start3A_99, %dma_start3A_100] : memref<80x128xf32, #tpu.memory_space<vmem>> -> memref<72x128xf32, #tpu.memory_space<vmem>>
      %dma_start3A_102 = arith.constant 0 : i32
      %dma_start3A_103 = tpu.memref_slice %arg11[%add3A_23, %dma_start3A_102] : memref<10112x128xf32, #tpu.memory_space<vmem_shared>> -> memref<72x128xf32, #tpu.memory_space<vmem_shared>>
      %dma_start3A_104 = arith.constant 0 : i32
      %dma_start3A_105 = tpu.memref_slice %arg11[%add3A_23, %dma_start3A_104] : memref<10112x128xf32, #tpu.memory_space<vmem_shared>> -> memref<72x128xf32, #tpu.memory_space<vmem_shared>>
      %dma_start3A_106 = arith.constant 0 : i32
      %dma_start3A_107 = arith.constant 0 : i32
      %dma_start3A_108 = tpu.memref_slice %arg7[%dma_start3A_106, %dma_start3A_107] : memref<80x128xf32, #tpu.memory_space<vmem>> -> memref<72x128xf32, #tpu.memory_space<vmem>>
      tpu.enqueue_dma source(%dma_start3A_108 : memref<72x128xf32, #tpu.memory_space<vmem>>) target(%dma_start3A_105 : memref<72x128xf32, #tpu.memory_space<vmem_shared>>) target_semaphore(%run_scoped3A : memref<!tpu.dma_semaphore, #tpu.memory_space<semaphore_mem>>)
      %dma_wait3A_109 = arith.constant 0 : i32
      %dma_wait3A_110 = arith.constant 0 : i32
      %dma_wait3A_111 = tpu.memref_slice %arg7[%dma_wait3A_109, %dma_wait3A_110] : memref<80x128xf32, #tpu.memory_space<vmem>> -> memref<72x128xf32, #tpu.memory_space<vmem>>
      %dma_wait3A_112 = arith.constant 0 : i32
      %dma_wait3A_113 = tpu.memref_slice %arg11[%add3A_23, %dma_wait3A_112] : memref<10112x128xf32, #tpu.memory_space<vmem_shared>> -> memref<72x128xf32, #tpu.memory_space<vmem_shared>>
      %dma_wait3A_114 = arith.constant 0 : i32
      %dma_wait3A_115 = tpu.memref_slice %arg11[%add3A_23, %dma_wait3A_114] : memref<10112x128xf32, #tpu.memory_space<vmem_shared>> -> memref<72x128xf32, #tpu.memory_space<vmem_shared>>
      %dma_wait3A_116 = arith.constant 0 : i32
      %dma_wait3A_117 = arith.constant 0 : i32
      %dma_wait3A_118 = tpu.memref_slice %arg7[%dma_wait3A_116, %dma_wait3A_117] : memref<80x128xf32, #tpu.memory_space<vmem>> -> memref<72x128xf32, #tpu.memory_space<vmem>>
      tpu.wait_dma2 semaphore(%run_scoped3A : memref<!tpu.dma_semaphore, #tpu.memory_space<semaphore_mem>>) src(%dma_wait3A_118 : memref<72x128xf32, #tpu.memory_space<vmem>>) dst(%dma_wait3A_115 : memref<72x128xf32, #tpu.memory_space<vmem_shared>>)
      tpu.yield
    }) : () -> ()
    %dma_wait3A = tpu.memref_slice %arg3[%mul3A_4] : memref<320000xi32, #tpu.memory_space<hbm>> -> memref<10000xi32, #tpu.memory_space<hbm>>
    %dma_wait3A_24 = tpu.memref_slice %arg3[%mul3A_4] : memref<320000xi32, #tpu.memory_space<hbm>> -> memref<10000xi32, #tpu.memory_space<hbm>>
    tpu.wait_dma2 semaphore(%arg14 : memref<!tpu.dma_semaphore, #tpu.memory_space<semaphore_mem>>) src(%dma_wait3A_24 : memref<10000xi32, #tpu.memory_space<hbm>>) dst(%arg9 : memref<10000xi32, #tpu.memory_space<vmem>>)
    %dma_wait3A_25 = tpu.memref_slice %arg4[%mul3A_4] : memref<320000xi32, #tpu.memory_space<hbm>> -> memref<10000xi32, #tpu.memory_space<hbm>>
    %dma_wait3A_26 = tpu.memref_slice %arg4[%mul3A_4] : memref<320000xi32, #tpu.memory_space<hbm>> -> memref<10000xi32, #tpu.memory_space<hbm>>
    tpu.wait_dma2 semaphore(%arg14 : memref<!tpu.dma_semaphore, #tpu.memory_space<semaphore_mem>>) src(%dma_wait3A_26 : memref<10000xi32, #tpu.memory_space<hbm>>) dst(%arg10 : memref<10000xi32, #tpu.memory_space<vmem>>)
    %barrier3A = arith.constant 0 : index
    tpu.barrier barrier_id(%barrier3A)
    %dma_start3A_27 = arith.constant 0 : i32
    %dma_start3A_28 = tpu.memref_slice %arg9[%dma_start3A_27] : memref<10000xi32, #tpu.memory_space<vmem>> -> memref<80xi32, #tpu.memory_space<vmem>>
    %dma_start3A_29 = arith.constant 0 : i32
    %dma_start3A_30 = arith.constant 0 : i32
    %dma_start3A_31 = tpu.memref_slice %arg2[%dma_start3A_29, %dma_start3A_30] : memref<10000x128xf32, #tpu.memory_space<hbm>> -> memref<10000x128xf32, #tpu.memory_space<hbm>>
    tpu.enqueue_indirect_dma source(%dma_start3A_31 : memref<10000x128xf32, #tpu.memory_space<hbm>>) target(%arg7 : memref<80x128xf32, #tpu.memory_space<vmem>>) offsets(%dma_start3A_28 : memref<80xi32, #tpu.memory_space<vmem>>) semaphore(%arg12 : memref<!tpu.dma_semaphore, #tpu.memory_space<semaphore_mem>>)
    %scan3A = arith.constant 0 : i32
    %scan3A_32 = arith.constant 0 : i32
    %scan3A_33 = arith.constant 62 : i32
    %scan3A_34 = arith.addi %scan3A_32, %scan3A_33 : i32
    %scan3A_35 = arith.constant 1 : i32
    scf.for %scan3A_99 = %scan3A_32 to %scan3A_34 step %scan3A_35  : i32 {
      %mul3A_100 = arith.constant 2 : i32
      %mul3A_101 = arith.muli %mul3A_100, %scan3A_99 : i32
      %add3A_102 = arith.constant 1 : i32
      %add3A_103 = arith.addi %mul3A_101, %add3A_102 : i32
      %mul3A_104 = arith.constant 80 : i32
      %mul3A_105 = arith.muli %add3A_103, %mul3A_104 : i32
      %dma_start3A_106 = tpu.memref_slice %arg9[%mul3A_105] : memref<10000xi32, #tpu.memory_space<vmem>> -> memref<80xi32, #tpu.memory_space<vmem>>
      %dma_start3A_107 = arith.constant 0 : i32
      %dma_start3A_108 = arith.constant 0 : i32
      %dma_start3A_109 = tpu.memref_slice %arg2[%dma_start3A_107, %dma_start3A_108] : memref<10000x128xf32, #tpu.memory_space<hbm>> -> memref<10000x128xf32, #tpu.memory_space<hbm>>
      tpu.enqueue_indirect_dma source(%dma_start3A_109 : memref<10000x128xf32, #tpu.memory_space<hbm>>) target(%arg8 : memref<80x128xf32, #tpu.memory_space<vmem>>) offsets(%dma_start3A_106 : memref<80xi32, #tpu.memory_space<vmem>>) semaphore(%arg13 : memref<!tpu.dma_semaphore, #tpu.memory_space<semaphore_mem>>)
      %dma_wait3A_110 = arith.constant 0 : i32
      %dma_wait3A_111 = tpu.memref_slice %arg9[%dma_wait3A_110] : memref<10000xi32, #tpu.memory_space<vmem>> -> memref<80xi32, #tpu.memory_space<vmem>>
      %dma_wait3A_112 = arith.constant 0 : i32
      %dma_wait3A_113 = arith.constant 0 : i32
      %dma_wait3A_114 = tpu.memref_slice %arg2[%dma_wait3A_112, %dma_wait3A_113] : memref<10000x128xf32, #tpu.memory_space<hbm>> -> memref<10000x128xf32, #tpu.memory_space<hbm>>
      tpu.wait_indirect_dma semaphore(%arg12 : memref<!tpu.dma_semaphore, #tpu.memory_space<semaphore_mem>>) src(%dma_wait3A_114 : memref<10000x128xf32, #tpu.memory_space<hbm>>) dst(%arg7 : memref<80x128xf32, #tpu.memory_space<vmem>>)
      %mul3A_115 = arith.constant 2 : i32
      %mul3A_116 = arith.muli %mul3A_115, %scan3A_99 : i32
      %mul3A_117 = arith.constant 80 : i32
      %mul3A_118 = arith.muli %mul3A_116, %mul3A_117 : i32
      "tpu.region"() ({
        %run_scoped3A = tpu.sem_alloc : memref<!tpu.dma_semaphore, #tpu.memory_space<semaphore_mem>>
        %dma_start3A_139 = tpu.memref_slice %arg10[%mul3A_118] : memref<10000xi32, #tpu.memory_space<vmem>> -> memref<80xi32, #tpu.memory_space<vmem>>
        %dma_start3A_140 = arith.constant 0 : i32
        %dma_start3A_141 = arith.constant 0 : i32
        %dma_start3A_142 = tpu.memref_slice %arg11[%dma_start3A_140, %dma_start3A_141] : memref<10112x128xf32, #tpu.memory_space<vmem_shared>> -> memref<10112x128xf32, #tpu.memory_space<vmem_shared>>
        tpu.enqueue_indirect_dma source(%arg7 : memref<80x128xf32, #tpu.memory_space<vmem>>) target(%dma_start3A_142 : memref<10112x128xf32, #tpu.memory_space<vmem_shared>>) offsets(%dma_start3A_139 : memref<80xi32, #tpu.memory_space<vmem>>) semaphore(%run_scoped3A : memref<!tpu.dma_semaphore, #tpu.memory_space<semaphore_mem>>) {add = true}
        %dma_wait3A_143 = tpu.memref_slice %arg10[%mul3A_118] : memref<10000xi32, #tpu.memory_space<vmem>> -> memref<80xi32, #tpu.memory_space<vmem>>
        %dma_wait3A_144 = arith.constant 0 : i32
        %dma_wait3A_145 = arith.constant 0 : i32
        %dma_wait3A_146 = tpu.memref_slice %arg11[%dma_wait3A_144, %dma_wait3A_145] : memref<10112x128xf32, #tpu.memory_space<vmem_shared>> -> memref<10112x128xf32, #tpu.memory_space<vmem_shared>>
        tpu.wait_indirect_dma semaphore(%run_scoped3A : memref<!tpu.dma_semaphore, #tpu.memory_space<semaphore_mem>>) src(%arg7 : memref<80x128xf32, #tpu.memory_space<vmem>>) dst(%dma_wait3A_146 : memref<10112x128xf32, #tpu.memory_space<vmem_shared>>)
        tpu.yield
      }) : () -> ()
      %mul3A_119 = arith.constant 2 : i32
      %mul3A_120 = arith.muli %mul3A_119, %scan3A_99 : i32
      %add3A_121 = arith.constant 2 : i32
      %add3A_122 = arith.addi %mul3A_120, %add3A_121 : i32
      %mul3A_123 = arith.constant 80 : i32
      %mul3A_124 = arith.muli %add3A_122, %mul3A_123 : i32
      %dma_start3A_125 = tpu.memref_slice %arg9[%mul3A_124] : memref<10000xi32, #tpu.memory_space<vmem>> -> memref<80xi32, #tpu.memory_space<vmem>>
      %dma_start3A_126 = arith.constant 0 : i32
      %dma_start3A_127 = arith.constant 0 : i32
      %dma_start3A_128 = tpu.memref_slice %arg2[%dma_start3A_126, %dma_start3A_127] : memref<10000x128xf32, #tpu.memory_space<hbm>> -> memref<10000x128xf32, #tpu.memory_space<hbm>>
      tpu.enqueue_indirect_dma source(%dma_start3A_128 : memref<10000x128xf32, #tpu.memory_space<hbm>>) target(%arg7 : memref<80x128xf32, #tpu.memory_space<vmem>>) offsets(%dma_start3A_125 : memref<80xi32, #tpu.memory_space<vmem>>) semaphore(%arg12 : memref<!tpu.dma_semaphore, #tpu.memory_space<semaphore_mem>>)
      %dma_wait3A_129 = tpu.memref_slice %arg9[%mul3A_105] : memref<10000xi32, #tpu.memory_space<vmem>> -> memref<80xi32, #tpu.memory_space<vmem>>
      %dma_wait3A_130 = arith.constant 0 : i32
      %dma_wait3A_131 = arith.constant 0 : i32
      %dma_wait3A_132 = tpu.memref_slice %arg2[%dma_wait3A_130, %dma_wait3A_131] : memref<10000x128xf32, #tpu.memory_space<hbm>> -> memref<10000x128xf32, #tpu.memory_space<hbm>>
      tpu.wait_indirect_dma semaphore(%arg13 : memref<!tpu.dma_semaphore, #tpu.memory_space<semaphore_mem>>) src(%dma_wait3A_132 : memref<10000x128xf32, #tpu.memory_space<hbm>>) dst(%arg8 : memref<80x128xf32, #tpu.memory_space<vmem>>)
      %mul3A_133 = arith.constant 2 : i32
      %mul3A_134 = arith.muli %mul3A_133, %scan3A_99 : i32
      %add3A_135 = arith.constant 1 : i32
      %add3A_136 = arith.addi %mul3A_134, %add3A_135 : i32
      %mul3A_137 = arith.constant 80 : i32
      %mul3A_138 = arith.muli %add3A_136, %mul3A_137 : i32
      "tpu.region"() ({
        %run_scoped3A = tpu.sem_alloc : memref<!tpu.dma_semaphore, #tpu.memory_space<semaphore_mem>>
        %dma_start3A_139 = tpu.memref_slice %arg10[%mul3A_138] : memref<10000xi32, #tpu.memory_space<vmem>> -> memref<80xi32, #tpu.memory_space<vmem>>
        %dma_start3A_140 = arith.constant 0 : i32
        %dma_start3A_141 = arith.constant 0 : i32
        %dma_start3A_142 = tpu.memref_slice %arg11[%dma_start3A_140, %dma_start3A_141] : memref<10112x128xf32, #tpu.memory_space<vmem_shared>> -> memref<10112x128xf32, #tpu.memory_space<vmem_shared>>
        tpu.enqueue_indirect_dma source(%arg8 : memref<80x128xf32, #tpu.memory_space<vmem>>) target(%dma_start3A_142 : memref<10112x128xf32, #tpu.memory_space<vmem_shared>>) offsets(%dma_start3A_139 : memref<80xi32, #tpu.memory_space<vmem>>) semaphore(%run_scoped3A : memref<!tpu.dma_semaphore, #tpu.memory_space<semaphore_mem>>) {add = true}
        %dma_wait3A_143 = tpu.memref_slice %arg10[%mul3A_138] : memref<10000xi32, #tpu.memory_space<vmem>> -> memref<80xi32, #tpu.memory_space<vmem>>
        %dma_wait3A_144 = arith.constant 0 : i32
        %dma_wait3A_145 = arith.constant 0 : i32
        %dma_wait3A_146 = tpu.memref_slice %arg11[%dma_wait3A_144, %dma_wait3A_145] : memref<10112x128xf32, #tpu.memory_space<vmem_shared>> -> memref<10112x128xf32, #tpu.memory_space<vmem_shared>>
        tpu.wait_indirect_dma semaphore(%run_scoped3A : memref<!tpu.dma_semaphore, #tpu.memory_space<semaphore_mem>>) src(%arg8 : memref<80x128xf32, #tpu.memory_space<vmem>>) dst(%dma_wait3A_146 : memref<10112x128xf32, #tpu.memory_space<vmem_shared>>)
        tpu.yield
      }) : () -> ()
    }
    %scan3A_36 = arith.constant 62 : i32
    %dma_wait3A_37 = arith.constant 0 : i32
    %dma_wait3A_38 = tpu.memref_slice %arg9[%dma_wait3A_37] : memref<10000xi32, #tpu.memory_space<vmem>> -> memref<80xi32, #tpu.memory_space<vmem>>
    %dma_wait3A_39 = arith.constant 0 : i32
    %dma_wait3A_40 = arith.constant 0 : i32
    %dma_wait3A_41 = tpu.memref_slice %arg2[%dma_wait3A_39, %dma_wait3A_40] : memref<10000x128xf32, #tpu.memory_space<hbm>> -> memref<10000x128xf32, #tpu.memory_space<hbm>>
    tpu.wait_indirect_dma semaphore(%arg12 : memref<!tpu.dma_semaphore, #tpu.memory_space<semaphore_mem>>) src(%dma_wait3A_41 : memref<10000x128xf32, #tpu.memory_space<hbm>>) dst(%arg7 : memref<80x128xf32, #tpu.memory_space<vmem>>)
    "tpu.region"() ({
      %run_scoped3A = tpu.sem_alloc : memref<!tpu.dma_semaphore, #tpu.memory_space<semaphore_mem>>
      %dma_start3A_99 = arith.constant 9920 : i32
      %dma_start3A_100 = tpu.memref_slice %arg10[%dma_start3A_99] : memref<10000xi32, #tpu.memory_space<vmem>> -> memref<80xi32, #tpu.memory_space<vmem>>
      %dma_start3A_101 = arith.constant 0 : i32
      %dma_start3A_102 = arith.constant 0 : i32
      %dma_start3A_103 = tpu.memref_slice %arg11[%dma_start3A_101, %dma_start3A_102] : memref<10112x128xf32, #tpu.memory_space<vmem_shared>> -> memref<10112x128xf32, #tpu.memory_space<vmem_shared>>
      tpu.enqueue_indirect_dma source(%arg7 : memref<80x128xf32, #tpu.memory_space<vmem>>) target(%dma_start3A_103 : memref<10112x128xf32, #tpu.memory_space<vmem_shared>>) offsets(%dma_start3A_100 : memref<80xi32, #tpu.memory_space<vmem>>) semaphore(%run_scoped3A : memref<!tpu.dma_semaphore, #tpu.memory_space<semaphore_mem>>) {add = true}
      %dma_wait3A_104 = arith.constant 9920 : i32
      %dma_wait3A_105 = tpu.memref_slice %arg10[%dma_wait3A_104] : memref<10000xi32, #tpu.memory_space<vmem>> -> memref<80xi32, #tpu.memory_space<vmem>>
      %dma_wait3A_106 = arith.constant 0 : i32
      %dma_wait3A_107 = arith.constant 0 : i32
      %dma_wait3A_108 = tpu.memref_slice %arg11[%dma_wait3A_106, %dma_wait3A_107] : memref<10112x128xf32, #tpu.memory_space<vmem_shared>> -> memref<10112x128xf32, #tpu.memory_space<vmem_shared>>
      tpu.wait_indirect_dma semaphore(%run_scoped3A : memref<!tpu.dma_semaphore, #tpu.memory_space<semaphore_mem>>) src(%arg7 : memref<80x128xf32, #tpu.memory_space<vmem>>) dst(%dma_wait3A_108 : memref<10112x128xf32, #tpu.memory_space<vmem_shared>>)
      tpu.yield
    }) : () -> ()
    %barrier3A_42 = arith.constant 0 : index
    tpu.barrier barrier_id(%barrier3A_42)
    %add3A_43 = arith.constant 0 : i32
    %add3A_44 = arith.addi %mul3A_2, %add3A_43 : i32
    "tpu.region"() ({
      %run_scoped3A = tpu.sem_alloc : memref<!tpu.dma_semaphore, #tpu.memory_space<semaphore_mem>>
      %dma_start3A_99 = arith.constant 0 : i32
      %dma_start3A_100 = arith.constant 0 : i32
      %dma_start3A_101 = tpu.memref_slice %arg7[%dma_start3A_99, %dma_start3A_100] : memref<80x128xf32, #tpu.memory_space<vmem>> -> memref<80x128xf32, #tpu.memory_space<vmem>>
      %dma_start3A_102 = arith.constant 0 : i32
      %dma_start3A_103 = tpu.memref_slice %arg11[%add3A_44, %dma_start3A_102] : memref<10112x128xf32, #tpu.memory_space<vmem_shared>> -> memref<80x128xf32, #tpu.memory_space<vmem_shared>>
      %dma_start3A_104 = arith.constant 0 : i32
      %dma_start3A_105 = arith.constant 0 : i32
      %dma_start3A_106 = tpu.memref_slice %arg7[%dma_start3A_104, %dma_start3A_105] : memref<80x128xf32, #tpu.memory_space<vmem>> -> memref<80x128xf32, #tpu.memory_space<vmem>>
      %dma_start3A_107 = arith.constant 0 : i32
      %dma_start3A_108 = tpu.memref_slice %arg11[%add3A_44, %dma_start3A_107] : memref<10112x128xf32, #tpu.memory_space<vmem_shared>> -> memref<80x128xf32, #tpu.memory_space<vmem_shared>>
      tpu.enqueue_dma source(%dma_start3A_108 : memref<80x128xf32, #tpu.memory_space<vmem_shared>>) target(%dma_start3A_106 : memref<80x128xf32, #tpu.memory_space<vmem>>) target_semaphore(%run_scoped3A : memref<!tpu.dma_semaphore, #tpu.memory_space<semaphore_mem>>)
      %dma_wait3A_109 = arith.constant 0 : i32
      %dma_wait3A_110 = arith.constant 0 : i32
      %dma_wait3A_111 = tpu.memref_slice %arg7[%dma_wait3A_109, %dma_wait3A_110] : memref<80x128xf32, #tpu.memory_space<vmem>> -> memref<80x128xf32, #tpu.memory_space<vmem>>
      %dma_wait3A_112 = arith.constant 0 : i32
      %dma_wait3A_113 = tpu.memref_slice %arg11[%add3A_44, %dma_wait3A_112] : memref<10112x128xf32, #tpu.memory_space<vmem_shared>> -> memref<80x128xf32, #tpu.memory_space<vmem_shared>>
      %dma_wait3A_114 = arith.constant 0 : i32
      %dma_wait3A_115 = arith.constant 0 : i32
      %dma_wait3A_116 = tpu.memref_slice %arg7[%dma_wait3A_114, %dma_wait3A_115] : memref<80x128xf32, #tpu.memory_space<vmem>> -> memref<80x128xf32, #tpu.memory_space<vmem>>
      %dma_wait3A_117 = arith.constant 0 : i32
      %dma_wait3A_118 = tpu.memref_slice %arg11[%add3A_44, %dma_wait3A_117] : memref<10112x128xf32, #tpu.memory_space<vmem_shared>> -> memref<80x128xf32, #tpu.memory_space<vmem_shared>>
      tpu.wait_dma2 semaphore(%run_scoped3A : memref<!tpu.dma_semaphore, #tpu.memory_space<semaphore_mem>>) src(%dma_wait3A_118 : memref<80x128xf32, #tpu.memory_space<vmem_shared>>) dst(%dma_wait3A_116 : memref<80x128xf32, #tpu.memory_space<vmem>>)
      tpu.yield
    }) : () -> ()
    %mul3A_45 = arith.constant 10112 : i32
    %mul3A_46 = arith.muli %arg0, %mul3A_45 : i32
    %add3A_47 = arith.addi %mul3A_46, %mul3A_2 : i32
    %add3A_48 = arith.constant 0 : i32
    %add3A_49 = arith.addi %add3A_47, %add3A_48 : i32
    "tpu.region"() ({
      %run_scoped3A = tpu.sem_alloc : memref<!tpu.dma_semaphore, #tpu.memory_space<semaphore_mem>>
      %dma_start3A_99 = arith.constant 0 : i32
      %dma_start3A_100 = arith.constant 0 : i32
      %dma_start3A_101 = tpu.memref_slice %arg7[%dma_start3A_99, %dma_start3A_100] : memref<80x128xf32, #tpu.memory_space<vmem>> -> memref<80x128xf32, #tpu.memory_space<vmem>>
      %dma_start3A_102 = arith.constant 0 : i32
      %dma_start3A_103 = tpu.memref_slice %arg6[%add3A_49, %dma_start3A_102] : memref<20224x128xf32, #tpu.memory_space<hbm>> -> memref<80x128xf32, #tpu.memory_space<hbm>>
      %dma_start3A_104 = arith.constant 0 : i32
      %dma_start3A_105 = tpu.memref_slice %arg6[%add3A_49, %dma_start3A_104] : memref<20224x128xf32, #tpu.memory_space<hbm>> -> memref<80x128xf32, #tpu.memory_space<hbm>>
      %dma_start3A_106 = arith.constant 0 : i32
      %dma_start3A_107 = arith.constant 0 : i32
      %dma_start3A_108 = tpu.memref_slice %arg7[%dma_start3A_106, %dma_start3A_107] : memref<80x128xf32, #tpu.memory_space<vmem>> -> memref<80x128xf32, #tpu.memory_space<vmem>>
      tpu.enqueue_dma source(%dma_start3A_108 : memref<80x128xf32, #tpu.memory_space<vmem>>) target(%dma_start3A_105 : memref<80x128xf32, #tpu.memory_space<hbm>>) target_semaphore(%run_scoped3A : memref<!tpu.dma_semaphore, #tpu.memory_space<semaphore_mem>>)
      %dma_wait3A_109 = arith.constant 0 : i32
      %dma_wait3A_110 = arith.constant 0 : i32
      %dma_wait3A_111 = tpu.memref_slice %arg7[%dma_wait3A_109, %dma_wait3A_110] : memref<80x128xf32, #tpu.memory_space<vmem>> -> memref<80x128xf32, #tpu.memory_space<vmem>>
      %dma_wait3A_112 = arith.constant 0 : i32
      %dma_wait3A_113 = tpu.memref_slice %arg6[%add3A_49, %dma_wait3A_112] : memref<20224x128xf32, #tpu.memory_space<hbm>> -> memref<80x128xf32, #tpu.memory_space<hbm>>
      %dma_wait3A_114 = arith.constant 0 : i32
      %dma_wait3A_115 = tpu.memref_slice %arg6[%add3A_49, %dma_wait3A_114] : memref<20224x128xf32, #tpu.memory_space<hbm>> -> memref<80x128xf32, #tpu.memory_space<hbm>>
      %dma_wait3A_116 = arith.constant 0 : i32
      %dma_wait3A_117 = arith.constant 0 : i32
      %dma_wait3A_118 = tpu.memref_slice %arg7[%dma_wait3A_116, %dma_wait3A_117] : memref<80x128xf32, #tpu.memory_space<vmem>> -> memref<80x128xf32, #tpu.memory_space<vmem>>
      tpu.wait_dma2 semaphore(%run_scoped3A : memref<!tpu.dma_semaphore, #tpu.memory_space<semaphore_mem>>) src(%dma_wait3A_118 : memref<80x128xf32, #tpu.memory_space<vmem>>) dst(%dma_wait3A_115 : memref<80x128xf32, #tpu.memory_space<hbm>>)
      tpu.yield
    }) : () -> ()
    %add3A_50 = arith.constant 80 : i32
    %add3A_51 = arith.addi %mul3A_2, %add3A_50 : i32
    "tpu.region"() ({
      %run_scoped3A = tpu.sem_alloc : memref<!tpu.dma_semaphore, #tpu.memory_space<semaphore_mem>>
      %dma_start3A_99 = arith.constant 0 : i32
      %dma_start3A_100 = arith.constant 0 : i32
      %dma_start3A_101 = tpu.memref_slice %arg7[%dma_start3A_99, %dma_start3A_100] : memref<80x128xf32, #tpu.memory_space<vmem>> -> memref<80x128xf32, #tpu.memory_space<vmem>>
      %dma_start3A_102 = arith.constant 0 : i32
      %dma_start3A_103 = tpu.memref_slice %arg11[%add3A_51, %dma_start3A_102] : memref<10112x128xf32, #tpu.memory_space<vmem_shared>> -> memref<80x128xf32, #tpu.memory_space<vmem_shared>>
      %dma_start3A_104 = arith.constant 0 : i32
      %dma_start3A_105 = arith.constant 0 : i32
      %dma_start3A_106 = tpu.memref_slice %arg7[%dma_start3A_104, %dma_start3A_105] : memref<80x128xf32, #tpu.memory_space<vmem>> -> memref<80x128xf32, #tpu.memory_space<vmem>>
      %dma_start3A_107 = arith.constant 0 : i32
      %dma_start3A_108 = tpu.memref_slice %arg11[%add3A_51, %dma_start3A_107] : memref<10112x128xf32, #tpu.memory_space<vmem_shared>> -> memref<80x128xf32, #tpu.memory_space<vmem_shared>>
      tpu.enqueue_dma source(%dma_start3A_108 : memref<80x128xf32, #tpu.memory_space<vmem_shared>>) target(%dma_start3A_106 : memref<80x128xf32, #tpu.memory_space<vmem>>) target_semaphore(%run_scoped3A : memref<!tpu.dma_semaphore, #tpu.memory_space<semaphore_mem>>)
      %dma_wait3A_109 = arith.constant 0 : i32
      %dma_wait3A_110 = arith.constant 0 : i32
      %dma_wait3A_111 = tpu.memref_slice %arg7[%dma_wait3A_109, %dma_wait3A_110] : memref<80x128xf32, #tpu.memory_space<vmem>> -> memref<80x128xf32, #tpu.memory_space<vmem>>
      %dma_wait3A_112 = arith.constant 0 : i32
      %dma_wait3A_113 = tpu.memref_slice %arg11[%add3A_51, %dma_wait3A_112] : memref<10112x128xf32, #tpu.memory_space<vmem_shared>> -> memref<80x128xf32, #tpu.memory_space<vmem_shared>>
      %dma_wait3A_114 = arith.constant 0 : i32
      %dma_wait3A_115 = arith.constant 0 : i32
      %dma_wait3A_116 = tpu.memref_slice %arg7[%dma_wait3A_114, %dma_wait3A_115] : memref<80x128xf32, #tpu.memory_space<vmem>> -> memref<80x128xf32, #tpu.memory_space<vmem>>
      %dma_wait3A_117 = arith.constant 0 : i32
      %dma_wait3A_118 = tpu.memref_slice %arg11[%add3A_51, %dma_wait3A_117] : memref<10112x128xf32, #tpu.memory_space<vmem_shared>> -> memref<80x128xf32, #tpu.memory_space<vmem_shared>>
      tpu.wait_dma2 semaphore(%run_scoped3A : memref<!tpu.dma_semaphore, #tpu.memory_space<semaphore_mem>>) src(%dma_wait3A_118 : memref<80x128xf32, #tpu.memory_space<vmem_shared>>) dst(%dma_wait3A_116 : memref<80x128xf32, #tpu.memory_space<vmem>>)
      tpu.yield
    }) : () -> ()
    %mul3A_52 = arith.constant 10112 : i32
    %mul3A_53 = arith.muli %arg0, %mul3A_52 : i32
    %add3A_54 = arith.addi %mul3A_53, %mul3A_2 : i32
    %add3A_55 = arith.constant 80 : i32
    %add3A_56 = arith.addi %add3A_54, %add3A_55 : i32
    "tpu.region"() ({
      %run_scoped3A = tpu.sem_alloc : memref<!tpu.dma_semaphore, #tpu.memory_space<semaphore_mem>>
      %dma_start3A_99 = arith.constant 0 : i32
      %dma_start3A_100 = arith.constant 0 : i32
      %dma_start3A_101 = tpu.memref_slice %arg7[%dma_start3A_99, %dma_start3A_100] : memref<80x128xf32, #tpu.memory_space<vmem>> -> memref<80x128xf32, #tpu.memory_space<vmem>>
      %dma_start3A_102 = arith.constant 0 : i32
      %dma_start3A_103 = tpu.memref_slice %arg6[%add3A_56, %dma_start3A_102] : memref<20224x128xf32, #tpu.memory_space<hbm>> -> memref<80x128xf32, #tpu.memory_space<hbm>>
      %dma_start3A_104 = arith.constant 0 : i32
      %dma_start3A_105 = tpu.memref_slice %arg6[%add3A_56, %dma_start3A_104] : memref<20224x128xf32, #tpu.memory_space<hbm>> -> memref<80x128xf32, #tpu.memory_space<hbm>>
      %dma_start3A_106 = arith.constant 0 : i32
      %dma_start3A_107 = arith.constant 0 : i32
      %dma_start3A_108 = tpu.memref_slice %arg7[%dma_start3A_106, %dma_start3A_107] : memref<80x128xf32, #tpu.memory_space<vmem>> -> memref<80x128xf32, #tpu.memory_space<vmem>>
      tpu.enqueue_dma source(%dma_start3A_108 : memref<80x128xf32, #tpu.memory_space<vmem>>) target(%dma_start3A_105 : memref<80x128xf32, #tpu.memory_space<hbm>>) target_semaphore(%run_scoped3A : memref<!tpu.dma_semaphore, #tpu.memory_space<semaphore_mem>>)
      %dma_wait3A_109 = arith.constant 0 : i32
      %dma_wait3A_110 = arith.constant 0 : i32
      %dma_wait3A_111 = tpu.memref_slice %arg7[%dma_wait3A_109, %dma_wait3A_110] : memref<80x128xf32, #tpu.memory_space<vmem>> -> memref<80x128xf32, #tpu.memory_space<vmem>>
      %dma_wait3A_112 = arith.constant 0 : i32
      %dma_wait3A_113 = tpu.memref_slice %arg6[%add3A_56, %dma_wait3A_112] : memref<20224x128xf32, #tpu.memory_space<hbm>> -> memref<80x128xf32, #tpu.memory_space<hbm>>
      %dma_wait3A_114 = arith.constant 0 : i32
      %dma_wait3A_115 = tpu.memref_slice %arg6[%add3A_56, %dma_wait3A_114] : memref<20224x128xf32, #tpu.memory_space<hbm>> -> memref<80x128xf32, #tpu.memory_space<hbm>>
      %dma_wait3A_116 = arith.constant 0 : i32
      %dma_wait3A_117 = arith.constant 0 : i32
      %dma_wait3A_118 = tpu.memref_slice %arg7[%dma_wait3A_116, %dma_wait3A_117] : memref<80x128xf32, #tpu.memory_space<vmem>> -> memref<80x128xf32, #tpu.memory_space<vmem>>
      tpu.wait_dma2 semaphore(%run_scoped3A : memref<!tpu.dma_semaphore, #tpu.memory_space<semaphore_mem>>) src(%dma_wait3A_118 : memref<80x128xf32, #tpu.memory_space<vmem>>) dst(%dma_wait3A_115 : memref<80x128xf32, #tpu.memory_space<hbm>>)
      tpu.yield
    }) : () -> ()
    %add3A_57 = arith.constant 160 : i32
    %add3A_58 = arith.addi %mul3A_2, %add3A_57 : i32
    "tpu.region"() ({
      %run_scoped3A = tpu.sem_alloc : memref<!tpu.dma_semaphore, #tpu.memory_space<semaphore_mem>>
      %dma_start3A_99 = arith.constant 0 : i32
      %dma_start3A_100 = arith.constant 0 : i32
      %dma_start3A_101 = tpu.memref_slice %arg7[%dma_start3A_99, %dma_start3A_100] : memref<80x128xf32, #tpu.memory_space<vmem>> -> memref<80x128xf32, #tpu.memory_space<vmem>>
      %dma_start3A_102 = arith.constant 0 : i32
      %dma_start3A_103 = tpu.memref_slice %arg11[%add3A_58, %dma_start3A_102] : memref<10112x128xf32, #tpu.memory_space<vmem_shared>> -> memref<80x128xf32, #tpu.memory_space<vmem_shared>>
      %dma_start3A_104 = arith.constant 0 : i32
      %dma_start3A_105 = arith.constant 0 : i32
      %dma_start3A_106 = tpu.memref_slice %arg7[%dma_start3A_104, %dma_start3A_105] : memref<80x128xf32, #tpu.memory_space<vmem>> -> memref<80x128xf32, #tpu.memory_space<vmem>>
      %dma_start3A_107 = arith.constant 0 : i32
      %dma_start3A_108 = tpu.memref_slice %arg11[%add3A_58, %dma_start3A_107] : memref<10112x128xf32, #tpu.memory_space<vmem_shared>> -> memref<80x128xf32, #tpu.memory_space<vmem_shared>>
      tpu.enqueue_dma source(%dma_start3A_108 : memref<80x128xf32, #tpu.memory_space<vmem_shared>>) target(%dma_start3A_106 : memref<80x128xf32, #tpu.memory_space<vmem>>) target_semaphore(%run_scoped3A : memref<!tpu.dma_semaphore, #tpu.memory_space<semaphore_mem>>)
      %dma_wait3A_109 = arith.constant 0 : i32
      %dma_wait3A_110 = arith.constant 0 : i32
      %dma_wait3A_111 = tpu.memref_slice %arg7[%dma_wait3A_109, %dma_wait3A_110] : memref<80x128xf32, #tpu.memory_space<vmem>> -> memref<80x128xf32, #tpu.memory_space<vmem>>
      %dma_wait3A_112 = arith.constant 0 : i32
      %dma_wait3A_113 = tpu.memref_slice %arg11[%add3A_58, %dma_wait3A_112] : memref<10112x128xf32, #tpu.memory_space<vmem_shared>> -> memref<80x128xf32, #tpu.memory_space<vmem_shared>>
      %dma_wait3A_114 = arith.constant 0 : i32
      %dma_wait3A_115 = arith.constant 0 : i32
      %dma_wait3A_116 = tpu.memref_slice %arg7[%dma_wait3A_114, %dma_wait3A_115] : memref<80x128xf32, #tpu.memory_space<vmem>> -> memref<80x128xf32, #tpu.memory_space<vmem>>
      %dma_wait3A_117 = arith.constant 0 : i32
      %dma_wait3A_118 = tpu.memref_slice %arg11[%add3A_58, %dma_wait3A_117] : memref<10112x128xf32, #tpu.memory_space<vmem_shared>> -> memref<80x128xf32, #tpu.memory_space<vmem_shared>>
      tpu.wait_dma2 semaphore(%run_scoped3A : memref<!tpu.dma_semaphore, #tpu.memory_space<semaphore_mem>>) src(%dma_wait3A_118 : memref<80x128xf32, #tpu.memory_space<vmem_shared>>) dst(%dma_wait3A_116 : memref<80x128xf32, #tpu.memory_space<vmem>>)
      tpu.yield
    }) : () -> ()
    %mul3A_59 = arith.constant 10112 : i32
    %mul3A_60 = arith.muli %arg0, %mul3A_59 : i32
    %add3A_61 = arith.addi %mul3A_60, %mul3A_2 : i32
    %add3A_62 = arith.constant 160 : i32
    %add3A_63 = arith.addi %add3A_61, %add3A_62 : i32
    "tpu.region"() ({
      %run_scoped3A = tpu.sem_alloc : memref<!tpu.dma_semaphore, #tpu.memory_space<semaphore_mem>>
      %dma_start3A_99 = arith.constant 0 : i32
      %dma_start3A_100 = arith.constant 0 : i32
      %dma_start3A_101 = tpu.memref_slice %arg7[%dma_start3A_99, %dma_start3A_100] : memref<80x128xf32, #tpu.memory_space<vmem>> -> memref<80x128xf32, #tpu.memory_space<vmem>>
      %dma_start3A_102 = arith.constant 0 : i32
      %dma_start3A_103 = tpu.memref_slice %arg6[%add3A_63, %dma_start3A_102] : memref<20224x128xf32, #tpu.memory_space<hbm>> -> memref<80x128xf32, #tpu.memory_space<hbm>>
      %dma_start3A_104 = arith.constant 0 : i32
      %dma_start3A_105 = tpu.memref_slice %arg6[%add3A_63, %dma_start3A_104] : memref<20224x128xf32, #tpu.memory_space<hbm>> -> memref<80x128xf32, #tpu.memory_space<hbm>>
      %dma_start3A_106 = arith.constant 0 : i32
      %dma_start3A_107 = arith.constant 0 : i32
      %dma_start3A_108 = tpu.memref_slice %arg7[%dma_start3A_106, %dma_start3A_107] : memref<80x128xf32, #tpu.memory_space<vmem>> -> memref<80x128xf32, #tpu.memory_space<vmem>>
      tpu.enqueue_dma source(%dma_start3A_108 : memref<80x128xf32, #tpu.memory_space<vmem>>) target(%dma_start3A_105 : memref<80x128xf32, #tpu.memory_space<hbm>>) target_semaphore(%run_scoped3A : memref<!tpu.dma_semaphore, #tpu.memory_space<semaphore_mem>>)
      %dma_wait3A_109 = arith.constant 0 : i32
      %dma_wait3A_110 = arith.constant 0 : i32
      %dma_wait3A_111 = tpu.memref_slice %arg7[%dma_wait3A_109, %dma_wait3A_110] : memref<80x128xf32, #tpu.memory_space<vmem>> -> memref<80x128xf32, #tpu.memory_space<vmem>>
      %dma_wait3A_112 = arith.constant 0 : i32
      %dma_wait3A_113 = tpu.memref_slice %arg6[%add3A_63, %dma_wait3A_112] : memref<20224x128xf32, #tpu.memory_space<hbm>> -> memref<80x128xf32, #tpu.memory_space<hbm>>
      %dma_wait3A_114 = arith.constant 0 : i32
      %dma_wait3A_115 = tpu.memref_slice %arg6[%add3A_63, %dma_wait3A_114] : memref<20224x128xf32, #tpu.memory_space<hbm>> -> memref<80x128xf32, #tpu.memory_space<hbm>>
      %dma_wait3A_116 = arith.constant 0 : i32
      %dma_wait3A_117 = arith.constant 0 : i32
      %dma_wait3A_118 = tpu.memref_slice %arg7[%dma_wait3A_116, %dma_wait3A_117] : memref<80x128xf32, #tpu.memory_space<vmem>> -> memref<80x128xf32, #tpu.memory_space<vmem>>
      tpu.wait_dma2 semaphore(%run_scoped3A : memref<!tpu.dma_semaphore, #tpu.memory_space<semaphore_mem>>) src(%dma_wait3A_118 : memref<80x128xf32, #tpu.memory_space<vmem>>) dst(%dma_wait3A_115 : memref<80x128xf32, #tpu.memory_space<hbm>>)
      tpu.yield
    }) : () -> ()
    %add3A_64 = arith.constant 240 : i32
    %add3A_65 = arith.addi %mul3A_2, %add3A_64 : i32
    "tpu.region"() ({
      %run_scoped3A = tpu.sem_alloc : memref<!tpu.dma_semaphore, #tpu.memory_space<semaphore_mem>>
      %dma_start3A_99 = arith.constant 0 : i32
      %dma_start3A_100 = arith.constant 0 : i32
      %dma_start3A_101 = tpu.memref_slice %arg7[%dma_start3A_99, %dma_start3A_100] : memref<80x128xf32, #tpu.memory_space<vmem>> -> memref<80x128xf32, #tpu.memory_space<vmem>>
      %dma_start3A_102 = arith.constant 0 : i32
      %dma_start3A_103 = tpu.memref_slice %arg11[%add3A_65, %dma_start3A_102] : memref<10112x128xf32, #tpu.memory_space<vmem_shared>> -> memref<80x128xf32, #tpu.memory_space<vmem_shared>>
      %dma_start3A_104 = arith.constant 0 : i32
      %dma_start3A_105 = arith.constant 0 : i32
      %dma_start3A_106 = tpu.memref_slice %arg7[%dma_start3A_104, %dma_start3A_105] : memref<80x128xf32, #tpu.memory_space<vmem>> -> memref<80x128xf32, #tpu.memory_space<vmem>>
      %dma_start3A_107 = arith.constant 0 : i32
      %dma_start3A_108 = tpu.memref_slice %arg11[%add3A_65, %dma_start3A_107] : memref<10112x128xf32, #tpu.memory_space<vmem_shared>> -> memref<80x128xf32, #tpu.memory_space<vmem_shared>>
      tpu.enqueue_dma source(%dma_start3A_108 : memref<80x128xf32, #tpu.memory_space<vmem_shared>>) target(%dma_start3A_106 : memref<80x128xf32, #tpu.memory_space<vmem>>) target_semaphore(%run_scoped3A : memref<!tpu.dma_semaphore, #tpu.memory_space<semaphore_mem>>)
      %dma_wait3A_109 = arith.constant 0 : i32
      %dma_wait3A_110 = arith.constant 0 : i32
      %dma_wait3A_111 = tpu.memref_slice %arg7[%dma_wait3A_109, %dma_wait3A_110] : memref<80x128xf32, #tpu.memory_space<vmem>> -> memref<80x128xf32, #tpu.memory_space<vmem>>
      %dma_wait3A_112 = arith.constant 0 : i32
      %dma_wait3A_113 = tpu.memref_slice %arg11[%add3A_65, %dma_wait3A_112] : memref<10112x128xf32, #tpu.memory_space<vmem_shared>> -> memref<80x128xf32, #tpu.memory_space<vmem_shared>>
      %dma_wait3A_114 = arith.constant 0 : i32
      %dma_wait3A_115 = arith.constant 0 : i32
      %dma_wait3A_116 = tpu.memref_slice %arg7[%dma_wait3A_114, %dma_wait3A_115] : memref<80x128xf32, #tpu.memory_space<vmem>> -> memref<80x128xf32, #tpu.memory_space<vmem>>
      %dma_wait3A_117 = arith.constant 0 : i32
      %dma_wait3A_118 = tpu.memref_slice %arg11[%add3A_65, %dma_wait3A_117] : memref<10112x128xf32, #tpu.memory_space<vmem_shared>> -> memref<80x128xf32, #tpu.memory_space<vmem_shared>>
      tpu.wait_dma2 semaphore(%run_scoped3A : memref<!tpu.dma_semaphore, #tpu.memory_space<semaphore_mem>>) src(%dma_wait3A_118 : memref<80x128xf32, #tpu.memory_space<vmem_shared>>) dst(%dma_wait3A_116 : memref<80x128xf32, #tpu.memory_space<vmem>>)
      tpu.yield
    }) : () -> ()
    %mul3A_66 = arith.constant 10112 : i32
    %mul3A_67 = arith.muli %arg0, %mul3A_66 : i32
    %add3A_68 = arith.addi %mul3A_67, %mul3A_2 : i32
    %add3A_69 = arith.constant 240 : i32
    %add3A_70 = arith.addi %add3A_68, %add3A_69 : i32
    "tpu.region"() ({
      %run_scoped3A = tpu.sem_alloc : memref<!tpu.dma_semaphore, #tpu.memory_space<semaphore_mem>>
      %dma_start3A_99 = arith.constant 0 : i32
      %dma_start3A_100 = arith.constant 0 : i32
      %dma_start3A_101 = tpu.memref_slice %arg7[%dma_start3A_99, %dma_start3A_100] : memref<80x128xf32, #tpu.memory_space<vmem>> -> memref<80x128xf32, #tpu.memory_space<vmem>>
      %dma_start3A_102 = arith.constant 0 : i32
      %dma_start3A_103 = tpu.memref_slice %arg6[%add3A_70, %dma_start3A_102] : memref<20224x128xf32, #tpu.memory_space<hbm>> -> memref<80x128xf32, #tpu.memory_space<hbm>>
      %dma_start3A_104 = arith.constant 0 : i32
      %dma_start3A_105 = tpu.memref_slice %arg6[%add3A_70, %dma_start3A_104] : memref<20224x128xf32, #tpu.memory_space<hbm>> -> memref<80x128xf32, #tpu.memory_space<hbm>>
      %dma_start3A_106 = arith.constant 0 : i32
      %dma_start3A_107 = arith.constant 0 : i32
      %dma_start3A_108 = tpu.memref_slice %arg7[%dma_start3A_106, %dma_start3A_107] : memref<80x128xf32, #tpu.memory_space<vmem>> -> memref<80x128xf32, #tpu.memory_space<vmem>>
      tpu.enqueue_dma source(%dma_start3A_108 : memref<80x128xf32, #tpu.memory_space<vmem>>) target(%dma_start3A_105 : memref<80x128xf32, #tpu.memory_space<hbm>>) target_semaphore(%run_scoped3A : memref<!tpu.dma_semaphore, #tpu.memory_space<semaphore_mem>>)
      %dma_wait3A_109 = arith.constant 0 : i32
      %dma_wait3A_110 = arith.constant 0 : i32
      %dma_wait3A_111 = tpu.memref_slice %arg7[%dma_wait3A_109, %dma_wait3A_110] : memref<80x128xf32, #tpu.memory_space<vmem>> -> memref<80x128xf32, #tpu.memory_space<vmem>>
      %dma_wait3A_112 = arith.constant 0 : i32
      %dma_wait3A_113 = tpu.memref_slice %arg6[%add3A_70, %dma_wait3A_112] : memref<20224x128xf32, #tpu.memory_space<hbm>> -> memref<80x128xf32, #tpu.memory_space<hbm>>
      %dma_wait3A_114 = arith.constant 0 : i32
      %dma_wait3A_115 = tpu.memref_slice %arg6[%add3A_70, %dma_wait3A_114] : memref<20224x128xf32, #tpu.memory_space<hbm>> -> memref<80x128xf32, #tpu.memory_space<hbm>>
      %dma_wait3A_116 = arith.constant 0 : i32
      %dma_wait3A_117 = arith.constant 0 : i32
      %dma_wait3A_118 = tpu.memref_slice %arg7[%dma_wait3A_116, %dma_wait3A_117] : memref<80x128xf32, #tpu.memory_space<vmem>> -> memref<80x128xf32, #tpu.memory_space<vmem>>
      tpu.wait_dma2 semaphore(%run_scoped3A : memref<!tpu.dma_semaphore, #tpu.memory_space<semaphore_mem>>) src(%dma_wait3A_118 : memref<80x128xf32, #tpu.memory_space<vmem>>) dst(%dma_wait3A_115 : memref<80x128xf32, #tpu.memory_space<hbm>>)
      tpu.yield
    }) : () -> ()
    %add3A_71 = arith.constant 320 : i32
    %add3A_72 = arith.addi %mul3A_2, %add3A_71 : i32
    "tpu.region"() ({
      %run_scoped3A = tpu.sem_alloc : memref<!tpu.dma_semaphore, #tpu.memory_space<semaphore_mem>>
      %dma_start3A_99 = arith.constant 0 : i32
      %dma_start3A_100 = arith.constant 0 : i32
      %dma_start3A_101 = tpu.memref_slice %arg7[%dma_start3A_99, %dma_start3A_100] : memref<80x128xf32, #tpu.memory_space<vmem>> -> memref<80x128xf32, #tpu.memory_space<vmem>>
      %dma_start3A_102 = arith.constant 0 : i32
      %dma_start3A_103 = tpu.memref_slice %arg11[%add3A_72, %dma_start3A_102] : memref<10112x128xf32, #tpu.memory_space<vmem_shared>> -> memref<80x128xf32, #tpu.memory_space<vmem_shared>>
      %dma_start3A_104 = arith.constant 0 : i32
      %dma_start3A_105 = arith.constant 0 : i32
      %dma_start3A_106 = tpu.memref_slice %arg7[%dma_start3A_104, %dma_start3A_105] : memref<80x128xf32, #tpu.memory_space<vmem>> -> memref<80x128xf32, #tpu.memory_space<vmem>>
      %dma_start3A_107 = arith.constant 0 : i32
      %dma_start3A_108 = tpu.memref_slice %arg11[%add3A_72, %dma_start3A_107] : memref<10112x128xf32, #tpu.memory_space<vmem_shared>> -> memref<80x128xf32, #tpu.memory_space<vmem_shared>>
      tpu.enqueue_dma source(%dma_start3A_108 : memref<80x128xf32, #tpu.memory_space<vmem_shared>>) target(%dma_start3A_106 : memref<80x128xf32, #tpu.memory_space<vmem>>) target_semaphore(%run_scoped3A : memref<!tpu.dma_semaphore, #tpu.memory_space<semaphore_mem>>)
      %dma_wait3A_109 = arith.constant 0 : i32
      %dma_wait3A_110 = arith.constant 0 : i32
      %dma_wait3A_111 = tpu.memref_slice %arg7[%dma_wait3A_109, %dma_wait3A_110] : memref<80x128xf32, #tpu.memory_space<vmem>> -> memref<80x128xf32, #tpu.memory_space<vmem>>
      %dma_wait3A_112 = arith.constant 0 : i32
      %dma_wait3A_113 = tpu.memref_slice %arg11[%add3A_72, %dma_wait3A_112] : memref<10112x128xf32, #tpu.memory_space<vmem_shared>> -> memref<80x128xf32, #tpu.memory_space<vmem_shared>>
      %dma_wait3A_114 = arith.constant 0 : i32
      %dma_wait3A_115 = arith.constant 0 : i32
      %dma_wait3A_116 = tpu.memref_slice %arg7[%dma_wait3A_114, %dma_wait3A_115] : memref<80x128xf32, #tpu.memory_space<vmem>> -> memref<80x128xf32, #tpu.memory_space<vmem>>
      %dma_wait3A_117 = arith.constant 0 : i32
      %dma_wait3A_118 = tpu.memref_slice %arg11[%add3A_72, %dma_wait3A_117] : memref<10112x128xf32, #tpu.memory_space<vmem_shared>> -> memref<80x128xf32, #tpu.memory_space<vmem_shared>>
      tpu.wait_dma2 semaphore(%run_scoped3A : memref<!tpu.dma_semaphore, #tpu.memory_space<semaphore_mem>>) src(%dma_wait3A_118 : memref<80x128xf32, #tpu.memory_space<vmem_shared>>) dst(%dma_wait3A_116 : memref<80x128xf32, #tpu.memory_space<vmem>>)
      tpu.yield
    }) : () -> ()
    %mul3A_73 = arith.constant 10112 : i32
    %mul3A_74 = arith.muli %arg0, %mul3A_73 : i32
    %add3A_75 = arith.addi %mul3A_74, %mul3A_2 : i32
    %add3A_76 = arith.constant 320 : i32
    %add3A_77 = arith.addi %add3A_75, %add3A_76 : i32
    "tpu.region"() ({
      %run_scoped3A = tpu.sem_alloc : memref<!tpu.dma_semaphore, #tpu.memory_space<semaphore_mem>>
      %dma_start3A_99 = arith.constant 0 : i32
      %dma_start3A_100 = arith.constant 0 : i32
      %dma_start3A_101 = tpu.memref_slice %arg7[%dma_start3A_99, %dma_start3A_100] : memref<80x128xf32, #tpu.memory_space<vmem>> -> memref<80x128xf32, #tpu.memory_space<vmem>>
      %dma_start3A_102 = arith.constant 0 : i32
      %dma_start3A_103 = tpu.memref_slice %arg6[%add3A_77, %dma_start3A_102] : memref<20224x128xf32, #tpu.memory_space<hbm>> -> memref<80x128xf32, #tpu.memory_space<hbm>>
      %dma_start3A_104 = arith.constant 0 : i32
      %dma_start3A_105 = tpu.memref_slice %arg6[%add3A_77, %dma_start3A_104] : memref<20224x128xf32, #tpu.memory_space<hbm>> -> memref<80x128xf32, #tpu.memory_space<hbm>>
      %dma_start3A_106 = arith.constant 0 : i32
      %dma_start3A_107 = arith.constant 0 : i32
      %dma_start3A_108 = tpu.memref_slice %arg7[%dma_start3A_106, %dma_start3A_107] : memref<80x128xf32, #tpu.memory_space<vmem>> -> memref<80x128xf32, #tpu.memory_space<vmem>>
      tpu.enqueue_dma source(%dma_start3A_108 : memref<80x128xf32, #tpu.memory_space<vmem>>) target(%dma_start3A_105 : memref<80x128xf32, #tpu.memory_space<hbm>>) target_semaphore(%run_scoped3A : memref<!tpu.dma_semaphore, #tpu.memory_space<semaphore_mem>>)
      %dma_wait3A_109 = arith.constant 0 : i32
      %dma_wait3A_110 = arith.constant 0 : i32
      %dma_wait3A_111 = tpu.memref_slice %arg7[%dma_wait3A_109, %dma_wait3A_110] : memref<80x128xf32, #tpu.memory_space<vmem>> -> memref<80x128xf32, #tpu.memory_space<vmem>>
      %dma_wait3A_112 = arith.constant 0 : i32
      %dma_wait3A_113 = tpu.memref_slice %arg6[%add3A_77, %dma_wait3A_112] : memref<20224x128xf32, #tpu.memory_space<hbm>> -> memref<80x128xf32, #tpu.memory_space<hbm>>
      %dma_wait3A_114 = arith.constant 0 : i32
      %dma_wait3A_115 = tpu.memref_slice %arg6[%add3A_77, %dma_wait3A_114] : memref<20224x128xf32, #tpu.memory_space<hbm>> -> memref<80x128xf32, #tpu.memory_space<hbm>>
      %dma_wait3A_116 = arith.constant 0 : i32
      %dma_wait3A_117 = arith.constant 0 : i32
      %dma_wait3A_118 = tpu.memref_slice %arg7[%dma_wait3A_116, %dma_wait3A_117] : memref<80x128xf32, #tpu.memory_space<vmem>> -> memref<80x128xf32, #tpu.memory_space<vmem>>
      tpu.wait_dma2 semaphore(%run_scoped3A : memref<!tpu.dma_semaphore, #tpu.memory_space<semaphore_mem>>) src(%dma_wait3A_118 : memref<80x128xf32, #tpu.memory_space<vmem>>) dst(%dma_wait3A_115 : memref<80x128xf32, #tpu.memory_space<hbm>>)
      tpu.yield
    }) : () -> ()
    %add3A_78 = arith.constant 400 : i32
    %add3A_79 = arith.addi %mul3A_2, %add3A_78 : i32
    "tpu.region"() ({
      %run_scoped3A = tpu.sem_alloc : memref<!tpu.dma_semaphore, #tpu.memory_space<semaphore_mem>>
      %dma_start3A_99 = arith.constant 0 : i32
      %dma_start3A_100 = arith.constant 0 : i32
      %dma_start3A_101 = tpu.memref_slice %arg7[%dma_start3A_99, %dma_start3A_100] : memref<80x128xf32, #tpu.memory_space<vmem>> -> memref<80x128xf32, #tpu.memory_space<vmem>>
      %dma_start3A_102 = arith.constant 0 : i32
      %dma_start3A_103 = tpu.memref_slice %arg11[%add3A_79, %dma_start3A_102] : memref<10112x128xf32, #tpu.memory_space<vmem_shared>> -> memref<80x128xf32, #tpu.memory_space<vmem_shared>>
      %dma_start3A_104 = arith.constant 0 : i32
      %dma_start3A_105 = arith.constant 0 : i32
      %dma_start3A_106 = tpu.memref_slice %arg7[%dma_start3A_104, %dma_start3A_105] : memref<80x128xf32, #tpu.memory_space<vmem>> -> memref<80x128xf32, #tpu.memory_space<vmem>>
      %dma_start3A_107 = arith.constant 0 : i32
      %dma_start3A_108 = tpu.memref_slice %arg11[%add3A_79, %dma_start3A_107] : memref<10112x128xf32, #tpu.memory_space<vmem_shared>> -> memref<80x128xf32, #tpu.memory_space<vmem_shared>>
      tpu.enqueue_dma source(%dma_start3A_108 : memref<80x128xf32, #tpu.memory_space<vmem_shared>>) target(%dma_start3A_106 : memref<80x128xf32, #tpu.memory_space<vmem>>) target_semaphore(%run_scoped3A : memref<!tpu.dma_semaphore, #tpu.memory_space<semaphore_mem>>)
      %dma_wait3A_109 = arith.constant 0 : i32
      %dma_wait3A_110 = arith.constant 0 : i32
      %dma_wait3A_111 = tpu.memref_slice %arg7[%dma_wait3A_109, %dma_wait3A_110] : memref<80x128xf32, #tpu.memory_space<vmem>> -> memref<80x128xf32, #tpu.memory_space<vmem>>
      %dma_wait3A_112 = arith.constant 0 : i32
      %dma_wait3A_113 = tpu.memref_slice %arg11[%add3A_79, %dma_wait3A_112] : memref<10112x128xf32, #tpu.memory_space<vmem_shared>> -> memref<80x128xf32, #tpu.memory_space<vmem_shared>>
      %dma_wait3A_114 = arith.constant 0 : i32
      %dma_wait3A_115 = arith.constant 0 : i32
      %dma_wait3A_116 = tpu.memref_slice %arg7[%dma_wait3A_114, %dma_wait3A_115] : memref<80x128xf32, #tpu.memory_space<vmem>> -> memref<80x128xf32, #tpu.memory_space<vmem>>
      %dma_wait3A_117 = arith.constant 0 : i32
      %dma_wait3A_118 = tpu.memref_slice %arg11[%add3A_79, %dma_wait3A_117] : memref<10112x128xf32, #tpu.memory_space<vmem_shared>> -> memref<80x128xf32, #tpu.memory_space<vmem_shared>>
      tpu.wait_dma2 semaphore(%run_scoped3A : memref<!tpu.dma_semaphore, #tpu.memory_space<semaphore_mem>>) src(%dma_wait3A_118 : memref<80x128xf32, #tpu.memory_space<vmem_shared>>) dst(%dma_wait3A_116 : memref<80x128xf32, #tpu.memory_space<vmem>>)
      tpu.yield
    }) : () -> ()
    %mul3A_80 = arith.constant 10112 : i32
    %mul3A_81 = arith.muli %arg0, %mul3A_80 : i32
    %add3A_82 = arith.addi %mul3A_81, %mul3A_2 : i32
    %add3A_83 = arith.constant 400 : i32
    %add3A_84 = arith.addi %add3A_82, %add3A_83 : i32
    "tpu.region"() ({
      %run_scoped3A = tpu.sem_alloc : memref<!tpu.dma_semaphore, #tpu.memory_space<semaphore_mem>>
      %dma_start3A_99 = arith.constant 0 : i32
      %dma_start3A_100 = arith.constant 0 : i32
      %dma_start3A_101 = tpu.memref_slice %arg7[%dma_start3A_99, %dma_start3A_100] : memref<80x128xf32, #tpu.memory_space<vmem>> -> memref<80x128xf32, #tpu.memory_space<vmem>>
      %dma_start3A_102 = arith.constant 0 : i32
      %dma_start3A_103 = tpu.memref_slice %arg6[%add3A_84, %dma_start3A_102] : memref<20224x128xf32, #tpu.memory_space<hbm>> -> memref<80x128xf32, #tpu.memory_space<hbm>>
      %dma_start3A_104 = arith.constant 0 : i32
      %dma_start3A_105 = tpu.memref_slice %arg6[%add3A_84, %dma_start3A_104] : memref<20224x128xf32, #tpu.memory_space<hbm>> -> memref<80x128xf32, #tpu.memory_space<hbm>>
      %dma_start3A_106 = arith.constant 0 : i32
      %dma_start3A_107 = arith.constant 0 : i32
      %dma_start3A_108 = tpu.memref_slice %arg7[%dma_start3A_106, %dma_start3A_107] : memref<80x128xf32, #tpu.memory_space<vmem>> -> memref<80x128xf32, #tpu.memory_space<vmem>>
      tpu.enqueue_dma source(%dma_start3A_108 : memref<80x128xf32, #tpu.memory_space<vmem>>) target(%dma_start3A_105 : memref<80x128xf32, #tpu.memory_space<hbm>>) target_semaphore(%run_scoped3A : memref<!tpu.dma_semaphore, #tpu.memory_space<semaphore_mem>>)
      %dma_wait3A_109 = arith.constant 0 : i32
      %dma_wait3A_110 = arith.constant 0 : i32
      %dma_wait3A_111 = tpu.memref_slice %arg7[%dma_wait3A_109, %dma_wait3A_110] : memref<80x128xf32, #tpu.memory_space<vmem>> -> memref<80x128xf32, #tpu.memory_space<vmem>>
      %dma_wait3A_112 = arith.constant 0 : i32
      %dma_wait3A_113 = tpu.memref_slice %arg6[%add3A_84, %dma_wait3A_112] : memref<20224x128xf32, #tpu.memory_space<hbm>> -> memref<80x128xf32, #tpu.memory_space<hbm>>
      %dma_wait3A_114 = arith.constant 0 : i32
      %dma_wait3A_115 = tpu.memref_slice %arg6[%add3A_84, %dma_wait3A_114] : memref<20224x128xf32, #tpu.memory_space<hbm>> -> memref<80x128xf32, #tpu.memory_space<hbm>>
      %dma_wait3A_116 = arith.constant 0 : i32
      %dma_wait3A_117 = arith.constant 0 : i32
      %dma_wait3A_118 = tpu.memref_slice %arg7[%dma_wait3A_116, %dma_wait3A_117] : memref<80x128xf32, #tpu.memory_space<vmem>> -> memref<80x128xf32, #tpu.memory_space<vmem>>
      tpu.wait_dma2 semaphore(%run_scoped3A : memref<!tpu.dma_semaphore, #tpu.memory_space<semaphore_mem>>) src(%dma_wait3A_118 : memref<80x128xf32, #tpu.memory_space<vmem>>) dst(%dma_wait3A_115 : memref<80x128xf32, #tpu.memory_space<hbm>>)
      tpu.yield
    }) : () -> ()
    %add3A_85 = arith.constant 480 : i32
    %add3A_86 = arith.addi %mul3A_2, %add3A_85 : i32
    "tpu.region"() ({
      %run_scoped3A = tpu.sem_alloc : memref<!tpu.dma_semaphore, #tpu.memory_space<semaphore_mem>>
      %dma_start3A_99 = arith.constant 0 : i32
      %dma_start3A_100 = arith.constant 0 : i32
      %dma_start3A_101 = tpu.memref_slice %arg7[%dma_start3A_99, %dma_start3A_100] : memref<80x128xf32, #tpu.memory_space<vmem>> -> memref<80x128xf32, #tpu.memory_space<vmem>>
      %dma_start3A_102 = arith.constant 0 : i32
      %dma_start3A_103 = tpu.memref_slice %arg11[%add3A_86, %dma_start3A_102] : memref<10112x128xf32, #tpu.memory_space<vmem_shared>> -> memref<80x128xf32, #tpu.memory_space<vmem_shared>>
      %dma_start3A_104 = arith.constant 0 : i32
      %dma_start3A_105 = arith.constant 0 : i32
      %dma_start3A_106 = tpu.memref_slice %arg7[%dma_start3A_104, %dma_start3A_105] : memref<80x128xf32, #tpu.memory_space<vmem>> -> memref<80x128xf32, #tpu.memory_space<vmem>>
      %dma_start3A_107 = arith.constant 0 : i32
      %dma_start3A_108 = tpu.memref_slice %arg11[%add3A_86, %dma_start3A_107] : memref<10112x128xf32, #tpu.memory_space<vmem_shared>> -> memref<80x128xf32, #tpu.memory_space<vmem_shared>>
      tpu.enqueue_dma source(%dma_start3A_108 : memref<80x128xf32, #tpu.memory_space<vmem_shared>>) target(%dma_start3A_106 : memref<80x128xf32, #tpu.memory_space<vmem>>) target_semaphore(%run_scoped3A : memref<!tpu.dma_semaphore, #tpu.memory_space<semaphore_mem>>)
      %dma_wait3A_109 = arith.constant 0 : i32
      %dma_wait3A_110 = arith.constant 0 : i32
      %dma_wait3A_111 = tpu.memref_slice %arg7[%dma_wait3A_109, %dma_wait3A_110] : memref<80x128xf32, #tpu.memory_space<vmem>> -> memref<80x128xf32, #tpu.memory_space<vmem>>
      %dma_wait3A_112 = arith.constant 0 : i32
      %dma_wait3A_113 = tpu.memref_slice %arg11[%add3A_86, %dma_wait3A_112] : memref<10112x128xf32, #tpu.memory_space<vmem_shared>> -> memref<80x128xf32, #tpu.memory_space<vmem_shared>>
      %dma_wait3A_114 = arith.constant 0 : i32
      %dma_wait3A_115 = arith.constant 0 : i32
      %dma_wait3A_116 = tpu.memref_slice %arg7[%dma_wait3A_114, %dma_wait3A_115] : memref<80x128xf32, #tpu.memory_space<vmem>> -> memref<80x128xf32, #tpu.memory_space<vmem>>
      %dma_wait3A_117 = arith.constant 0 : i32
      %dma_wait3A_118 = tpu.memref_slice %arg11[%add3A_86, %dma_wait3A_117] : memref<10112x128xf32, #tpu.memory_space<vmem_shared>> -> memref<80x128xf32, #tpu.memory_space<vmem_shared>>
      tpu.wait_dma2 semaphore(%run_scoped3A : memref<!tpu.dma_semaphore, #tpu.memory_space<semaphore_mem>>) src(%dma_wait3A_118 : memref<80x128xf32, #tpu.memory_space<vmem_shared>>) dst(%dma_wait3A_116 : memref<80x128xf32, #tpu.memory_space<vmem>>)
      tpu.yield
    }) : () -> ()
    %mul3A_87 = arith.constant 10112 : i32
    %mul3A_88 = arith.muli %arg0, %mul3A_87 : i32
    %add3A_89 = arith.addi %mul3A_88, %mul3A_2 : i32
    %add3A_90 = arith.constant 480 : i32
    %add3A_91 = arith.addi %add3A_89, %add3A_90 : i32
    "tpu.region"() ({
      %run_scoped3A = tpu.sem_alloc : memref<!tpu.dma_semaphore, #tpu.memory_space<semaphore_mem>>
      %dma_start3A_99 = arith.constant 0 : i32
      %dma_start3A_100 = arith.constant 0 : i32
      %dma_start3A_101 = tpu.memref_slice %arg7[%dma_start3A_99, %dma_start3A_100] : memref<80x128xf32, #tpu.memory_space<vmem>> -> memref<80x128xf32, #tpu.memory_space<vmem>>
      %dma_start3A_102 = arith.constant 0 : i32
      %dma_start3A_103 = tpu.memref_slice %arg6[%add3A_91, %dma_start3A_102] : memref<20224x128xf32, #tpu.memory_space<hbm>> -> memref<80x128xf32, #tpu.memory_space<hbm>>
      %dma_start3A_104 = arith.constant 0 : i32
      %dma_start3A_105 = tpu.memref_slice %arg6[%add3A_91, %dma_start3A_104] : memref<20224x128xf32, #tpu.memory_space<hbm>> -> memref<80x128xf32, #tpu.memory_space<hbm>>
      %dma_start3A_106 = arith.constant 0 : i32
      %dma_start3A_107 = arith.constant 0 : i32
      %dma_start3A_108 = tpu.memref_slice %arg7[%dma_start3A_106, %dma_start3A_107] : memref<80x128xf32, #tpu.memory_space<vmem>> -> memref<80x128xf32, #tpu.memory_space<vmem>>
      tpu.enqueue_dma source(%dma_start3A_108 : memref<80x128xf32, #tpu.memory_space<vmem>>) target(%dma_start3A_105 : memref<80x128xf32, #tpu.memory_space<hbm>>) target_semaphore(%run_scoped3A : memref<!tpu.dma_semaphore, #tpu.memory_space<semaphore_mem>>)
      %dma_wait3A_109 = arith.constant 0 : i32
      %dma_wait3A_110 = arith.constant 0 : i32
      %dma_wait3A_111 = tpu.memref_slice %arg7[%dma_wait3A_109, %dma_wait3A_110] : memref<80x128xf32, #tpu.memory_space<vmem>> -> memref<80x128xf32, #tpu.memory_space<vmem>>
      %dma_wait3A_112 = arith.constant 0 : i32
      %dma_wait3A_113 = tpu.memref_slice %arg6[%add3A_91, %dma_wait3A_112] : memref<20224x128xf32, #tpu.memory_space<hbm>> -> memref<80x128xf32, #tpu.memory_space<hbm>>
      %dma_wait3A_114 = arith.constant 0 : i32
      %dma_wait3A_115 = tpu.memref_slice %arg6[%add3A_91, %dma_wait3A_114] : memref<20224x128xf32, #tpu.memory_space<hbm>> -> memref<80x128xf32, #tpu.memory_space<hbm>>
      %dma_wait3A_116 = arith.constant 0 : i32
      %dma_wait3A_117 = arith.constant 0 : i32
      %dma_wait3A_118 = tpu.memref_slice %arg7[%dma_wait3A_116, %dma_wait3A_117] : memref<80x128xf32, #tpu.memory_space<vmem>> -> memref<80x128xf32, #tpu.memory_space<vmem>>
      tpu.wait_dma2 semaphore(%run_scoped3A : memref<!tpu.dma_semaphore, #tpu.memory_space<semaphore_mem>>) src(%dma_wait3A_118 : memref<80x128xf32, #tpu.memory_space<vmem>>) dst(%dma_wait3A_115 : memref<80x128xf32, #tpu.memory_space<hbm>>)
      tpu.yield
    }) : () -> ()
    %add3A_92 = arith.constant 560 : i32
    %add3A_93 = arith.addi %mul3A_2, %add3A_92 : i32
    "tpu.region"() ({
      %run_scoped3A = tpu.sem_alloc : memref<!tpu.dma_semaphore, #tpu.memory_space<semaphore_mem>>
      %dma_start3A_99 = arith.constant 0 : i32
      %dma_start3A_100 = arith.constant 0 : i32
      %dma_start3A_101 = tpu.memref_slice %arg7[%dma_start3A_99, %dma_start3A_100] : memref<80x128xf32, #tpu.memory_space<vmem>> -> memref<72x128xf32, #tpu.memory_space<vmem>>
      %dma_start3A_102 = arith.constant 0 : i32
      %dma_start3A_103 = tpu.memref_slice %arg11[%add3A_93, %dma_start3A_102] : memref<10112x128xf32, #tpu.memory_space<vmem_shared>> -> memref<72x128xf32, #tpu.memory_space<vmem_shared>>
      %dma_start3A_104 = arith.constant 0 : i32
      %dma_start3A_105 = arith.constant 0 : i32
      %dma_start3A_106 = tpu.memref_slice %arg7[%dma_start3A_104, %dma_start3A_105] : memref<80x128xf32, #tpu.memory_space<vmem>> -> memref<72x128xf32, #tpu.memory_space<vmem>>
      %dma_start3A_107 = arith.constant 0 : i32
      %dma_start3A_108 = tpu.memref_slice %arg11[%add3A_93, %dma_start3A_107] : memref<10112x128xf32, #tpu.memory_space<vmem_shared>> -> memref<72x128xf32, #tpu.memory_space<vmem_shared>>
      tpu.enqueue_dma source(%dma_start3A_108 : memref<72x128xf32, #tpu.memory_space<vmem_shared>>) target(%dma_start3A_106 : memref<72x128xf32, #tpu.memory_space<vmem>>) target_semaphore(%run_scoped3A : memref<!tpu.dma_semaphore, #tpu.memory_space<semaphore_mem>>)
      %dma_wait3A_109 = arith.constant 0 : i32
      %dma_wait3A_110 = arith.constant 0 : i32
      %dma_wait3A_111 = tpu.memref_slice %arg7[%dma_wait3A_109, %dma_wait3A_110] : memref<80x128xf32, #tpu.memory_space<vmem>> -> memref<72x128xf32, #tpu.memory_space<vmem>>
      %dma_wait3A_112 = arith.constant 0 : i32
      %dma_wait3A_113 = tpu.memref_slice %arg11[%add3A_93, %dma_wait3A_112] : memref<10112x128xf32, #tpu.memory_space<vmem_shared>> -> memref<72x128xf32, #tpu.memory_space<vmem_shared>>
      %dma_wait3A_114 = arith.constant 0 : i32
      %dma_wait3A_115 = arith.constant 0 : i32
      %dma_wait3A_116 = tpu.memref_slice %arg7[%dma_wait3A_114, %dma_wait3A_115] : memref<80x128xf32, #tpu.memory_space<vmem>> -> memref<72x128xf32, #tpu.memory_space<vmem>>
      %dma_wait3A_117 = arith.constant 0 : i32
      %dma_wait3A_118 = tpu.memref_slice %arg11[%add3A_93, %dma_wait3A_117] : memref<10112x128xf32, #tpu.memory_space<vmem_shared>> -> memref<72x128xf32, #tpu.memory_space<vmem_shared>>
      tpu.wait_dma2 semaphore(%run_scoped3A : memref<!tpu.dma_semaphore, #tpu.memory_space<semaphore_mem>>) src(%dma_wait3A_118 : memref<72x128xf32, #tpu.memory_space<vmem_shared>>) dst(%dma_wait3A_116 : memref<72x128xf32, #tpu.memory_space<vmem>>)
      tpu.yield
    }) : () -> ()
    %mul3A_94 = arith.constant 10112 : i32
    %mul3A_95 = arith.muli %arg0, %mul3A_94 : i32
    %add3A_96 = arith.addi %mul3A_95, %mul3A_2 : i32
    %add3A_97 = arith.constant 560 : i32
    %add3A_98 = arith.addi %add3A_96, %add3A_97 : i32
    "tpu.region"() ({
      %run_scoped3A = tpu.sem_alloc : memref<!tpu.dma_semaphore, #tpu.memory_space<semaphore_mem>>
      %dma_start3A_99 = arith.constant 0 : i32
      %dma_start3A_100 = arith.constant 0 : i32
      %dma_start3A_101 = tpu.memref_slice %arg7[%dma_start3A_99, %dma_start3A_100] : memref<80x128xf32, #tpu.memory_space<vmem>> -> memref<72x128xf32, #tpu.memory_space<vmem>>
      %dma_start3A_102 = arith.constant 0 : i32
      %dma_start3A_103 = tpu.memref_slice %arg6[%add3A_98, %dma_start3A_102] : memref<20224x128xf32, #tpu.memory_space<hbm>> -> memref<72x128xf32, #tpu.memory_space<hbm>>
      %dma_start3A_104 = arith.constant 0 : i32
      %dma_start3A_105 = tpu.memref_slice %arg6[%add3A_98, %dma_start3A_104] : memref<20224x128xf32, #tpu.memory_space<hbm>> -> memref<72x128xf32, #tpu.memory_space<hbm>>
      %dma_start3A_106 = arith.constant 0 : i32
      %dma_start3A_107 = arith.constant 0 : i32
      %dma_start3A_108 = tpu.memref_slice %arg7[%dma_start3A_106, %dma_start3A_107] : memref<80x128xf32, #tpu.memory_space<vmem>> -> memref<72x128xf32, #tpu.memory_space<vmem>>
      tpu.enqueue_dma source(%dma_start3A_108 : memref<72x128xf32, #tpu.memory_space<vmem>>) target(%dma_start3A_105 : memref<72x128xf32, #tpu.memory_space<hbm>>) target_semaphore(%run_scoped3A : memref<!tpu.dma_semaphore, #tpu.memory_space<semaphore_mem>>)
      %dma_wait3A_109 = arith.constant 0 : i32
      %dma_wait3A_110 = arith.constant 0 : i32
      %dma_wait3A_111 = tpu.memref_slice %arg7[%dma_wait3A_109, %dma_wait3A_110] : memref<80x128xf32, #tpu.memory_space<vmem>> -> memref<72x128xf32, #tpu.memory_space<vmem>>
      %dma_wait3A_112 = arith.constant 0 : i32
      %dma_wait3A_113 = tpu.memref_slice %arg6[%add3A_98, %dma_wait3A_112] : memref<20224x128xf32, #tpu.memory_space<hbm>> -> memref<72x128xf32, #tpu.memory_space<hbm>>
      %dma_wait3A_114 = arith.constant 0 : i32
      %dma_wait3A_115 = tpu.memref_slice %arg6[%add3A_98, %dma_wait3A_114] : memref<20224x128xf32, #tpu.memory_space<hbm>> -> memref<72x128xf32, #tpu.memory_space<hbm>>
      %dma_wait3A_116 = arith.constant 0 : i32
      %dma_wait3A_117 = arith.constant 0 : i32
      %dma_wait3A_118 = tpu.memref_slice %arg7[%dma_wait3A_116, %dma_wait3A_117] : memref<80x128xf32, #tpu.memory_space<vmem>> -> memref<72x128xf32, #tpu.memory_space<vmem>>
      tpu.wait_dma2 semaphore(%run_scoped3A : memref<!tpu.dma_semaphore, #tpu.memory_space<semaphore_mem>>) src(%dma_wait3A_118 : memref<72x128xf32, #tpu.memory_space<vmem>>) dst(%dma_wait3A_115 : memref<72x128xf32, #tpu.memory_space<hbm>>)
      tpu.yield
    }) : () -> ()
    return
  }
}

#map = affine_map<(d0, d1) -> (0, 0)>
#map1 = affine_map<(d0, d1) -> (0)>
module attributes {stable_mosaic.version = 14 : i64} {
  func.func @body(%arg0: i32, %arg1: i32, %arg2: memref<10000x128xf32, #tpu.memory_space<hbm>>, %arg3: memref<320000xi32, #tpu.memory_space<hbm>>, %arg4: memref<320000xi32, #tpu.memory_space<hbm>>, %arg5: memref<10112x128xf32, #tpu.memory_space<hbm>>, %arg6: memref<20224x128xf32, #tpu.memory_space<hbm>>, %arg7: memref<80x128xf32, #tpu.memory_space<vmem>>, %arg8: memref<80x128xf32, #tpu.memory_space<vmem>>, %arg9: memref<10000xi32, #tpu.memory_space<vmem>>, %arg10: memref<10000xi32, #tpu.memory_space<vmem>>, %arg11: memref<10112x128xf32, #tpu.memory_space<vmem_shared>>, %arg12: memref<!tpu.dma_semaphore, #tpu.memory_space<semaphore_mem>>, %arg13: memref<!tpu.dma_semaphore, #tpu.memory_space<semaphore_mem>>, %arg14: memref<!tpu.dma_semaphore, #tpu.memory_space<semaphore_mem>>) attributes {dimension_semantics = [#tpu.dimension_semantics<core_parallel>, #tpu.dimension_semantics<subcore_parallel>], iteration_bounds = array<i64: 2, 16>, scalar_prefetch = 0 : i64, scratch_operands = 8 : i64, tpu.core_type = #tpu.core_type<sc_vector_subcore>, window_params = [{transform_indices = #map}, {transform_indices = #map1}, {transform_indices = #map1}, {transform_indices = #map}, {transform_indices = #map}]} {
    %mul3A = arith.constant 2 : i32
    %mul3A_0 = arith.muli %arg1, %mul3A : i32
    %add3A = arith.addi %mul3A_0, %arg0 : i32
    %mul3A_1 = arith.constant 632 : i32
    %mul3A_2 = arith.muli %arg1, %mul3A_1 : i32
    %mul3A_3 = arith.constant 10000 : i32
    %mul3A_4 = arith.muli %add3A, %mul3A_3 : i32
    %dma_start3A = tpu.memref_slice %arg3[%mul3A_4] : memref<320000xi32, #tpu.memory_space<hbm>> -> memref<10000xi32, #tpu.memory_space<hbm>>
    %dma_start3A_5 = tpu.memref_slice %arg3[%mul3A_4] : memref<320000xi32, #tpu.memory_space<hbm>> -> memref<10000xi32, #tpu.memory_space<hbm>>
    tpu.enqueue_dma source(%dma_start3A_5 : memref<10000xi32, #tpu.memory_space<hbm>>) target(%arg9 : memref<10000xi32, #tpu.memory_space<vmem>>) target_semaphore(%arg14 : memref<!tpu.dma_semaphore, #tpu.memory_space<semaphore_mem>>)
    %dma_start3A_6 = tpu.memref_slice %arg4[%mul3A_4] : memref<320000xi32, #tpu.memory_space<hbm>> -> memref<10000xi32, #tpu.memory_space<hbm>>
    %dma_start3A_7 = tpu.memref_slice %arg4[%mul3A_4] : memref<320000xi32, #tpu.memory_space<hbm>> -> memref<10000xi32, #tpu.memory_space<hbm>>
    tpu.enqueue_dma source(%dma_start3A_7 : memref<10000xi32, #tpu.memory_space<hbm>>) target(%arg10 : memref<10000xi32, #tpu.memory_space<vmem>>) target_semaphore(%arg14 : memref<!tpu.dma_semaphore, #tpu.memory_space<semaphore_mem>>)
    "tpu.region"() ({
      %run_scoped3A = tpu.sem_alloc : memref<!tpu.dma_semaphore, #tpu.memory_space<semaphore_mem>>
      %dma_start3A_99 = arith.constant 0 : i32
      %dma_start3A_100 = arith.constant 0 : i32
      %dma_start3A_101 = tpu.memref_slice %arg5[%dma_start3A_99, %dma_start3A_100] : memref<10112x128xf32, #tpu.memory_space<hbm>> -> memref<80x128xf32, #tpu.memory_space<hbm>>
      %dma_start3A_102 = arith.constant 0 : i32
      %dma_start3A_103 = arith.constant 0 : i32
      %dma_start3A_104 = tpu.memref_slice %arg5[%dma_start3A_102, %dma_start3A_103] : memref<10112x128xf32, #tpu.memory_space<hbm>> -> memref<80x128xf32, #tpu.memory_space<hbm>>
      tpu.enqueue_dma source(%dma_start3A_104 : memref<80x128xf32, #tpu.memory_space<hbm>>) target(%arg7 : memref<80x128xf32, #tpu.memory_space<vmem>>) target_semaphore(%run_scoped3A : memref<!tpu.dma_semaphore, #tpu.memory_space<semaphore_mem>>)
      %dma_wait3A_105 = arith.constant 0 : i32
      %dma_wait3A_106 = arith.constant 0 : i32
      %dma_wait3A_107 = tpu.memref_slice %arg5[%dma_wait3A_105, %dma_wait3A_106] : memref<10112x128xf32, #tpu.memory_space<hbm>> -> memref<80x128xf32, #tpu.memory_space<hbm>>
      %dma_wait3A_108 = arith.constant 0 : i32
      %dma_wait3A_109 = arith.constant 0 : i32
      %dma_wait3A_110 = tpu.memref_slice %arg5[%dma_wait3A_108, %dma_wait3A_109] : memref<10112x128xf32, #tpu.memory_space<hbm>> -> memref<80x128xf32, #tpu.memory_space<hbm>>
      tpu.wait_dma2 semaphore(%run_scoped3A : memref<!tpu.dma_semaphore, #tpu.memory_space<semaphore_mem>>) src(%dma_wait3A_110 : memref<80x128xf32, #tpu.memory_space<hbm>>) dst(%arg7 : memref<80x128xf32, #tpu.memory_space<vmem>>)
      tpu.yield
    }) : () -> ()
    %add3A_8 = arith.constant 0 : i32
    %add3A_9 = arith.addi %mul3A_2, %add3A_8 : i32
    "tpu.region"() ({
      %run_scoped3A = tpu.sem_alloc : memref<!tpu.dma_semaphore, #tpu.memory_space<semaphore_mem>>
      %dma_start3A_99 = arith.constant 0 : i32
      %dma_start3A_100 = arith.constant 0 : i32
      %dma_start3A_101 = tpu.memref_slice %arg7[%dma_start3A_99, %dma_start3A_100] : memref<80x128xf32, #tpu.memory_space<vmem>> -> memref<80x128xf32, #tpu.memory_space<vmem>>
      %dma_start3A_102 = arith.constant 0 : i32
      %dma_start3A_103 = tpu.memref_slice %arg11[%add3A_9, %dma_start3A_102] : memref<10112x128xf32, #tpu.memory_space<vmem_shared>> -> memref<80x128xf32, #tpu.memory_space<vmem_shared>>
      %dma_start3A_104 = arith.constant 0 : i32
      %dma_start3A_105 = tpu.memref_slice %arg11[%add3A_9, %dma_start3A_104] : memref<10112x128xf32, #tpu.memory_space<vmem_shared>> -> memref<80x128xf32, #tpu.memory_space<vmem_shared>>
      %dma_start3A_106 = arith.constant 0 : i32
      %dma_start3A_107 = arith.constant 0 : i32
      %dma_start3A_108 = tpu.memref_slice %arg7[%dma_start3A_106, %dma_start3A_107] : memref<80x128xf32, #tpu.memory_space<vmem>> -> memref<80x128xf32, #tpu.memory_space<vmem>>
      tpu.enqueue_dma source(%dma_start3A_108 : memref<80x128xf32, #tpu.memory_space<vmem>>) target(%dma_start3A_105 : memref<80x128xf32, #tpu.memory_space<vmem_shared>>) target_semaphore(%run_scoped3A : memref<!tpu.dma_semaphore, #tpu.memory_space<semaphore_mem>>)
      %dma_wait3A_109 = arith.constant 0 : i32
      %dma_wait3A_110 = arith.constant 0 : i32
      %dma_wait3A_111 = tpu.memref_slice %arg7[%dma_wait3A_109, %dma_wait3A_110] : memref<80x128xf32, #tpu.memory_space<vmem>> -> memref<80x128xf32, #tpu.memory_space<vmem>>
      %dma_wait3A_112 = arith.constant 0 : i32
      %dma_wait3A_113 = tpu.memref_slice %arg11[%add3A_9, %dma_wait3A_112] : memref<10112x128xf32, #tpu.memory_space<vmem_shared>> -> memref<80x128xf32, #tpu.memory_space<vmem_shared>>
      %dma_wait3A_114 = arith.constant 0 : i32
      %dma_wait3A_115 = tpu.memref_slice %arg11[%add3A_9, %dma_wait3A_114] : memref<10112x128xf32, #tpu.memory_space<vmem_shared>> -> memref<80x128xf32, #tpu.memory_space<vmem_shared>>
      %dma_wait3A_116 = arith.constant 0 : i32
      %dma_wait3A_117 = arith.constant 0 : i32
      %dma_wait3A_118 = tpu.memref_slice %arg7[%dma_wait3A_116, %dma_wait3A_117] : memref<80x128xf32, #tpu.memory_space<vmem>> -> memref<80x128xf32, #tpu.memory_space<vmem>>
      tpu.wait_dma2 semaphore(%run_scoped3A : memref<!tpu.dma_semaphore, #tpu.memory_space<semaphore_mem>>) src(%dma_wait3A_118 : memref<80x128xf32, #tpu.memory_space<vmem>>) dst(%dma_wait3A_115 : memref<80x128xf32, #tpu.memory_space<vmem_shared>>)
      tpu.yield
    }) : () -> ()
    %add3A_10 = arith.constant 80 : i32
    %add3A_11 = arith.addi %mul3A_2, %add3A_10 : i32
    "tpu.region"() ({
      %run_scoped3A = tpu.sem_alloc : memref<!tpu.dma_semaphore, #tpu.memory_space<semaphore_mem>>
      %dma_start3A_99 = arith.constant 0 : i32
      %dma_start3A_100 = arith.constant 0 : i32
      %dma_start3A_101 = tpu.memref_slice %arg7[%dma_start3A_99, %dma_start3A_100] : memref<80x128xf32, #tpu.memory_space<vmem>> -> memref<80x128xf32, #tpu.memory_space<vmem>>
      %dma_start3A_102 = arith.constant 0 : i32
      %dma_start3A_103 = tpu.memref_slice %arg11[%add3A_11, %dma_start3A_102] : memref<10112x128xf32, #tpu.memory_space<vmem_shared>> -> memref<80x128xf32, #tpu.memory_space<vmem_shared>>
      %dma_start3A_104 = arith.constant 0 : i32
      %dma_start3A_105 = tpu.memref_slice %arg11[%add3A_11, %dma_start3A_104] : memref<10112x128xf32, #tpu.memory_space<vmem_shared>> -> memref<80x128xf32, #tpu.memory_space<vmem_shared>>
      %dma_start3A_106 = arith.constant 0 : i32
      %dma_start3A_107 = arith.constant 0 : i32
      %dma_start3A_108 = tpu.memref_slice %arg7[%dma_start3A_106, %dma_start3A_107] : memref<80x128xf32, #tpu.memory_space<vmem>> -> memref<80x128xf32, #tpu.memory_space<vmem>>
      tpu.enqueue_dma source(%dma_start3A_108 : memref<80x128xf32, #tpu.memory_space<vmem>>) target(%dma_start3A_105 : memref<80x128xf32, #tpu.memory_space<vmem_shared>>) target_semaphore(%run_scoped3A : memref<!tpu.dma_semaphore, #tpu.memory_space<semaphore_mem>>)
      %dma_wait3A_109 = arith.constant 0 : i32
      %dma_wait3A_110 = arith.constant 0 : i32
      %dma_wait3A_111 = tpu.memref_slice %arg7[%dma_wait3A_109, %dma_wait3A_110] : memref<80x128xf32, #tpu.memory_space<vmem>> -> memref<80x128xf32, #tpu.memory_space<vmem>>
      %dma_wait3A_112 = arith.constant 0 : i32
      %dma_wait3A_113 = tpu.memref_slice %arg11[%add3A_11, %dma_wait3A_112] : memref<10112x128xf32, #tpu.memory_space<vmem_shared>> -> memref<80x128xf32, #tpu.memory_space<vmem_shared>>
      %dma_wait3A_114 = arith.constant 0 : i32
      %dma_wait3A_115 = tpu.memref_slice %arg11[%add3A_11, %dma_wait3A_114] : memref<10112x128xf32, #tpu.memory_space<vmem_shared>> -> memref<80x128xf32, #tpu.memory_space<vmem_shared>>
      %dma_wait3A_116 = arith.constant 0 : i32
      %dma_wait3A_117 = arith.constant 0 : i32
      %dma_wait3A_118 = tpu.memref_slice %arg7[%dma_wait3A_116, %dma_wait3A_117] : memref<80x128xf32, #tpu.memory_space<vmem>> -> memref<80x128xf32, #tpu.memory_space<vmem>>
      tpu.wait_dma2 semaphore(%run_scoped3A : memref<!tpu.dma_semaphore, #tpu.memory_space<semaphore_mem>>) src(%dma_wait3A_118 : memref<80x128xf32, #tpu.memory_space<vmem>>) dst(%dma_wait3A_115 : memref<80x128xf32, #tpu.memory_space<vmem_shared>>)
      tpu.yield
    }) : () -> ()
    %add3A_12 = arith.constant 160 : i32
    %add3A_13 = arith.addi %mul3A_2, %add3A_12 : i32
    "tpu.region"() ({
      %run_scoped3A = tpu.sem_alloc : memref<!tpu.dma_semaphore, #tpu.memory_space<semaphore_mem>>
      %dma_start3A_99 = arith.constant 0 : i32
      %dma_start3A_100 = arith.constant 0 : i32
      %dma_start3A_101 = tpu.memref_slice %arg7[%dma_start3A_99, %dma_start3A_100] : memref<80x128xf32, #tpu.memory_space<vmem>> -> memref<80x128xf32, #tpu.memory_space<vmem>>
      %dma_start3A_102 = arith.constant 0 : i32
      %dma_start3A_103 = tpu.memref_slice %arg11[%add3A_13, %dma_start3A_102] : memref<10112x128xf32, #tpu.memory_space<vmem_shared>> -> memref<80x128xf32, #tpu.memory_space<vmem_shared>>
      %dma_start3A_104 = arith.constant 0 : i32
      %dma_start3A_105 = tpu.memref_slice %arg11[%add3A_13, %dma_start3A_104] : memref<10112x128xf32, #tpu.memory_space<vmem_shared>> -> memref<80x128xf32, #tpu.memory_space<vmem_shared>>
      %dma_start3A_106 = arith.constant 0 : i32
      %dma_start3A_107 = arith.constant 0 : i32
      %dma_start3A_108 = tpu.memref_slice %arg7[%dma_start3A_106, %dma_start3A_107] : memref<80x128xf32, #tpu.memory_space<vmem>> -> memref<80x128xf32, #tpu.memory_space<vmem>>
      tpu.enqueue_dma source(%dma_start3A_108 : memref<80x128xf32, #tpu.memory_space<vmem>>) target(%dma_start3A_105 : memref<80x128xf32, #tpu.memory_space<vmem_shared>>) target_semaphore(%run_scoped3A : memref<!tpu.dma_semaphore, #tpu.memory_space<semaphore_mem>>)
      %dma_wait3A_109 = arith.constant 0 : i32
      %dma_wait3A_110 = arith.constant 0 : i32
      %dma_wait3A_111 = tpu.memref_slice %arg7[%dma_wait3A_109, %dma_wait3A_110] : memref<80x128xf32, #tpu.memory_space<vmem>> -> memref<80x128xf32, #tpu.memory_space<vmem>>
      %dma_wait3A_112 = arith.constant 0 : i32
      %dma_wait3A_113 = tpu.memref_slice %arg11[%add3A_13, %dma_wait3A_112] : memref<10112x128xf32, #tpu.memory_space<vmem_shared>> -> memref<80x128xf32, #tpu.memory_space<vmem_shared>>
      %dma_wait3A_114 = arith.constant 0 : i32
      %dma_wait3A_115 = tpu.memref_slice %arg11[%add3A_13, %dma_wait3A_114] : memref<10112x128xf32, #tpu.memory_space<vmem_shared>> -> memref<80x128xf32, #tpu.memory_space<vmem_shared>>
      %dma_wait3A_116 = arith.constant 0 : i32
      %dma_wait3A_117 = arith.constant 0 : i32
      %dma_wait3A_118 = tpu.memref_slice %arg7[%dma_wait3A_116, %dma_wait3A_117] : memref<80x128xf32, #tpu.memory_space<vmem>> -> memref<80x128xf32, #tpu.memory_space<vmem>>
      tpu.wait_dma2 semaphore(%run_scoped3A : memref<!tpu.dma_semaphore, #tpu.memory_space<semaphore_mem>>) src(%dma_wait3A_118 : memref<80x128xf32, #tpu.memory_space<vmem>>) dst(%dma_wait3A_115 : memref<80x128xf32, #tpu.memory_space<vmem_shared>>)
      tpu.yield
    }) : () -> ()
    %add3A_14 = arith.constant 240 : i32
    %add3A_15 = arith.addi %mul3A_2, %add3A_14 : i32
    "tpu.region"() ({
      %run_scoped3A = tpu.sem_alloc : memref<!tpu.dma_semaphore, #tpu.memory_space<semaphore_mem>>
      %dma_start3A_99 = arith.constant 0 : i32
      %dma_start3A_100 = arith.constant 0 : i32
      %dma_start3A_101 = tpu.memref_slice %arg7[%dma_start3A_99, %dma_start3A_100] : memref<80x128xf32, #tpu.memory_space<vmem>> -> memref<80x128xf32, #tpu.memory_space<vmem>>
      %dma_start3A_102 = arith.constant 0 : i32
      %dma_start3A_103 = tpu.memref_slice %arg11[%add3A_15, %dma_start3A_102] : memref<10112x128xf32, #tpu.memory_space<vmem_shared>> -> memref<80x128xf32, #tpu.memory_space<vmem_shared>>
      %dma_start3A_104 = arith.constant 0 : i32
      %dma_start3A_105 = tpu.memref_slice %arg11[%add3A_15, %dma_start3A_104] : memref<10112x128xf32, #tpu.memory_space<vmem_shared>> -> memref<80x128xf32, #tpu.memory_space<vmem_shared>>
      %dma_start3A_106 = arith.constant 0 : i32
      %dma_start3A_107 = arith.constant 0 : i32
      %dma_start3A_108 = tpu.memref_slice %arg7[%dma_start3A_106, %dma_start3A_107] : memref<80x128xf32, #tpu.memory_space<vmem>> -> memref<80x128xf32, #tpu.memory_space<vmem>>
      tpu.enqueue_dma source(%dma_start3A_108 : memref<80x128xf32, #tpu.memory_space<vmem>>) target(%dma_start3A_105 : memref<80x128xf32, #tpu.memory_space<vmem_shared>>) target_semaphore(%run_scoped3A : memref<!tpu.dma_semaphore, #tpu.memory_space<semaphore_mem>>)
      %dma_wait3A_109 = arith.constant 0 : i32
      %dma_wait3A_110 = arith.constant 0 : i32
      %dma_wait3A_111 = tpu.memref_slice %arg7[%dma_wait3A_109, %dma_wait3A_110] : memref<80x128xf32, #tpu.memory_space<vmem>> -> memref<80x128xf32, #tpu.memory_space<vmem>>
      %dma_wait3A_112 = arith.constant 0 : i32
      %dma_wait3A_113 = tpu.memref_slice %arg11[%add3A_15, %dma_wait3A_112] : memref<10112x128xf32, #tpu.memory_space<vmem_shared>> -> memref<80x128xf32, #tpu.memory_space<vmem_shared>>
      %dma_wait3A_114 = arith.constant 0 : i32
      %dma_wait3A_115 = tpu.memref_slice %arg11[%add3A_15, %dma_wait3A_114] : memref<10112x128xf32, #tpu.memory_space<vmem_shared>> -> memref<80x128xf32, #tpu.memory_space<vmem_shared>>
      %dma_wait3A_116 = arith.constant 0 : i32
      %dma_wait3A_117 = arith.constant 0 : i32
      %dma_wait3A_118 = tpu.memref_slice %arg7[%dma_wait3A_116, %dma_wait3A_117] : memref<80x128xf32, #tpu.memory_space<vmem>> -> memref<80x128xf32, #tpu.memory_space<vmem>>
      tpu.wait_dma2 semaphore(%run_scoped3A : memref<!tpu.dma_semaphore, #tpu.memory_space<semaphore_mem>>) src(%dma_wait3A_118 : memref<80x128xf32, #tpu.memory_space<vmem>>) dst(%dma_wait3A_115 : memref<80x128xf32, #tpu.memory_space<vmem_shared>>)
      tpu.yield
    }) : () -> ()
    %add3A_16 = arith.constant 320 : i32
    %add3A_17 = arith.addi %mul3A_2, %add3A_16 : i32
    "tpu.region"() ({
      %run_scoped3A = tpu.sem_alloc : memref<!tpu.dma_semaphore, #tpu.memory_space<semaphore_mem>>
      %dma_start3A_99 = arith.constant 0 : i32
      %dma_start3A_100 = arith.constant 0 : i32
      %dma_start3A_101 = tpu.memref_slice %arg7[%dma_start3A_99, %dma_start3A_100] : memref<80x128xf32, #tpu.memory_space<vmem>> -> memref<80x128xf32, #tpu.memory_space<vmem>>
      %dma_start3A_102 = arith.constant 0 : i32
      %dma_start3A_103 = tpu.memref_slice %arg11[%add3A_17, %dma_start3A_102] : memref<10112x128xf32, #tpu.memory_space<vmem_shared>> -> memref<80x128xf32, #tpu.memory_space<vmem_shared>>
      %dma_start3A_104 = arith.constant 0 : i32
      %dma_start3A_105 = tpu.memref_slice %arg11[%add3A_17, %dma_start3A_104] : memref<10112x128xf32, #tpu.memory_space<vmem_shared>> -> memref<80x128xf32, #tpu.memory_space<vmem_shared>>
      %dma_start3A_106 = arith.constant 0 : i32
      %dma_start3A_107 = arith.constant 0 : i32
      %dma_start3A_108 = tpu.memref_slice %arg7[%dma_start3A_106, %dma_start3A_107] : memref<80x128xf32, #tpu.memory_space<vmem>> -> memref<80x128xf32, #tpu.memory_space<vmem>>
      tpu.enqueue_dma source(%dma_start3A_108 : memref<80x128xf32, #tpu.memory_space<vmem>>) target(%dma_start3A_105 : memref<80x128xf32, #tpu.memory_space<vmem_shared>>) target_semaphore(%run_scoped3A : memref<!tpu.dma_semaphore, #tpu.memory_space<semaphore_mem>>)
      %dma_wait3A_109 = arith.constant 0 : i32
      %dma_wait3A_110 = arith.constant 0 : i32
      %dma_wait3A_111 = tpu.memref_slice %arg7[%dma_wait3A_109, %dma_wait3A_110] : memref<80x128xf32, #tpu.memory_space<vmem>> -> memref<80x128xf32, #tpu.memory_space<vmem>>
      %dma_wait3A_112 = arith.constant 0 : i32
      %dma_wait3A_113 = tpu.memref_slice %arg11[%add3A_17, %dma_wait3A_112] : memref<10112x128xf32, #tpu.memory_space<vmem_shared>> -> memref<80x128xf32, #tpu.memory_space<vmem_shared>>
      %dma_wait3A_114 = arith.constant 0 : i32
      %dma_wait3A_115 = tpu.memref_slice %arg11[%add3A_17, %dma_wait3A_114] : memref<10112x128xf32, #tpu.memory_space<vmem_shared>> -> memref<80x128xf32, #tpu.memory_space<vmem_shared>>
      %dma_wait3A_116 = arith.constant 0 : i32
      %dma_wait3A_117 = arith.constant 0 : i32
      %dma_wait3A_118 = tpu.memref_slice %arg7[%dma_wait3A_116, %dma_wait3A_117] : memref<80x128xf32, #tpu.memory_space<vmem>> -> memref<80x128xf32, #tpu.memory_space<vmem>>
      tpu.wait_dma2 semaphore(%run_scoped3A : memref<!tpu.dma_semaphore, #tpu.memory_space<semaphore_mem>>) src(%dma_wait3A_118 : memref<80x128xf32, #tpu.memory_space<vmem>>) dst(%dma_wait3A_115 : memref<80x128xf32, #tpu.memory_space<vmem_shared>>)
      tpu.yield
    }) : () -> ()
    %add3A_18 = arith.constant 400 : i32
    %add3A_19 = arith.addi %mul3A_2, %add3A_18 : i32
    "tpu.region"() ({
      %run_scoped3A = tpu.sem_alloc : memref<!tpu.dma_semaphore, #tpu.memory_space<semaphore_mem>>
      %dma_start3A_99 = arith.constant 0 : i32
      %dma_start3A_100 = arith.constant 0 : i32
      %dma_start3A_101 = tpu.memref_slice %arg7[%dma_start3A_99, %dma_start3A_100] : memref<80x128xf32, #tpu.memory_space<vmem>> -> memref<80x128xf32, #tpu.memory_space<vmem>>
      %dma_start3A_102 = arith.constant 0 : i32
      %dma_start3A_103 = tpu.memref_slice %arg11[%add3A_19, %dma_start3A_102] : memref<10112x128xf32, #tpu.memory_space<vmem_shared>> -> memref<80x128xf32, #tpu.memory_space<vmem_shared>>
      %dma_start3A_104 = arith.constant 0 : i32
      %dma_start3A_105 = tpu.memref_slice %arg11[%add3A_19, %dma_start3A_104] : memref<10112x128xf32, #tpu.memory_space<vmem_shared>> -> memref<80x128xf32, #tpu.memory_space<vmem_shared>>
      %dma_start3A_106 = arith.constant 0 : i32
      %dma_start3A_107 = arith.constant 0 : i32
      %dma_start3A_108 = tpu.memref_slice %arg7[%dma_start3A_106, %dma_start3A_107] : memref<80x128xf32, #tpu.memory_space<vmem>> -> memref<80x128xf32, #tpu.memory_space<vmem>>
      tpu.enqueue_dma source(%dma_start3A_108 : memref<80x128xf32, #tpu.memory_space<vmem>>) target(%dma_start3A_105 : memref<80x128xf32, #tpu.memory_space<vmem_shared>>) target_semaphore(%run_scoped3A : memref<!tpu.dma_semaphore, #tpu.memory_space<semaphore_mem>>)
      %dma_wait3A_109 = arith.constant 0 : i32
      %dma_wait3A_110 = arith.constant 0 : i32
      %dma_wait3A_111 = tpu.memref_slice %arg7[%dma_wait3A_109, %dma_wait3A_110] : memref<80x128xf32, #tpu.memory_space<vmem>> -> memref<80x128xf32, #tpu.memory_space<vmem>>
      %dma_wait3A_112 = arith.constant 0 : i32
      %dma_wait3A_113 = tpu.memref_slice %arg11[%add3A_19, %dma_wait3A_112] : memref<10112x128xf32, #tpu.memory_space<vmem_shared>> -> memref<80x128xf32, #tpu.memory_space<vmem_shared>>
      %dma_wait3A_114 = arith.constant 0 : i32
      %dma_wait3A_115 = tpu.memref_slice %arg11[%add3A_19, %dma_wait3A_114] : memref<10112x128xf32, #tpu.memory_space<vmem_shared>> -> memref<80x128xf32, #tpu.memory_space<vmem_shared>>
      %dma_wait3A_116 = arith.constant 0 : i32
      %dma_wait3A_117 = arith.constant 0 : i32
      %dma_wait3A_118 = tpu.memref_slice %arg7[%dma_wait3A_116, %dma_wait3A_117] : memref<80x128xf32, #tpu.memory_space<vmem>> -> memref<80x128xf32, #tpu.memory_space<vmem>>
      tpu.wait_dma2 semaphore(%run_scoped3A : memref<!tpu.dma_semaphore, #tpu.memory_space<semaphore_mem>>) src(%dma_wait3A_118 : memref<80x128xf32, #tpu.memory_space<vmem>>) dst(%dma_wait3A_115 : memref<80x128xf32, #tpu.memory_space<vmem_shared>>)
      tpu.yield
    }) : () -> ()
    %add3A_20 = arith.constant 480 : i32
    %add3A_21 = arith.addi %mul3A_2, %add3A_20 : i32
    "tpu.region"() ({
      %run_scoped3A = tpu.sem_alloc : memref<!tpu.dma_semaphore, #tpu.memory_space<semaphore_mem>>
      %dma_start3A_99 = arith.constant 0 : i32
      %dma_start3A_100 = arith.constant 0 : i32
      %dma_start3A_101 = tpu.memref_slice %arg7[%dma_start3A_99, %dma_start3A_100] : memref<80x128xf32, #tpu.memory_space<vmem>> -> memref<80x128xf32, #tpu.memory_space<vmem>>
      %dma_start3A_102 = arith.constant 0 : i32
      %dma_start3A_103 = tpu.memref_slice %arg11[%add3A_21, %dma_start3A_102] : memref<10112x128xf32, #tpu.memory_space<vmem_shared>> -> memref<80x128xf32, #tpu.memory_space<vmem_shared>>
      %dma_start3A_104 = arith.constant 0 : i32
      %dma_start3A_105 = tpu.memref_slice %arg11[%add3A_21, %dma_start3A_104] : memref<10112x128xf32, #tpu.memory_space<vmem_shared>> -> memref<80x128xf32, #tpu.memory_space<vmem_shared>>
      %dma_start3A_106 = arith.constant 0 : i32
      %dma_start3A_107 = arith.constant 0 : i32
      %dma_start3A_108 = tpu.memref_slice %arg7[%dma_start3A_106, %dma_start3A_107] : memref<80x128xf32, #tpu.memory_space<vmem>> -> memref<80x128xf32, #tpu.memory_space<vmem>>
      tpu.enqueue_dma source(%dma_start3A_108 : memref<80x128xf32, #tpu.memory_space<vmem>>) target(%dma_start3A_105 : memref<80x128xf32, #tpu.memory_space<vmem_shared>>) target_semaphore(%run_scoped3A : memref<!tpu.dma_semaphore, #tpu.memory_space<semaphore_mem>>)
      %dma_wait3A_109 = arith.constant 0 : i32
      %dma_wait3A_110 = arith.constant 0 : i32
      %dma_wait3A_111 = tpu.memref_slice %arg7[%dma_wait3A_109, %dma_wait3A_110] : memref<80x128xf32, #tpu.memory_space<vmem>> -> memref<80x128xf32, #tpu.memory_space<vmem>>
      %dma_wait3A_112 = arith.constant 0 : i32
      %dma_wait3A_113 = tpu.memref_slice %arg11[%add3A_21, %dma_wait3A_112] : memref<10112x128xf32, #tpu.memory_space<vmem_shared>> -> memref<80x128xf32, #tpu.memory_space<vmem_shared>>
      %dma_wait3A_114 = arith.constant 0 : i32
      %dma_wait3A_115 = tpu.memref_slice %arg11[%add3A_21, %dma_wait3A_114] : memref<10112x128xf32, #tpu.memory_space<vmem_shared>> -> memref<80x128xf32, #tpu.memory_space<vmem_shared>>
      %dma_wait3A_116 = arith.constant 0 : i32
      %dma_wait3A_117 = arith.constant 0 : i32
      %dma_wait3A_118 = tpu.memref_slice %arg7[%dma_wait3A_116, %dma_wait3A_117] : memref<80x128xf32, #tpu.memory_space<vmem>> -> memref<80x128xf32, #tpu.memory_space<vmem>>
      tpu.wait_dma2 semaphore(%run_scoped3A : memref<!tpu.dma_semaphore, #tpu.memory_space<semaphore_mem>>) src(%dma_wait3A_118 : memref<80x128xf32, #tpu.memory_space<vmem>>) dst(%dma_wait3A_115 : memref<80x128xf32, #tpu.memory_space<vmem_shared>>)
      tpu.yield
    }) : () -> ()
    %add3A_22 = arith.constant 560 : i32
    %add3A_23 = arith.addi %mul3A_2, %add3A_22 : i32
    "tpu.region"() ({
      %run_scoped3A = tpu.sem_alloc : memref<!tpu.dma_semaphore, #tpu.memory_space<semaphore_mem>>
      %dma_start3A_99 = arith.constant 0 : i32
      %dma_start3A_100 = arith.constant 0 : i32
      %dma_start3A_101 = tpu.memref_slice %arg7[%dma_start3A_99, %dma_start3A_100] : memref<80x128xf32, #tpu.memory_space<vmem>> -> memref<72x128xf32, #tpu.memory_space<vmem>>
      %dma_start3A_102 = arith.constant 0 : i32
      %dma_start3A_103 = tpu.memref_slice %arg11[%add3A_23, %dma_start3A_102] : memref<10112x128xf32, #tpu.memory_space<vmem_shared>> -> memref<72x128xf32, #tpu.memory_space<vmem_shared>>
      %dma_start3A_104 = arith.constant 0 : i32
      %dma_start3A_105 = tpu.memref_slice %arg11[%add3A_23, %dma_start3A_104] : memref<10112x128xf32, #tpu.memory_space<vmem_shared>> -> memref<72x128xf32, #tpu.memory_space<vmem_shared>>
      %dma_start3A_106 = arith.constant 0 : i32
      %dma_start3A_107 = arith.constant 0 : i32
      %dma_start3A_108 = tpu.memref_slice %arg7[%dma_start3A_106, %dma_start3A_107] : memref<80x128xf32, #tpu.memory_space<vmem>> -> memref<72x128xf32, #tpu.memory_space<vmem>>
      tpu.enqueue_dma source(%dma_start3A_108 : memref<72x128xf32, #tpu.memory_space<vmem>>) target(%dma_start3A_105 : memref<72x128xf32, #tpu.memory_space<vmem_shared>>) target_semaphore(%run_scoped3A : memref<!tpu.dma_semaphore, #tpu.memory_space<semaphore_mem>>)
      %dma_wait3A_109 = arith.constant 0 : i32
      %dma_wait3A_110 = arith.constant 0 : i32
      %dma_wait3A_111 = tpu.memref_slice %arg7[%dma_wait3A_109, %dma_wait3A_110] : memref<80x128xf32, #tpu.memory_space<vmem>> -> memref<72x128xf32, #tpu.memory_space<vmem>>
      %dma_wait3A_112 = arith.constant 0 : i32
      %dma_wait3A_113 = tpu.memref_slice %arg11[%add3A_23, %dma_wait3A_112] : memref<10112x128xf32, #tpu.memory_space<vmem_shared>> -> memref<72x128xf32, #tpu.memory_space<vmem_shared>>
      %dma_wait3A_114 = arith.constant 0 : i32
      %dma_wait3A_115 = tpu.memref_slice %arg11[%add3A_23, %dma_wait3A_114] : memref<10112x128xf32, #tpu.memory_space<vmem_shared>> -> memref<72x128xf32, #tpu.memory_space<vmem_shared>>
      %dma_wait3A_116 = arith.constant 0 : i32
      %dma_wait3A_117 = arith.constant 0 : i32
      %dma_wait3A_118 = tpu.memref_slice %arg7[%dma_wait3A_116, %dma_wait3A_117] : memref<80x128xf32, #tpu.memory_space<vmem>> -> memref<72x128xf32, #tpu.memory_space<vmem>>
      tpu.wait_dma2 semaphore(%run_scoped3A : memref<!tpu.dma_semaphore, #tpu.memory_space<semaphore_mem>>) src(%dma_wait3A_118 : memref<72x128xf32, #tpu.memory_space<vmem>>) dst(%dma_wait3A_115 : memref<72x128xf32, #tpu.memory_space<vmem_shared>>)
      tpu.yield
    }) : () -> ()
    %dma_wait3A = tpu.memref_slice %arg3[%mul3A_4] : memref<320000xi32, #tpu.memory_space<hbm>> -> memref<10000xi32, #tpu.memory_space<hbm>>
    %dma_wait3A_24 = tpu.memref_slice %arg3[%mul3A_4] : memref<320000xi32, #tpu.memory_space<hbm>> -> memref<10000xi32, #tpu.memory_space<hbm>>
    tpu.wait_dma2 semaphore(%arg14 : memref<!tpu.dma_semaphore, #tpu.memory_space<semaphore_mem>>) src(%dma_wait3A_24 : memref<10000xi32, #tpu.memory_space<hbm>>) dst(%arg9 : memref<10000xi32, #tpu.memory_space<vmem>>)
    %dma_wait3A_25 = tpu.memref_slice %arg4[%mul3A_4] : memref<320000xi32, #tpu.memory_space<hbm>> -> memref<10000xi32, #tpu.memory_space<hbm>>
    %dma_wait3A_26 = tpu.memref_slice %arg4[%mul3A_4] : memref<320000xi32, #tpu.memory_space<hbm>> -> memref<10000xi32, #tpu.memory_space<hbm>>
    tpu.wait_dma2 semaphore(%arg14 : memref<!tpu.dma_semaphore, #tpu.memory_space<semaphore_mem>>) src(%dma_wait3A_26 : memref<10000xi32, #tpu.memory_space<hbm>>) dst(%arg10 : memref<10000xi32, #tpu.memory_space<vmem>>)
    %barrier3A = arith.constant 0 : index
    tpu.barrier barrier_id(%barrier3A)
    %dma_start3A_27 = arith.constant 0 : i32
    %dma_start3A_28 = tpu.memref_slice %arg9[%dma_start3A_27] : memref<10000xi32, #tpu.memory_space<vmem>> -> memref<80xi32, #tpu.memory_space<vmem>>
    %dma_start3A_29 = arith.constant 0 : i32
    %dma_start3A_30 = arith.constant 0 : i32
    %dma_start3A_31 = tpu.memref_slice %arg2[%dma_start3A_29, %dma_start3A_30] : memref<10000x128xf32, #tpu.memory_space<hbm>> -> memref<10000x128xf32, #tpu.memory_space<hbm>>
    tpu.enqueue_indirect_dma source(%dma_start3A_31 : memref<10000x128xf32, #tpu.memory_space<hbm>>) target(%arg7 : memref<80x128xf32, #tpu.memory_space<vmem>>) offsets(%dma_start3A_28 : memref<80xi32, #tpu.memory_space<vmem>>) semaphore(%arg12 : memref<!tpu.dma_semaphore, #tpu.memory_space<semaphore_mem>>)
    %scan3A = arith.constant 0 : i32
    %scan3A_32 = arith.constant 0 : i32
    %scan3A_33 = arith.constant 62 : i32
    %scan3A_34 = arith.addi %scan3A_32, %scan3A_33 : i32
    %scan3A_35 = arith.constant 1 : i32
    scf.for %scan3A_99 = %scan3A_32 to %scan3A_34 step %scan3A_35  : i32 {
      %mul3A_100 = arith.constant 2 : i32
      %mul3A_101 = arith.muli %mul3A_100, %scan3A_99 : i32
      %add3A_102 = arith.constant 1 : i32
      %add3A_103 = arith.addi %mul3A_101, %add3A_102 : i32
      %mul3A_104 = arith.constant 80 : i32
      %mul3A_105 = arith.muli %add3A_103, %mul3A_104 : i32
      %dma_start3A_106 = tpu.memref_slice %arg9[%mul3A_105] : memref<10000xi32, #tpu.memory_space<vmem>> -> memref<80xi32, #tpu.memory_space<vmem>>
      %dma_start3A_107 = arith.constant 0 : i32
      %dma_start3A_108 = arith.constant 0 : i32
      %dma_start3A_109 = tpu.memref_slice %arg2[%dma_start3A_107, %dma_start3A_108] : memref<10000x128xf32, #tpu.memory_space<hbm>> -> memref<10000x128xf32, #tpu.memory_space<hbm>>
      tpu.enqueue_indirect_dma source(%dma_start3A_109 : memref<10000x128xf32, #tpu.memory_space<hbm>>) target(%arg8 : memref<80x128xf32, #tpu.memory_space<vmem>>) offsets(%dma_start3A_106 : memref<80xi32, #tpu.memory_space<vmem>>) semaphore(%arg13 : memref<!tpu.dma_semaphore, #tpu.memory_space<semaphore_mem>>)
      %dma_wait3A_110 = arith.constant 0 : i32
      %dma_wait3A_111 = tpu.memref_slice %arg9[%dma_wait3A_110] : memref<10000xi32, #tpu.memory_space<vmem>> -> memref<80xi32, #tpu.memory_space<vmem>>
      %dma_wait3A_112 = arith.constant 0 : i32
      %dma_wait3A_113 = arith.constant 0 : i32
      %dma_wait3A_114 = tpu.memref_slice %arg2[%dma_wait3A_112, %dma_wait3A_113] : memref<10000x128xf32, #tpu.memory_space<hbm>> -> memref<10000x128xf32, #tpu.memory_space<hbm>>
      tpu.wait_indirect_dma semaphore(%arg12 : memref<!tpu.dma_semaphore, #tpu.memory_space<semaphore_mem>>) src(%dma_wait3A_114 : memref<10000x128xf32, #tpu.memory_space<hbm>>) dst(%arg7 : memref<80x128xf32, #tpu.memory_space<vmem>>)
      %mul3A_115 = arith.constant 2 : i32
      %mul3A_116 = arith.muli %mul3A_115, %scan3A_99 : i32
      %mul3A_117 = arith.constant 80 : i32
      %mul3A_118 = arith.muli %mul3A_116, %mul3A_117 : i32
      "tpu.region"() ({
        %run_scoped3A = tpu.sem_alloc : memref<!tpu.dma_semaphore, #tpu.memory_space<semaphore_mem>>
        %dma_start3A_139 = tpu.memref_slice %arg10[%mul3A_118] : memref<10000xi32, #tpu.memory_space<vmem>> -> memref<80xi32, #tpu.memory_space<vmem>>
        %dma_start3A_140 = arith.constant 0 : i32
        %dma_start3A_141 = arith.constant 0 : i32
        %dma_start3A_142 = tpu.memref_slice %arg11[%dma_start3A_140, %dma_start3A_141] : memref<10112x128xf32, #tpu.memory_space<vmem_shared>> -> memref<10112x128xf32, #tpu.memory_space<vmem_shared>>
        tpu.enqueue_indirect_dma source(%arg7 : memref<80x128xf32, #tpu.memory_space<vmem>>) target(%dma_start3A_142 : memref<10112x128xf32, #tpu.memory_space<vmem_shared>>) offsets(%dma_start3A_139 : memref<80xi32, #tpu.memory_space<vmem>>) semaphore(%run_scoped3A : memref<!tpu.dma_semaphore, #tpu.memory_space<semaphore_mem>>) {add = true}
        %dma_wait3A_143 = tpu.memref_slice %arg10[%mul3A_118] : memref<10000xi32, #tpu.memory_space<vmem>> -> memref<80xi32, #tpu.memory_space<vmem>>
        %dma_wait3A_144 = arith.constant 0 : i32
        %dma_wait3A_145 = arith.constant 0 : i32
        %dma_wait3A_146 = tpu.memref_slice %arg11[%dma_wait3A_144, %dma_wait3A_145] : memref<10112x128xf32, #tpu.memory_space<vmem_shared>> -> memref<10112x128xf32, #tpu.memory_space<vmem_shared>>
        tpu.wait_indirect_dma semaphore(%run_scoped3A : memref<!tpu.dma_semaphore, #tpu.memory_space<semaphore_mem>>) src(%arg7 : memref<80x128xf32, #tpu.memory_space<vmem>>) dst(%dma_wait3A_146 : memref<10112x128xf32, #tpu.memory_space<vmem_shared>>)
        tpu.yield
      }) : () -> ()
      %mul3A_119 = arith.constant 2 : i32
      %mul3A_120 = arith.muli %mul3A_119, %scan3A_99 : i32
      %add3A_121 = arith.constant 2 : i32
      %add3A_122 = arith.addi %mul3A_120, %add3A_121 : i32
      %mul3A_123 = arith.constant 80 : i32
      %mul3A_124 = arith.muli %add3A_122, %mul3A_123 : i32
      %dma_start3A_125 = tpu.memref_slice %arg9[%mul3A_124] : memref<10000xi32, #tpu.memory_space<vmem>> -> memref<80xi32, #tpu.memory_space<vmem>>
      %dma_start3A_126 = arith.constant 0 : i32
      %dma_start3A_127 = arith.constant 0 : i32
      %dma_start3A_128 = tpu.memref_slice %arg2[%dma_start3A_126, %dma_start3A_127] : memref<10000x128xf32, #tpu.memory_space<hbm>> -> memref<10000x128xf32, #tpu.memory_space<hbm>>
      tpu.enqueue_indirect_dma source(%dma_start3A_128 : memref<10000x128xf32, #tpu.memory_space<hbm>>) target(%arg7 : memref<80x128xf32, #tpu.memory_space<vmem>>) offsets(%dma_start3A_125 : memref<80xi32, #tpu.memory_space<vmem>>) semaphore(%arg12 : memref<!tpu.dma_semaphore, #tpu.memory_space<semaphore_mem>>)
      %dma_wait3A_129 = tpu.memref_slice %arg9[%mul3A_105] : memref<10000xi32, #tpu.memory_space<vmem>> -> memref<80xi32, #tpu.memory_space<vmem>>
      %dma_wait3A_130 = arith.constant 0 : i32
      %dma_wait3A_131 = arith.constant 0 : i32
      %dma_wait3A_132 = tpu.memref_slice %arg2[%dma_wait3A_130, %dma_wait3A_131] : memref<10000x128xf32, #tpu.memory_space<hbm>> -> memref<10000x128xf32, #tpu.memory_space<hbm>>
      tpu.wait_indirect_dma semaphore(%arg13 : memref<!tpu.dma_semaphore, #tpu.memory_space<semaphore_mem>>) src(%dma_wait3A_132 : memref<10000x128xf32, #tpu.memory_space<hbm>>) dst(%arg8 : memref<80x128xf32, #tpu.memory_space<vmem>>)
      %mul3A_133 = arith.constant 2 : i32
      %mul3A_134 = arith.muli %mul3A_133, %scan3A_99 : i32
      %add3A_135 = arith.constant 1 : i32
      %add3A_136 = arith.addi %mul3A_134, %add3A_135 : i32
      %mul3A_137 = arith.constant 80 : i32
      %mul3A_138 = arith.muli %add3A_136, %mul3A_137 : i32
      "tpu.region"() ({
        %run_scoped3A = tpu.sem_alloc : memref<!tpu.dma_semaphore, #tpu.memory_space<semaphore_mem>>
        %dma_start3A_139 = tpu.memref_slice %arg10[%mul3A_138] : memref<10000xi32, #tpu.memory_space<vmem>> -> memref<80xi32, #tpu.memory_space<vmem>>
        %dma_start3A_140 = arith.constant 0 : i32
        %dma_start3A_141 = arith.constant 0 : i32
        %dma_start3A_142 = tpu.memref_slice %arg11[%dma_start3A_140, %dma_start3A_141] : memref<10112x128xf32, #tpu.memory_space<vmem_shared>> -> memref<10112x128xf32, #tpu.memory_space<vmem_shared>>
        tpu.enqueue_indirect_dma source(%arg8 : memref<80x128xf32, #tpu.memory_space<vmem>>) target(%dma_start3A_142 : memref<10112x128xf32, #tpu.memory_space<vmem_shared>>) offsets(%dma_start3A_139 : memref<80xi32, #tpu.memory_space<vmem>>) semaphore(%run_scoped3A : memref<!tpu.dma_semaphore, #tpu.memory_space<semaphore_mem>>) {add = true}
        %dma_wait3A_143 = tpu.memref_slice %arg10[%mul3A_138] : memref<10000xi32, #tpu.memory_space<vmem>> -> memref<80xi32, #tpu.memory_space<vmem>>
        %dma_wait3A_144 = arith.constant 0 : i32
        %dma_wait3A_145 = arith.constant 0 : i32
        %dma_wait3A_146 = tpu.memref_slice %arg11[%dma_wait3A_144, %dma_wait3A_145] : memref<10112x128xf32, #tpu.memory_space<vmem_shared>> -> memref<10112x128xf32, #tpu.memory_space<vmem_shared>>
        tpu.wait_indirect_dma semaphore(%run_scoped3A : memref<!tpu.dma_semaphore, #tpu.memory_space<semaphore_mem>>) src(%arg8 : memref<80x128xf32, #tpu.memory_space<vmem>>) dst(%dma_wait3A_146 : memref<10112x128xf32, #tpu.memory_space<vmem_shared>>)
        tpu.yield
      }) : () -> ()
    }
    %scan3A_36 = arith.constant 62 : i32
    %dma_wait3A_37 = arith.constant 0 : i32
    %dma_wait3A_38 = tpu.memref_slice %arg9[%dma_wait3A_37] : memref<10000xi32, #tpu.memory_space<vmem>> -> memref<80xi32, #tpu.memory_space<vmem>>
    %dma_wait3A_39 = arith.constant 0 : i32
    %dma_wait3A_40 = arith.constant 0 : i32
    %dma_wait3A_41 = tpu.memref_slice %arg2[%dma_wait3A_39, %dma_wait3A_40] : memref<10000x128xf32, #tpu.memory_space<hbm>> -> memref<10000x128xf32, #tpu.memory_space<hbm>>
    tpu.wait_indirect_dma semaphore(%arg12 : memref<!tpu.dma_semaphore, #tpu.memory_space<semaphore_mem>>) src(%dma_wait3A_41 : memref<10000x128xf32, #tpu.memory_space<hbm>>) dst(%arg7 : memref<80x128xf32, #tpu.memory_space<vmem>>)
    "tpu.region"() ({
      %run_scoped3A = tpu.sem_alloc : memref<!tpu.dma_semaphore, #tpu.memory_space<semaphore_mem>>
      %dma_start3A_99 = arith.constant 9920 : i32
      %dma_start3A_100 = tpu.memref_slice %arg10[%dma_start3A_99] : memref<10000xi32, #tpu.memory_space<vmem>> -> memref<80xi32, #tpu.memory_space<vmem>>
      %dma_start3A_101 = arith.constant 0 : i32
      %dma_start3A_102 = arith.constant 0 : i32
      %dma_start3A_103 = tpu.memref_slice %arg11[%dma_start3A_101, %dma_start3A_102] : memref<10112x128xf32, #tpu.memory_space<vmem_shared>> -> memref<10112x128xf32, #tpu.memory_space<vmem_shared>>
      tpu.enqueue_indirect_dma source(%arg7 : memref<80x128xf32, #tpu.memory_space<vmem>>) target(%dma_start3A_103 : memref<10112x128xf32, #tpu.memory_space<vmem_shared>>) offsets(%dma_start3A_100 : memref<80xi32, #tpu.memory_space<vmem>>) semaphore(%run_scoped3A : memref<!tpu.dma_semaphore, #tpu.memory_space<semaphore_mem>>) {add = true}
      %dma_wait3A_104 = arith.constant 9920 : i32
      %dma_wait3A_105 = tpu.memref_slice %arg10[%dma_wait3A_104] : memref<10000xi32, #tpu.memory_space<vmem>> -> memref<80xi32, #tpu.memory_space<vmem>>
      %dma_wait3A_106 = arith.constant 0 : i32
      %dma_wait3A_107 = arith.constant 0 : i32
      %dma_wait3A_108 = tpu.memref_slice %arg11[%dma_wait3A_106, %dma_wait3A_107] : memref<10112x128xf32, #tpu.memory_space<vmem_shared>> -> memref<10112x128xf32, #tpu.memory_space<vmem_shared>>
      tpu.wait_indirect_dma semaphore(%run_scoped3A : memref<!tpu.dma_semaphore, #tpu.memory_space<semaphore_mem>>) src(%arg7 : memref<80x128xf32, #tpu.memory_space<vmem>>) dst(%dma_wait3A_108 : memref<10112x128xf32, #tpu.memory_space<vmem_shared>>)
      tpu.yield
    }) : () -> ()
    %barrier3A_42 = arith.constant 0 : index
    tpu.barrier barrier_id(%barrier3A_42)
    %add3A_43 = arith.constant 0 : i32
    %add3A_44 = arith.addi %mul3A_2, %add3A_43 : i32
    "tpu.region"() ({
      %run_scoped3A = tpu.sem_alloc : memref<!tpu.dma_semaphore, #tpu.memory_space<semaphore_mem>>
      %dma_start3A_99 = arith.constant 0 : i32
      %dma_start3A_100 = arith.constant 0 : i32
      %dma_start3A_101 = tpu.memref_slice %arg7[%dma_start3A_99, %dma_start3A_100] : memref<80x128xf32, #tpu.memory_space<vmem>> -> memref<80x128xf32, #tpu.memory_space<vmem>>
      %dma_start3A_102 = arith.constant 0 : i32
      %dma_start3A_103 = tpu.memref_slice %arg11[%add3A_44, %dma_start3A_102] : memref<10112x128xf32, #tpu.memory_space<vmem_shared>> -> memref<80x128xf32, #tpu.memory_space<vmem_shared>>
      %dma_start3A_104 = arith.constant 0 : i32
      %dma_start3A_105 = arith.constant 0 : i32
      %dma_start3A_106 = tpu.memref_slice %arg7[%dma_start3A_104, %dma_start3A_105] : memref<80x128xf32, #tpu.memory_space<vmem>> -> memref<80x128xf32, #tpu.memory_space<vmem>>
      %dma_start3A_107 = arith.constant 0 : i32
      %dma_start3A_108 = tpu.memref_slice %arg11[%add3A_44, %dma_start3A_107] : memref<10112x128xf32, #tpu.memory_space<vmem_shared>> -> memref<80x128xf32, #tpu.memory_space<vmem_shared>>
      tpu.enqueue_dma source(%dma_start3A_108 : memref<80x128xf32, #tpu.memory_space<vmem_shared>>) target(%dma_start3A_106 : memref<80x128xf32, #tpu.memory_space<vmem>>) target_semaphore(%run_scoped3A : memref<!tpu.dma_semaphore, #tpu.memory_space<semaphore_mem>>)
      %dma_wait3A_109 = arith.constant 0 : i32
      %dma_wait3A_110 = arith.constant 0 : i32
      %dma_wait3A_111 = tpu.memref_slice %arg7[%dma_wait3A_109, %dma_wait3A_110] : memref<80x128xf32, #tpu.memory_space<vmem>> -> memref<80x128xf32, #tpu.memory_space<vmem>>
      %dma_wait3A_112 = arith.constant 0 : i32
      %dma_wait3A_113 = tpu.memref_slice %arg11[%add3A_44, %dma_wait3A_112] : memref<10112x128xf32, #tpu.memory_space<vmem_shared>> -> memref<80x128xf32, #tpu.memory_space<vmem_shared>>
      %dma_wait3A_114 = arith.constant 0 : i32
      %dma_wait3A_115 = arith.constant 0 : i32
      %dma_wait3A_116 = tpu.memref_slice %arg7[%dma_wait3A_114, %dma_wait3A_115] : memref<80x128xf32, #tpu.memory_space<vmem>> -> memref<80x128xf32, #tpu.memory_space<vmem>>
      %dma_wait3A_117 = arith.constant 0 : i32
      %dma_wait3A_118 = tpu.memref_slice %arg11[%add3A_44, %dma_wait3A_117] : memref<10112x128xf32, #tpu.memory_space<vmem_shared>> -> memref<80x128xf32, #tpu.memory_space<vmem_shared>>
      tpu.wait_dma2 semaphore(%run_scoped3A : memref<!tpu.dma_semaphore, #tpu.memory_space<semaphore_mem>>) src(%dma_wait3A_118 : memref<80x128xf32, #tpu.memory_space<vmem_shared>>) dst(%dma_wait3A_116 : memref<80x128xf32, #tpu.memory_space<vmem>>)
      tpu.yield
    }) : () -> ()
    %mul3A_45 = arith.constant 10112 : i32
    %mul3A_46 = arith.muli %arg0, %mul3A_45 : i32
    %add3A_47 = arith.addi %mul3A_46, %mul3A_2 : i32
    %add3A_48 = arith.constant 0 : i32
    %add3A_49 = arith.addi %add3A_47, %add3A_48 : i32
    "tpu.region"() ({
      %run_scoped3A = tpu.sem_alloc : memref<!tpu.dma_semaphore, #tpu.memory_space<semaphore_mem>>
      %dma_start3A_99 = arith.constant 0 : i32
      %dma_start3A_100 = arith.constant 0 : i32
      %dma_start3A_101 = tpu.memref_slice %arg7[%dma_start3A_99, %dma_start3A_100] : memref<80x128xf32, #tpu.memory_space<vmem>> -> memref<80x128xf32, #tpu.memory_space<vmem>>
      %dma_start3A_102 = arith.constant 0 : i32
      %dma_start3A_103 = tpu.memref_slice %arg6[%add3A_49, %dma_start3A_102] : memref<20224x128xf32, #tpu.memory_space<hbm>> -> memref<80x128xf32, #tpu.memory_space<hbm>>
      %dma_start3A_104 = arith.constant 0 : i32
      %dma_start3A_105 = tpu.memref_slice %arg6[%add3A_49, %dma_start3A_104] : memref<20224x128xf32, #tpu.memory_space<hbm>> -> memref<80x128xf32, #tpu.memory_space<hbm>>
      %dma_start3A_106 = arith.constant 0 : i32
      %dma_start3A_107 = arith.constant 0 : i32
      %dma_start3A_108 = tpu.memref_slice %arg7[%dma_start3A_106, %dma_start3A_107] : memref<80x128xf32, #tpu.memory_space<vmem>> -> memref<80x128xf32, #tpu.memory_space<vmem>>
      tpu.enqueue_dma source(%dma_start3A_108 : memref<80x128xf32, #tpu.memory_space<vmem>>) target(%dma_start3A_105 : memref<80x128xf32, #tpu.memory_space<hbm>>) target_semaphore(%run_scoped3A : memref<!tpu.dma_semaphore, #tpu.memory_space<semaphore_mem>>)
      %dma_wait3A_109 = arith.constant 0 : i32
      %dma_wait3A_110 = arith.constant 0 : i32
      %dma_wait3A_111 = tpu.memref_slice %arg7[%dma_wait3A_109, %dma_wait3A_110] : memref<80x128xf32, #tpu.memory_space<vmem>> -> memref<80x128xf32, #tpu.memory_space<vmem>>
      %dma_wait3A_112 = arith.constant 0 : i32
      %dma_wait3A_113 = tpu.memref_slice %arg6[%add3A_49, %dma_wait3A_112] : memref<20224x128xf32, #tpu.memory_space<hbm>> -> memref<80x128xf32, #tpu.memory_space<hbm>>
      %dma_wait3A_114 = arith.constant 0 : i32
      %dma_wait3A_115 = tpu.memref_slice %arg6[%add3A_49, %dma_wait3A_114] : memref<20224x128xf32, #tpu.memory_space<hbm>> -> memref<80x128xf32, #tpu.memory_space<hbm>>
      %dma_wait3A_116 = arith.constant 0 : i32
      %dma_wait3A_117 = arith.constant 0 : i32
      %dma_wait3A_118 = tpu.memref_slice %arg7[%dma_wait3A_116, %dma_wait3A_117] : memref<80x128xf32, #tpu.memory_space<vmem>> -> memref<80x128xf32, #tpu.memory_space<vmem>>
      tpu.wait_dma2 semaphore(%run_scoped3A : memref<!tpu.dma_semaphore, #tpu.memory_space<semaphore_mem>>) src(%dma_wait3A_118 : memref<80x128xf32, #tpu.memory_space<vmem>>) dst(%dma_wait3A_115 : memref<80x128xf32, #tpu.memory_space<hbm>>)
      tpu.yield
    }) : () -> ()
    %add3A_50 = arith.constant 80 : i32
    %add3A_51 = arith.addi %mul3A_2, %add3A_50 : i32
    "tpu.region"() ({
      %run_scoped3A = tpu.sem_alloc : memref<!tpu.dma_semaphore, #tpu.memory_space<semaphore_mem>>
      %dma_start3A_99 = arith.constant 0 : i32
      %dma_start3A_100 = arith.constant 0 : i32
      %dma_start3A_101 = tpu.memref_slice %arg7[%dma_start3A_99, %dma_start3A_100] : memref<80x128xf32, #tpu.memory_space<vmem>> -> memref<80x128xf32, #tpu.memory_space<vmem>>
      %dma_start3A_102 = arith.constant 0 : i32
      %dma_start3A_103 = tpu.memref_slice %arg11[%add3A_51, %dma_start3A_102] : memref<10112x128xf32, #tpu.memory_space<vmem_shared>> -> memref<80x128xf32, #tpu.memory_space<vmem_shared>>
      %dma_start3A_104 = arith.constant 0 : i32
      %dma_start3A_105 = arith.constant 0 : i32
      %dma_start3A_106 = tpu.memref_slice %arg7[%dma_start3A_104, %dma_start3A_105] : memref<80x128xf32, #tpu.memory_space<vmem>> -> memref<80x128xf32, #tpu.memory_space<vmem>>
      %dma_start3A_107 = arith.constant 0 : i32
      %dma_start3A_108 = tpu.memref_slice %arg11[%add3A_51, %dma_start3A_107] : memref<10112x128xf32, #tpu.memory_space<vmem_shared>> -> memref<80x128xf32, #tpu.memory_space<vmem_shared>>
      tpu.enqueue_dma source(%dma_start3A_108 : memref<80x128xf32, #tpu.memory_space<vmem_shared>>) target(%dma_start3A_106 : memref<80x128xf32, #tpu.memory_space<vmem>>) target_semaphore(%run_scoped3A : memref<!tpu.dma_semaphore, #tpu.memory_space<semaphore_mem>>)
      %dma_wait3A_109 = arith.constant 0 : i32
      %dma_wait3A_110 = arith.constant 0 : i32
      %dma_wait3A_111 = tpu.memref_slice %arg7[%dma_wait3A_109, %dma_wait3A_110] : memref<80x128xf32, #tpu.memory_space<vmem>> -> memref<80x128xf32, #tpu.memory_space<vmem>>
      %dma_wait3A_112 = arith.constant 0 : i32
      %dma_wait3A_113 = tpu.memref_slice %arg11[%add3A_51, %dma_wait3A_112] : memref<10112x128xf32, #tpu.memory_space<vmem_shared>> -> memref<80x128xf32, #tpu.memory_space<vmem_shared>>
      %dma_wait3A_114 = arith.constant 0 : i32
      %dma_wait3A_115 = arith.constant 0 : i32
      %dma_wait3A_116 = tpu.memref_slice %arg7[%dma_wait3A_114, %dma_wait3A_115] : memref<80x128xf32, #tpu.memory_space<vmem>> -> memref<80x128xf32, #tpu.memory_space<vmem>>
      %dma_wait3A_117 = arith.constant 0 : i32
      %dma_wait3A_118 = tpu.memref_slice %arg11[%add3A_51, %dma_wait3A_117] : memref<10112x128xf32, #tpu.memory_space<vmem_shared>> -> memref<80x128xf32, #tpu.memory_space<vmem_shared>>
      tpu.wait_dma2 semaphore(%run_scoped3A : memref<!tpu.dma_semaphore, #tpu.memory_space<semaphore_mem>>) src(%dma_wait3A_118 : memref<80x128xf32, #tpu.memory_space<vmem_shared>>) dst(%dma_wait3A_116 : memref<80x128xf32, #tpu.memory_space<vmem>>)
      tpu.yield
    }) : () -> ()
    %mul3A_52 = arith.constant 10112 : i32
    %mul3A_53 = arith.muli %arg0, %mul3A_52 : i32
    %add3A_54 = arith.addi %mul3A_53, %mul3A_2 : i32
    %add3A_55 = arith.constant 80 : i32
    %add3A_56 = arith.addi %add3A_54, %add3A_55 : i32
    "tpu.region"() ({
      %run_scoped3A = tpu.sem_alloc : memref<!tpu.dma_semaphore, #tpu.memory_space<semaphore_mem>>
      %dma_start3A_99 = arith.constant 0 : i32
      %dma_start3A_100 = arith.constant 0 : i32
      %dma_start3A_101 = tpu.memref_slice %arg7[%dma_start3A_99, %dma_start3A_100] : memref<80x128xf32, #tpu.memory_space<vmem>> -> memref<80x128xf32, #tpu.memory_space<vmem>>
      %dma_start3A_102 = arith.constant 0 : i32
      %dma_start3A_103 = tpu.memref_slice %arg6[%add3A_56, %dma_start3A_102] : memref<20224x128xf32, #tpu.memory_space<hbm>> -> memref<80x128xf32, #tpu.memory_space<hbm>>
      %dma_start3A_104 = arith.constant 0 : i32
      %dma_start3A_105 = tpu.memref_slice %arg6[%add3A_56, %dma_start3A_104] : memref<20224x128xf32, #tpu.memory_space<hbm>> -> memref<80x128xf32, #tpu.memory_space<hbm>>
      %dma_start3A_106 = arith.constant 0 : i32
      %dma_start3A_107 = arith.constant 0 : i32
      %dma_start3A_108 = tpu.memref_slice %arg7[%dma_start3A_106, %dma_start3A_107] : memref<80x128xf32, #tpu.memory_space<vmem>> -> memref<80x128xf32, #tpu.memory_space<vmem>>
      tpu.enqueue_dma source(%dma_start3A_108 : memref<80x128xf32, #tpu.memory_space<vmem>>) target(%dma_start3A_105 : memref<80x128xf32, #tpu.memory_space<hbm>>) target_semaphore(%run_scoped3A : memref<!tpu.dma_semaphore, #tpu.memory_space<semaphore_mem>>)
      %dma_wait3A_109 = arith.constant 0 : i32
      %dma_wait3A_110 = arith.constant 0 : i32
      %dma_wait3A_111 = tpu.memref_slice %arg7[%dma_wait3A_109, %dma_wait3A_110] : memref<80x128xf32, #tpu.memory_space<vmem>> -> memref<80x128xf32, #tpu.memory_space<vmem>>
      %dma_wait3A_112 = arith.constant 0 : i32
      %dma_wait3A_113 = tpu.memref_slice %arg6[%add3A_56, %dma_wait3A_112] : memref<20224x128xf32, #tpu.memory_space<hbm>> -> memref<80x128xf32, #tpu.memory_space<hbm>>
      %dma_wait3A_114 = arith.constant 0 : i32
      %dma_wait3A_115 = tpu.memref_slice %arg6[%add3A_56, %dma_wait3A_114] : memref<20224x128xf32, #tpu.memory_space<hbm>> -> memref<80x128xf32, #tpu.memory_space<hbm>>
      %dma_wait3A_116 = arith.constant 0 : i32
      %dma_wait3A_117 = arith.constant 0 : i32
      %dma_wait3A_118 = tpu.memref_slice %arg7[%dma_wait3A_116, %dma_wait3A_117] : memref<80x128xf32, #tpu.memory_space<vmem>> -> memref<80x128xf32, #tpu.memory_space<vmem>>
      tpu.wait_dma2 semaphore(%run_scoped3A : memref<!tpu.dma_semaphore, #tpu.memory_space<semaphore_mem>>) src(%dma_wait3A_118 : memref<80x128xf32, #tpu.memory_space<vmem>>) dst(%dma_wait3A_115 : memref<80x128xf32, #tpu.memory_space<hbm>>)
      tpu.yield
    }) : () -> ()
    %add3A_57 = arith.constant 160 : i32
    %add3A_58 = arith.addi %mul3A_2, %add3A_57 : i32
    "tpu.region"() ({
      %run_scoped3A = tpu.sem_alloc : memref<!tpu.dma_semaphore, #tpu.memory_space<semaphore_mem>>
      %dma_start3A_99 = arith.constant 0 : i32
      %dma_start3A_100 = arith.constant 0 : i32
      %dma_start3A_101 = tpu.memref_slice %arg7[%dma_start3A_99, %dma_start3A_100] : memref<80x128xf32, #tpu.memory_space<vmem>> -> memref<80x128xf32, #tpu.memory_space<vmem>>
      %dma_start3A_102 = arith.constant 0 : i32
      %dma_start3A_103 = tpu.memref_slice %arg11[%add3A_58, %dma_start3A_102] : memref<10112x128xf32, #tpu.memory_space<vmem_shared>> -> memref<80x128xf32, #tpu.memory_space<vmem_shared>>
      %dma_start3A_104 = arith.constant 0 : i32
      %dma_start3A_105 = arith.constant 0 : i32
      %dma_start3A_106 = tpu.memref_slice %arg7[%dma_start3A_104, %dma_start3A_105] : memref<80x128xf32, #tpu.memory_space<vmem>> -> memref<80x128xf32, #tpu.memory_space<vmem>>
      %dma_start3A_107 = arith.constant 0 : i32
      %dma_start3A_108 = tpu.memref_slice %arg11[%add3A_58, %dma_start3A_107] : memref<10112x128xf32, #tpu.memory_space<vmem_shared>> -> memref<80x128xf32, #tpu.memory_space<vmem_shared>>
      tpu.enqueue_dma source(%dma_start3A_108 : memref<80x128xf32, #tpu.memory_space<vmem_shared>>) target(%dma_start3A_106 : memref<80x128xf32, #tpu.memory_space<vmem>>) target_semaphore(%run_scoped3A : memref<!tpu.dma_semaphore, #tpu.memory_space<semaphore_mem>>)
      %dma_wait3A_109 = arith.constant 0 : i32
      %dma_wait3A_110 = arith.constant 0 : i32
      %dma_wait3A_111 = tpu.memref_slice %arg7[%dma_wait3A_109, %dma_wait3A_110] : memref<80x128xf32, #tpu.memory_space<vmem>> -> memref<80x128xf32, #tpu.memory_space<vmem>>
      %dma_wait3A_112 = arith.constant 0 : i32
      %dma_wait3A_113 = tpu.memref_slice %arg11[%add3A_58, %dma_wait3A_112] : memref<10112x128xf32, #tpu.memory_space<vmem_shared>> -> memref<80x128xf32, #tpu.memory_space<vmem_shared>>
      %dma_wait3A_114 = arith.constant 0 : i32
      %dma_wait3A_115 = arith.constant 0 : i32
      %dma_wait3A_116 = tpu.memref_slice %arg7[%dma_wait3A_114, %dma_wait3A_115] : memref<80x128xf32, #tpu.memory_space<vmem>> -> memref<80x128xf32, #tpu.memory_space<vmem>>
      %dma_wait3A_117 = arith.constant 0 : i32
      %dma_wait3A_118 = tpu.memref_slice %arg11[%add3A_58, %dma_wait3A_117] : memref<10112x128xf32, #tpu.memory_space<vmem_shared>> -> memref<80x128xf32, #tpu.memory_space<vmem_shared>>
      tpu.wait_dma2 semaphore(%run_scoped3A : memref<!tpu.dma_semaphore, #tpu.memory_space<semaphore_mem>>) src(%dma_wait3A_118 : memref<80x128xf32, #tpu.memory_space<vmem_shared>>) dst(%dma_wait3A_116 : memref<80x128xf32, #tpu.memory_space<vmem>>)
      tpu.yield
    }) : () -> ()
    %mul3A_59 = arith.constant 10112 : i32
    %mul3A_60 = arith.muli %arg0, %mul3A_59 : i32
    %add3A_61 = arith.addi %mul3A_60, %mul3A_2 : i32
    %add3A_62 = arith.constant 160 : i32
    %add3A_63 = arith.addi %add3A_61, %add3A_62 : i32
    "tpu.region"() ({
      %run_scoped3A = tpu.sem_alloc : memref<!tpu.dma_semaphore, #tpu.memory_space<semaphore_mem>>
      %dma_start3A_99 = arith.constant 0 : i32
      %dma_start3A_100 = arith.constant 0 : i32
      %dma_start3A_101 = tpu.memref_slice %arg7[%dma_start3A_99, %dma_start3A_100] : memref<80x128xf32, #tpu.memory_space<vmem>> -> memref<80x128xf32, #tpu.memory_space<vmem>>
      %dma_start3A_102 = arith.constant 0 : i32
      %dma_start3A_103 = tpu.memref_slice %arg6[%add3A_63, %dma_start3A_102] : memref<20224x128xf32, #tpu.memory_space<hbm>> -> memref<80x128xf32, #tpu.memory_space<hbm>>
      %dma_start3A_104 = arith.constant 0 : i32
      %dma_start3A_105 = tpu.memref_slice %arg6[%add3A_63, %dma_start3A_104] : memref<20224x128xf32, #tpu.memory_space<hbm>> -> memref<80x128xf32, #tpu.memory_space<hbm>>
      %dma_start3A_106 = arith.constant 0 : i32
      %dma_start3A_107 = arith.constant 0 : i32
      %dma_start3A_108 = tpu.memref_slice %arg7[%dma_start3A_106, %dma_start3A_107] : memref<80x128xf32, #tpu.memory_space<vmem>> -> memref<80x128xf32, #tpu.memory_space<vmem>>
      tpu.enqueue_dma source(%dma_start3A_108 : memref<80x128xf32, #tpu.memory_space<vmem>>) target(%dma_start3A_105 : memref<80x128xf32, #tpu.memory_space<hbm>>) target_semaphore(%run_scoped3A : memref<!tpu.dma_semaphore, #tpu.memory_space<semaphore_mem>>)
      %dma_wait3A_109 = arith.constant 0 : i32
      %dma_wait3A_110 = arith.constant 0 : i32
      %dma_wait3A_111 = tpu.memref_slice %arg7[%dma_wait3A_109, %dma_wait3A_110] : memref<80x128xf32, #tpu.memory_space<vmem>> -> memref<80x128xf32, #tpu.memory_space<vmem>>
      %dma_wait3A_112 = arith.constant 0 : i32
      %dma_wait3A_113 = tpu.memref_slice %arg6[%add3A_63, %dma_wait3A_112] : memref<20224x128xf32, #tpu.memory_space<hbm>> -> memref<80x128xf32, #tpu.memory_space<hbm>>
      %dma_wait3A_114 = arith.constant 0 : i32
      %dma_wait3A_115 = tpu.memref_slice %arg6[%add3A_63, %dma_wait3A_114] : memref<20224x128xf32, #tpu.memory_space<hbm>> -> memref<80x128xf32, #tpu.memory_space<hbm>>
      %dma_wait3A_116 = arith.constant 0 : i32
      %dma_wait3A_117 = arith.constant 0 : i32
      %dma_wait3A_118 = tpu.memref_slice %arg7[%dma_wait3A_116, %dma_wait3A_117] : memref<80x128xf32, #tpu.memory_space<vmem>> -> memref<80x128xf32, #tpu.memory_space<vmem>>
      tpu.wait_dma2 semaphore(%run_scoped3A : memref<!tpu.dma_semaphore, #tpu.memory_space<semaphore_mem>>) src(%dma_wait3A_118 : memref<80x128xf32, #tpu.memory_space<vmem>>) dst(%dma_wait3A_115 : memref<80x128xf32, #tpu.memory_space<hbm>>)
      tpu.yield
    }) : () -> ()
    %add3A_64 = arith.constant 240 : i32
    %add3A_65 = arith.addi %mul3A_2, %add3A_64 : i32
    "tpu.region"() ({
      %run_scoped3A = tpu.sem_alloc : memref<!tpu.dma_semaphore, #tpu.memory_space<semaphore_mem>>
      %dma_start3A_99 = arith.constant 0 : i32
      %dma_start3A_100 = arith.constant 0 : i32
      %dma_start3A_101 = tpu.memref_slice %arg7[%dma_start3A_99, %dma_start3A_100] : memref<80x128xf32, #tpu.memory_space<vmem>> -> memref<80x128xf32, #tpu.memory_space<vmem>>
      %dma_start3A_102 = arith.constant 0 : i32
      %dma_start3A_103 = tpu.memref_slice %arg11[%add3A_65, %dma_start3A_102] : memref<10112x128xf32, #tpu.memory_space<vmem_shared>> -> memref<80x128xf32, #tpu.memory_space<vmem_shared>>
      %dma_start3A_104 = arith.constant 0 : i32
      %dma_start3A_105 = arith.constant 0 : i32
      %dma_start3A_106 = tpu.memref_slice %arg7[%dma_start3A_104, %dma_start3A_105] : memref<80x128xf32, #tpu.memory_space<vmem>> -> memref<80x128xf32, #tpu.memory_space<vmem>>
      %dma_start3A_107 = arith.constant 0 : i32
      %dma_start3A_108 = tpu.memref_slice %arg11[%add3A_65, %dma_start3A_107] : memref<10112x128xf32, #tpu.memory_space<vmem_shared>> -> memref<80x128xf32, #tpu.memory_space<vmem_shared>>
      tpu.enqueue_dma source(%dma_start3A_108 : memref<80x128xf32, #tpu.memory_space<vmem_shared>>) target(%dma_start3A_106 : memref<80x128xf32, #tpu.memory_space<vmem>>) target_semaphore(%run_scoped3A : memref<!tpu.dma_semaphore, #tpu.memory_space<semaphore_mem>>)
      %dma_wait3A_109 = arith.constant 0 : i32
      %dma_wait3A_110 = arith.constant 0 : i32
      %dma_wait3A_111 = tpu.memref_slice %arg7[%dma_wait3A_109, %dma_wait3A_110] : memref<80x128xf32, #tpu.memory_space<vmem>> -> memref<80x128xf32, #tpu.memory_space<vmem>>
      %dma_wait3A_112 = arith.constant 0 : i32
      %dma_wait3A_113 = tpu.memref_slice %arg11[%add3A_65, %dma_wait3A_112] : memref<10112x128xf32, #tpu.memory_space<vmem_shared>> -> memref<80x128xf32, #tpu.memory_space<vmem_shared>>
      %dma_wait3A_114 = arith.constant 0 : i32
      %dma_wait3A_115 = arith.constant 0 : i32
      %dma_wait3A_116 = tpu.memref_slice %arg7[%dma_wait3A_114, %dma_wait3A_115] : memref<80x128xf32, #tpu.memory_space<vmem>> -> memref<80x128xf32, #tpu.memory_space<vmem>>
      %dma_wait3A_117 = arith.constant 0 : i32
      %dma_wait3A_118 = tpu.memref_slice %arg11[%add3A_65, %dma_wait3A_117] : memref<10112x128xf32, #tpu.memory_space<vmem_shared>> -> memref<80x128xf32, #tpu.memory_space<vmem_shared>>
      tpu.wait_dma2 semaphore(%run_scoped3A : memref<!tpu.dma_semaphore, #tpu.memory_space<semaphore_mem>>) src(%dma_wait3A_118 : memref<80x128xf32, #tpu.memory_space<vmem_shared>>) dst(%dma_wait3A_116 : memref<80x128xf32, #tpu.memory_space<vmem>>)
      tpu.yield
    }) : () -> ()
    %mul3A_66 = arith.constant 10112 : i32
    %mul3A_67 = arith.muli %arg0, %mul3A_66 : i32
    %add3A_68 = arith.addi %mul3A_67, %mul3A_2 : i32
    %add3A_69 = arith.constant 240 : i32
    %add3A_70 = arith.addi %add3A_68, %add3A_69 : i32
    "tpu.region"() ({
      %run_scoped3A = tpu.sem_alloc : memref<!tpu.dma_semaphore, #tpu.memory_space<semaphore_mem>>
      %dma_start3A_99 = arith.constant 0 : i32
      %dma_start3A_100 = arith.constant 0 : i32
      %dma_start3A_101 = tpu.memref_slice %arg7[%dma_start3A_99, %dma_start3A_100] : memref<80x128xf32, #tpu.memory_space<vmem>> -> memref<80x128xf32, #tpu.memory_space<vmem>>
      %dma_start3A_102 = arith.constant 0 : i32
      %dma_start3A_103 = tpu.memref_slice %arg6[%add3A_70, %dma_start3A_102] : memref<20224x128xf32, #tpu.memory_space<hbm>> -> memref<80x128xf32, #tpu.memory_space<hbm>>
      %dma_start3A_104 = arith.constant 0 : i32
      %dma_start3A_105 = tpu.memref_slice %arg6[%add3A_70, %dma_start3A_104] : memref<20224x128xf32, #tpu.memory_space<hbm>> -> memref<80x128xf32, #tpu.memory_space<hbm>>
      %dma_start3A_106 = arith.constant 0 : i32
      %dma_start3A_107 = arith.constant 0 : i32
      %dma_start3A_108 = tpu.memref_slice %arg7[%dma_start3A_106, %dma_start3A_107] : memref<80x128xf32, #tpu.memory_space<vmem>> -> memref<80x128xf32, #tpu.memory_space<vmem>>
      tpu.enqueue_dma source(%dma_start3A_108 : memref<80x128xf32, #tpu.memory_space<vmem>>) target(%dma_start3A_105 : memref<80x128xf32, #tpu.memory_space<hbm>>) target_semaphore(%run_scoped3A : memref<!tpu.dma_semaphore, #tpu.memory_space<semaphore_mem>>)
      %dma_wait3A_109 = arith.constant 0 : i32
      %dma_wait3A_110 = arith.constant 0 : i32
      %dma_wait3A_111 = tpu.memref_slice %arg7[%dma_wait3A_109, %dma_wait3A_110] : memref<80x128xf32, #tpu.memory_space<vmem>> -> memref<80x128xf32, #tpu.memory_space<vmem>>
      %dma_wait3A_112 = arith.constant 0 : i32
      %dma_wait3A_113 = tpu.memref_slice %arg6[%add3A_70, %dma_wait3A_112] : memref<20224x128xf32, #tpu.memory_space<hbm>> -> memref<80x128xf32, #tpu.memory_space<hbm>>
      %dma_wait3A_114 = arith.constant 0 : i32
      %dma_wait3A_115 = tpu.memref_slice %arg6[%add3A_70, %dma_wait3A_114] : memref<20224x128xf32, #tpu.memory_space<hbm>> -> memref<80x128xf32, #tpu.memory_space<hbm>>
      %dma_wait3A_116 = arith.constant 0 : i32
      %dma_wait3A_117 = arith.constant 0 : i32
      %dma_wait3A_118 = tpu.memref_slice %arg7[%dma_wait3A_116, %dma_wait3A_117] : memref<80x128xf32, #tpu.memory_space<vmem>> -> memref<80x128xf32, #tpu.memory_space<vmem>>
      tpu.wait_dma2 semaphore(%run_scoped3A : memref<!tpu.dma_semaphore, #tpu.memory_space<semaphore_mem>>) src(%dma_wait3A_118 : memref<80x128xf32, #tpu.memory_space<vmem>>) dst(%dma_wait3A_115 : memref<80x128xf32, #tpu.memory_space<hbm>>)
      tpu.yield
    }) : () -> ()
    %add3A_71 = arith.constant 320 : i32
    %add3A_72 = arith.addi %mul3A_2, %add3A_71 : i32
    "tpu.region"() ({
      %run_scoped3A = tpu.sem_alloc : memref<!tpu.dma_semaphore, #tpu.memory_space<semaphore_mem>>
      %dma_start3A_99 = arith.constant 0 : i32
      %dma_start3A_100 = arith.constant 0 : i32
      %dma_start3A_101 = tpu.memref_slice %arg7[%dma_start3A_99, %dma_start3A_100] : memref<80x128xf32, #tpu.memory_space<vmem>> -> memref<80x128xf32, #tpu.memory_space<vmem>>
      %dma_start3A_102 = arith.constant 0 : i32
      %dma_start3A_103 = tpu.memref_slice %arg11[%add3A_72, %dma_start3A_102] : memref<10112x128xf32, #tpu.memory_space<vmem_shared>> -> memref<80x128xf32, #tpu.memory_space<vmem_shared>>
      %dma_start3A_104 = arith.constant 0 : i32
      %dma_start3A_105 = arith.constant 0 : i32
      %dma_start3A_106 = tpu.memref_slice %arg7[%dma_start3A_104, %dma_start3A_105] : memref<80x128xf32, #tpu.memory_space<vmem>> -> memref<80x128xf32, #tpu.memory_space<vmem>>
      %dma_start3A_107 = arith.constant 0 : i32
      %dma_start3A_108 = tpu.memref_slice %arg11[%add3A_72, %dma_start3A_107] : memref<10112x128xf32, #tpu.memory_space<vmem_shared>> -> memref<80x128xf32, #tpu.memory_space<vmem_shared>>
      tpu.enqueue_dma source(%dma_start3A_108 : memref<80x128xf32, #tpu.memory_space<vmem_shared>>) target(%dma_start3A_106 : memref<80x128xf32, #tpu.memory_space<vmem>>) target_semaphore(%run_scoped3A : memref<!tpu.dma_semaphore, #tpu.memory_space<semaphore_mem>>)
      %dma_wait3A_109 = arith.constant 0 : i32
      %dma_wait3A_110 = arith.constant 0 : i32
      %dma_wait3A_111 = tpu.memref_slice %arg7[%dma_wait3A_109, %dma_wait3A_110] : memref<80x128xf32, #tpu.memory_space<vmem>> -> memref<80x128xf32, #tpu.memory_space<vmem>>
      %dma_wait3A_112 = arith.constant 0 : i32
      %dma_wait3A_113 = tpu.memref_slice %arg11[%add3A_72, %dma_wait3A_112] : memref<10112x128xf32, #tpu.memory_space<vmem_shared>> -> memref<80x128xf32, #tpu.memory_space<vmem_shared>>
      %dma_wait3A_114 = arith.constant 0 : i32
      %dma_wait3A_115 = arith.constant 0 : i32
      %dma_wait3A_116 = tpu.memref_slice %arg7[%dma_wait3A_114, %dma_wait3A_115] : memref<80x128xf32, #tpu.memory_space<vmem>> -> memref<80x128xf32, #tpu.memory_space<vmem>>
      %dma_wait3A_117 = arith.constant 0 : i32
      %dma_wait3A_118 = tpu.memref_slice %arg11[%add3A_72, %dma_wait3A_117] : memref<10112x128xf32, #tpu.memory_space<vmem_shared>> -> memref<80x128xf32, #tpu.memory_space<vmem_shared>>
      tpu.wait_dma2 semaphore(%run_scoped3A : memref<!tpu.dma_semaphore, #tpu.memory_space<semaphore_mem>>) src(%dma_wait3A_118 : memref<80x128xf32, #tpu.memory_space<vmem_shared>>) dst(%dma_wait3A_116 : memref<80x128xf32, #tpu.memory_space<vmem>>)
      tpu.yield
    }) : () -> ()
    %mul3A_73 = arith.constant 10112 : i32
    %mul3A_74 = arith.muli %arg0, %mul3A_73 : i32
    %add3A_75 = arith.addi %mul3A_74, %mul3A_2 : i32
    %add3A_76 = arith.constant 320 : i32
    %add3A_77 = arith.addi %add3A_75, %add3A_76 : i32
    "tpu.region"() ({
      %run_scoped3A = tpu.sem_alloc : memref<!tpu.dma_semaphore, #tpu.memory_space<semaphore_mem>>
      %dma_start3A_99 = arith.constant 0 : i32
      %dma_start3A_100 = arith.constant 0 : i32
      %dma_start3A_101 = tpu.memref_slice %arg7[%dma_start3A_99, %dma_start3A_100] : memref<80x128xf32, #tpu.memory_space<vmem>> -> memref<80x128xf32, #tpu.memory_space<vmem>>
      %dma_start3A_102 = arith.constant 0 : i32
      %dma_start3A_103 = tpu.memref_slice %arg6[%add3A_77, %dma_start3A_102] : memref<20224x128xf32, #tpu.memory_space<hbm>> -> memref<80x128xf32, #tpu.memory_space<hbm>>
      %dma_start3A_104 = arith.constant 0 : i32
      %dma_start3A_105 = tpu.memref_slice %arg6[%add3A_77, %dma_start3A_104] : memref<20224x128xf32, #tpu.memory_space<hbm>> -> memref<80x128xf32, #tpu.memory_space<hbm>>
      %dma_start3A_106 = arith.constant 0 : i32
      %dma_start3A_107 = arith.constant 0 : i32
      %dma_start3A_108 = tpu.memref_slice %arg7[%dma_start3A_106, %dma_start3A_107] : memref<80x128xf32, #tpu.memory_space<vmem>> -> memref<80x128xf32, #tpu.memory_space<vmem>>
      tpu.enqueue_dma source(%dma_start3A_108 : memref<80x128xf32, #tpu.memory_space<vmem>>) target(%dma_start3A_105 : memref<80x128xf32, #tpu.memory_space<hbm>>) target_semaphore(%run_scoped3A : memref<!tpu.dma_semaphore, #tpu.memory_space<semaphore_mem>>)
      %dma_wait3A_109 = arith.constant 0 : i32
      %dma_wait3A_110 = arith.constant 0 : i32
      %dma_wait3A_111 = tpu.memref_slice %arg7[%dma_wait3A_109, %dma_wait3A_110] : memref<80x128xf32, #tpu.memory_space<vmem>> -> memref<80x128xf32, #tpu.memory_space<vmem>>
      %dma_wait3A_112 = arith.constant 0 : i32
      %dma_wait3A_113 = tpu.memref_slice %arg6[%add3A_77, %dma_wait3A_112] : memref<20224x128xf32, #tpu.memory_space<hbm>> -> memref<80x128xf32, #tpu.memory_space<hbm>>
      %dma_wait3A_114 = arith.constant 0 : i32
      %dma_wait3A_115 = tpu.memref_slice %arg6[%add3A_77, %dma_wait3A_114] : memref<20224x128xf32, #tpu.memory_space<hbm>> -> memref<80x128xf32, #tpu.memory_space<hbm>>
      %dma_wait3A_116 = arith.constant 0 : i32
      %dma_wait3A_117 = arith.constant 0 : i32
      %dma_wait3A_118 = tpu.memref_slice %arg7[%dma_wait3A_116, %dma_wait3A_117] : memref<80x128xf32, #tpu.memory_space<vmem>> -> memref<80x128xf32, #tpu.memory_space<vmem>>
      tpu.wait_dma2 semaphore(%run_scoped3A : memref<!tpu.dma_semaphore, #tpu.memory_space<semaphore_mem>>) src(%dma_wait3A_118 : memref<80x128xf32, #tpu.memory_space<vmem>>) dst(%dma_wait3A_115 : memref<80x128xf32, #tpu.memory_space<hbm>>)
      tpu.yield
    }) : () -> ()
    %add3A_78 = arith.constant 400 : i32
    %add3A_79 = arith.addi %mul3A_2, %add3A_78 : i32
    "tpu.region"() ({
      %run_scoped3A = tpu.sem_alloc : memref<!tpu.dma_semaphore, #tpu.memory_space<semaphore_mem>>
      %dma_start3A_99 = arith.constant 0 : i32
      %dma_start3A_100 = arith.constant 0 : i32
      %dma_start3A_101 = tpu.memref_slice %arg7[%dma_start3A_99, %dma_start3A_100] : memref<80x128xf32, #tpu.memory_space<vmem>> -> memref<80x128xf32, #tpu.memory_space<vmem>>
      %dma_start3A_102 = arith.constant 0 : i32
      %dma_start3A_103 = tpu.memref_slice %arg11[%add3A_79, %dma_start3A_102] : memref<10112x128xf32, #tpu.memory_space<vmem_shared>> -> memref<80x128xf32, #tpu.memory_space<vmem_shared>>
      %dma_start3A_104 = arith.constant 0 : i32
      %dma_start3A_105 = arith.constant 0 : i32
      %dma_start3A_106 = tpu.memref_slice %arg7[%dma_start3A_104, %dma_start3A_105] : memref<80x128xf32, #tpu.memory_space<vmem>> -> memref<80x128xf32, #tpu.memory_space<vmem>>
      %dma_start3A_107 = arith.constant 0 : i32
      %dma_start3A_108 = tpu.memref_slice %arg11[%add3A_79, %dma_start3A_107] : memref<10112x128xf32, #tpu.memory_space<vmem_shared>> -> memref<80x128xf32, #tpu.memory_space<vmem_shared>>
      tpu.enqueue_dma source(%dma_start3A_108 : memref<80x128xf32, #tpu.memory_space<vmem_shared>>) target(%dma_start3A_106 : memref<80x128xf32, #tpu.memory_space<vmem>>) target_semaphore(%run_scoped3A : memref<!tpu.dma_semaphore, #tpu.memory_space<semaphore_mem>>)
      %dma_wait3A_109 = arith.constant 0 : i32
      %dma_wait3A_110 = arith.constant 0 : i32
      %dma_wait3A_111 = tpu.memref_slice %arg7[%dma_wait3A_109, %dma_wait3A_110] : memref<80x128xf32, #tpu.memory_space<vmem>> -> memref<80x128xf32, #tpu.memory_space<vmem>>
      %dma_wait3A_112 = arith.constant 0 : i32
      %dma_wait3A_113 = tpu.memref_slice %arg11[%add3A_79, %dma_wait3A_112] : memref<10112x128xf32, #tpu.memory_space<vmem_shared>> -> memref<80x128xf32, #tpu.memory_space<vmem_shared>>
      %dma_wait3A_114 = arith.constant 0 : i32
      %dma_wait3A_115 = arith.constant 0 : i32
      %dma_wait3A_116 = tpu.memref_slice %arg7[%dma_wait3A_114, %dma_wait3A_115] : memref<80x128xf32, #tpu.memory_space<vmem>> -> memref<80x128xf32, #tpu.memory_space<vmem>>
      %dma_wait3A_117 = arith.constant 0 : i32
      %dma_wait3A_118 = tpu.memref_slice %arg11[%add3A_79, %dma_wait3A_117] : memref<10112x128xf32, #tpu.memory_space<vmem_shared>> -> memref<80x128xf32, #tpu.memory_space<vmem_shared>>
      tpu.wait_dma2 semaphore(%run_scoped3A : memref<!tpu.dma_semaphore, #tpu.memory_space<semaphore_mem>>) src(%dma_wait3A_118 : memref<80x128xf32, #tpu.memory_space<vmem_shared>>) dst(%dma_wait3A_116 : memref<80x128xf32, #tpu.memory_space<vmem>>)
      tpu.yield
    }) : () -> ()
    %mul3A_80 = arith.constant 10112 : i32
    %mul3A_81 = arith.muli %arg0, %mul3A_80 : i32
    %add3A_82 = arith.addi %mul3A_81, %mul3A_2 : i32
    %add3A_83 = arith.constant 400 : i32
    %add3A_84 = arith.addi %add3A_82, %add3A_83 : i32
    "tpu.region"() ({
      %run_scoped3A = tpu.sem_alloc : memref<!tpu.dma_semaphore, #tpu.memory_space<semaphore_mem>>
      %dma_start3A_99 = arith.constant 0 : i32
      %dma_start3A_100 = arith.constant 0 : i32
      %dma_start3A_101 = tpu.memref_slice %arg7[%dma_start3A_99, %dma_start3A_100] : memref<80x128xf32, #tpu.memory_space<vmem>> -> memref<80x128xf32, #tpu.memory_space<vmem>>
      %dma_start3A_102 = arith.constant 0 : i32
      %dma_start3A_103 = tpu.memref_slice %arg6[%add3A_84, %dma_start3A_102] : memref<20224x128xf32, #tpu.memory_space<hbm>> -> memref<80x128xf32, #tpu.memory_space<hbm>>
      %dma_start3A_104 = arith.constant 0 : i32
      %dma_start3A_105 = tpu.memref_slice %arg6[%add3A_84, %dma_start3A_104] : memref<20224x128xf32, #tpu.memory_space<hbm>> -> memref<80x128xf32, #tpu.memory_space<hbm>>
      %dma_start3A_106 = arith.constant 0 : i32
      %dma_start3A_107 = arith.constant 0 : i32
      %dma_start3A_108 = tpu.memref_slice %arg7[%dma_start3A_106, %dma_start3A_107] : memref<80x128xf32, #tpu.memory_space<vmem>> -> memref<80x128xf32, #tpu.memory_space<vmem>>
      tpu.enqueue_dma source(%dma_start3A_108 : memref<80x128xf32, #tpu.memory_space<vmem>>) target(%dma_start3A_105 : memref<80x128xf32, #tpu.memory_space<hbm>>) target_semaphore(%run_scoped3A : memref<!tpu.dma_semaphore, #tpu.memory_space<semaphore_mem>>)
      %dma_wait3A_109 = arith.constant 0 : i32
      %dma_wait3A_110 = arith.constant 0 : i32
      %dma_wait3A_111 = tpu.memref_slice %arg7[%dma_wait3A_109, %dma_wait3A_110] : memref<80x128xf32, #tpu.memory_space<vmem>> -> memref<80x128xf32, #tpu.memory_space<vmem>>
      %dma_wait3A_112 = arith.constant 0 : i32
      %dma_wait3A_113 = tpu.memref_slice %arg6[%add3A_84, %dma_wait3A_112] : memref<20224x128xf32, #tpu.memory_space<hbm>> -> memref<80x128xf32, #tpu.memory_space<hbm>>
      %dma_wait3A_114 = arith.constant 0 : i32
      %dma_wait3A_115 = tpu.memref_slice %arg6[%add3A_84, %dma_wait3A_114] : memref<20224x128xf32, #tpu.memory_space<hbm>> -> memref<80x128xf32, #tpu.memory_space<hbm>>
      %dma_wait3A_116 = arith.constant 0 : i32
      %dma_wait3A_117 = arith.constant 0 : i32
      %dma_wait3A_118 = tpu.memref_slice %arg7[%dma_wait3A_116, %dma_wait3A_117] : memref<80x128xf32, #tpu.memory_space<vmem>> -> memref<80x128xf32, #tpu.memory_space<vmem>>
      tpu.wait_dma2 semaphore(%run_scoped3A : memref<!tpu.dma_semaphore, #tpu.memory_space<semaphore_mem>>) src(%dma_wait3A_118 : memref<80x128xf32, #tpu.memory_space<vmem>>) dst(%dma_wait3A_115 : memref<80x128xf32, #tpu.memory_space<hbm>>)
      tpu.yield
    }) : () -> ()
    %add3A_85 = arith.constant 480 : i32
    %add3A_86 = arith.addi %mul3A_2, %add3A_85 : i32
    "tpu.region"() ({
      %run_scoped3A = tpu.sem_alloc : memref<!tpu.dma_semaphore, #tpu.memory_space<semaphore_mem>>
      %dma_start3A_99 = arith.constant 0 : i32
      %dma_start3A_100 = arith.constant 0 : i32
      %dma_start3A_101 = tpu.memref_slice %arg7[%dma_start3A_99, %dma_start3A_100] : memref<80x128xf32, #tpu.memory_space<vmem>> -> memref<80x128xf32, #tpu.memory_space<vmem>>
      %dma_start3A_102 = arith.constant 0 : i32
      %dma_start3A_103 = tpu.memref_slice %arg11[%add3A_86, %dma_start3A_102] : memref<10112x128xf32, #tpu.memory_space<vmem_shared>> -> memref<80x128xf32, #tpu.memory_space<vmem_shared>>
      %dma_start3A_104 = arith.constant 0 : i32
      %dma_start3A_105 = arith.constant 0 : i32
      %dma_start3A_106 = tpu.memref_slice %arg7[%dma_start3A_104, %dma_start3A_105] : memref<80x128xf32, #tpu.memory_space<vmem>> -> memref<80x128xf32, #tpu.memory_space<vmem>>
      %dma_start3A_107 = arith.constant 0 : i32
      %dma_start3A_108 = tpu.memref_slice %arg11[%add3A_86, %dma_start3A_107] : memref<10112x128xf32, #tpu.memory_space<vmem_shared>> -> memref<80x128xf32, #tpu.memory_space<vmem_shared>>
      tpu.enqueue_dma source(%dma_start3A_108 : memref<80x128xf32, #tpu.memory_space<vmem_shared>>) target(%dma_start3A_106 : memref<80x128xf32, #tpu.memory_space<vmem>>) target_semaphore(%run_scoped3A : memref<!tpu.dma_semaphore, #tpu.memory_space<semaphore_mem>>)
      %dma_wait3A_109 = arith.constant 0 : i32
      %dma_wait3A_110 = arith.constant 0 : i32
      %dma_wait3A_111 = tpu.memref_slice %arg7[%dma_wait3A_109, %dma_wait3A_110] : memref<80x128xf32, #tpu.memory_space<vmem>> -> memref<80x128xf32, #tpu.memory_space<vmem>>
      %dma_wait3A_112 = arith.constant 0 : i32
      %dma_wait3A_113 = tpu.memref_slice %arg11[%add3A_86, %dma_wait3A_112] : memref<10112x128xf32, #tpu.memory_space<vmem_shared>> -> memref<80x128xf32, #tpu.memory_space<vmem_shared>>
      %dma_wait3A_114 = arith.constant 0 : i32
      %dma_wait3A_115 = arith.constant 0 : i32
      %dma_wait3A_116 = tpu.memref_slice %arg7[%dma_wait3A_114, %dma_wait3A_115] : memref<80x128xf32, #tpu.memory_space<vmem>> -> memref<80x128xf32, #tpu.memory_space<vmem>>
      %dma_wait3A_117 = arith.constant 0 : i32
      %dma_wait3A_118 = tpu.memref_slice %arg11[%add3A_86, %dma_wait3A_117] : memref<10112x128xf32, #tpu.memory_space<vmem_shared>> -> memref<80x128xf32, #tpu.memory_space<vmem_shared>>
      tpu.wait_dma2 semaphore(%run_scoped3A : memref<!tpu.dma_semaphore, #tpu.memory_space<semaphore_mem>>) src(%dma_wait3A_118 : memref<80x128xf32, #tpu.memory_space<vmem_shared>>) dst(%dma_wait3A_116 : memref<80x128xf32, #tpu.memory_space<vmem>>)
      tpu.yield
    }) : () -> ()
    %mul3A_87 = arith.constant 10112 : i32
    %mul3A_88 = arith.muli %arg0, %mul3A_87 : i32
    %add3A_89 = arith.addi %mul3A_88, %mul3A_2 : i32
    %add3A_90 = arith.constant 480 : i32
    %add3A_91 = arith.addi %add3A_89, %add3A_90 : i32
    "tpu.region"() ({
      %run_scoped3A = tpu.sem_alloc : memref<!tpu.dma_semaphore, #tpu.memory_space<semaphore_mem>>
      %dma_start3A_99 = arith.constant 0 : i32
      %dma_start3A_100 = arith.constant 0 : i32
      %dma_start3A_101 = tpu.memref_slice %arg7[%dma_start3A_99, %dma_start3A_100] : memref<80x128xf32, #tpu.memory_space<vmem>> -> memref<80x128xf32, #tpu.memory_space<vmem>>
      %dma_start3A_102 = arith.constant 0 : i32
      %dma_start3A_103 = tpu.memref_slice %arg6[%add3A_91, %dma_start3A_102] : memref<20224x128xf32, #tpu.memory_space<hbm>> -> memref<80x128xf32, #tpu.memory_space<hbm>>
      %dma_start3A_104 = arith.constant 0 : i32
      %dma_start3A_105 = tpu.memref_slice %arg6[%add3A_91, %dma_start3A_104] : memref<20224x128xf32, #tpu.memory_space<hbm>> -> memref<80x128xf32, #tpu.memory_space<hbm>>
      %dma_start3A_106 = arith.constant 0 : i32
      %dma_start3A_107 = arith.constant 0 : i32
      %dma_start3A_108 = tpu.memref_slice %arg7[%dma_start3A_106, %dma_start3A_107] : memref<80x128xf32, #tpu.memory_space<vmem>> -> memref<80x128xf32, #tpu.memory_space<vmem>>
      tpu.enqueue_dma source(%dma_start3A_108 : memref<80x128xf32, #tpu.memory_space<vmem>>) target(%dma_start3A_105 : memref<80x128xf32, #tpu.memory_space<hbm>>) target_semaphore(%run_scoped3A : memref<!tpu.dma_semaphore, #tpu.memory_space<semaphore_mem>>)
      %dma_wait3A_109 = arith.constant 0 : i32
      %dma_wait3A_110 = arith.constant 0 : i32
      %dma_wait3A_111 = tpu.memref_slice %arg7[%dma_wait3A_109, %dma_wait3A_110] : memref<80x128xf32, #tpu.memory_space<vmem>> -> memref<80x128xf32, #tpu.memory_space<vmem>>
      %dma_wait3A_112 = arith.constant 0 : i32
      %dma_wait3A_113 = tpu.memref_slice %arg6[%add3A_91, %dma_wait3A_112] : memref<20224x128xf32, #tpu.memory_space<hbm>> -> memref<80x128xf32, #tpu.memory_space<hbm>>
      %dma_wait3A_114 = arith.constant 0 : i32
      %dma_wait3A_115 = tpu.memref_slice %arg6[%add3A_91, %dma_wait3A_114] : memref<20224x128xf32, #tpu.memory_space<hbm>> -> memref<80x128xf32, #tpu.memory_space<hbm>>
      %dma_wait3A_116 = arith.constant 0 : i32
      %dma_wait3A_117 = arith.constant 0 : i32
      %dma_wait3A_118 = tpu.memref_slice %arg7[%dma_wait3A_116, %dma_wait3A_117] : memref<80x128xf32, #tpu.memory_space<vmem>> -> memref<80x128xf32, #tpu.memory_space<vmem>>
      tpu.wait_dma2 semaphore(%run_scoped3A : memref<!tpu.dma_semaphore, #tpu.memory_space<semaphore_mem>>) src(%dma_wait3A_118 : memref<80x128xf32, #tpu.memory_space<vmem>>) dst(%dma_wait3A_115 : memref<80x128xf32, #tpu.memory_space<hbm>>)
      tpu.yield
    }) : () -> ()
    %add3A_92 = arith.constant 560 : i32
    %add3A_93 = arith.addi %mul3A_2, %add3A_92 : i32
    "tpu.region"() ({
      %run_scoped3A = tpu.sem_alloc : memref<!tpu.dma_semaphore, #tpu.memory_space<semaphore_mem>>
      %dma_start3A_99 = arith.constant 0 : i32
      %dma_start3A_100 = arith.constant 0 : i32
      %dma_start3A_101 = tpu.memref_slice %arg7[%dma_start3A_99, %dma_start3A_100] : memref<80x128xf32, #tpu.memory_space<vmem>> -> memref<72x128xf32, #tpu.memory_space<vmem>>
      %dma_start3A_102 = arith.constant 0 : i32
      %dma_start3A_103 = tpu.memref_slice %arg11[%add3A_93, %dma_start3A_102] : memref<10112x128xf32, #tpu.memory_space<vmem_shared>> -> memref<72x128xf32, #tpu.memory_space<vmem_shared>>
      %dma_start3A_104 = arith.constant 0 : i32
      %dma_start3A_105 = arith.constant 0 : i32
      %dma_start3A_106 = tpu.memref_slice %arg7[%dma_start3A_104, %dma_start3A_105] : memref<80x128xf32, #tpu.memory_space<vmem>> -> memref<72x128xf32, #tpu.memory_space<vmem>>
      %dma_start3A_107 = arith.constant 0 : i32
      %dma_start3A_108 = tpu.memref_slice %arg11[%add3A_93, %dma_start3A_107] : memref<10112x128xf32, #tpu.memory_space<vmem_shared>> -> memref<72x128xf32, #tpu.memory_space<vmem_shared>>
      tpu.enqueue_dma source(%dma_start3A_108 : memref<72x128xf32, #tpu.memory_space<vmem_shared>>) target(%dma_start3A_106 : memref<72x128xf32, #tpu.memory_space<vmem>>) target_semaphore(%run_scoped3A : memref<!tpu.dma_semaphore, #tpu.memory_space<semaphore_mem>>)
      %dma_wait3A_109 = arith.constant 0 : i32
      %dma_wait3A_110 = arith.constant 0 : i32
      %dma_wait3A_111 = tpu.memref_slice %arg7[%dma_wait3A_109, %dma_wait3A_110] : memref<80x128xf32, #tpu.memory_space<vmem>> -> memref<72x128xf32, #tpu.memory_space<vmem>>
      %dma_wait3A_112 = arith.constant 0 : i32
      %dma_wait3A_113 = tpu.memref_slice %arg11[%add3A_93, %dma_wait3A_112] : memref<10112x128xf32, #tpu.memory_space<vmem_shared>> -> memref<72x128xf32, #tpu.memory_space<vmem_shared>>
      %dma_wait3A_114 = arith.constant 0 : i32
      %dma_wait3A_115 = arith.constant 0 : i32
      %dma_wait3A_116 = tpu.memref_slice %arg7[%dma_wait3A_114, %dma_wait3A_115] : memref<80x128xf32, #tpu.memory_space<vmem>> -> memref<72x128xf32, #tpu.memory_space<vmem>>
      %dma_wait3A_117 = arith.constant 0 : i32
      %dma_wait3A_118 = tpu.memref_slice %arg11[%add3A_93, %dma_wait3A_117] : memref<10112x128xf32, #tpu.memory_space<vmem_shared>> -> memref<72x128xf32, #tpu.memory_space<vmem_shared>>
      tpu.wait_dma2 semaphore(%run_scoped3A : memref<!tpu.dma_semaphore, #tpu.memory_space<semaphore_mem>>) src(%dma_wait3A_118 : memref<72x128xf32, #tpu.memory_space<vmem_shared>>) dst(%dma_wait3A_116 : memref<72x128xf32, #tpu.memory_space<vmem>>)
      tpu.yield
    }) : () -> ()
    %mul3A_94 = arith.constant 10112 : i32
    %mul3A_95 = arith.muli %arg0, %mul3A_94 : i32
    %add3A_96 = arith.addi %mul3A_95, %mul3A_2 : i32
    %add3A_97 = arith.constant 560 : i32
    %add3A_98 = arith.addi %add3A_96, %add3A_97 : i32
    "tpu.region"() ({
      %run_scoped3A = tpu.sem_alloc : memref<!tpu.dma_semaphore, #tpu.memory_space<semaphore_mem>>
      %dma_start3A_99 = arith.constant 0 : i32
      %dma_start3A_100 = arith.constant 0 : i32
      %dma_start3A_101 = tpu.memref_slice %arg7[%dma_start3A_99, %dma_start3A_100] : memref<80x128xf32, #tpu.memory_space<vmem>> -> memref<72x128xf32, #tpu.memory_space<vmem>>
      %dma_start3A_102 = arith.constant 0 : i32
      %dma_start3A_103 = tpu.memref_slice %arg6[%add3A_98, %dma_start3A_102] : memref<20224x128xf32, #tpu.memory_space<hbm>> -> memref<72x128xf32, #tpu.memory_space<hbm>>
      %dma_start3A_104 = arith.constant 0 : i32
      %dma_start3A_105 = tpu.memref_slice %arg6[%add3A_98, %dma_start3A_104] : memref<20224x128xf32, #tpu.memory_space<hbm>> -> memref<72x128xf32, #tpu.memory_space<hbm>>
      %dma_start3A_106 = arith.constant 0 : i32
      %dma_start3A_107 = arith.constant 0 : i32
      %dma_start3A_108 = tpu.memref_slice %arg7[%dma_start3A_106, %dma_start3A_107] : memref<80x128xf32, #tpu.memory_space<vmem>> -> memref<72x128xf32, #tpu.memory_space<vmem>>
      tpu.enqueue_dma source(%dma_start3A_108 : memref<72x128xf32, #tpu.memory_space<vmem>>) target(%dma_start3A_105 : memref<72x128xf32, #tpu.memory_space<hbm>>) target_semaphore(%run_scoped3A : memref<!tpu.dma_semaphore, #tpu.memory_space<semaphore_mem>>)
      %dma_wait3A_109 = arith.constant 0 : i32
      %dma_wait3A_110 = arith.constant 0 : i32
      %dma_wait3A_111 = tpu.memref_slice %arg7[%dma_wait3A_109, %dma_wait3A_110] : memref<80x128xf32, #tpu.memory_space<vmem>> -> memref<72x128xf32, #tpu.memory_space<vmem>>
      %dma_wait3A_112 = arith.constant 0 : i32
      %dma_wait3A_113 = tpu.memref_slice %arg6[%add3A_98, %dma_wait3A_112] : memref<20224x128xf32, #tpu.memory_space<hbm>> -> memref<72x128xf32, #tpu.memory_space<hbm>>
      %dma_wait3A_114 = arith.constant 0 : i32
      %dma_wait3A_115 = tpu.memref_slice %arg6[%add3A_98, %dma_wait3A_114] : memref<20224x128xf32, #tpu.memory_space<hbm>> -> memref<72x128xf32, #tpu.memory_space<hbm>>
      %dma_wait3A_116 = arith.constant 0 : i32
      %dma_wait3A_117 = arith.constant 0 : i32
      %dma_wait3A_118 = tpu.memref_slice %arg7[%dma_wait3A_116, %dma_wait3A_117] : memref<80x128xf32, #tpu.memory_space<vmem>> -> memref<72x128xf32, #tpu.memory_space<vmem>>
      tpu.wait_dma2 semaphore(%run_scoped3A : memref<!tpu.dma_semaphore, #tpu.memory_space<semaphore_mem>>) src(%dma_wait3A_118 : memref<72x128xf32, #tpu.memory_space<vmem>>) dst(%dma_wait3A_115 : memref<72x128xf32, #tpu.memory_space<hbm>>)
      tpu.yield
    }) : () -> ()
    return
  }
}

#map = affine_map<(d0, d1) -> (0, 0)>
#map1 = affine_map<(d0, d1) -> (0)>
module attributes {stable_mosaic.version = 14 : i64} {
  func.func @body(%arg0: i32, %arg1: i32, %arg2: memref<10000x128xf32, #tpu.memory_space<hbm>>, %arg3: memref<320000xi32, #tpu.memory_space<hbm>>, %arg4: memref<320000xi32, #tpu.memory_space<hbm>>, %arg5: memref<10112x128xf32, #tpu.memory_space<hbm>>, %arg6: memref<20224x128xf32, #tpu.memory_space<hbm>>, %arg7: memref<80x128xf32, #tpu.memory_space<vmem>>, %arg8: memref<80x128xf32, #tpu.memory_space<vmem>>, %arg9: memref<10000xi32, #tpu.memory_space<vmem>>, %arg10: memref<10000xi32, #tpu.memory_space<vmem>>, %arg11: memref<10112x128xf32, #tpu.memory_space<vmem_shared>>, %arg12: memref<!tpu.dma_semaphore, #tpu.memory_space<semaphore_mem>>, %arg13: memref<!tpu.dma_semaphore, #tpu.memory_space<semaphore_mem>>, %arg14: memref<!tpu.dma_semaphore, #tpu.memory_space<semaphore_mem>>) attributes {dimension_semantics = [#tpu.dimension_semantics<core_parallel>, #tpu.dimension_semantics<subcore_parallel>], iteration_bounds = array<i64: 2, 16>, scalar_prefetch = 0 : i64, scratch_operands = 8 : i64, tpu.core_type = #tpu.core_type<sc_vector_subcore>, window_params = [{transform_indices = #map}, {transform_indices = #map1}, {transform_indices = #map1}, {transform_indices = #map}, {transform_indices = #map}]} {
    %mul3A = arith.constant 2 : i32
    %mul3A_0 = arith.muli %arg1, %mul3A : i32
    %add3A = arith.addi %mul3A_0, %arg0 : i32
    %mul3A_1 = arith.constant 632 : i32
    %mul3A_2 = arith.muli %arg1, %mul3A_1 : i32
    %mul3A_3 = arith.constant 10000 : i32
    %mul3A_4 = arith.muli %add3A, %mul3A_3 : i32
    %dma_start3A = tpu.memref_slice %arg3[%mul3A_4] : memref<320000xi32, #tpu.memory_space<hbm>> -> memref<10000xi32, #tpu.memory_space<hbm>>
    %dma_start3A_5 = tpu.memref_slice %arg3[%mul3A_4] : memref<320000xi32, #tpu.memory_space<hbm>> -> memref<10000xi32, #tpu.memory_space<hbm>>
    tpu.enqueue_dma source(%dma_start3A_5 : memref<10000xi32, #tpu.memory_space<hbm>>) target(%arg9 : memref<10000xi32, #tpu.memory_space<vmem>>) target_semaphore(%arg14 : memref<!tpu.dma_semaphore, #tpu.memory_space<semaphore_mem>>)
    %dma_start3A_6 = tpu.memref_slice %arg4[%mul3A_4] : memref<320000xi32, #tpu.memory_space<hbm>> -> memref<10000xi32, #tpu.memory_space<hbm>>
    %dma_start3A_7 = tpu.memref_slice %arg4[%mul3A_4] : memref<320000xi32, #tpu.memory_space<hbm>> -> memref<10000xi32, #tpu.memory_space<hbm>>
    tpu.enqueue_dma source(%dma_start3A_7 : memref<10000xi32, #tpu.memory_space<hbm>>) target(%arg10 : memref<10000xi32, #tpu.memory_space<vmem>>) target_semaphore(%arg14 : memref<!tpu.dma_semaphore, #tpu.memory_space<semaphore_mem>>)
    "tpu.region"() ({
      %run_scoped3A = tpu.sem_alloc : memref<!tpu.dma_semaphore, #tpu.memory_space<semaphore_mem>>
      %dma_start3A_99 = arith.constant 0 : i32
      %dma_start3A_100 = arith.constant 0 : i32
      %dma_start3A_101 = tpu.memref_slice %arg5[%dma_start3A_99, %dma_start3A_100] : memref<10112x128xf32, #tpu.memory_space<hbm>> -> memref<80x128xf32, #tpu.memory_space<hbm>>
      %dma_start3A_102 = arith.constant 0 : i32
      %dma_start3A_103 = arith.constant 0 : i32
      %dma_start3A_104 = tpu.memref_slice %arg5[%dma_start3A_102, %dma_start3A_103] : memref<10112x128xf32, #tpu.memory_space<hbm>> -> memref<80x128xf32, #tpu.memory_space<hbm>>
      tpu.enqueue_dma source(%dma_start3A_104 : memref<80x128xf32, #tpu.memory_space<hbm>>) target(%arg7 : memref<80x128xf32, #tpu.memory_space<vmem>>) target_semaphore(%run_scoped3A : memref<!tpu.dma_semaphore, #tpu.memory_space<semaphore_mem>>)
      %dma_wait3A_105 = arith.constant 0 : i32
      %dma_wait3A_106 = arith.constant 0 : i32
      %dma_wait3A_107 = tpu.memref_slice %arg5[%dma_wait3A_105, %dma_wait3A_106] : memref<10112x128xf32, #tpu.memory_space<hbm>> -> memref<80x128xf32, #tpu.memory_space<hbm>>
      %dma_wait3A_108 = arith.constant 0 : i32
      %dma_wait3A_109 = arith.constant 0 : i32
      %dma_wait3A_110 = tpu.memref_slice %arg5[%dma_wait3A_108, %dma_wait3A_109] : memref<10112x128xf32, #tpu.memory_space<hbm>> -> memref<80x128xf32, #tpu.memory_space<hbm>>
      tpu.wait_dma2 semaphore(%run_scoped3A : memref<!tpu.dma_semaphore, #tpu.memory_space<semaphore_mem>>) src(%dma_wait3A_110 : memref<80x128xf32, #tpu.memory_space<hbm>>) dst(%arg7 : memref<80x128xf32, #tpu.memory_space<vmem>>)
      tpu.yield
    }) : () -> ()
    %add3A_8 = arith.constant 0 : i32
    %add3A_9 = arith.addi %mul3A_2, %add3A_8 : i32
    "tpu.region"() ({
      %run_scoped3A = tpu.sem_alloc : memref<!tpu.dma_semaphore, #tpu.memory_space<semaphore_mem>>
      %dma_start3A_99 = arith.constant 0 : i32
      %dma_start3A_100 = arith.constant 0 : i32
      %dma_start3A_101 = tpu.memref_slice %arg7[%dma_start3A_99, %dma_start3A_100] : memref<80x128xf32, #tpu.memory_space<vmem>> -> memref<80x128xf32, #tpu.memory_space<vmem>>
      %dma_start3A_102 = arith.constant 0 : i32
      %dma_start3A_103 = tpu.memref_slice %arg11[%add3A_9, %dma_start3A_102] : memref<10112x128xf32, #tpu.memory_space<vmem_shared>> -> memref<80x128xf32, #tpu.memory_space<vmem_shared>>
      %dma_start3A_104 = arith.constant 0 : i32
      %dma_start3A_105 = tpu.memref_slice %arg11[%add3A_9, %dma_start3A_104] : memref<10112x128xf32, #tpu.memory_space<vmem_shared>> -> memref<80x128xf32, #tpu.memory_space<vmem_shared>>
      %dma_start3A_106 = arith.constant 0 : i32
      %dma_start3A_107 = arith.constant 0 : i32
      %dma_start3A_108 = tpu.memref_slice %arg7[%dma_start3A_106, %dma_start3A_107] : memref<80x128xf32, #tpu.memory_space<vmem>> -> memref<80x128xf32, #tpu.memory_space<vmem>>
      tpu.enqueue_dma source(%dma_start3A_108 : memref<80x128xf32, #tpu.memory_space<vmem>>) target(%dma_start3A_105 : memref<80x128xf32, #tpu.memory_space<vmem_shared>>) target_semaphore(%run_scoped3A : memref<!tpu.dma_semaphore, #tpu.memory_space<semaphore_mem>>)
      %dma_wait3A_109 = arith.constant 0 : i32
      %dma_wait3A_110 = arith.constant 0 : i32
      %dma_wait3A_111 = tpu.memref_slice %arg7[%dma_wait3A_109, %dma_wait3A_110] : memref<80x128xf32, #tpu.memory_space<vmem>> -> memref<80x128xf32, #tpu.memory_space<vmem>>
      %dma_wait3A_112 = arith.constant 0 : i32
      %dma_wait3A_113 = tpu.memref_slice %arg11[%add3A_9, %dma_wait3A_112] : memref<10112x128xf32, #tpu.memory_space<vmem_shared>> -> memref<80x128xf32, #tpu.memory_space<vmem_shared>>
      %dma_wait3A_114 = arith.constant 0 : i32
      %dma_wait3A_115 = tpu.memref_slice %arg11[%add3A_9, %dma_wait3A_114] : memref<10112x128xf32, #tpu.memory_space<vmem_shared>> -> memref<80x128xf32, #tpu.memory_space<vmem_shared>>
      %dma_wait3A_116 = arith.constant 0 : i32
      %dma_wait3A_117 = arith.constant 0 : i32
      %dma_wait3A_118 = tpu.memref_slice %arg7[%dma_wait3A_116, %dma_wait3A_117] : memref<80x128xf32, #tpu.memory_space<vmem>> -> memref<80x128xf32, #tpu.memory_space<vmem>>
      tpu.wait_dma2 semaphore(%run_scoped3A : memref<!tpu.dma_semaphore, #tpu.memory_space<semaphore_mem>>) src(%dma_wait3A_118 : memref<80x128xf32, #tpu.memory_space<vmem>>) dst(%dma_wait3A_115 : memref<80x128xf32, #tpu.memory_space<vmem_shared>>)
      tpu.yield
    }) : () -> ()
    %add3A_10 = arith.constant 80 : i32
    %add3A_11 = arith.addi %mul3A_2, %add3A_10 : i32
    "tpu.region"() ({
      %run_scoped3A = tpu.sem_alloc : memref<!tpu.dma_semaphore, #tpu.memory_space<semaphore_mem>>
      %dma_start3A_99 = arith.constant 0 : i32
      %dma_start3A_100 = arith.constant 0 : i32
      %dma_start3A_101 = tpu.memref_slice %arg7[%dma_start3A_99, %dma_start3A_100] : memref<80x128xf32, #tpu.memory_space<vmem>> -> memref<80x128xf32, #tpu.memory_space<vmem>>
      %dma_start3A_102 = arith.constant 0 : i32
      %dma_start3A_103 = tpu.memref_slice %arg11[%add3A_11, %dma_start3A_102] : memref<10112x128xf32, #tpu.memory_space<vmem_shared>> -> memref<80x128xf32, #tpu.memory_space<vmem_shared>>
      %dma_start3A_104 = arith.constant 0 : i32
      %dma_start3A_105 = tpu.memref_slice %arg11[%add3A_11, %dma_start3A_104] : memref<10112x128xf32, #tpu.memory_space<vmem_shared>> -> memref<80x128xf32, #tpu.memory_space<vmem_shared>>
      %dma_start3A_106 = arith.constant 0 : i32
      %dma_start3A_107 = arith.constant 0 : i32
      %dma_start3A_108 = tpu.memref_slice %arg7[%dma_start3A_106, %dma_start3A_107] : memref<80x128xf32, #tpu.memory_space<vmem>> -> memref<80x128xf32, #tpu.memory_space<vmem>>
      tpu.enqueue_dma source(%dma_start3A_108 : memref<80x128xf32, #tpu.memory_space<vmem>>) target(%dma_start3A_105 : memref<80x128xf32, #tpu.memory_space<vmem_shared>>) target_semaphore(%run_scoped3A : memref<!tpu.dma_semaphore, #tpu.memory_space<semaphore_mem>>)
      %dma_wait3A_109 = arith.constant 0 : i32
      %dma_wait3A_110 = arith.constant 0 : i32
      %dma_wait3A_111 = tpu.memref_slice %arg7[%dma_wait3A_109, %dma_wait3A_110] : memref<80x128xf32, #tpu.memory_space<vmem>> -> memref<80x128xf32, #tpu.memory_space<vmem>>
      %dma_wait3A_112 = arith.constant 0 : i32
      %dma_wait3A_113 = tpu.memref_slice %arg11[%add3A_11, %dma_wait3A_112] : memref<10112x128xf32, #tpu.memory_space<vmem_shared>> -> memref<80x128xf32, #tpu.memory_space<vmem_shared>>
      %dma_wait3A_114 = arith.constant 0 : i32
      %dma_wait3A_115 = tpu.memref_slice %arg11[%add3A_11, %dma_wait3A_114] : memref<10112x128xf32, #tpu.memory_space<vmem_shared>> -> memref<80x128xf32, #tpu.memory_space<vmem_shared>>
      %dma_wait3A_116 = arith.constant 0 : i32
      %dma_wait3A_117 = arith.constant 0 : i32
      %dma_wait3A_118 = tpu.memref_slice %arg7[%dma_wait3A_116, %dma_wait3A_117] : memref<80x128xf32, #tpu.memory_space<vmem>> -> memref<80x128xf32, #tpu.memory_space<vmem>>
      tpu.wait_dma2 semaphore(%run_scoped3A : memref<!tpu.dma_semaphore, #tpu.memory_space<semaphore_mem>>) src(%dma_wait3A_118 : memref<80x128xf32, #tpu.memory_space<vmem>>) dst(%dma_wait3A_115 : memref<80x128xf32, #tpu.memory_space<vmem_shared>>)
      tpu.yield
    }) : () -> ()
    %add3A_12 = arith.constant 160 : i32
    %add3A_13 = arith.addi %mul3A_2, %add3A_12 : i32
    "tpu.region"() ({
      %run_scoped3A = tpu.sem_alloc : memref<!tpu.dma_semaphore, #tpu.memory_space<semaphore_mem>>
      %dma_start3A_99 = arith.constant 0 : i32
      %dma_start3A_100 = arith.constant 0 : i32
      %dma_start3A_101 = tpu.memref_slice %arg7[%dma_start3A_99, %dma_start3A_100] : memref<80x128xf32, #tpu.memory_space<vmem>> -> memref<80x128xf32, #tpu.memory_space<vmem>>
      %dma_start3A_102 = arith.constant 0 : i32
      %dma_start3A_103 = tpu.memref_slice %arg11[%add3A_13, %dma_start3A_102] : memref<10112x128xf32, #tpu.memory_space<vmem_shared>> -> memref<80x128xf32, #tpu.memory_space<vmem_shared>>
      %dma_start3A_104 = arith.constant 0 : i32
      %dma_start3A_105 = tpu.memref_slice %arg11[%add3A_13, %dma_start3A_104] : memref<10112x128xf32, #tpu.memory_space<vmem_shared>> -> memref<80x128xf32, #tpu.memory_space<vmem_shared>>
      %dma_start3A_106 = arith.constant 0 : i32
      %dma_start3A_107 = arith.constant 0 : i32
      %dma_start3A_108 = tpu.memref_slice %arg7[%dma_start3A_106, %dma_start3A_107] : memref<80x128xf32, #tpu.memory_space<vmem>> -> memref<80x128xf32, #tpu.memory_space<vmem>>
      tpu.enqueue_dma source(%dma_start3A_108 : memref<80x128xf32, #tpu.memory_space<vmem>>) target(%dma_start3A_105 : memref<80x128xf32, #tpu.memory_space<vmem_shared>>) target_semaphore(%run_scoped3A : memref<!tpu.dma_semaphore, #tpu.memory_space<semaphore_mem>>)
      %dma_wait3A_109 = arith.constant 0 : i32
      %dma_wait3A_110 = arith.constant 0 : i32
      %dma_wait3A_111 = tpu.memref_slice %arg7[%dma_wait3A_109, %dma_wait3A_110] : memref<80x128xf32, #tpu.memory_space<vmem>> -> memref<80x128xf32, #tpu.memory_space<vmem>>
      %dma_wait3A_112 = arith.constant 0 : i32
      %dma_wait3A_113 = tpu.memref_slice %arg11[%add3A_13, %dma_wait3A_112] : memref<10112x128xf32, #tpu.memory_space<vmem_shared>> -> memref<80x128xf32, #tpu.memory_space<vmem_shared>>
      %dma_wait3A_114 = arith.constant 0 : i32
      %dma_wait3A_115 = tpu.memref_slice %arg11[%add3A_13, %dma_wait3A_114] : memref<10112x128xf32, #tpu.memory_space<vmem_shared>> -> memref<80x128xf32, #tpu.memory_space<vmem_shared>>
      %dma_wait3A_116 = arith.constant 0 : i32
      %dma_wait3A_117 = arith.constant 0 : i32
      %dma_wait3A_118 = tpu.memref_slice %arg7[%dma_wait3A_116, %dma_wait3A_117] : memref<80x128xf32, #tpu.memory_space<vmem>> -> memref<80x128xf32, #tpu.memory_space<vmem>>
      tpu.wait_dma2 semaphore(%run_scoped3A : memref<!tpu.dma_semaphore, #tpu.memory_space<semaphore_mem>>) src(%dma_wait3A_118 : memref<80x128xf32, #tpu.memory_space<vmem>>) dst(%dma_wait3A_115 : memref<80x128xf32, #tpu.memory_space<vmem_shared>>)
      tpu.yield
    }) : () -> ()
    %add3A_14 = arith.constant 240 : i32
    %add3A_15 = arith.addi %mul3A_2, %add3A_14 : i32
    "tpu.region"() ({
      %run_scoped3A = tpu.sem_alloc : memref<!tpu.dma_semaphore, #tpu.memory_space<semaphore_mem>>
      %dma_start3A_99 = arith.constant 0 : i32
      %dma_start3A_100 = arith.constant 0 : i32
      %dma_start3A_101 = tpu.memref_slice %arg7[%dma_start3A_99, %dma_start3A_100] : memref<80x128xf32, #tpu.memory_space<vmem>> -> memref<80x128xf32, #tpu.memory_space<vmem>>
      %dma_start3A_102 = arith.constant 0 : i32
      %dma_start3A_103 = tpu.memref_slice %arg11[%add3A_15, %dma_start3A_102] : memref<10112x128xf32, #tpu.memory_space<vmem_shared>> -> memref<80x128xf32, #tpu.memory_space<vmem_shared>>
      %dma_start3A_104 = arith.constant 0 : i32
      %dma_start3A_105 = tpu.memref_slice %arg11[%add3A_15, %dma_start3A_104] : memref<10112x128xf32, #tpu.memory_space<vmem_shared>> -> memref<80x128xf32, #tpu.memory_space<vmem_shared>>
      %dma_start3A_106 = arith.constant 0 : i32
      %dma_start3A_107 = arith.constant 0 : i32
      %dma_start3A_108 = tpu.memref_slice %arg7[%dma_start3A_106, %dma_start3A_107] : memref<80x128xf32, #tpu.memory_space<vmem>> -> memref<80x128xf32, #tpu.memory_space<vmem>>
      tpu.enqueue_dma source(%dma_start3A_108 : memref<80x128xf32, #tpu.memory_space<vmem>>) target(%dma_start3A_105 : memref<80x128xf32, #tpu.memory_space<vmem_shared>>) target_semaphore(%run_scoped3A : memref<!tpu.dma_semaphore, #tpu.memory_space<semaphore_mem>>)
      %dma_wait3A_109 = arith.constant 0 : i32
      %dma_wait3A_110 = arith.constant 0 : i32
      %dma_wait3A_111 = tpu.memref_slice %arg7[%dma_wait3A_109, %dma_wait3A_110] : memref<80x128xf32, #tpu.memory_space<vmem>> -> memref<80x128xf32, #tpu.memory_space<vmem>>
      %dma_wait3A_112 = arith.constant 0 : i32
      %dma_wait3A_113 = tpu.memref_slice %arg11[%add3A_15, %dma_wait3A_112] : memref<10112x128xf32, #tpu.memory_space<vmem_shared>> -> memref<80x128xf32, #tpu.memory_space<vmem_shared>>
      %dma_wait3A_114 = arith.constant 0 : i32
      %dma_wait3A_115 = tpu.memref_slice %arg11[%add3A_15, %dma_wait3A_114] : memref<10112x128xf32, #tpu.memory_space<vmem_shared>> -> memref<80x128xf32, #tpu.memory_space<vmem_shared>>
      %dma_wait3A_116 = arith.constant 0 : i32
      %dma_wait3A_117 = arith.constant 0 : i32
      %dma_wait3A_118 = tpu.memref_slice %arg7[%dma_wait3A_116, %dma_wait3A_117] : memref<80x128xf32, #tpu.memory_space<vmem>> -> memref<80x128xf32, #tpu.memory_space<vmem>>
      tpu.wait_dma2 semaphore(%run_scoped3A : memref<!tpu.dma_semaphore, #tpu.memory_space<semaphore_mem>>) src(%dma_wait3A_118 : memref<80x128xf32, #tpu.memory_space<vmem>>) dst(%dma_wait3A_115 : memref<80x128xf32, #tpu.memory_space<vmem_shared>>)
      tpu.yield
    }) : () -> ()
    %add3A_16 = arith.constant 320 : i32
    %add3A_17 = arith.addi %mul3A_2, %add3A_16 : i32
    "tpu.region"() ({
      %run_scoped3A = tpu.sem_alloc : memref<!tpu.dma_semaphore, #tpu.memory_space<semaphore_mem>>
      %dma_start3A_99 = arith.constant 0 : i32
      %dma_start3A_100 = arith.constant 0 : i32
      %dma_start3A_101 = tpu.memref_slice %arg7[%dma_start3A_99, %dma_start3A_100] : memref<80x128xf32, #tpu.memory_space<vmem>> -> memref<80x128xf32, #tpu.memory_space<vmem>>
      %dma_start3A_102 = arith.constant 0 : i32
      %dma_start3A_103 = tpu.memref_slice %arg11[%add3A_17, %dma_start3A_102] : memref<10112x128xf32, #tpu.memory_space<vmem_shared>> -> memref<80x128xf32, #tpu.memory_space<vmem_shared>>
      %dma_start3A_104 = arith.constant 0 : i32
      %dma_start3A_105 = tpu.memref_slice %arg11[%add3A_17, %dma_start3A_104] : memref<10112x128xf32, #tpu.memory_space<vmem_shared>> -> memref<80x128xf32, #tpu.memory_space<vmem_shared>>
      %dma_start3A_106 = arith.constant 0 : i32
      %dma_start3A_107 = arith.constant 0 : i32
      %dma_start3A_108 = tpu.memref_slice %arg7[%dma_start3A_106, %dma_start3A_107] : memref<80x128xf32, #tpu.memory_space<vmem>> -> memref<80x128xf32, #tpu.memory_space<vmem>>
      tpu.enqueue_dma source(%dma_start3A_108 : memref<80x128xf32, #tpu.memory_space<vmem>>) target(%dma_start3A_105 : memref<80x128xf32, #tpu.memory_space<vmem_shared>>) target_semaphore(%run_scoped3A : memref<!tpu.dma_semaphore, #tpu.memory_space<semaphore_mem>>)
      %dma_wait3A_109 = arith.constant 0 : i32
      %dma_wait3A_110 = arith.constant 0 : i32
      %dma_wait3A_111 = tpu.memref_slice %arg7[%dma_wait3A_109, %dma_wait3A_110] : memref<80x128xf32, #tpu.memory_space<vmem>> -> memref<80x128xf32, #tpu.memory_space<vmem>>
      %dma_wait3A_112 = arith.constant 0 : i32
      %dma_wait3A_113 = tpu.memref_slice %arg11[%add3A_17, %dma_wait3A_112] : memref<10112x128xf32, #tpu.memory_space<vmem_shared>> -> memref<80x128xf32, #tpu.memory_space<vmem_shared>>
      %dma_wait3A_114 = arith.constant 0 : i32
      %dma_wait3A_115 = tpu.memref_slice %arg11[%add3A_17, %dma_wait3A_114] : memref<10112x128xf32, #tpu.memory_space<vmem_shared>> -> memref<80x128xf32, #tpu.memory_space<vmem_shared>>
      %dma_wait3A_116 = arith.constant 0 : i32
      %dma_wait3A_117 = arith.constant 0 : i32
      %dma_wait3A_118 = tpu.memref_slice %arg7[%dma_wait3A_116, %dma_wait3A_117] : memref<80x128xf32, #tpu.memory_space<vmem>> -> memref<80x128xf32, #tpu.memory_space<vmem>>
      tpu.wait_dma2 semaphore(%run_scoped3A : memref<!tpu.dma_semaphore, #tpu.memory_space<semaphore_mem>>) src(%dma_wait3A_118 : memref<80x128xf32, #tpu.memory_space<vmem>>) dst(%dma_wait3A_115 : memref<80x128xf32, #tpu.memory_space<vmem_shared>>)
      tpu.yield
    }) : () -> ()
    %add3A_18 = arith.constant 400 : i32
    %add3A_19 = arith.addi %mul3A_2, %add3A_18 : i32
    "tpu.region"() ({
      %run_scoped3A = tpu.sem_alloc : memref<!tpu.dma_semaphore, #tpu.memory_space<semaphore_mem>>
      %dma_start3A_99 = arith.constant 0 : i32
      %dma_start3A_100 = arith.constant 0 : i32
      %dma_start3A_101 = tpu.memref_slice %arg7[%dma_start3A_99, %dma_start3A_100] : memref<80x128xf32, #tpu.memory_space<vmem>> -> memref<80x128xf32, #tpu.memory_space<vmem>>
      %dma_start3A_102 = arith.constant 0 : i32
      %dma_start3A_103 = tpu.memref_slice %arg11[%add3A_19, %dma_start3A_102] : memref<10112x128xf32, #tpu.memory_space<vmem_shared>> -> memref<80x128xf32, #tpu.memory_space<vmem_shared>>
      %dma_start3A_104 = arith.constant 0 : i32
      %dma_start3A_105 = tpu.memref_slice %arg11[%add3A_19, %dma_start3A_104] : memref<10112x128xf32, #tpu.memory_space<vmem_shared>> -> memref<80x128xf32, #tpu.memory_space<vmem_shared>>
      %dma_start3A_106 = arith.constant 0 : i32
      %dma_start3A_107 = arith.constant 0 : i32
      %dma_start3A_108 = tpu.memref_slice %arg7[%dma_start3A_106, %dma_start3A_107] : memref<80x128xf32, #tpu.memory_space<vmem>> -> memref<80x128xf32, #tpu.memory_space<vmem>>
      tpu.enqueue_dma source(%dma_start3A_108 : memref<80x128xf32, #tpu.memory_space<vmem>>) target(%dma_start3A_105 : memref<80x128xf32, #tpu.memory_space<vmem_shared>>) target_semaphore(%run_scoped3A : memref<!tpu.dma_semaphore, #tpu.memory_space<semaphore_mem>>)
      %dma_wait3A_109 = arith.constant 0 : i32
      %dma_wait3A_110 = arith.constant 0 : i32
      %dma_wait3A_111 = tpu.memref_slice %arg7[%dma_wait3A_109, %dma_wait3A_110] : memref<80x128xf32, #tpu.memory_space<vmem>> -> memref<80x128xf32, #tpu.memory_space<vmem>>
      %dma_wait3A_112 = arith.constant 0 : i32
      %dma_wait3A_113 = tpu.memref_slice %arg11[%add3A_19, %dma_wait3A_112] : memref<10112x128xf32, #tpu.memory_space<vmem_shared>> -> memref<80x128xf32, #tpu.memory_space<vmem_shared>>
      %dma_wait3A_114 = arith.constant 0 : i32
      %dma_wait3A_115 = tpu.memref_slice %arg11[%add3A_19, %dma_wait3A_114] : memref<10112x128xf32, #tpu.memory_space<vmem_shared>> -> memref<80x128xf32, #tpu.memory_space<vmem_shared>>
      %dma_wait3A_116 = arith.constant 0 : i32
      %dma_wait3A_117 = arith.constant 0 : i32
      %dma_wait3A_118 = tpu.memref_slice %arg7[%dma_wait3A_116, %dma_wait3A_117] : memref<80x128xf32, #tpu.memory_space<vmem>> -> memref<80x128xf32, #tpu.memory_space<vmem>>
      tpu.wait_dma2 semaphore(%run_scoped3A : memref<!tpu.dma_semaphore, #tpu.memory_space<semaphore_mem>>) src(%dma_wait3A_118 : memref<80x128xf32, #tpu.memory_space<vmem>>) dst(%dma_wait3A_115 : memref<80x128xf32, #tpu.memory_space<vmem_shared>>)
      tpu.yield
    }) : () -> ()
    %add3A_20 = arith.constant 480 : i32
    %add3A_21 = arith.addi %mul3A_2, %add3A_20 : i32
    "tpu.region"() ({
      %run_scoped3A = tpu.sem_alloc : memref<!tpu.dma_semaphore, #tpu.memory_space<semaphore_mem>>
      %dma_start3A_99 = arith.constant 0 : i32
      %dma_start3A_100 = arith.constant 0 : i32
      %dma_start3A_101 = tpu.memref_slice %arg7[%dma_start3A_99, %dma_start3A_100] : memref<80x128xf32, #tpu.memory_space<vmem>> -> memref<80x128xf32, #tpu.memory_space<vmem>>
      %dma_start3A_102 = arith.constant 0 : i32
      %dma_start3A_103 = tpu.memref_slice %arg11[%add3A_21, %dma_start3A_102] : memref<10112x128xf32, #tpu.memory_space<vmem_shared>> -> memref<80x128xf32, #tpu.memory_space<vmem_shared>>
      %dma_start3A_104 = arith.constant 0 : i32
      %dma_start3A_105 = tpu.memref_slice %arg11[%add3A_21, %dma_start3A_104] : memref<10112x128xf32, #tpu.memory_space<vmem_shared>> -> memref<80x128xf32, #tpu.memory_space<vmem_shared>>
      %dma_start3A_106 = arith.constant 0 : i32
      %dma_start3A_107 = arith.constant 0 : i32
      %dma_start3A_108 = tpu.memref_slice %arg7[%dma_start3A_106, %dma_start3A_107] : memref<80x128xf32, #tpu.memory_space<vmem>> -> memref<80x128xf32, #tpu.memory_space<vmem>>
      tpu.enqueue_dma source(%dma_start3A_108 : memref<80x128xf32, #tpu.memory_space<vmem>>) target(%dma_start3A_105 : memref<80x128xf32, #tpu.memory_space<vmem_shared>>) target_semaphore(%run_scoped3A : memref<!tpu.dma_semaphore, #tpu.memory_space<semaphore_mem>>)
      %dma_wait3A_109 = arith.constant 0 : i32
      %dma_wait3A_110 = arith.constant 0 : i32
      %dma_wait3A_111 = tpu.memref_slice %arg7[%dma_wait3A_109, %dma_wait3A_110] : memref<80x128xf32, #tpu.memory_space<vmem>> -> memref<80x128xf32, #tpu.memory_space<vmem>>
      %dma_wait3A_112 = arith.constant 0 : i32
      %dma_wait3A_113 = tpu.memref_slice %arg11[%add3A_21, %dma_wait3A_112] : memref<10112x128xf32, #tpu.memory_space<vmem_shared>> -> memref<80x128xf32, #tpu.memory_space<vmem_shared>>
      %dma_wait3A_114 = arith.constant 0 : i32
      %dma_wait3A_115 = tpu.memref_slice %arg11[%add3A_21, %dma_wait3A_114] : memref<10112x128xf32, #tpu.memory_space<vmem_shared>> -> memref<80x128xf32, #tpu.memory_space<vmem_shared>>
      %dma_wait3A_116 = arith.constant 0 : i32
      %dma_wait3A_117 = arith.constant 0 : i32
      %dma_wait3A_118 = tpu.memref_slice %arg7[%dma_wait3A_116, %dma_wait3A_117] : memref<80x128xf32, #tpu.memory_space<vmem>> -> memref<80x128xf32, #tpu.memory_space<vmem>>
      tpu.wait_dma2 semaphore(%run_scoped3A : memref<!tpu.dma_semaphore, #tpu.memory_space<semaphore_mem>>) src(%dma_wait3A_118 : memref<80x128xf32, #tpu.memory_space<vmem>>) dst(%dma_wait3A_115 : memref<80x128xf32, #tpu.memory_space<vmem_shared>>)
      tpu.yield
    }) : () -> ()
    %add3A_22 = arith.constant 560 : i32
    %add3A_23 = arith.addi %mul3A_2, %add3A_22 : i32
    "tpu.region"() ({
      %run_scoped3A = tpu.sem_alloc : memref<!tpu.dma_semaphore, #tpu.memory_space<semaphore_mem>>
      %dma_start3A_99 = arith.constant 0 : i32
      %dma_start3A_100 = arith.constant 0 : i32
      %dma_start3A_101 = tpu.memref_slice %arg7[%dma_start3A_99, %dma_start3A_100] : memref<80x128xf32, #tpu.memory_space<vmem>> -> memref<72x128xf32, #tpu.memory_space<vmem>>
      %dma_start3A_102 = arith.constant 0 : i32
      %dma_start3A_103 = tpu.memref_slice %arg11[%add3A_23, %dma_start3A_102] : memref<10112x128xf32, #tpu.memory_space<vmem_shared>> -> memref<72x128xf32, #tpu.memory_space<vmem_shared>>
      %dma_start3A_104 = arith.constant 0 : i32
      %dma_start3A_105 = tpu.memref_slice %arg11[%add3A_23, %dma_start3A_104] : memref<10112x128xf32, #tpu.memory_space<vmem_shared>> -> memref<72x128xf32, #tpu.memory_space<vmem_shared>>
      %dma_start3A_106 = arith.constant 0 : i32
      %dma_start3A_107 = arith.constant 0 : i32
      %dma_start3A_108 = tpu.memref_slice %arg7[%dma_start3A_106, %dma_start3A_107] : memref<80x128xf32, #tpu.memory_space<vmem>> -> memref<72x128xf32, #tpu.memory_space<vmem>>
      tpu.enqueue_dma source(%dma_start3A_108 : memref<72x128xf32, #tpu.memory_space<vmem>>) target(%dma_start3A_105 : memref<72x128xf32, #tpu.memory_space<vmem_shared>>) target_semaphore(%run_scoped3A : memref<!tpu.dma_semaphore, #tpu.memory_space<semaphore_mem>>)
      %dma_wait3A_109 = arith.constant 0 : i32
      %dma_wait3A_110 = arith.constant 0 : i32
      %dma_wait3A_111 = tpu.memref_slice %arg7[%dma_wait3A_109, %dma_wait3A_110] : memref<80x128xf32, #tpu.memory_space<vmem>> -> memref<72x128xf32, #tpu.memory_space<vmem>>
      %dma_wait3A_112 = arith.constant 0 : i32
      %dma_wait3A_113 = tpu.memref_slice %arg11[%add3A_23, %dma_wait3A_112] : memref<10112x128xf32, #tpu.memory_space<vmem_shared>> -> memref<72x128xf32, #tpu.memory_space<vmem_shared>>
      %dma_wait3A_114 = arith.constant 0 : i32
      %dma_wait3A_115 = tpu.memref_slice %arg11[%add3A_23, %dma_wait3A_114] : memref<10112x128xf32, #tpu.memory_space<vmem_shared>> -> memref<72x128xf32, #tpu.memory_space<vmem_shared>>
      %dma_wait3A_116 = arith.constant 0 : i32
      %dma_wait3A_117 = arith.constant 0 : i32
      %dma_wait3A_118 = tpu.memref_slice %arg7[%dma_wait3A_116, %dma_wait3A_117] : memref<80x128xf32, #tpu.memory_space<vmem>> -> memref<72x128xf32, #tpu.memory_space<vmem>>
      tpu.wait_dma2 semaphore(%run_scoped3A : memref<!tpu.dma_semaphore, #tpu.memory_space<semaphore_mem>>) src(%dma_wait3A_118 : memref<72x128xf32, #tpu.memory_space<vmem>>) dst(%dma_wait3A_115 : memref<72x128xf32, #tpu.memory_space<vmem_shared>>)
      tpu.yield
    }) : () -> ()
    %dma_wait3A = tpu.memref_slice %arg3[%mul3A_4] : memref<320000xi32, #tpu.memory_space<hbm>> -> memref<10000xi32, #tpu.memory_space<hbm>>
    %dma_wait3A_24 = tpu.memref_slice %arg3[%mul3A_4] : memref<320000xi32, #tpu.memory_space<hbm>> -> memref<10000xi32, #tpu.memory_space<hbm>>
    tpu.wait_dma2 semaphore(%arg14 : memref<!tpu.dma_semaphore, #tpu.memory_space<semaphore_mem>>) src(%dma_wait3A_24 : memref<10000xi32, #tpu.memory_space<hbm>>) dst(%arg9 : memref<10000xi32, #tpu.memory_space<vmem>>)
    %dma_wait3A_25 = tpu.memref_slice %arg4[%mul3A_4] : memref<320000xi32, #tpu.memory_space<hbm>> -> memref<10000xi32, #tpu.memory_space<hbm>>
    %dma_wait3A_26 = tpu.memref_slice %arg4[%mul3A_4] : memref<320000xi32, #tpu.memory_space<hbm>> -> memref<10000xi32, #tpu.memory_space<hbm>>
    tpu.wait_dma2 semaphore(%arg14 : memref<!tpu.dma_semaphore, #tpu.memory_space<semaphore_mem>>) src(%dma_wait3A_26 : memref<10000xi32, #tpu.memory_space<hbm>>) dst(%arg10 : memref<10000xi32, #tpu.memory_space<vmem>>)
    %barrier3A = arith.constant 0 : index
    tpu.barrier barrier_id(%barrier3A)
    %dma_start3A_27 = arith.constant 0 : i32
    %dma_start3A_28 = tpu.memref_slice %arg9[%dma_start3A_27] : memref<10000xi32, #tpu.memory_space<vmem>> -> memref<80xi32, #tpu.memory_space<vmem>>
    %dma_start3A_29 = arith.constant 0 : i32
    %dma_start3A_30 = arith.constant 0 : i32
    %dma_start3A_31 = tpu.memref_slice %arg2[%dma_start3A_29, %dma_start3A_30] : memref<10000x128xf32, #tpu.memory_space<hbm>> -> memref<10000x128xf32, #tpu.memory_space<hbm>>
    tpu.enqueue_indirect_dma source(%dma_start3A_31 : memref<10000x128xf32, #tpu.memory_space<hbm>>) target(%arg7 : memref<80x128xf32, #tpu.memory_space<vmem>>) offsets(%dma_start3A_28 : memref<80xi32, #tpu.memory_space<vmem>>) semaphore(%arg12 : memref<!tpu.dma_semaphore, #tpu.memory_space<semaphore_mem>>)
    %scan3A = arith.constant 0 : i32
    %scan3A_32 = arith.constant 0 : i32
    %scan3A_33 = arith.constant 62 : i32
    %scan3A_34 = arith.addi %scan3A_32, %scan3A_33 : i32
    %scan3A_35 = arith.constant 1 : i32
    scf.for %scan3A_99 = %scan3A_32 to %scan3A_34 step %scan3A_35  : i32 {
      %mul3A_100 = arith.constant 2 : i32
      %mul3A_101 = arith.muli %mul3A_100, %scan3A_99 : i32
      %add3A_102 = arith.constant 1 : i32
      %add3A_103 = arith.addi %mul3A_101, %add3A_102 : i32
      %mul3A_104 = arith.constant 80 : i32
      %mul3A_105 = arith.muli %add3A_103, %mul3A_104 : i32
      %dma_start3A_106 = tpu.memref_slice %arg9[%mul3A_105] : memref<10000xi32, #tpu.memory_space<vmem>> -> memref<80xi32, #tpu.memory_space<vmem>>
      %dma_start3A_107 = arith.constant 0 : i32
      %dma_start3A_108 = arith.constant 0 : i32
      %dma_start3A_109 = tpu.memref_slice %arg2[%dma_start3A_107, %dma_start3A_108] : memref<10000x128xf32, #tpu.memory_space<hbm>> -> memref<10000x128xf32, #tpu.memory_space<hbm>>
      tpu.enqueue_indirect_dma source(%dma_start3A_109 : memref<10000x128xf32, #tpu.memory_space<hbm>>) target(%arg8 : memref<80x128xf32, #tpu.memory_space<vmem>>) offsets(%dma_start3A_106 : memref<80xi32, #tpu.memory_space<vmem>>) semaphore(%arg13 : memref<!tpu.dma_semaphore, #tpu.memory_space<semaphore_mem>>)
      %dma_wait3A_110 = arith.constant 0 : i32
      %dma_wait3A_111 = tpu.memref_slice %arg9[%dma_wait3A_110] : memref<10000xi32, #tpu.memory_space<vmem>> -> memref<80xi32, #tpu.memory_space<vmem>>
      %dma_wait3A_112 = arith.constant 0 : i32
      %dma_wait3A_113 = arith.constant 0 : i32
      %dma_wait3A_114 = tpu.memref_slice %arg2[%dma_wait3A_112, %dma_wait3A_113] : memref<10000x128xf32, #tpu.memory_space<hbm>> -> memref<10000x128xf32, #tpu.memory_space<hbm>>
      tpu.wait_indirect_dma semaphore(%arg12 : memref<!tpu.dma_semaphore, #tpu.memory_space<semaphore_mem>>) src(%dma_wait3A_114 : memref<10000x128xf32, #tpu.memory_space<hbm>>) dst(%arg7 : memref<80x128xf32, #tpu.memory_space<vmem>>)
      %mul3A_115 = arith.constant 2 : i32
      %mul3A_116 = arith.muli %mul3A_115, %scan3A_99 : i32
      %mul3A_117 = arith.constant 80 : i32
      %mul3A_118 = arith.muli %mul3A_116, %mul3A_117 : i32
      "tpu.region"() ({
        %run_scoped3A = tpu.sem_alloc : memref<!tpu.dma_semaphore, #tpu.memory_space<semaphore_mem>>
        %dma_start3A_139 = tpu.memref_slice %arg10[%mul3A_118] : memref<10000xi32, #tpu.memory_space<vmem>> -> memref<80xi32, #tpu.memory_space<vmem>>
        %dma_start3A_140 = arith.constant 0 : i32
        %dma_start3A_141 = arith.constant 0 : i32
        %dma_start3A_142 = tpu.memref_slice %arg11[%dma_start3A_140, %dma_start3A_141] : memref<10112x128xf32, #tpu.memory_space<vmem_shared>> -> memref<10112x128xf32, #tpu.memory_space<vmem_shared>>
        tpu.enqueue_indirect_dma source(%arg7 : memref<80x128xf32, #tpu.memory_space<vmem>>) target(%dma_start3A_142 : memref<10112x128xf32, #tpu.memory_space<vmem_shared>>) offsets(%dma_start3A_139 : memref<80xi32, #tpu.memory_space<vmem>>) semaphore(%run_scoped3A : memref<!tpu.dma_semaphore, #tpu.memory_space<semaphore_mem>>) {add = true}
        %dma_wait3A_143 = tpu.memref_slice %arg10[%mul3A_118] : memref<10000xi32, #tpu.memory_space<vmem>> -> memref<80xi32, #tpu.memory_space<vmem>>
        %dma_wait3A_144 = arith.constant 0 : i32
        %dma_wait3A_145 = arith.constant 0 : i32
        %dma_wait3A_146 = tpu.memref_slice %arg11[%dma_wait3A_144, %dma_wait3A_145] : memref<10112x128xf32, #tpu.memory_space<vmem_shared>> -> memref<10112x128xf32, #tpu.memory_space<vmem_shared>>
        tpu.wait_indirect_dma semaphore(%run_scoped3A : memref<!tpu.dma_semaphore, #tpu.memory_space<semaphore_mem>>) src(%arg7 : memref<80x128xf32, #tpu.memory_space<vmem>>) dst(%dma_wait3A_146 : memref<10112x128xf32, #tpu.memory_space<vmem_shared>>)
        tpu.yield
      }) : () -> ()
      %mul3A_119 = arith.constant 2 : i32
      %mul3A_120 = arith.muli %mul3A_119, %scan3A_99 : i32
      %add3A_121 = arith.constant 2 : i32
      %add3A_122 = arith.addi %mul3A_120, %add3A_121 : i32
      %mul3A_123 = arith.constant 80 : i32
      %mul3A_124 = arith.muli %add3A_122, %mul3A_123 : i32
      %dma_start3A_125 = tpu.memref_slice %arg9[%mul3A_124] : memref<10000xi32, #tpu.memory_space<vmem>> -> memref<80xi32, #tpu.memory_space<vmem>>
      %dma_start3A_126 = arith.constant 0 : i32
      %dma_start3A_127 = arith.constant 0 : i32
      %dma_start3A_128 = tpu.memref_slice %arg2[%dma_start3A_126, %dma_start3A_127] : memref<10000x128xf32, #tpu.memory_space<hbm>> -> memref<10000x128xf32, #tpu.memory_space<hbm>>
      tpu.enqueue_indirect_dma source(%dma_start3A_128 : memref<10000x128xf32, #tpu.memory_space<hbm>>) target(%arg7 : memref<80x128xf32, #tpu.memory_space<vmem>>) offsets(%dma_start3A_125 : memref<80xi32, #tpu.memory_space<vmem>>) semaphore(%arg12 : memref<!tpu.dma_semaphore, #tpu.memory_space<semaphore_mem>>)
      %dma_wait3A_129 = tpu.memref_slice %arg9[%mul3A_105] : memref<10000xi32, #tpu.memory_space<vmem>> -> memref<80xi32, #tpu.memory_space<vmem>>
      %dma_wait3A_130 = arith.constant 0 : i32
      %dma_wait3A_131 = arith.constant 0 : i32
      %dma_wait3A_132 = tpu.memref_slice %arg2[%dma_wait3A_130, %dma_wait3A_131] : memref<10000x128xf32, #tpu.memory_space<hbm>> -> memref<10000x128xf32, #tpu.memory_space<hbm>>
      tpu.wait_indirect_dma semaphore(%arg13 : memref<!tpu.dma_semaphore, #tpu.memory_space<semaphore_mem>>) src(%dma_wait3A_132 : memref<10000x128xf32, #tpu.memory_space<hbm>>) dst(%arg8 : memref<80x128xf32, #tpu.memory_space<vmem>>)
      %mul3A_133 = arith.constant 2 : i32
      %mul3A_134 = arith.muli %mul3A_133, %scan3A_99 : i32
      %add3A_135 = arith.constant 1 : i32
      %add3A_136 = arith.addi %mul3A_134, %add3A_135 : i32
      %mul3A_137 = arith.constant 80 : i32
      %mul3A_138 = arith.muli %add3A_136, %mul3A_137 : i32
      "tpu.region"() ({
        %run_scoped3A = tpu.sem_alloc : memref<!tpu.dma_semaphore, #tpu.memory_space<semaphore_mem>>
        %dma_start3A_139 = tpu.memref_slice %arg10[%mul3A_138] : memref<10000xi32, #tpu.memory_space<vmem>> -> memref<80xi32, #tpu.memory_space<vmem>>
        %dma_start3A_140 = arith.constant 0 : i32
        %dma_start3A_141 = arith.constant 0 : i32
        %dma_start3A_142 = tpu.memref_slice %arg11[%dma_start3A_140, %dma_start3A_141] : memref<10112x128xf32, #tpu.memory_space<vmem_shared>> -> memref<10112x128xf32, #tpu.memory_space<vmem_shared>>
        tpu.enqueue_indirect_dma source(%arg8 : memref<80x128xf32, #tpu.memory_space<vmem>>) target(%dma_start3A_142 : memref<10112x128xf32, #tpu.memory_space<vmem_shared>>) offsets(%dma_start3A_139 : memref<80xi32, #tpu.memory_space<vmem>>) semaphore(%run_scoped3A : memref<!tpu.dma_semaphore, #tpu.memory_space<semaphore_mem>>) {add = true}
        %dma_wait3A_143 = tpu.memref_slice %arg10[%mul3A_138] : memref<10000xi32, #tpu.memory_space<vmem>> -> memref<80xi32, #tpu.memory_space<vmem>>
        %dma_wait3A_144 = arith.constant 0 : i32
        %dma_wait3A_145 = arith.constant 0 : i32
        %dma_wait3A_146 = tpu.memref_slice %arg11[%dma_wait3A_144, %dma_wait3A_145] : memref<10112x128xf32, #tpu.memory_space<vmem_shared>> -> memref<10112x128xf32, #tpu.memory_space<vmem_shared>>
        tpu.wait_indirect_dma semaphore(%run_scoped3A : memref<!tpu.dma_semaphore, #tpu.memory_space<semaphore_mem>>) src(%arg8 : memref<80x128xf32, #tpu.memory_space<vmem>>) dst(%dma_wait3A_146 : memref<10112x128xf32, #tpu.memory_space<vmem_shared>>)
        tpu.yield
      }) : () -> ()
    }
    %scan3A_36 = arith.constant 62 : i32
    %dma_wait3A_37 = arith.constant 0 : i32
    %dma_wait3A_38 = tpu.memref_slice %arg9[%dma_wait3A_37] : memref<10000xi32, #tpu.memory_space<vmem>> -> memref<80xi32, #tpu.memory_space<vmem>>
    %dma_wait3A_39 = arith.constant 0 : i32
    %dma_wait3A_40 = arith.constant 0 : i32
    %dma_wait3A_41 = tpu.memref_slice %arg2[%dma_wait3A_39, %dma_wait3A_40] : memref<10000x128xf32, #tpu.memory_space<hbm>> -> memref<10000x128xf32, #tpu.memory_space<hbm>>
    tpu.wait_indirect_dma semaphore(%arg12 : memref<!tpu.dma_semaphore, #tpu.memory_space<semaphore_mem>>) src(%dma_wait3A_41 : memref<10000x128xf32, #tpu.memory_space<hbm>>) dst(%arg7 : memref<80x128xf32, #tpu.memory_space<vmem>>)
    "tpu.region"() ({
      %run_scoped3A = tpu.sem_alloc : memref<!tpu.dma_semaphore, #tpu.memory_space<semaphore_mem>>
      %dma_start3A_99 = arith.constant 9920 : i32
      %dma_start3A_100 = tpu.memref_slice %arg10[%dma_start3A_99] : memref<10000xi32, #tpu.memory_space<vmem>> -> memref<80xi32, #tpu.memory_space<vmem>>
      %dma_start3A_101 = arith.constant 0 : i32
      %dma_start3A_102 = arith.constant 0 : i32
      %dma_start3A_103 = tpu.memref_slice %arg11[%dma_start3A_101, %dma_start3A_102] : memref<10112x128xf32, #tpu.memory_space<vmem_shared>> -> memref<10112x128xf32, #tpu.memory_space<vmem_shared>>
      tpu.enqueue_indirect_dma source(%arg7 : memref<80x128xf32, #tpu.memory_space<vmem>>) target(%dma_start3A_103 : memref<10112x128xf32, #tpu.memory_space<vmem_shared>>) offsets(%dma_start3A_100 : memref<80xi32, #tpu.memory_space<vmem>>) semaphore(%run_scoped3A : memref<!tpu.dma_semaphore, #tpu.memory_space<semaphore_mem>>) {add = true}
      %dma_wait3A_104 = arith.constant 9920 : i32
      %dma_wait3A_105 = tpu.memref_slice %arg10[%dma_wait3A_104] : memref<10000xi32, #tpu.memory_space<vmem>> -> memref<80xi32, #tpu.memory_space<vmem>>
      %dma_wait3A_106 = arith.constant 0 : i32
      %dma_wait3A_107 = arith.constant 0 : i32
      %dma_wait3A_108 = tpu.memref_slice %arg11[%dma_wait3A_106, %dma_wait3A_107] : memref<10112x128xf32, #tpu.memory_space<vmem_shared>> -> memref<10112x128xf32, #tpu.memory_space<vmem_shared>>
      tpu.wait_indirect_dma semaphore(%run_scoped3A : memref<!tpu.dma_semaphore, #tpu.memory_space<semaphore_mem>>) src(%arg7 : memref<80x128xf32, #tpu.memory_space<vmem>>) dst(%dma_wait3A_108 : memref<10112x128xf32, #tpu.memory_space<vmem_shared>>)
      tpu.yield
    }) : () -> ()
    %barrier3A_42 = arith.constant 0 : index
    tpu.barrier barrier_id(%barrier3A_42)
    %add3A_43 = arith.constant 0 : i32
    %add3A_44 = arith.addi %mul3A_2, %add3A_43 : i32
    "tpu.region"() ({
      %run_scoped3A = tpu.sem_alloc : memref<!tpu.dma_semaphore, #tpu.memory_space<semaphore_mem>>
      %dma_start3A_99 = arith.constant 0 : i32
      %dma_start3A_100 = arith.constant 0 : i32
      %dma_start3A_101 = tpu.memref_slice %arg7[%dma_start3A_99, %dma_start3A_100] : memref<80x128xf32, #tpu.memory_space<vmem>> -> memref<80x128xf32, #tpu.memory_space<vmem>>
      %dma_start3A_102 = arith.constant 0 : i32
      %dma_start3A_103 = tpu.memref_slice %arg11[%add3A_44, %dma_start3A_102] : memref<10112x128xf32, #tpu.memory_space<vmem_shared>> -> memref<80x128xf32, #tpu.memory_space<vmem_shared>>
      %dma_start3A_104 = arith.constant 0 : i32
      %dma_start3A_105 = arith.constant 0 : i32
      %dma_start3A_106 = tpu.memref_slice %arg7[%dma_start3A_104, %dma_start3A_105] : memref<80x128xf32, #tpu.memory_space<vmem>> -> memref<80x128xf32, #tpu.memory_space<vmem>>
      %dma_start3A_107 = arith.constant 0 : i32
      %dma_start3A_108 = tpu.memref_slice %arg11[%add3A_44, %dma_start3A_107] : memref<10112x128xf32, #tpu.memory_space<vmem_shared>> -> memref<80x128xf32, #tpu.memory_space<vmem_shared>>
      tpu.enqueue_dma source(%dma_start3A_108 : memref<80x128xf32, #tpu.memory_space<vmem_shared>>) target(%dma_start3A_106 : memref<80x128xf32, #tpu.memory_space<vmem>>) target_semaphore(%run_scoped3A : memref<!tpu.dma_semaphore, #tpu.memory_space<semaphore_mem>>)
      %dma_wait3A_109 = arith.constant 0 : i32
      %dma_wait3A_110 = arith.constant 0 : i32
      %dma_wait3A_111 = tpu.memref_slice %arg7[%dma_wait3A_109, %dma_wait3A_110] : memref<80x128xf32, #tpu.memory_space<vmem>> -> memref<80x128xf32, #tpu.memory_space<vmem>>
      %dma_wait3A_112 = arith.constant 0 : i32
      %dma_wait3A_113 = tpu.memref_slice %arg11[%add3A_44, %dma_wait3A_112] : memref<10112x128xf32, #tpu.memory_space<vmem_shared>> -> memref<80x128xf32, #tpu.memory_space<vmem_shared>>
      %dma_wait3A_114 = arith.constant 0 : i32
      %dma_wait3A_115 = arith.constant 0 : i32
      %dma_wait3A_116 = tpu.memref_slice %arg7[%dma_wait3A_114, %dma_wait3A_115] : memref<80x128xf32, #tpu.memory_space<vmem>> -> memref<80x128xf32, #tpu.memory_space<vmem>>
      %dma_wait3A_117 = arith.constant 0 : i32
      %dma_wait3A_118 = tpu.memref_slice %arg11[%add3A_44, %dma_wait3A_117] : memref<10112x128xf32, #tpu.memory_space<vmem_shared>> -> memref<80x128xf32, #tpu.memory_space<vmem_shared>>
      tpu.wait_dma2 semaphore(%run_scoped3A : memref<!tpu.dma_semaphore, #tpu.memory_space<semaphore_mem>>) src(%dma_wait3A_118 : memref<80x128xf32, #tpu.memory_space<vmem_shared>>) dst(%dma_wait3A_116 : memref<80x128xf32, #tpu.memory_space<vmem>>)
      tpu.yield
    }) : () -> ()
    %mul3A_45 = arith.constant 10112 : i32
    %mul3A_46 = arith.muli %arg0, %mul3A_45 : i32
    %add3A_47 = arith.addi %mul3A_46, %mul3A_2 : i32
    %add3A_48 = arith.constant 0 : i32
    %add3A_49 = arith.addi %add3A_47, %add3A_48 : i32
    "tpu.region"() ({
      %run_scoped3A = tpu.sem_alloc : memref<!tpu.dma_semaphore, #tpu.memory_space<semaphore_mem>>
      %dma_start3A_99 = arith.constant 0 : i32
      %dma_start3A_100 = arith.constant 0 : i32
      %dma_start3A_101 = tpu.memref_slice %arg7[%dma_start3A_99, %dma_start3A_100] : memref<80x128xf32, #tpu.memory_space<vmem>> -> memref<80x128xf32, #tpu.memory_space<vmem>>
      %dma_start3A_102 = arith.constant 0 : i32
      %dma_start3A_103 = tpu.memref_slice %arg6[%add3A_49, %dma_start3A_102] : memref<20224x128xf32, #tpu.memory_space<hbm>> -> memref<80x128xf32, #tpu.memory_space<hbm>>
      %dma_start3A_104 = arith.constant 0 : i32
      %dma_start3A_105 = tpu.memref_slice %arg6[%add3A_49, %dma_start3A_104] : memref<20224x128xf32, #tpu.memory_space<hbm>> -> memref<80x128xf32, #tpu.memory_space<hbm>>
      %dma_start3A_106 = arith.constant 0 : i32
      %dma_start3A_107 = arith.constant 0 : i32
      %dma_start3A_108 = tpu.memref_slice %arg7[%dma_start3A_106, %dma_start3A_107] : memref<80x128xf32, #tpu.memory_space<vmem>> -> memref<80x128xf32, #tpu.memory_space<vmem>>
      tpu.enqueue_dma source(%dma_start3A_108 : memref<80x128xf32, #tpu.memory_space<vmem>>) target(%dma_start3A_105 : memref<80x128xf32, #tpu.memory_space<hbm>>) target_semaphore(%run_scoped3A : memref<!tpu.dma_semaphore, #tpu.memory_space<semaphore_mem>>)
      %dma_wait3A_109 = arith.constant 0 : i32
      %dma_wait3A_110 = arith.constant 0 : i32
      %dma_wait3A_111 = tpu.memref_slice %arg7[%dma_wait3A_109, %dma_wait3A_110] : memref<80x128xf32, #tpu.memory_space<vmem>> -> memref<80x128xf32, #tpu.memory_space<vmem>>
      %dma_wait3A_112 = arith.constant 0 : i32
      %dma_wait3A_113 = tpu.memref_slice %arg6[%add3A_49, %dma_wait3A_112] : memref<20224x128xf32, #tpu.memory_space<hbm>> -> memref<80x128xf32, #tpu.memory_space<hbm>>
      %dma_wait3A_114 = arith.constant 0 : i32
      %dma_wait3A_115 = tpu.memref_slice %arg6[%add3A_49, %dma_wait3A_114] : memref<20224x128xf32, #tpu.memory_space<hbm>> -> memref<80x128xf32, #tpu.memory_space<hbm>>
      %dma_wait3A_116 = arith.constant 0 : i32
      %dma_wait3A_117 = arith.constant 0 : i32
      %dma_wait3A_118 = tpu.memref_slice %arg7[%dma_wait3A_116, %dma_wait3A_117] : memref<80x128xf32, #tpu.memory_space<vmem>> -> memref<80x128xf32, #tpu.memory_space<vmem>>
      tpu.wait_dma2 semaphore(%run_scoped3A : memref<!tpu.dma_semaphore, #tpu.memory_space<semaphore_mem>>) src(%dma_wait3A_118 : memref<80x128xf32, #tpu.memory_space<vmem>>) dst(%dma_wait3A_115 : memref<80x128xf32, #tpu.memory_space<hbm>>)
      tpu.yield
    }) : () -> ()
    %add3A_50 = arith.constant 80 : i32
    %add3A_51 = arith.addi %mul3A_2, %add3A_50 : i32
    "tpu.region"() ({
      %run_scoped3A = tpu.sem_alloc : memref<!tpu.dma_semaphore, #tpu.memory_space<semaphore_mem>>
      %dma_start3A_99 = arith.constant 0 : i32
      %dma_start3A_100 = arith.constant 0 : i32
      %dma_start3A_101 = tpu.memref_slice %arg7[%dma_start3A_99, %dma_start3A_100] : memref<80x128xf32, #tpu.memory_space<vmem>> -> memref<80x128xf32, #tpu.memory_space<vmem>>
      %dma_start3A_102 = arith.constant 0 : i32
      %dma_start3A_103 = tpu.memref_slice %arg11[%add3A_51, %dma_start3A_102] : memref<10112x128xf32, #tpu.memory_space<vmem_shared>> -> memref<80x128xf32, #tpu.memory_space<vmem_shared>>
      %dma_start3A_104 = arith.constant 0 : i32
      %dma_start3A_105 = arith.constant 0 : i32
      %dma_start3A_106 = tpu.memref_slice %arg7[%dma_start3A_104, %dma_start3A_105] : memref<80x128xf32, #tpu.memory_space<vmem>> -> memref<80x128xf32, #tpu.memory_space<vmem>>
      %dma_start3A_107 = arith.constant 0 : i32
      %dma_start3A_108 = tpu.memref_slice %arg11[%add3A_51, %dma_start3A_107] : memref<10112x128xf32, #tpu.memory_space<vmem_shared>> -> memref<80x128xf32, #tpu.memory_space<vmem_shared>>
      tpu.enqueue_dma source(%dma_start3A_108 : memref<80x128xf32, #tpu.memory_space<vmem_shared>>) target(%dma_start3A_106 : memref<80x128xf32, #tpu.memory_space<vmem>>) target_semaphore(%run_scoped3A : memref<!tpu.dma_semaphore, #tpu.memory_space<semaphore_mem>>)
      %dma_wait3A_109 = arith.constant 0 : i32
      %dma_wait3A_110 = arith.constant 0 : i32
      %dma_wait3A_111 = tpu.memref_slice %arg7[%dma_wait3A_109, %dma_wait3A_110] : memref<80x128xf32, #tpu.memory_space<vmem>> -> memref<80x128xf32, #tpu.memory_space<vmem>>
      %dma_wait3A_112 = arith.constant 0 : i32
      %dma_wait3A_113 = tpu.memref_slice %arg11[%add3A_51, %dma_wait3A_112] : memref<10112x128xf32, #tpu.memory_space<vmem_shared>> -> memref<80x128xf32, #tpu.memory_space<vmem_shared>>
      %dma_wait3A_114 = arith.constant 0 : i32
      %dma_wait3A_115 = arith.constant 0 : i32
      %dma_wait3A_116 = tpu.memref_slice %arg7[%dma_wait3A_114, %dma_wait3A_115] : memref<80x128xf32, #tpu.memory_space<vmem>> -> memref<80x128xf32, #tpu.memory_space<vmem>>
      %dma_wait3A_117 = arith.constant 0 : i32
      %dma_wait3A_118 = tpu.memref_slice %arg11[%add3A_51, %dma_wait3A_117] : memref<10112x128xf32, #tpu.memory_space<vmem_shared>> -> memref<80x128xf32, #tpu.memory_space<vmem_shared>>
      tpu.wait_dma2 semaphore(%run_scoped3A : memref<!tpu.dma_semaphore, #tpu.memory_space<semaphore_mem>>) src(%dma_wait3A_118 : memref<80x128xf32, #tpu.memory_space<vmem_shared>>) dst(%dma_wait3A_116 : memref<80x128xf32, #tpu.memory_space<vmem>>)
      tpu.yield
    }) : () -> ()
    %mul3A_52 = arith.constant 10112 : i32
    %mul3A_53 = arith.muli %arg0, %mul3A_52 : i32
    %add3A_54 = arith.addi %mul3A_53, %mul3A_2 : i32
    %add3A_55 = arith.constant 80 : i32
    %add3A_56 = arith.addi %add3A_54, %add3A_55 : i32
    "tpu.region"() ({
      %run_scoped3A = tpu.sem_alloc : memref<!tpu.dma_semaphore, #tpu.memory_space<semaphore_mem>>
      %dma_start3A_99 = arith.constant 0 : i32
      %dma_start3A_100 = arith.constant 0 : i32
      %dma_start3A_101 = tpu.memref_slice %arg7[%dma_start3A_99, %dma_start3A_100] : memref<80x128xf32, #tpu.memory_space<vmem>> -> memref<80x128xf32, #tpu.memory_space<vmem>>
      %dma_start3A_102 = arith.constant 0 : i32
      %dma_start3A_103 = tpu.memref_slice %arg6[%add3A_56, %dma_start3A_102] : memref<20224x128xf32, #tpu.memory_space<hbm>> -> memref<80x128xf32, #tpu.memory_space<hbm>>
      %dma_start3A_104 = arith.constant 0 : i32
      %dma_start3A_105 = tpu.memref_slice %arg6[%add3A_56, %dma_start3A_104] : memref<20224x128xf32, #tpu.memory_space<hbm>> -> memref<80x128xf32, #tpu.memory_space<hbm>>
      %dma_start3A_106 = arith.constant 0 : i32
      %dma_start3A_107 = arith.constant 0 : i32
      %dma_start3A_108 = tpu.memref_slice %arg7[%dma_start3A_106, %dma_start3A_107] : memref<80x128xf32, #tpu.memory_space<vmem>> -> memref<80x128xf32, #tpu.memory_space<vmem>>
      tpu.enqueue_dma source(%dma_start3A_108 : memref<80x128xf32, #tpu.memory_space<vmem>>) target(%dma_start3A_105 : memref<80x128xf32, #tpu.memory_space<hbm>>) target_semaphore(%run_scoped3A : memref<!tpu.dma_semaphore, #tpu.memory_space<semaphore_mem>>)
      %dma_wait3A_109 = arith.constant 0 : i32
      %dma_wait3A_110 = arith.constant 0 : i32
      %dma_wait3A_111 = tpu.memref_slice %arg7[%dma_wait3A_109, %dma_wait3A_110] : memref<80x128xf32, #tpu.memory_space<vmem>> -> memref<80x128xf32, #tpu.memory_space<vmem>>
      %dma_wait3A_112 = arith.constant 0 : i32
      %dma_wait3A_113 = tpu.memref_slice %arg6[%add3A_56, %dma_wait3A_112] : memref<20224x128xf32, #tpu.memory_space<hbm>> -> memref<80x128xf32, #tpu.memory_space<hbm>>
      %dma_wait3A_114 = arith.constant 0 : i32
      %dma_wait3A_115 = tpu.memref_slice %arg6[%add3A_56, %dma_wait3A_114] : memref<20224x128xf32, #tpu.memory_space<hbm>> -> memref<80x128xf32, #tpu.memory_space<hbm>>
      %dma_wait3A_116 = arith.constant 0 : i32
      %dma_wait3A_117 = arith.constant 0 : i32
      %dma_wait3A_118 = tpu.memref_slice %arg7[%dma_wait3A_116, %dma_wait3A_117] : memref<80x128xf32, #tpu.memory_space<vmem>> -> memref<80x128xf32, #tpu.memory_space<vmem>>
      tpu.wait_dma2 semaphore(%run_scoped3A : memref<!tpu.dma_semaphore, #tpu.memory_space<semaphore_mem>>) src(%dma_wait3A_118 : memref<80x128xf32, #tpu.memory_space<vmem>>) dst(%dma_wait3A_115 : memref<80x128xf32, #tpu.memory_space<hbm>>)
      tpu.yield
    }) : () -> ()
    %add3A_57 = arith.constant 160 : i32
    %add3A_58 = arith.addi %mul3A_2, %add3A_57 : i32
    "tpu.region"() ({
      %run_scoped3A = tpu.sem_alloc : memref<!tpu.dma_semaphore, #tpu.memory_space<semaphore_mem>>
      %dma_start3A_99 = arith.constant 0 : i32
      %dma_start3A_100 = arith.constant 0 : i32
      %dma_start3A_101 = tpu.memref_slice %arg7[%dma_start3A_99, %dma_start3A_100] : memref<80x128xf32, #tpu.memory_space<vmem>> -> memref<80x128xf32, #tpu.memory_space<vmem>>
      %dma_start3A_102 = arith.constant 0 : i32
      %dma_start3A_103 = tpu.memref_slice %arg11[%add3A_58, %dma_start3A_102] : memref<10112x128xf32, #tpu.memory_space<vmem_shared>> -> memref<80x128xf32, #tpu.memory_space<vmem_shared>>
      %dma_start3A_104 = arith.constant 0 : i32
      %dma_start3A_105 = arith.constant 0 : i32
      %dma_start3A_106 = tpu.memref_slice %arg7[%dma_start3A_104, %dma_start3A_105] : memref<80x128xf32, #tpu.memory_space<vmem>> -> memref<80x128xf32, #tpu.memory_space<vmem>>
      %dma_start3A_107 = arith.constant 0 : i32
      %dma_start3A_108 = tpu.memref_slice %arg11[%add3A_58, %dma_start3A_107] : memref<10112x128xf32, #tpu.memory_space<vmem_shared>> -> memref<80x128xf32, #tpu.memory_space<vmem_shared>>
      tpu.enqueue_dma source(%dma_start3A_108 : memref<80x128xf32, #tpu.memory_space<vmem_shared>>) target(%dma_start3A_106 : memref<80x128xf32, #tpu.memory_space<vmem>>) target_semaphore(%run_scoped3A : memref<!tpu.dma_semaphore, #tpu.memory_space<semaphore_mem>>)
      %dma_wait3A_109 = arith.constant 0 : i32
      %dma_wait3A_110 = arith.constant 0 : i32
      %dma_wait3A_111 = tpu.memref_slice %arg7[%dma_wait3A_109, %dma_wait3A_110] : memref<80x128xf32, #tpu.memory_space<vmem>> -> memref<80x128xf32, #tpu.memory_space<vmem>>
      %dma_wait3A_112 = arith.constant 0 : i32
      %dma_wait3A_113 = tpu.memref_slice %arg11[%add3A_58, %dma_wait3A_112] : memref<10112x128xf32, #tpu.memory_space<vmem_shared>> -> memref<80x128xf32, #tpu.memory_space<vmem_shared>>
      %dma_wait3A_114 = arith.constant 0 : i32
      %dma_wait3A_115 = arith.constant 0 : i32
      %dma_wait3A_116 = tpu.memref_slice %arg7[%dma_wait3A_114, %dma_wait3A_115] : memref<80x128xf32, #tpu.memory_space<vmem>> -> memref<80x128xf32, #tpu.memory_space<vmem>>
      %dma_wait3A_117 = arith.constant 0 : i32
      %dma_wait3A_118 = tpu.memref_slice %arg11[%add3A_58, %dma_wait3A_117] : memref<10112x128xf32, #tpu.memory_space<vmem_shared>> -> memref<80x128xf32, #tpu.memory_space<vmem_shared>>
      tpu.wait_dma2 semaphore(%run_scoped3A : memref<!tpu.dma_semaphore, #tpu.memory_space<semaphore_mem>>) src(%dma_wait3A_118 : memref<80x128xf32, #tpu.memory_space<vmem_shared>>) dst(%dma_wait3A_116 : memref<80x128xf32, #tpu.memory_space<vmem>>)
      tpu.yield
    }) : () -> ()
    %mul3A_59 = arith.constant 10112 : i32
    %mul3A_60 = arith.muli %arg0, %mul3A_59 : i32
    %add3A_61 = arith.addi %mul3A_60, %mul3A_2 : i32
    %add3A_62 = arith.constant 160 : i32
    %add3A_63 = arith.addi %add3A_61, %add3A_62 : i32
    "tpu.region"() ({
      %run_scoped3A = tpu.sem_alloc : memref<!tpu.dma_semaphore, #tpu.memory_space<semaphore_mem>>
      %dma_start3A_99 = arith.constant 0 : i32
      %dma_start3A_100 = arith.constant 0 : i32
      %dma_start3A_101 = tpu.memref_slice %arg7[%dma_start3A_99, %dma_start3A_100] : memref<80x128xf32, #tpu.memory_space<vmem>> -> memref<80x128xf32, #tpu.memory_space<vmem>>
      %dma_start3A_102 = arith.constant 0 : i32
      %dma_start3A_103 = tpu.memref_slice %arg6[%add3A_63, %dma_start3A_102] : memref<20224x128xf32, #tpu.memory_space<hbm>> -> memref<80x128xf32, #tpu.memory_space<hbm>>
      %dma_start3A_104 = arith.constant 0 : i32
      %dma_start3A_105 = tpu.memref_slice %arg6[%add3A_63, %dma_start3A_104] : memref<20224x128xf32, #tpu.memory_space<hbm>> -> memref<80x128xf32, #tpu.memory_space<hbm>>
      %dma_start3A_106 = arith.constant 0 : i32
      %dma_start3A_107 = arith.constant 0 : i32
      %dma_start3A_108 = tpu.memref_slice %arg7[%dma_start3A_106, %dma_start3A_107] : memref<80x128xf32, #tpu.memory_space<vmem>> -> memref<80x128xf32, #tpu.memory_space<vmem>>
      tpu.enqueue_dma source(%dma_start3A_108 : memref<80x128xf32, #tpu.memory_space<vmem>>) target(%dma_start3A_105 : memref<80x128xf32, #tpu.memory_space<hbm>>) target_semaphore(%run_scoped3A : memref<!tpu.dma_semaphore, #tpu.memory_space<semaphore_mem>>)
      %dma_wait3A_109 = arith.constant 0 : i32
      %dma_wait3A_110 = arith.constant 0 : i32
      %dma_wait3A_111 = tpu.memref_slice %arg7[%dma_wait3A_109, %dma_wait3A_110] : memref<80x128xf32, #tpu.memory_space<vmem>> -> memref<80x128xf32, #tpu.memory_space<vmem>>
      %dma_wait3A_112 = arith.constant 0 : i32
      %dma_wait3A_113 = tpu.memref_slice %arg6[%add3A_63, %dma_wait3A_112] : memref<20224x128xf32, #tpu.memory_space<hbm>> -> memref<80x128xf32, #tpu.memory_space<hbm>>
      %dma_wait3A_114 = arith.constant 0 : i32
      %dma_wait3A_115 = tpu.memref_slice %arg6[%add3A_63, %dma_wait3A_114] : memref<20224x128xf32, #tpu.memory_space<hbm>> -> memref<80x128xf32, #tpu.memory_space<hbm>>
      %dma_wait3A_116 = arith.constant 0 : i32
      %dma_wait3A_117 = arith.constant 0 : i32
      %dma_wait3A_118 = tpu.memref_slice %arg7[%dma_wait3A_116, %dma_wait3A_117] : memref<80x128xf32, #tpu.memory_space<vmem>> -> memref<80x128xf32, #tpu.memory_space<vmem>>
      tpu.wait_dma2 semaphore(%run_scoped3A : memref<!tpu.dma_semaphore, #tpu.memory_space<semaphore_mem>>) src(%dma_wait3A_118 : memref<80x128xf32, #tpu.memory_space<vmem>>) dst(%dma_wait3A_115 : memref<80x128xf32, #tpu.memory_space<hbm>>)
      tpu.yield
    }) : () -> ()
    %add3A_64 = arith.constant 240 : i32
    %add3A_65 = arith.addi %mul3A_2, %add3A_64 : i32
    "tpu.region"() ({
      %run_scoped3A = tpu.sem_alloc : memref<!tpu.dma_semaphore, #tpu.memory_space<semaphore_mem>>
      %dma_start3A_99 = arith.constant 0 : i32
      %dma_start3A_100 = arith.constant 0 : i32
      %dma_start3A_101 = tpu.memref_slice %arg7[%dma_start3A_99, %dma_start3A_100] : memref<80x128xf32, #tpu.memory_space<vmem>> -> memref<80x128xf32, #tpu.memory_space<vmem>>
      %dma_start3A_102 = arith.constant 0 : i32
      %dma_start3A_103 = tpu.memref_slice %arg11[%add3A_65, %dma_start3A_102] : memref<10112x128xf32, #tpu.memory_space<vmem_shared>> -> memref<80x128xf32, #tpu.memory_space<vmem_shared>>
      %dma_start3A_104 = arith.constant 0 : i32
      %dma_start3A_105 = arith.constant 0 : i32
      %dma_start3A_106 = tpu.memref_slice %arg7[%dma_start3A_104, %dma_start3A_105] : memref<80x128xf32, #tpu.memory_space<vmem>> -> memref<80x128xf32, #tpu.memory_space<vmem>>
      %dma_start3A_107 = arith.constant 0 : i32
      %dma_start3A_108 = tpu.memref_slice %arg11[%add3A_65, %dma_start3A_107] : memref<10112x128xf32, #tpu.memory_space<vmem_shared>> -> memref<80x128xf32, #tpu.memory_space<vmem_shared>>
      tpu.enqueue_dma source(%dma_start3A_108 : memref<80x128xf32, #tpu.memory_space<vmem_shared>>) target(%dma_start3A_106 : memref<80x128xf32, #tpu.memory_space<vmem>>) target_semaphore(%run_scoped3A : memref<!tpu.dma_semaphore, #tpu.memory_space<semaphore_mem>>)
      %dma_wait3A_109 = arith.constant 0 : i32
      %dma_wait3A_110 = arith.constant 0 : i32
      %dma_wait3A_111 = tpu.memref_slice %arg7[%dma_wait3A_109, %dma_wait3A_110] : memref<80x128xf32, #tpu.memory_space<vmem>> -> memref<80x128xf32, #tpu.memory_space<vmem>>
      %dma_wait3A_112 = arith.constant 0 : i32
      %dma_wait3A_113 = tpu.memref_slice %arg11[%add3A_65, %dma_wait3A_112] : memref<10112x128xf32, #tpu.memory_space<vmem_shared>> -> memref<80x128xf32, #tpu.memory_space<vmem_shared>>
      %dma_wait3A_114 = arith.constant 0 : i32
      %dma_wait3A_115 = arith.constant 0 : i32
      %dma_wait3A_116 = tpu.memref_slice %arg7[%dma_wait3A_114, %dma_wait3A_115] : memref<80x128xf32, #tpu.memory_space<vmem>> -> memref<80x128xf32, #tpu.memory_space<vmem>>
      %dma_wait3A_117 = arith.constant 0 : i32
      %dma_wait3A_118 = tpu.memref_slice %arg11[%add3A_65, %dma_wait3A_117] : memref<10112x128xf32, #tpu.memory_space<vmem_shared>> -> memref<80x128xf32, #tpu.memory_space<vmem_shared>>
      tpu.wait_dma2 semaphore(%run_scoped3A : memref<!tpu.dma_semaphore, #tpu.memory_space<semaphore_mem>>) src(%dma_wait3A_118 : memref<80x128xf32, #tpu.memory_space<vmem_shared>>) dst(%dma_wait3A_116 : memref<80x128xf32, #tpu.memory_space<vmem>>)
      tpu.yield
    }) : () -> ()
    %mul3A_66 = arith.constant 10112 : i32
    %mul3A_67 = arith.muli %arg0, %mul3A_66 : i32
    %add3A_68 = arith.addi %mul3A_67, %mul3A_2 : i32
    %add3A_69 = arith.constant 240 : i32
    %add3A_70 = arith.addi %add3A_68, %add3A_69 : i32
    "tpu.region"() ({
      %run_scoped3A = tpu.sem_alloc : memref<!tpu.dma_semaphore, #tpu.memory_space<semaphore_mem>>
      %dma_start3A_99 = arith.constant 0 : i32
      %dma_start3A_100 = arith.constant 0 : i32
      %dma_start3A_101 = tpu.memref_slice %arg7[%dma_start3A_99, %dma_start3A_100] : memref<80x128xf32, #tpu.memory_space<vmem>> -> memref<80x128xf32, #tpu.memory_space<vmem>>
      %dma_start3A_102 = arith.constant 0 : i32
      %dma_start3A_103 = tpu.memref_slice %arg6[%add3A_70, %dma_start3A_102] : memref<20224x128xf32, #tpu.memory_space<hbm>> -> memref<80x128xf32, #tpu.memory_space<hbm>>
      %dma_start3A_104 = arith.constant 0 : i32
      %dma_start3A_105 = tpu.memref_slice %arg6[%add3A_70, %dma_start3A_104] : memref<20224x128xf32, #tpu.memory_space<hbm>> -> memref<80x128xf32, #tpu.memory_space<hbm>>
      %dma_start3A_106 = arith.constant 0 : i32
      %dma_start3A_107 = arith.constant 0 : i32
      %dma_start3A_108 = tpu.memref_slice %arg7[%dma_start3A_106, %dma_start3A_107] : memref<80x128xf32, #tpu.memory_space<vmem>> -> memref<80x128xf32, #tpu.memory_space<vmem>>
      tpu.enqueue_dma source(%dma_start3A_108 : memref<80x128xf32, #tpu.memory_space<vmem>>) target(%dma_start3A_105 : memref<80x128xf32, #tpu.memory_space<hbm>>) target_semaphore(%run_scoped3A : memref<!tpu.dma_semaphore, #tpu.memory_space<semaphore_mem>>)
      %dma_wait3A_109 = arith.constant 0 : i32
      %dma_wait3A_110 = arith.constant 0 : i32
      %dma_wait3A_111 = tpu.memref_slice %arg7[%dma_wait3A_109, %dma_wait3A_110] : memref<80x128xf32, #tpu.memory_space<vmem>> -> memref<80x128xf32, #tpu.memory_space<vmem>>
      %dma_wait3A_112 = arith.constant 0 : i32
      %dma_wait3A_113 = tpu.memref_slice %arg6[%add3A_70, %dma_wait3A_112] : memref<20224x128xf32, #tpu.memory_space<hbm>> -> memref<80x128xf32, #tpu.memory_space<hbm>>
      %dma_wait3A_114 = arith.constant 0 : i32
      %dma_wait3A_115 = tpu.memref_slice %arg6[%add3A_70, %dma_wait3A_114] : memref<20224x128xf32, #tpu.memory_space<hbm>> -> memref<80x128xf32, #tpu.memory_space<hbm>>
      %dma_wait3A_116 = arith.constant 0 : i32
      %dma_wait3A_117 = arith.constant 0 : i32
      %dma_wait3A_118 = tpu.memref_slice %arg7[%dma_wait3A_116, %dma_wait3A_117] : memref<80x128xf32, #tpu.memory_space<vmem>> -> memref<80x128xf32, #tpu.memory_space<vmem>>
      tpu.wait_dma2 semaphore(%run_scoped3A : memref<!tpu.dma_semaphore, #tpu.memory_space<semaphore_mem>>) src(%dma_wait3A_118 : memref<80x128xf32, #tpu.memory_space<vmem>>) dst(%dma_wait3A_115 : memref<80x128xf32, #tpu.memory_space<hbm>>)
      tpu.yield
    }) : () -> ()
    %add3A_71 = arith.constant 320 : i32
    %add3A_72 = arith.addi %mul3A_2, %add3A_71 : i32
    "tpu.region"() ({
      %run_scoped3A = tpu.sem_alloc : memref<!tpu.dma_semaphore, #tpu.memory_space<semaphore_mem>>
      %dma_start3A_99 = arith.constant 0 : i32
      %dma_start3A_100 = arith.constant 0 : i32
      %dma_start3A_101 = tpu.memref_slice %arg7[%dma_start3A_99, %dma_start3A_100] : memref<80x128xf32, #tpu.memory_space<vmem>> -> memref<80x128xf32, #tpu.memory_space<vmem>>
      %dma_start3A_102 = arith.constant 0 : i32
      %dma_start3A_103 = tpu.memref_slice %arg11[%add3A_72, %dma_start3A_102] : memref<10112x128xf32, #tpu.memory_space<vmem_shared>> -> memref<80x128xf32, #tpu.memory_space<vmem_shared>>
      %dma_start3A_104 = arith.constant 0 : i32
      %dma_start3A_105 = arith.constant 0 : i32
      %dma_start3A_106 = tpu.memref_slice %arg7[%dma_start3A_104, %dma_start3A_105] : memref<80x128xf32, #tpu.memory_space<vmem>> -> memref<80x128xf32, #tpu.memory_space<vmem>>
      %dma_start3A_107 = arith.constant 0 : i32
      %dma_start3A_108 = tpu.memref_slice %arg11[%add3A_72, %dma_start3A_107] : memref<10112x128xf32, #tpu.memory_space<vmem_shared>> -> memref<80x128xf32, #tpu.memory_space<vmem_shared>>
      tpu.enqueue_dma source(%dma_start3A_108 : memref<80x128xf32, #tpu.memory_space<vmem_shared>>) target(%dma_start3A_106 : memref<80x128xf32, #tpu.memory_space<vmem>>) target_semaphore(%run_scoped3A : memref<!tpu.dma_semaphore, #tpu.memory_space<semaphore_mem>>)
      %dma_wait3A_109 = arith.constant 0 : i32
      %dma_wait3A_110 = arith.constant 0 : i32
      %dma_wait3A_111 = tpu.memref_slice %arg7[%dma_wait3A_109, %dma_wait3A_110] : memref<80x128xf32, #tpu.memory_space<vmem>> -> memref<80x128xf32, #tpu.memory_space<vmem>>
      %dma_wait3A_112 = arith.constant 0 : i32
      %dma_wait3A_113 = tpu.memref_slice %arg11[%add3A_72, %dma_wait3A_112] : memref<10112x128xf32, #tpu.memory_space<vmem_shared>> -> memref<80x128xf32, #tpu.memory_space<vmem_shared>>
      %dma_wait3A_114 = arith.constant 0 : i32
      %dma_wait3A_115 = arith.constant 0 : i32
      %dma_wait3A_116 = tpu.memref_slice %arg7[%dma_wait3A_114, %dma_wait3A_115] : memref<80x128xf32, #tpu.memory_space<vmem>> -> memref<80x128xf32, #tpu.memory_space<vmem>>
      %dma_wait3A_117 = arith.constant 0 : i32
      %dma_wait3A_118 = tpu.memref_slice %arg11[%add3A_72, %dma_wait3A_117] : memref<10112x128xf32, #tpu.memory_space<vmem_shared>> -> memref<80x128xf32, #tpu.memory_space<vmem_shared>>
      tpu.wait_dma2 semaphore(%run_scoped3A : memref<!tpu.dma_semaphore, #tpu.memory_space<semaphore_mem>>) src(%dma_wait3A_118 : memref<80x128xf32, #tpu.memory_space<vmem_shared>>) dst(%dma_wait3A_116 : memref<80x128xf32, #tpu.memory_space<vmem>>)
      tpu.yield
    }) : () -> ()
    %mul3A_73 = arith.constant 10112 : i32
    %mul3A_74 = arith.muli %arg0, %mul3A_73 : i32
    %add3A_75 = arith.addi %mul3A_74, %mul3A_2 : i32
    %add3A_76 = arith.constant 320 : i32
    %add3A_77 = arith.addi %add3A_75, %add3A_76 : i32
    "tpu.region"() ({
      %run_scoped3A = tpu.sem_alloc : memref<!tpu.dma_semaphore, #tpu.memory_space<semaphore_mem>>
      %dma_start3A_99 = arith.constant 0 : i32
      %dma_start3A_100 = arith.constant 0 : i32
      %dma_start3A_101 = tpu.memref_slice %arg7[%dma_start3A_99, %dma_start3A_100] : memref<80x128xf32, #tpu.memory_space<vmem>> -> memref<80x128xf32, #tpu.memory_space<vmem>>
      %dma_start3A_102 = arith.constant 0 : i32
      %dma_start3A_103 = tpu.memref_slice %arg6[%add3A_77, %dma_start3A_102] : memref<20224x128xf32, #tpu.memory_space<hbm>> -> memref<80x128xf32, #tpu.memory_space<hbm>>
      %dma_start3A_104 = arith.constant 0 : i32
      %dma_start3A_105 = tpu.memref_slice %arg6[%add3A_77, %dma_start3A_104] : memref<20224x128xf32, #tpu.memory_space<hbm>> -> memref<80x128xf32, #tpu.memory_space<hbm>>
      %dma_start3A_106 = arith.constant 0 : i32
      %dma_start3A_107 = arith.constant 0 : i32
      %dma_start3A_108 = tpu.memref_slice %arg7[%dma_start3A_106, %dma_start3A_107] : memref<80x128xf32, #tpu.memory_space<vmem>> -> memref<80x128xf32, #tpu.memory_space<vmem>>
      tpu.enqueue_dma source(%dma_start3A_108 : memref<80x128xf32, #tpu.memory_space<vmem>>) target(%dma_start3A_105 : memref<80x128xf32, #tpu.memory_space<hbm>>) target_semaphore(%run_scoped3A : memref<!tpu.dma_semaphore, #tpu.memory_space<semaphore_mem>>)
      %dma_wait3A_109 = arith.constant 0 : i32
      %dma_wait3A_110 = arith.constant 0 : i32
      %dma_wait3A_111 = tpu.memref_slice %arg7[%dma_wait3A_109, %dma_wait3A_110] : memref<80x128xf32, #tpu.memory_space<vmem>> -> memref<80x128xf32, #tpu.memory_space<vmem>>
      %dma_wait3A_112 = arith.constant 0 : i32
      %dma_wait3A_113 = tpu.memref_slice %arg6[%add3A_77, %dma_wait3A_112] : memref<20224x128xf32, #tpu.memory_space<hbm>> -> memref<80x128xf32, #tpu.memory_space<hbm>>
      %dma_wait3A_114 = arith.constant 0 : i32
      %dma_wait3A_115 = tpu.memref_slice %arg6[%add3A_77, %dma_wait3A_114] : memref<20224x128xf32, #tpu.memory_space<hbm>> -> memref<80x128xf32, #tpu.memory_space<hbm>>
      %dma_wait3A_116 = arith.constant 0 : i32
      %dma_wait3A_117 = arith.constant 0 : i32
      %dma_wait3A_118 = tpu.memref_slice %arg7[%dma_wait3A_116, %dma_wait3A_117] : memref<80x128xf32, #tpu.memory_space<vmem>> -> memref<80x128xf32, #tpu.memory_space<vmem>>
      tpu.wait_dma2 semaphore(%run_scoped3A : memref<!tpu.dma_semaphore, #tpu.memory_space<semaphore_mem>>) src(%dma_wait3A_118 : memref<80x128xf32, #tpu.memory_space<vmem>>) dst(%dma_wait3A_115 : memref<80x128xf32, #tpu.memory_space<hbm>>)
      tpu.yield
    }) : () -> ()
    %add3A_78 = arith.constant 400 : i32
    %add3A_79 = arith.addi %mul3A_2, %add3A_78 : i32
    "tpu.region"() ({
      %run_scoped3A = tpu.sem_alloc : memref<!tpu.dma_semaphore, #tpu.memory_space<semaphore_mem>>
      %dma_start3A_99 = arith.constant 0 : i32
      %dma_start3A_100 = arith.constant 0 : i32
      %dma_start3A_101 = tpu.memref_slice %arg7[%dma_start3A_99, %dma_start3A_100] : memref<80x128xf32, #tpu.memory_space<vmem>> -> memref<80x128xf32, #tpu.memory_space<vmem>>
      %dma_start3A_102 = arith.constant 0 : i32
      %dma_start3A_103 = tpu.memref_slice %arg11[%add3A_79, %dma_start3A_102] : memref<10112x128xf32, #tpu.memory_space<vmem_shared>> -> memref<80x128xf32, #tpu.memory_space<vmem_shared>>
      %dma_start3A_104 = arith.constant 0 : i32
      %dma_start3A_105 = arith.constant 0 : i32
      %dma_start3A_106 = tpu.memref_slice %arg7[%dma_start3A_104, %dma_start3A_105] : memref<80x128xf32, #tpu.memory_space<vmem>> -> memref<80x128xf32, #tpu.memory_space<vmem>>
      %dma_start3A_107 = arith.constant 0 : i32
      %dma_start3A_108 = tpu.memref_slice %arg11[%add3A_79, %dma_start3A_107] : memref<10112x128xf32, #tpu.memory_space<vmem_shared>> -> memref<80x128xf32, #tpu.memory_space<vmem_shared>>
      tpu.enqueue_dma source(%dma_start3A_108 : memref<80x128xf32, #tpu.memory_space<vmem_shared>>) target(%dma_start3A_106 : memref<80x128xf32, #tpu.memory_space<vmem>>) target_semaphore(%run_scoped3A : memref<!tpu.dma_semaphore, #tpu.memory_space<semaphore_mem>>)
      %dma_wait3A_109 = arith.constant 0 : i32
      %dma_wait3A_110 = arith.constant 0 : i32
      %dma_wait3A_111 = tpu.memref_slice %arg7[%dma_wait3A_109, %dma_wait3A_110] : memref<80x128xf32, #tpu.memory_space<vmem>> -> memref<80x128xf32, #tpu.memory_space<vmem>>
      %dma_wait3A_112 = arith.constant 0 : i32
      %dma_wait3A_113 = tpu.memref_slice %arg11[%add3A_79, %dma_wait3A_112] : memref<10112x128xf32, #tpu.memory_space<vmem_shared>> -> memref<80x128xf32, #tpu.memory_space<vmem_shared>>
      %dma_wait3A_114 = arith.constant 0 : i32
      %dma_wait3A_115 = arith.constant 0 : i32
      %dma_wait3A_116 = tpu.memref_slice %arg7[%dma_wait3A_114, %dma_wait3A_115] : memref<80x128xf32, #tpu.memory_space<vmem>> -> memref<80x128xf32, #tpu.memory_space<vmem>>
      %dma_wait3A_117 = arith.constant 0 : i32
      %dma_wait3A_118 = tpu.memref_slice %arg11[%add3A_79, %dma_wait3A_117] : memref<10112x128xf32, #tpu.memory_space<vmem_shared>> -> memref<80x128xf32, #tpu.memory_space<vmem_shared>>
      tpu.wait_dma2 semaphore(%run_scoped3A : memref<!tpu.dma_semaphore, #tpu.memory_space<semaphore_mem>>) src(%dma_wait3A_118 : memref<80x128xf32, #tpu.memory_space<vmem_shared>>) dst(%dma_wait3A_116 : memref<80x128xf32, #tpu.memory_space<vmem>>)
      tpu.yield
    }) : () -> ()
    %mul3A_80 = arith.constant 10112 : i32
    %mul3A_81 = arith.muli %arg0, %mul3A_80 : i32
    %add3A_82 = arith.addi %mul3A_81, %mul3A_2 : i32
    %add3A_83 = arith.constant 400 : i32
    %add3A_84 = arith.addi %add3A_82, %add3A_83 : i32
    "tpu.region"() ({
      %run_scoped3A = tpu.sem_alloc : memref<!tpu.dma_semaphore, #tpu.memory_space<semaphore_mem>>
      %dma_start3A_99 = arith.constant 0 : i32
      %dma_start3A_100 = arith.constant 0 : i32
      %dma_start3A_101 = tpu.memref_slice %arg7[%dma_start3A_99, %dma_start3A_100] : memref<80x128xf32, #tpu.memory_space<vmem>> -> memref<80x128xf32, #tpu.memory_space<vmem>>
      %dma_start3A_102 = arith.constant 0 : i32
      %dma_start3A_103 = tpu.memref_slice %arg6[%add3A_84, %dma_start3A_102] : memref<20224x128xf32, #tpu.memory_space<hbm>> -> memref<80x128xf32, #tpu.memory_space<hbm>>
      %dma_start3A_104 = arith.constant 0 : i32
      %dma_start3A_105 = tpu.memref_slice %arg6[%add3A_84, %dma_start3A_104] : memref<20224x128xf32, #tpu.memory_space<hbm>> -> memref<80x128xf32, #tpu.memory_space<hbm>>
      %dma_start3A_106 = arith.constant 0 : i32
      %dma_start3A_107 = arith.constant 0 : i32
      %dma_start3A_108 = tpu.memref_slice %arg7[%dma_start3A_106, %dma_start3A_107] : memref<80x128xf32, #tpu.memory_space<vmem>> -> memref<80x128xf32, #tpu.memory_space<vmem>>
      tpu.enqueue_dma source(%dma_start3A_108 : memref<80x128xf32, #tpu.memory_space<vmem>>) target(%dma_start3A_105 : memref<80x128xf32, #tpu.memory_space<hbm>>) target_semaphore(%run_scoped3A : memref<!tpu.dma_semaphore, #tpu.memory_space<semaphore_mem>>)
      %dma_wait3A_109 = arith.constant 0 : i32
      %dma_wait3A_110 = arith.constant 0 : i32
      %dma_wait3A_111 = tpu.memref_slice %arg7[%dma_wait3A_109, %dma_wait3A_110] : memref<80x128xf32, #tpu.memory_space<vmem>> -> memref<80x128xf32, #tpu.memory_space<vmem>>
      %dma_wait3A_112 = arith.constant 0 : i32
      %dma_wait3A_113 = tpu.memref_slice %arg6[%add3A_84, %dma_wait3A_112] : memref<20224x128xf32, #tpu.memory_space<hbm>> -> memref<80x128xf32, #tpu.memory_space<hbm>>
      %dma_wait3A_114 = arith.constant 0 : i32
      %dma_wait3A_115 = tpu.memref_slice %arg6[%add3A_84, %dma_wait3A_114] : memref<20224x128xf32, #tpu.memory_space<hbm>> -> memref<80x128xf32, #tpu.memory_space<hbm>>
      %dma_wait3A_116 = arith.constant 0 : i32
      %dma_wait3A_117 = arith.constant 0 : i32
      %dma_wait3A_118 = tpu.memref_slice %arg7[%dma_wait3A_116, %dma_wait3A_117] : memref<80x128xf32, #tpu.memory_space<vmem>> -> memref<80x128xf32, #tpu.memory_space<vmem>>
      tpu.wait_dma2 semaphore(%run_scoped3A : memref<!tpu.dma_semaphore, #tpu.memory_space<semaphore_mem>>) src(%dma_wait3A_118 : memref<80x128xf32, #tpu.memory_space<vmem>>) dst(%dma_wait3A_115 : memref<80x128xf32, #tpu.memory_space<hbm>>)
      tpu.yield
    }) : () -> ()
    %add3A_85 = arith.constant 480 : i32
    %add3A_86 = arith.addi %mul3A_2, %add3A_85 : i32
    "tpu.region"() ({
      %run_scoped3A = tpu.sem_alloc : memref<!tpu.dma_semaphore, #tpu.memory_space<semaphore_mem>>
      %dma_start3A_99 = arith.constant 0 : i32
      %dma_start3A_100 = arith.constant 0 : i32
      %dma_start3A_101 = tpu.memref_slice %arg7[%dma_start3A_99, %dma_start3A_100] : memref<80x128xf32, #tpu.memory_space<vmem>> -> memref<80x128xf32, #tpu.memory_space<vmem>>
      %dma_start3A_102 = arith.constant 0 : i32
      %dma_start3A_103 = tpu.memref_slice %arg11[%add3A_86, %dma_start3A_102] : memref<10112x128xf32, #tpu.memory_space<vmem_shared>> -> memref<80x128xf32, #tpu.memory_space<vmem_shared>>
      %dma_start3A_104 = arith.constant 0 : i32
      %dma_start3A_105 = arith.constant 0 : i32
      %dma_start3A_106 = tpu.memref_slice %arg7[%dma_start3A_104, %dma_start3A_105] : memref<80x128xf32, #tpu.memory_space<vmem>> -> memref<80x128xf32, #tpu.memory_space<vmem>>
      %dma_start3A_107 = arith.constant 0 : i32
      %dma_start3A_108 = tpu.memref_slice %arg11[%add3A_86, %dma_start3A_107] : memref<10112x128xf32, #tpu.memory_space<vmem_shared>> -> memref<80x128xf32, #tpu.memory_space<vmem_shared>>
      tpu.enqueue_dma source(%dma_start3A_108 : memref<80x128xf32, #tpu.memory_space<vmem_shared>>) target(%dma_start3A_106 : memref<80x128xf32, #tpu.memory_space<vmem>>) target_semaphore(%run_scoped3A : memref<!tpu.dma_semaphore, #tpu.memory_space<semaphore_mem>>)
      %dma_wait3A_109 = arith.constant 0 : i32
      %dma_wait3A_110 = arith.constant 0 : i32
      %dma_wait3A_111 = tpu.memref_slice %arg7[%dma_wait3A_109, %dma_wait3A_110] : memref<80x128xf32, #tpu.memory_space<vmem>> -> memref<80x128xf32, #tpu.memory_space<vmem>>
      %dma_wait3A_112 = arith.constant 0 : i32
      %dma_wait3A_113 = tpu.memref_slice %arg11[%add3A_86, %dma_wait3A_112] : memref<10112x128xf32, #tpu.memory_space<vmem_shared>> -> memref<80x128xf32, #tpu.memory_space<vmem_shared>>
      %dma_wait3A_114 = arith.constant 0 : i32
      %dma_wait3A_115 = arith.constant 0 : i32
      %dma_wait3A_116 = tpu.memref_slice %arg7[%dma_wait3A_114, %dma_wait3A_115] : memref<80x128xf32, #tpu.memory_space<vmem>> -> memref<80x128xf32, #tpu.memory_space<vmem>>
      %dma_wait3A_117 = arith.constant 0 : i32
      %dma_wait3A_118 = tpu.memref_slice %arg11[%add3A_86, %dma_wait3A_117] : memref<10112x128xf32, #tpu.memory_space<vmem_shared>> -> memref<80x128xf32, #tpu.memory_space<vmem_shared>>
      tpu.wait_dma2 semaphore(%run_scoped3A : memref<!tpu.dma_semaphore, #tpu.memory_space<semaphore_mem>>) src(%dma_wait3A_118 : memref<80x128xf32, #tpu.memory_space<vmem_shared>>) dst(%dma_wait3A_116 : memref<80x128xf32, #tpu.memory_space<vmem>>)
      tpu.yield
    }) : () -> ()
    %mul3A_87 = arith.constant 10112 : i32
    %mul3A_88 = arith.muli %arg0, %mul3A_87 : i32
    %add3A_89 = arith.addi %mul3A_88, %mul3A_2 : i32
    %add3A_90 = arith.constant 480 : i32
    %add3A_91 = arith.addi %add3A_89, %add3A_90 : i32
    "tpu.region"() ({
      %run_scoped3A = tpu.sem_alloc : memref<!tpu.dma_semaphore, #tpu.memory_space<semaphore_mem>>
      %dma_start3A_99 = arith.constant 0 : i32
      %dma_start3A_100 = arith.constant 0 : i32
      %dma_start3A_101 = tpu.memref_slice %arg7[%dma_start3A_99, %dma_start3A_100] : memref<80x128xf32, #tpu.memory_space<vmem>> -> memref<80x128xf32, #tpu.memory_space<vmem>>
      %dma_start3A_102 = arith.constant 0 : i32
      %dma_start3A_103 = tpu.memref_slice %arg6[%add3A_91, %dma_start3A_102] : memref<20224x128xf32, #tpu.memory_space<hbm>> -> memref<80x128xf32, #tpu.memory_space<hbm>>
      %dma_start3A_104 = arith.constant 0 : i32
      %dma_start3A_105 = tpu.memref_slice %arg6[%add3A_91, %dma_start3A_104] : memref<20224x128xf32, #tpu.memory_space<hbm>> -> memref<80x128xf32, #tpu.memory_space<hbm>>
      %dma_start3A_106 = arith.constant 0 : i32
      %dma_start3A_107 = arith.constant 0 : i32
      %dma_start3A_108 = tpu.memref_slice %arg7[%dma_start3A_106, %dma_start3A_107] : memref<80x128xf32, #tpu.memory_space<vmem>> -> memref<80x128xf32, #tpu.memory_space<vmem>>
      tpu.enqueue_dma source(%dma_start3A_108 : memref<80x128xf32, #tpu.memory_space<vmem>>) target(%dma_start3A_105 : memref<80x128xf32, #tpu.memory_space<hbm>>) target_semaphore(%run_scoped3A : memref<!tpu.dma_semaphore, #tpu.memory_space<semaphore_mem>>)
      %dma_wait3A_109 = arith.constant 0 : i32
      %dma_wait3A_110 = arith.constant 0 : i32
      %dma_wait3A_111 = tpu.memref_slice %arg7[%dma_wait3A_109, %dma_wait3A_110] : memref<80x128xf32, #tpu.memory_space<vmem>> -> memref<80x128xf32, #tpu.memory_space<vmem>>
      %dma_wait3A_112 = arith.constant 0 : i32
      %dma_wait3A_113 = tpu.memref_slice %arg6[%add3A_91, %dma_wait3A_112] : memref<20224x128xf32, #tpu.memory_space<hbm>> -> memref<80x128xf32, #tpu.memory_space<hbm>>
      %dma_wait3A_114 = arith.constant 0 : i32
      %dma_wait3A_115 = tpu.memref_slice %arg6[%add3A_91, %dma_wait3A_114] : memref<20224x128xf32, #tpu.memory_space<hbm>> -> memref<80x128xf32, #tpu.memory_space<hbm>>
      %dma_wait3A_116 = arith.constant 0 : i32
      %dma_wait3A_117 = arith.constant 0 : i32
      %dma_wait3A_118 = tpu.memref_slice %arg7[%dma_wait3A_116, %dma_wait3A_117] : memref<80x128xf32, #tpu.memory_space<vmem>> -> memref<80x128xf32, #tpu.memory_space<vmem>>
      tpu.wait_dma2 semaphore(%run_scoped3A : memref<!tpu.dma_semaphore, #tpu.memory_space<semaphore_mem>>) src(%dma_wait3A_118 : memref<80x128xf32, #tpu.memory_space<vmem>>) dst(%dma_wait3A_115 : memref<80x128xf32, #tpu.memory_space<hbm>>)
      tpu.yield
    }) : () -> ()
    %add3A_92 = arith.constant 560 : i32
    %add3A_93 = arith.addi %mul3A_2, %add3A_92 : i32
    "tpu.region"() ({
      %run_scoped3A = tpu.sem_alloc : memref<!tpu.dma_semaphore, #tpu.memory_space<semaphore_mem>>
      %dma_start3A_99 = arith.constant 0 : i32
      %dma_start3A_100 = arith.constant 0 : i32
      %dma_start3A_101 = tpu.memref_slice %arg7[%dma_start3A_99, %dma_start3A_100] : memref<80x128xf32, #tpu.memory_space<vmem>> -> memref<72x128xf32, #tpu.memory_space<vmem>>
      %dma_start3A_102 = arith.constant 0 : i32
      %dma_start3A_103 = tpu.memref_slice %arg11[%add3A_93, %dma_start3A_102] : memref<10112x128xf32, #tpu.memory_space<vmem_shared>> -> memref<72x128xf32, #tpu.memory_space<vmem_shared>>
      %dma_start3A_104 = arith.constant 0 : i32
      %dma_start3A_105 = arith.constant 0 : i32
      %dma_start3A_106 = tpu.memref_slice %arg7[%dma_start3A_104, %dma_start3A_105] : memref<80x128xf32, #tpu.memory_space<vmem>> -> memref<72x128xf32, #tpu.memory_space<vmem>>
      %dma_start3A_107 = arith.constant 0 : i32
      %dma_start3A_108 = tpu.memref_slice %arg11[%add3A_93, %dma_start3A_107] : memref<10112x128xf32, #tpu.memory_space<vmem_shared>> -> memref<72x128xf32, #tpu.memory_space<vmem_shared>>
      tpu.enqueue_dma source(%dma_start3A_108 : memref<72x128xf32, #tpu.memory_space<vmem_shared>>) target(%dma_start3A_106 : memref<72x128xf32, #tpu.memory_space<vmem>>) target_semaphore(%run_scoped3A : memref<!tpu.dma_semaphore, #tpu.memory_space<semaphore_mem>>)
      %dma_wait3A_109 = arith.constant 0 : i32
      %dma_wait3A_110 = arith.constant 0 : i32
      %dma_wait3A_111 = tpu.memref_slice %arg7[%dma_wait3A_109, %dma_wait3A_110] : memref<80x128xf32, #tpu.memory_space<vmem>> -> memref<72x128xf32, #tpu.memory_space<vmem>>
      %dma_wait3A_112 = arith.constant 0 : i32
      %dma_wait3A_113 = tpu.memref_slice %arg11[%add3A_93, %dma_wait3A_112] : memref<10112x128xf32, #tpu.memory_space<vmem_shared>> -> memref<72x128xf32, #tpu.memory_space<vmem_shared>>
      %dma_wait3A_114 = arith.constant 0 : i32
      %dma_wait3A_115 = arith.constant 0 : i32
      %dma_wait3A_116 = tpu.memref_slice %arg7[%dma_wait3A_114, %dma_wait3A_115] : memref<80x128xf32, #tpu.memory_space<vmem>> -> memref<72x128xf32, #tpu.memory_space<vmem>>
      %dma_wait3A_117 = arith.constant 0 : i32
      %dma_wait3A_118 = tpu.memref_slice %arg11[%add3A_93, %dma_wait3A_117] : memref<10112x128xf32, #tpu.memory_space<vmem_shared>> -> memref<72x128xf32, #tpu.memory_space<vmem_shared>>
      tpu.wait_dma2 semaphore(%run_scoped3A : memref<!tpu.dma_semaphore, #tpu.memory_space<semaphore_mem>>) src(%dma_wait3A_118 : memref<72x128xf32, #tpu.memory_space<vmem_shared>>) dst(%dma_wait3A_116 : memref<72x128xf32, #tpu.memory_space<vmem>>)
      tpu.yield
    }) : () -> ()
    %mul3A_94 = arith.constant 10112 : i32
    %mul3A_95 = arith.muli %arg0, %mul3A_94 : i32
    %add3A_96 = arith.addi %mul3A_95, %mul3A_2 : i32
    %add3A_97 = arith.constant 560 : i32
    %add3A_98 = arith.addi %add3A_96, %add3A_97 : i32
    "tpu.region"() ({
      %run_scoped3A = tpu.sem_alloc : memref<!tpu.dma_semaphore, #tpu.memory_space<semaphore_mem>>
      %dma_start3A_99 = arith.constant 0 : i32
      %dma_start3A_100 = arith.constant 0 : i32
      %dma_start3A_101 = tpu.memref_slice %arg7[%dma_start3A_99, %dma_start3A_100] : memref<80x128xf32, #tpu.memory_space<vmem>> -> memref<72x128xf32, #tpu.memory_space<vmem>>
      %dma_start3A_102 = arith.constant 0 : i32
      %dma_start3A_103 = tpu.memref_slice %arg6[%add3A_98, %dma_start3A_102] : memref<20224x128xf32, #tpu.memory_space<hbm>> -> memref<72x128xf32, #tpu.memory_space<hbm>>
      %dma_start3A_104 = arith.constant 0 : i32
      %dma_start3A_105 = tpu.memref_slice %arg6[%add3A_98, %dma_start3A_104] : memref<20224x128xf32, #tpu.memory_space<hbm>> -> memref<72x128xf32, #tpu.memory_space<hbm>>
      %dma_start3A_106 = arith.constant 0 : i32
      %dma_start3A_107 = arith.constant 0 : i32
      %dma_start3A_108 = tpu.memref_slice %arg7[%dma_start3A_106, %dma_start3A_107] : memref<80x128xf32, #tpu.memory_space<vmem>> -> memref<72x128xf32, #tpu.memory_space<vmem>>
      tpu.enqueue_dma source(%dma_start3A_108 : memref<72x128xf32, #tpu.memory_space<vmem>>) target(%dma_start3A_105 : memref<72x128xf32, #tpu.memory_space<hbm>>) target_semaphore(%run_scoped3A : memref<!tpu.dma_semaphore, #tpu.memory_space<semaphore_mem>>)
      %dma_wait3A_109 = arith.constant 0 : i32
      %dma_wait3A_110 = arith.constant 0 : i32
      %dma_wait3A_111 = tpu.memref_slice %arg7[%dma_wait3A_109, %dma_wait3A_110] : memref<80x128xf32, #tpu.memory_space<vmem>> -> memref<72x128xf32, #tpu.memory_space<vmem>>
      %dma_wait3A_112 = arith.constant 0 : i32
      %dma_wait3A_113 = tpu.memref_slice %arg6[%add3A_98, %dma_wait3A_112] : memref<20224x128xf32, #tpu.memory_space<hbm>> -> memref<72x128xf32, #tpu.memory_space<hbm>>
      %dma_wait3A_114 = arith.constant 0 : i32
      %dma_wait3A_115 = tpu.memref_slice %arg6[%add3A_98, %dma_wait3A_114] : memref<20224x128xf32, #tpu.memory_space<hbm>> -> memref<72x128xf32, #tpu.memory_space<hbm>>
      %dma_wait3A_116 = arith.constant 0 : i32
      %dma_wait3A_117 = arith.constant 0 : i32
      %dma_wait3A_118 = tpu.memref_slice %arg7[%dma_wait3A_116, %dma_wait3A_117] : memref<80x128xf32, #tpu.memory_space<vmem>> -> memref<72x128xf32, #tpu.memory_space<vmem>>
      tpu.wait_dma2 semaphore(%run_scoped3A : memref<!tpu.dma_semaphore, #tpu.memory_space<semaphore_mem>>) src(%dma_wait3A_118 : memref<72x128xf32, #tpu.memory_space<vmem>>) dst(%dma_wait3A_115 : memref<72x128xf32, #tpu.memory_space<hbm>>)
      tpu.yield
    }) : () -> ()
    return
  }
}

#map = affine_map<(d0, d1) -> (0)>
#map1 = affine_map<(d0, d1) -> (0, 0)>
module attributes {stable_mosaic.version = 14 : i64} {
  func.func @body(%arg0: i32, %arg1: i32, %arg2: memref<320000xi32, #tpu.memory_space<hbm>>, %arg3: memref<10112x128xf32, #tpu.memory_space<hbm>>, %arg4: memref<80x128xf32, #tpu.memory_space<hbm>>, %arg5: memref<20224x128xf32, #tpu.memory_space<hbm>>, %arg6: memref<10000xi32, #tpu.memory_space<vmem>>, %arg7: memref<80x128xf32, #tpu.memory_space<vmem>>, %arg8: memref<80x128xf32, #tpu.memory_space<vmem>>, %arg9: memref<10112x128xf32, #tpu.memory_space<vmem_shared>>, %arg10: memref<!tpu.dma_semaphore, #tpu.memory_space<semaphore_mem>>) attributes {dimension_semantics = [#tpu.dimension_semantics<core_parallel>, #tpu.dimension_semantics<subcore_parallel>], iteration_bounds = array<i64: 2, 16>, scalar_prefetch = 0 : i64, scratch_operands = 5 : i64, tpu.core_type = #tpu.core_type<sc_vector_subcore>, window_params = [{transform_indices = #map}, {transform_indices = #map1}, {transform_indices = #map1}, {transform_indices = #map1}]} {
    %mul3A = arith.constant 2 : i32
    %mul3A_0 = arith.muli %arg1, %mul3A : i32
    %add3A = arith.addi %mul3A_0, %arg0 : i32
    %mul3A_1 = arith.constant 632 : i32
    %mul3A_2 = arith.muli %arg1, %mul3A_1 : i32
    %mul3A_3 = arith.constant 10000 : i32
    %mul3A_4 = arith.muli %add3A, %mul3A_3 : i32
    %dma_start3A = tpu.memref_slice %arg2[%mul3A_4] : memref<320000xi32, #tpu.memory_space<hbm>> -> memref<10000xi32, #tpu.memory_space<hbm>>
    %dma_start3A_5 = tpu.memref_slice %arg2[%mul3A_4] : memref<320000xi32, #tpu.memory_space<hbm>> -> memref<10000xi32, #tpu.memory_space<hbm>>
    tpu.enqueue_dma source(%dma_start3A_5 : memref<10000xi32, #tpu.memory_space<hbm>>) target(%arg6 : memref<10000xi32, #tpu.memory_space<vmem>>) target_semaphore(%arg10 : memref<!tpu.dma_semaphore, #tpu.memory_space<semaphore_mem>>)
    "tpu.region"() ({
      %run_scoped3A = tpu.sem_alloc : memref<!tpu.dma_semaphore, #tpu.memory_space<semaphore_mem>>
      %dma_start3A_85 = arith.constant 0 : i32
      %dma_start3A_86 = arith.constant 0 : i32
      %dma_start3A_87 = tpu.memref_slice %arg3[%dma_start3A_85, %dma_start3A_86] : memref<10112x128xf32, #tpu.memory_space<hbm>> -> memref<80x128xf32, #tpu.memory_space<hbm>>
      %dma_start3A_88 = arith.constant 0 : i32
      %dma_start3A_89 = arith.constant 0 : i32
      %dma_start3A_90 = tpu.memref_slice %arg3[%dma_start3A_88, %dma_start3A_89] : memref<10112x128xf32, #tpu.memory_space<hbm>> -> memref<80x128xf32, #tpu.memory_space<hbm>>
      tpu.enqueue_dma source(%dma_start3A_90 : memref<80x128xf32, #tpu.memory_space<hbm>>) target(%arg7 : memref<80x128xf32, #tpu.memory_space<vmem>>) target_semaphore(%run_scoped3A : memref<!tpu.dma_semaphore, #tpu.memory_space<semaphore_mem>>)
      %dma_wait3A_91 = arith.constant 0 : i32
      %dma_wait3A_92 = arith.constant 0 : i32
      %dma_wait3A_93 = tpu.memref_slice %arg3[%dma_wait3A_91, %dma_wait3A_92] : memref<10112x128xf32, #tpu.memory_space<hbm>> -> memref<80x128xf32, #tpu.memory_space<hbm>>
      %dma_wait3A_94 = arith.constant 0 : i32
      %dma_wait3A_95 = arith.constant 0 : i32
      %dma_wait3A_96 = tpu.memref_slice %arg3[%dma_wait3A_94, %dma_wait3A_95] : memref<10112x128xf32, #tpu.memory_space<hbm>> -> memref<80x128xf32, #tpu.memory_space<hbm>>
      tpu.wait_dma2 semaphore(%run_scoped3A : memref<!tpu.dma_semaphore, #tpu.memory_space<semaphore_mem>>) src(%dma_wait3A_96 : memref<80x128xf32, #tpu.memory_space<hbm>>) dst(%arg7 : memref<80x128xf32, #tpu.memory_space<vmem>>)
      tpu.yield
    }) : () -> ()
    %add3A_6 = arith.constant 0 : i32
    %add3A_7 = arith.addi %mul3A_2, %add3A_6 : i32
    "tpu.region"() ({
      %run_scoped3A = tpu.sem_alloc : memref<!tpu.dma_semaphore, #tpu.memory_space<semaphore_mem>>
      %dma_start3A_85 = arith.constant 0 : i32
      %dma_start3A_86 = arith.constant 0 : i32
      %dma_start3A_87 = tpu.memref_slice %arg7[%dma_start3A_85, %dma_start3A_86] : memref<80x128xf32, #tpu.memory_space<vmem>> -> memref<80x128xf32, #tpu.memory_space<vmem>>
      %dma_start3A_88 = arith.constant 0 : i32
      %dma_start3A_89 = tpu.memref_slice %arg9[%add3A_7, %dma_start3A_88] : memref<10112x128xf32, #tpu.memory_space<vmem_shared>> -> memref<80x128xf32, #tpu.memory_space<vmem_shared>>
      %dma_start3A_90 = arith.constant 0 : i32
      %dma_start3A_91 = tpu.memref_slice %arg9[%add3A_7, %dma_start3A_90] : memref<10112x128xf32, #tpu.memory_space<vmem_shared>> -> memref<80x128xf32, #tpu.memory_space<vmem_shared>>
      %dma_start3A_92 = arith.constant 0 : i32
      %dma_start3A_93 = arith.constant 0 : i32
      %dma_start3A_94 = tpu.memref_slice %arg7[%dma_start3A_92, %dma_start3A_93] : memref<80x128xf32, #tpu.memory_space<vmem>> -> memref<80x128xf32, #tpu.memory_space<vmem>>
      tpu.enqueue_dma source(%dma_start3A_94 : memref<80x128xf32, #tpu.memory_space<vmem>>) target(%dma_start3A_91 : memref<80x128xf32, #tpu.memory_space<vmem_shared>>) target_semaphore(%run_scoped3A : memref<!tpu.dma_semaphore, #tpu.memory_space<semaphore_mem>>)
      %dma_wait3A_95 = arith.constant 0 : i32
      %dma_wait3A_96 = arith.constant 0 : i32
      %dma_wait3A_97 = tpu.memref_slice %arg7[%dma_wait3A_95, %dma_wait3A_96] : memref<80x128xf32, #tpu.memory_space<vmem>> -> memref<80x128xf32, #tpu.memory_space<vmem>>
      %dma_wait3A_98 = arith.constant 0 : i32
      %dma_wait3A_99 = tpu.memref_slice %arg9[%add3A_7, %dma_wait3A_98] : memref<10112x128xf32, #tpu.memory_space<vmem_shared>> -> memref<80x128xf32, #tpu.memory_space<vmem_shared>>
      %dma_wait3A_100 = arith.constant 0 : i32
      %dma_wait3A_101 = tpu.memref_slice %arg9[%add3A_7, %dma_wait3A_100] : memref<10112x128xf32, #tpu.memory_space<vmem_shared>> -> memref<80x128xf32, #tpu.memory_space<vmem_shared>>
      %dma_wait3A_102 = arith.constant 0 : i32
      %dma_wait3A_103 = arith.constant 0 : i32
      %dma_wait3A_104 = tpu.memref_slice %arg7[%dma_wait3A_102, %dma_wait3A_103] : memref<80x128xf32, #tpu.memory_space<vmem>> -> memref<80x128xf32, #tpu.memory_space<vmem>>
      tpu.wait_dma2 semaphore(%run_scoped3A : memref<!tpu.dma_semaphore, #tpu.memory_space<semaphore_mem>>) src(%dma_wait3A_104 : memref<80x128xf32, #tpu.memory_space<vmem>>) dst(%dma_wait3A_101 : memref<80x128xf32, #tpu.memory_space<vmem_shared>>)
      tpu.yield
    }) : () -> ()
    %add3A_8 = arith.constant 80 : i32
    %add3A_9 = arith.addi %mul3A_2, %add3A_8 : i32
    "tpu.region"() ({
      %run_scoped3A = tpu.sem_alloc : memref<!tpu.dma_semaphore, #tpu.memory_space<semaphore_mem>>
      %dma_start3A_85 = arith.constant 0 : i32
      %dma_start3A_86 = arith.constant 0 : i32
      %dma_start3A_87 = tpu.memref_slice %arg7[%dma_start3A_85, %dma_start3A_86] : memref<80x128xf32, #tpu.memory_space<vmem>> -> memref<80x128xf32, #tpu.memory_space<vmem>>
      %dma_start3A_88 = arith.constant 0 : i32
      %dma_start3A_89 = tpu.memref_slice %arg9[%add3A_9, %dma_start3A_88] : memref<10112x128xf32, #tpu.memory_space<vmem_shared>> -> memref<80x128xf32, #tpu.memory_space<vmem_shared>>
      %dma_start3A_90 = arith.constant 0 : i32
      %dma_start3A_91 = tpu.memref_slice %arg9[%add3A_9, %dma_start3A_90] : memref<10112x128xf32, #tpu.memory_space<vmem_shared>> -> memref<80x128xf32, #tpu.memory_space<vmem_shared>>
      %dma_start3A_92 = arith.constant 0 : i32
      %dma_start3A_93 = arith.constant 0 : i32
      %dma_start3A_94 = tpu.memref_slice %arg7[%dma_start3A_92, %dma_start3A_93] : memref<80x128xf32, #tpu.memory_space<vmem>> -> memref<80x128xf32, #tpu.memory_space<vmem>>
      tpu.enqueue_dma source(%dma_start3A_94 : memref<80x128xf32, #tpu.memory_space<vmem>>) target(%dma_start3A_91 : memref<80x128xf32, #tpu.memory_space<vmem_shared>>) target_semaphore(%run_scoped3A : memref<!tpu.dma_semaphore, #tpu.memory_space<semaphore_mem>>)
      %dma_wait3A_95 = arith.constant 0 : i32
      %dma_wait3A_96 = arith.constant 0 : i32
      %dma_wait3A_97 = tpu.memref_slice %arg7[%dma_wait3A_95, %dma_wait3A_96] : memref<80x128xf32, #tpu.memory_space<vmem>> -> memref<80x128xf32, #tpu.memory_space<vmem>>
      %dma_wait3A_98 = arith.constant 0 : i32
      %dma_wait3A_99 = tpu.memref_slice %arg9[%add3A_9, %dma_wait3A_98] : memref<10112x128xf32, #tpu.memory_space<vmem_shared>> -> memref<80x128xf32, #tpu.memory_space<vmem_shared>>
      %dma_wait3A_100 = arith.constant 0 : i32
      %dma_wait3A_101 = tpu.memref_slice %arg9[%add3A_9, %dma_wait3A_100] : memref<10112x128xf32, #tpu.memory_space<vmem_shared>> -> memref<80x128xf32, #tpu.memory_space<vmem_shared>>
      %dma_wait3A_102 = arith.constant 0 : i32
      %dma_wait3A_103 = arith.constant 0 : i32
      %dma_wait3A_104 = tpu.memref_slice %arg7[%dma_wait3A_102, %dma_wait3A_103] : memref<80x128xf32, #tpu.memory_space<vmem>> -> memref<80x128xf32, #tpu.memory_space<vmem>>
      tpu.wait_dma2 semaphore(%run_scoped3A : memref<!tpu.dma_semaphore, #tpu.memory_space<semaphore_mem>>) src(%dma_wait3A_104 : memref<80x128xf32, #tpu.memory_space<vmem>>) dst(%dma_wait3A_101 : memref<80x128xf32, #tpu.memory_space<vmem_shared>>)
      tpu.yield
    }) : () -> ()
    %add3A_10 = arith.constant 160 : i32
    %add3A_11 = arith.addi %mul3A_2, %add3A_10 : i32
    "tpu.region"() ({
      %run_scoped3A = tpu.sem_alloc : memref<!tpu.dma_semaphore, #tpu.memory_space<semaphore_mem>>
      %dma_start3A_85 = arith.constant 0 : i32
      %dma_start3A_86 = arith.constant 0 : i32
      %dma_start3A_87 = tpu.memref_slice %arg7[%dma_start3A_85, %dma_start3A_86] : memref<80x128xf32, #tpu.memory_space<vmem>> -> memref<80x128xf32, #tpu.memory_space<vmem>>
      %dma_start3A_88 = arith.constant 0 : i32
      %dma_start3A_89 = tpu.memref_slice %arg9[%add3A_11, %dma_start3A_88] : memref<10112x128xf32, #tpu.memory_space<vmem_shared>> -> memref<80x128xf32, #tpu.memory_space<vmem_shared>>
      %dma_start3A_90 = arith.constant 0 : i32
      %dma_start3A_91 = tpu.memref_slice %arg9[%add3A_11, %dma_start3A_90] : memref<10112x128xf32, #tpu.memory_space<vmem_shared>> -> memref<80x128xf32, #tpu.memory_space<vmem_shared>>
      %dma_start3A_92 = arith.constant 0 : i32
      %dma_start3A_93 = arith.constant 0 : i32
      %dma_start3A_94 = tpu.memref_slice %arg7[%dma_start3A_92, %dma_start3A_93] : memref<80x128xf32, #tpu.memory_space<vmem>> -> memref<80x128xf32, #tpu.memory_space<vmem>>
      tpu.enqueue_dma source(%dma_start3A_94 : memref<80x128xf32, #tpu.memory_space<vmem>>) target(%dma_start3A_91 : memref<80x128xf32, #tpu.memory_space<vmem_shared>>) target_semaphore(%run_scoped3A : memref<!tpu.dma_semaphore, #tpu.memory_space<semaphore_mem>>)
      %dma_wait3A_95 = arith.constant 0 : i32
      %dma_wait3A_96 = arith.constant 0 : i32
      %dma_wait3A_97 = tpu.memref_slice %arg7[%dma_wait3A_95, %dma_wait3A_96] : memref<80x128xf32, #tpu.memory_space<vmem>> -> memref<80x128xf32, #tpu.memory_space<vmem>>
      %dma_wait3A_98 = arith.constant 0 : i32
      %dma_wait3A_99 = tpu.memref_slice %arg9[%add3A_11, %dma_wait3A_98] : memref<10112x128xf32, #tpu.memory_space<vmem_shared>> -> memref<80x128xf32, #tpu.memory_space<vmem_shared>>
      %dma_wait3A_100 = arith.constant 0 : i32
      %dma_wait3A_101 = tpu.memref_slice %arg9[%add3A_11, %dma_wait3A_100] : memref<10112x128xf32, #tpu.memory_space<vmem_shared>> -> memref<80x128xf32, #tpu.memory_space<vmem_shared>>
      %dma_wait3A_102 = arith.constant 0 : i32
      %dma_wait3A_103 = arith.constant 0 : i32
      %dma_wait3A_104 = tpu.memref_slice %arg7[%dma_wait3A_102, %dma_wait3A_103] : memref<80x128xf32, #tpu.memory_space<vmem>> -> memref<80x128xf32, #tpu.memory_space<vmem>>
      tpu.wait_dma2 semaphore(%run_scoped3A : memref<!tpu.dma_semaphore, #tpu.memory_space<semaphore_mem>>) src(%dma_wait3A_104 : memref<80x128xf32, #tpu.memory_space<vmem>>) dst(%dma_wait3A_101 : memref<80x128xf32, #tpu.memory_space<vmem_shared>>)
      tpu.yield
    }) : () -> ()
    %add3A_12 = arith.constant 240 : i32
    %add3A_13 = arith.addi %mul3A_2, %add3A_12 : i32
    "tpu.region"() ({
      %run_scoped3A = tpu.sem_alloc : memref<!tpu.dma_semaphore, #tpu.memory_space<semaphore_mem>>
      %dma_start3A_85 = arith.constant 0 : i32
      %dma_start3A_86 = arith.constant 0 : i32
      %dma_start3A_87 = tpu.memref_slice %arg7[%dma_start3A_85, %dma_start3A_86] : memref<80x128xf32, #tpu.memory_space<vmem>> -> memref<80x128xf32, #tpu.memory_space<vmem>>
      %dma_start3A_88 = arith.constant 0 : i32
      %dma_start3A_89 = tpu.memref_slice %arg9[%add3A_13, %dma_start3A_88] : memref<10112x128xf32, #tpu.memory_space<vmem_shared>> -> memref<80x128xf32, #tpu.memory_space<vmem_shared>>
      %dma_start3A_90 = arith.constant 0 : i32
      %dma_start3A_91 = tpu.memref_slice %arg9[%add3A_13, %dma_start3A_90] : memref<10112x128xf32, #tpu.memory_space<vmem_shared>> -> memref<80x128xf32, #tpu.memory_space<vmem_shared>>
      %dma_start3A_92 = arith.constant 0 : i32
      %dma_start3A_93 = arith.constant 0 : i32
      %dma_start3A_94 = tpu.memref_slice %arg7[%dma_start3A_92, %dma_start3A_93] : memref<80x128xf32, #tpu.memory_space<vmem>> -> memref<80x128xf32, #tpu.memory_space<vmem>>
      tpu.enqueue_dma source(%dma_start3A_94 : memref<80x128xf32, #tpu.memory_space<vmem>>) target(%dma_start3A_91 : memref<80x128xf32, #tpu.memory_space<vmem_shared>>) target_semaphore(%run_scoped3A : memref<!tpu.dma_semaphore, #tpu.memory_space<semaphore_mem>>)
      %dma_wait3A_95 = arith.constant 0 : i32
      %dma_wait3A_96 = arith.constant 0 : i32
      %dma_wait3A_97 = tpu.memref_slice %arg7[%dma_wait3A_95, %dma_wait3A_96] : memref<80x128xf32, #tpu.memory_space<vmem>> -> memref<80x128xf32, #tpu.memory_space<vmem>>
      %dma_wait3A_98 = arith.constant 0 : i32
      %dma_wait3A_99 = tpu.memref_slice %arg9[%add3A_13, %dma_wait3A_98] : memref<10112x128xf32, #tpu.memory_space<vmem_shared>> -> memref<80x128xf32, #tpu.memory_space<vmem_shared>>
      %dma_wait3A_100 = arith.constant 0 : i32
      %dma_wait3A_101 = tpu.memref_slice %arg9[%add3A_13, %dma_wait3A_100] : memref<10112x128xf32, #tpu.memory_space<vmem_shared>> -> memref<80x128xf32, #tpu.memory_space<vmem_shared>>
      %dma_wait3A_102 = arith.constant 0 : i32
      %dma_wait3A_103 = arith.constant 0 : i32
      %dma_wait3A_104 = tpu.memref_slice %arg7[%dma_wait3A_102, %dma_wait3A_103] : memref<80x128xf32, #tpu.memory_space<vmem>> -> memref<80x128xf32, #tpu.memory_space<vmem>>
      tpu.wait_dma2 semaphore(%run_scoped3A : memref<!tpu.dma_semaphore, #tpu.memory_space<semaphore_mem>>) src(%dma_wait3A_104 : memref<80x128xf32, #tpu.memory_space<vmem>>) dst(%dma_wait3A_101 : memref<80x128xf32, #tpu.memory_space<vmem_shared>>)
      tpu.yield
    }) : () -> ()
    %add3A_14 = arith.constant 320 : i32
    %add3A_15 = arith.addi %mul3A_2, %add3A_14 : i32
    "tpu.region"() ({
      %run_scoped3A = tpu.sem_alloc : memref<!tpu.dma_semaphore, #tpu.memory_space<semaphore_mem>>
      %dma_start3A_85 = arith.constant 0 : i32
      %dma_start3A_86 = arith.constant 0 : i32
      %dma_start3A_87 = tpu.memref_slice %arg7[%dma_start3A_85, %dma_start3A_86] : memref<80x128xf32, #tpu.memory_space<vmem>> -> memref<80x128xf32, #tpu.memory_space<vmem>>
      %dma_start3A_88 = arith.constant 0 : i32
      %dma_start3A_89 = tpu.memref_slice %arg9[%add3A_15, %dma_start3A_88] : memref<10112x128xf32, #tpu.memory_space<vmem_shared>> -> memref<80x128xf32, #tpu.memory_space<vmem_shared>>
      %dma_start3A_90 = arith.constant 0 : i32
      %dma_start3A_91 = tpu.memref_slice %arg9[%add3A_15, %dma_start3A_90] : memref<10112x128xf32, #tpu.memory_space<vmem_shared>> -> memref<80x128xf32, #tpu.memory_space<vmem_shared>>
      %dma_start3A_92 = arith.constant 0 : i32
      %dma_start3A_93 = arith.constant 0 : i32
      %dma_start3A_94 = tpu.memref_slice %arg7[%dma_start3A_92, %dma_start3A_93] : memref<80x128xf32, #tpu.memory_space<vmem>> -> memref<80x128xf32, #tpu.memory_space<vmem>>
      tpu.enqueue_dma source(%dma_start3A_94 : memref<80x128xf32, #tpu.memory_space<vmem>>) target(%dma_start3A_91 : memref<80x128xf32, #tpu.memory_space<vmem_shared>>) target_semaphore(%run_scoped3A : memref<!tpu.dma_semaphore, #tpu.memory_space<semaphore_mem>>)
      %dma_wait3A_95 = arith.constant 0 : i32
      %dma_wait3A_96 = arith.constant 0 : i32
      %dma_wait3A_97 = tpu.memref_slice %arg7[%dma_wait3A_95, %dma_wait3A_96] : memref<80x128xf32, #tpu.memory_space<vmem>> -> memref<80x128xf32, #tpu.memory_space<vmem>>
      %dma_wait3A_98 = arith.constant 0 : i32
      %dma_wait3A_99 = tpu.memref_slice %arg9[%add3A_15, %dma_wait3A_98] : memref<10112x128xf32, #tpu.memory_space<vmem_shared>> -> memref<80x128xf32, #tpu.memory_space<vmem_shared>>
      %dma_wait3A_100 = arith.constant 0 : i32
      %dma_wait3A_101 = tpu.memref_slice %arg9[%add3A_15, %dma_wait3A_100] : memref<10112x128xf32, #tpu.memory_space<vmem_shared>> -> memref<80x128xf32, #tpu.memory_space<vmem_shared>>
      %dma_wait3A_102 = arith.constant 0 : i32
      %dma_wait3A_103 = arith.constant 0 : i32
      %dma_wait3A_104 = tpu.memref_slice %arg7[%dma_wait3A_102, %dma_wait3A_103] : memref<80x128xf32, #tpu.memory_space<vmem>> -> memref<80x128xf32, #tpu.memory_space<vmem>>
      tpu.wait_dma2 semaphore(%run_scoped3A : memref<!tpu.dma_semaphore, #tpu.memory_space<semaphore_mem>>) src(%dma_wait3A_104 : memref<80x128xf32, #tpu.memory_space<vmem>>) dst(%dma_wait3A_101 : memref<80x128xf32, #tpu.memory_space<vmem_shared>>)
      tpu.yield
    }) : () -> ()
    %add3A_16 = arith.constant 400 : i32
    %add3A_17 = arith.addi %mul3A_2, %add3A_16 : i32
    "tpu.region"() ({
      %run_scoped3A = tpu.sem_alloc : memref<!tpu.dma_semaphore, #tpu.memory_space<semaphore_mem>>
      %dma_start3A_85 = arith.constant 0 : i32
      %dma_start3A_86 = arith.constant 0 : i32
      %dma_start3A_87 = tpu.memref_slice %arg7[%dma_start3A_85, %dma_start3A_86] : memref<80x128xf32, #tpu.memory_space<vmem>> -> memref<80x128xf32, #tpu.memory_space<vmem>>
      %dma_start3A_88 = arith.constant 0 : i32
      %dma_start3A_89 = tpu.memref_slice %arg9[%add3A_17, %dma_start3A_88] : memref<10112x128xf32, #tpu.memory_space<vmem_shared>> -> memref<80x128xf32, #tpu.memory_space<vmem_shared>>
      %dma_start3A_90 = arith.constant 0 : i32
      %dma_start3A_91 = tpu.memref_slice %arg9[%add3A_17, %dma_start3A_90] : memref<10112x128xf32, #tpu.memory_space<vmem_shared>> -> memref<80x128xf32, #tpu.memory_space<vmem_shared>>
      %dma_start3A_92 = arith.constant 0 : i32
      %dma_start3A_93 = arith.constant 0 : i32
      %dma_start3A_94 = tpu.memref_slice %arg7[%dma_start3A_92, %dma_start3A_93] : memref<80x128xf32, #tpu.memory_space<vmem>> -> memref<80x128xf32, #tpu.memory_space<vmem>>
      tpu.enqueue_dma source(%dma_start3A_94 : memref<80x128xf32, #tpu.memory_space<vmem>>) target(%dma_start3A_91 : memref<80x128xf32, #tpu.memory_space<vmem_shared>>) target_semaphore(%run_scoped3A : memref<!tpu.dma_semaphore, #tpu.memory_space<semaphore_mem>>)
      %dma_wait3A_95 = arith.constant 0 : i32
      %dma_wait3A_96 = arith.constant 0 : i32
      %dma_wait3A_97 = tpu.memref_slice %arg7[%dma_wait3A_95, %dma_wait3A_96] : memref<80x128xf32, #tpu.memory_space<vmem>> -> memref<80x128xf32, #tpu.memory_space<vmem>>
      %dma_wait3A_98 = arith.constant 0 : i32
      %dma_wait3A_99 = tpu.memref_slice %arg9[%add3A_17, %dma_wait3A_98] : memref<10112x128xf32, #tpu.memory_space<vmem_shared>> -> memref<80x128xf32, #tpu.memory_space<vmem_shared>>
      %dma_wait3A_100 = arith.constant 0 : i32
      %dma_wait3A_101 = tpu.memref_slice %arg9[%add3A_17, %dma_wait3A_100] : memref<10112x128xf32, #tpu.memory_space<vmem_shared>> -> memref<80x128xf32, #tpu.memory_space<vmem_shared>>
      %dma_wait3A_102 = arith.constant 0 : i32
      %dma_wait3A_103 = arith.constant 0 : i32
      %dma_wait3A_104 = tpu.memref_slice %arg7[%dma_wait3A_102, %dma_wait3A_103] : memref<80x128xf32, #tpu.memory_space<vmem>> -> memref<80x128xf32, #tpu.memory_space<vmem>>
      tpu.wait_dma2 semaphore(%run_scoped3A : memref<!tpu.dma_semaphore, #tpu.memory_space<semaphore_mem>>) src(%dma_wait3A_104 : memref<80x128xf32, #tpu.memory_space<vmem>>) dst(%dma_wait3A_101 : memref<80x128xf32, #tpu.memory_space<vmem_shared>>)
      tpu.yield
    }) : () -> ()
    %add3A_18 = arith.constant 480 : i32
    %add3A_19 = arith.addi %mul3A_2, %add3A_18 : i32
    "tpu.region"() ({
      %run_scoped3A = tpu.sem_alloc : memref<!tpu.dma_semaphore, #tpu.memory_space<semaphore_mem>>
      %dma_start3A_85 = arith.constant 0 : i32
      %dma_start3A_86 = arith.constant 0 : i32
      %dma_start3A_87 = tpu.memref_slice %arg7[%dma_start3A_85, %dma_start3A_86] : memref<80x128xf32, #tpu.memory_space<vmem>> -> memref<80x128xf32, #tpu.memory_space<vmem>>
      %dma_start3A_88 = arith.constant 0 : i32
      %dma_start3A_89 = tpu.memref_slice %arg9[%add3A_19, %dma_start3A_88] : memref<10112x128xf32, #tpu.memory_space<vmem_shared>> -> memref<80x128xf32, #tpu.memory_space<vmem_shared>>
      %dma_start3A_90 = arith.constant 0 : i32
      %dma_start3A_91 = tpu.memref_slice %arg9[%add3A_19, %dma_start3A_90] : memref<10112x128xf32, #tpu.memory_space<vmem_shared>> -> memref<80x128xf32, #tpu.memory_space<vmem_shared>>
      %dma_start3A_92 = arith.constant 0 : i32
      %dma_start3A_93 = arith.constant 0 : i32
      %dma_start3A_94 = tpu.memref_slice %arg7[%dma_start3A_92, %dma_start3A_93] : memref<80x128xf32, #tpu.memory_space<vmem>> -> memref<80x128xf32, #tpu.memory_space<vmem>>
      tpu.enqueue_dma source(%dma_start3A_94 : memref<80x128xf32, #tpu.memory_space<vmem>>) target(%dma_start3A_91 : memref<80x128xf32, #tpu.memory_space<vmem_shared>>) target_semaphore(%run_scoped3A : memref<!tpu.dma_semaphore, #tpu.memory_space<semaphore_mem>>)
      %dma_wait3A_95 = arith.constant 0 : i32
      %dma_wait3A_96 = arith.constant 0 : i32
      %dma_wait3A_97 = tpu.memref_slice %arg7[%dma_wait3A_95, %dma_wait3A_96] : memref<80x128xf32, #tpu.memory_space<vmem>> -> memref<80x128xf32, #tpu.memory_space<vmem>>
      %dma_wait3A_98 = arith.constant 0 : i32
      %dma_wait3A_99 = tpu.memref_slice %arg9[%add3A_19, %dma_wait3A_98] : memref<10112x128xf32, #tpu.memory_space<vmem_shared>> -> memref<80x128xf32, #tpu.memory_space<vmem_shared>>
      %dma_wait3A_100 = arith.constant 0 : i32
      %dma_wait3A_101 = tpu.memref_slice %arg9[%add3A_19, %dma_wait3A_100] : memref<10112x128xf32, #tpu.memory_space<vmem_shared>> -> memref<80x128xf32, #tpu.memory_space<vmem_shared>>
      %dma_wait3A_102 = arith.constant 0 : i32
      %dma_wait3A_103 = arith.constant 0 : i32
      %dma_wait3A_104 = tpu.memref_slice %arg7[%dma_wait3A_102, %dma_wait3A_103] : memref<80x128xf32, #tpu.memory_space<vmem>> -> memref<80x128xf32, #tpu.memory_space<vmem>>
      tpu.wait_dma2 semaphore(%run_scoped3A : memref<!tpu.dma_semaphore, #tpu.memory_space<semaphore_mem>>) src(%dma_wait3A_104 : memref<80x128xf32, #tpu.memory_space<vmem>>) dst(%dma_wait3A_101 : memref<80x128xf32, #tpu.memory_space<vmem_shared>>)
      tpu.yield
    }) : () -> ()
    %add3A_20 = arith.constant 560 : i32
    %add3A_21 = arith.addi %mul3A_2, %add3A_20 : i32
    "tpu.region"() ({
      %run_scoped3A = tpu.sem_alloc : memref<!tpu.dma_semaphore, #tpu.memory_space<semaphore_mem>>
      %dma_start3A_85 = arith.constant 0 : i32
      %dma_start3A_86 = arith.constant 0 : i32
      %dma_start3A_87 = tpu.memref_slice %arg7[%dma_start3A_85, %dma_start3A_86] : memref<80x128xf32, #tpu.memory_space<vmem>> -> memref<72x128xf32, #tpu.memory_space<vmem>>
      %dma_start3A_88 = arith.constant 0 : i32
      %dma_start3A_89 = tpu.memref_slice %arg9[%add3A_21, %dma_start3A_88] : memref<10112x128xf32, #tpu.memory_space<vmem_shared>> -> memref<72x128xf32, #tpu.memory_space<vmem_shared>>
      %dma_start3A_90 = arith.constant 0 : i32
      %dma_start3A_91 = tpu.memref_slice %arg9[%add3A_21, %dma_start3A_90] : memref<10112x128xf32, #tpu.memory_space<vmem_shared>> -> memref<72x128xf32, #tpu.memory_space<vmem_shared>>
      %dma_start3A_92 = arith.constant 0 : i32
      %dma_start3A_93 = arith.constant 0 : i32
      %dma_start3A_94 = tpu.memref_slice %arg7[%dma_start3A_92, %dma_start3A_93] : memref<80x128xf32, #tpu.memory_space<vmem>> -> memref<72x128xf32, #tpu.memory_space<vmem>>
      tpu.enqueue_dma source(%dma_start3A_94 : memref<72x128xf32, #tpu.memory_space<vmem>>) target(%dma_start3A_91 : memref<72x128xf32, #tpu.memory_space<vmem_shared>>) target_semaphore(%run_scoped3A : memref<!tpu.dma_semaphore, #tpu.memory_space<semaphore_mem>>)
      %dma_wait3A_95 = arith.constant 0 : i32
      %dma_wait3A_96 = arith.constant 0 : i32
      %dma_wait3A_97 = tpu.memref_slice %arg7[%dma_wait3A_95, %dma_wait3A_96] : memref<80x128xf32, #tpu.memory_space<vmem>> -> memref<72x128xf32, #tpu.memory_space<vmem>>
      %dma_wait3A_98 = arith.constant 0 : i32
      %dma_wait3A_99 = tpu.memref_slice %arg9[%add3A_21, %dma_wait3A_98] : memref<10112x128xf32, #tpu.memory_space<vmem_shared>> -> memref<72x128xf32, #tpu.memory_space<vmem_shared>>
      %dma_wait3A_100 = arith.constant 0 : i32
      %dma_wait3A_101 = tpu.memref_slice %arg9[%add3A_21, %dma_wait3A_100] : memref<10112x128xf32, #tpu.memory_space<vmem_shared>> -> memref<72x128xf32, #tpu.memory_space<vmem_shared>>
      %dma_wait3A_102 = arith.constant 0 : i32
      %dma_wait3A_103 = arith.constant 0 : i32
      %dma_wait3A_104 = tpu.memref_slice %arg7[%dma_wait3A_102, %dma_wait3A_103] : memref<80x128xf32, #tpu.memory_space<vmem>> -> memref<72x128xf32, #tpu.memory_space<vmem>>
      tpu.wait_dma2 semaphore(%run_scoped3A : memref<!tpu.dma_semaphore, #tpu.memory_space<semaphore_mem>>) src(%dma_wait3A_104 : memref<72x128xf32, #tpu.memory_space<vmem>>) dst(%dma_wait3A_101 : memref<72x128xf32, #tpu.memory_space<vmem_shared>>)
      tpu.yield
    }) : () -> ()
    "tpu.region"() ({
      %run_scoped3A = tpu.sem_alloc : memref<!tpu.dma_semaphore, #tpu.memory_space<semaphore_mem>>
      tpu.enqueue_dma source(%arg4 : memref<80x128xf32, #tpu.memory_space<hbm>>) target(%arg8 : memref<80x128xf32, #tpu.memory_space<vmem>>) target_semaphore(%run_scoped3A : memref<!tpu.dma_semaphore, #tpu.memory_space<semaphore_mem>>)
      tpu.wait_dma2 semaphore(%run_scoped3A : memref<!tpu.dma_semaphore, #tpu.memory_space<semaphore_mem>>) src(%arg4 : memref<80x128xf32, #tpu.memory_space<hbm>>) dst(%arg8 : memref<80x128xf32, #tpu.memory_space<vmem>>)
      tpu.yield
    }) : () -> ()
    %dma_wait3A = tpu.memref_slice %arg2[%mul3A_4] : memref<320000xi32, #tpu.memory_space<hbm>> -> memref<10000xi32, #tpu.memory_space<hbm>>
    %dma_wait3A_22 = tpu.memref_slice %arg2[%mul3A_4] : memref<320000xi32, #tpu.memory_space<hbm>> -> memref<10000xi32, #tpu.memory_space<hbm>>
    tpu.wait_dma2 semaphore(%arg10 : memref<!tpu.dma_semaphore, #tpu.memory_space<semaphore_mem>>) src(%dma_wait3A_22 : memref<10000xi32, #tpu.memory_space<hbm>>) dst(%arg6 : memref<10000xi32, #tpu.memory_space<vmem>>)
    %barrier3A = arith.constant 0 : index
    tpu.barrier barrier_id(%barrier3A)
    %scan3A = arith.constant 0 : i32
    %scan3A_23 = arith.constant 0 : i32
    %scan3A_24 = arith.constant 125 : i32
    %scan3A_25 = arith.addi %scan3A_23, %scan3A_24 : i32
    %scan3A_26 = arith.constant 1 : i32
    scf.for %scan3A_85 = %scan3A_23 to %scan3A_25 step %scan3A_26  : i32 {
      %mul3A_86 = arith.constant 80 : i32
      %mul3A_87 = arith.muli %scan3A_85, %mul3A_86 : i32
      "tpu.region"() ({
        %run_scoped3A = tpu.sem_alloc : memref<!tpu.dma_semaphore, #tpu.memory_space<semaphore_mem>>
        %dma_start3A_88 = tpu.memref_slice %arg6[%mul3A_87] : memref<10000xi32, #tpu.memory_space<vmem>> -> memref<80xi32, #tpu.memory_space<vmem>>
        %dma_start3A_89 = arith.constant 0 : i32
        %dma_start3A_90 = arith.constant 0 : i32
        %dma_start3A_91 = tpu.memref_slice %arg9[%dma_start3A_89, %dma_start3A_90] : memref<10112x128xf32, #tpu.memory_space<vmem_shared>> -> memref<10112x128xf32, #tpu.memory_space<vmem_shared>>
        tpu.enqueue_indirect_dma source(%arg8 : memref<80x128xf32, #tpu.memory_space<vmem>>) target(%dma_start3A_91 : memref<10112x128xf32, #tpu.memory_space<vmem_shared>>) offsets(%dma_start3A_88 : memref<80xi32, #tpu.memory_space<vmem>>) semaphore(%run_scoped3A : memref<!tpu.dma_semaphore, #tpu.memory_space<semaphore_mem>>) {add = true}
        %dma_wait3A_92 = tpu.memref_slice %arg6[%mul3A_87] : memref<10000xi32, #tpu.memory_space<vmem>> -> memref<80xi32, #tpu.memory_space<vmem>>
        %dma_wait3A_93 = arith.constant 0 : i32
        %dma_wait3A_94 = arith.constant 0 : i32
        %dma_wait3A_95 = tpu.memref_slice %arg9[%dma_wait3A_93, %dma_wait3A_94] : memref<10112x128xf32, #tpu.memory_space<vmem_shared>> -> memref<10112x128xf32, #tpu.memory_space<vmem_shared>>
        tpu.wait_indirect_dma semaphore(%run_scoped3A : memref<!tpu.dma_semaphore, #tpu.memory_space<semaphore_mem>>) src(%arg8 : memref<80x128xf32, #tpu.memory_space<vmem>>) dst(%dma_wait3A_95 : memref<10112x128xf32, #tpu.memory_space<vmem_shared>>)
        tpu.yield
      }) : () -> ()
    }
    %scan3A_27 = arith.constant 125 : i32
    %barrier3A_28 = arith.constant 0 : index
    tpu.barrier barrier_id(%barrier3A_28)
    %add3A_29 = arith.constant 0 : i32
    %add3A_30 = arith.addi %mul3A_2, %add3A_29 : i32
    "tpu.region"() ({
      %run_scoped3A = tpu.sem_alloc : memref<!tpu.dma_semaphore, #tpu.memory_space<semaphore_mem>>
      %dma_start3A_85 = arith.constant 0 : i32
      %dma_start3A_86 = arith.constant 0 : i32
      %dma_start3A_87 = tpu.memref_slice %arg7[%dma_start3A_85, %dma_start3A_86] : memref<80x128xf32, #tpu.memory_space<vmem>> -> memref<80x128xf32, #tpu.memory_space<vmem>>
      %dma_start3A_88 = arith.constant 0 : i32
      %dma_start3A_89 = tpu.memref_slice %arg9[%add3A_30, %dma_start3A_88] : memref<10112x128xf32, #tpu.memory_space<vmem_shared>> -> memref<80x128xf32, #tpu.memory_space<vmem_shared>>
      %dma_start3A_90 = arith.constant 0 : i32
      %dma_start3A_91 = arith.constant 0 : i32
      %dma_start3A_92 = tpu.memref_slice %arg7[%dma_start3A_90, %dma_start3A_91] : memref<80x128xf32, #tpu.memory_space<vmem>> -> memref<80x128xf32, #tpu.memory_space<vmem>>
      %dma_start3A_93 = arith.constant 0 : i32
      %dma_start3A_94 = tpu.memref_slice %arg9[%add3A_30, %dma_start3A_93] : memref<10112x128xf32, #tpu.memory_space<vmem_shared>> -> memref<80x128xf32, #tpu.memory_space<vmem_shared>>
      tpu.enqueue_dma source(%dma_start3A_94 : memref<80x128xf32, #tpu.memory_space<vmem_shared>>) target(%dma_start3A_92 : memref<80x128xf32, #tpu.memory_space<vmem>>) target_semaphore(%run_scoped3A : memref<!tpu.dma_semaphore, #tpu.memory_space<semaphore_mem>>)
      %dma_wait3A_95 = arith.constant 0 : i32
      %dma_wait3A_96 = arith.constant 0 : i32
      %dma_wait3A_97 = tpu.memref_slice %arg7[%dma_wait3A_95, %dma_wait3A_96] : memref<80x128xf32, #tpu.memory_space<vmem>> -> memref<80x128xf32, #tpu.memory_space<vmem>>
      %dma_wait3A_98 = arith.constant 0 : i32
      %dma_wait3A_99 = tpu.memref_slice %arg9[%add3A_30, %dma_wait3A_98] : memref<10112x128xf32, #tpu.memory_space<vmem_shared>> -> memref<80x128xf32, #tpu.memory_space<vmem_shared>>
      %dma_wait3A_100 = arith.constant 0 : i32
      %dma_wait3A_101 = arith.constant 0 : i32
      %dma_wait3A_102 = tpu.memref_slice %arg7[%dma_wait3A_100, %dma_wait3A_101] : memref<80x128xf32, #tpu.memory_space<vmem>> -> memref<80x128xf32, #tpu.memory_space<vmem>>
      %dma_wait3A_103 = arith.constant 0 : i32
      %dma_wait3A_104 = tpu.memref_slice %arg9[%add3A_30, %dma_wait3A_103] : memref<10112x128xf32, #tpu.memory_space<vmem_shared>> -> memref<80x128xf32, #tpu.memory_space<vmem_shared>>
      tpu.wait_dma2 semaphore(%run_scoped3A : memref<!tpu.dma_semaphore, #tpu.memory_space<semaphore_mem>>) src(%dma_wait3A_104 : memref<80x128xf32, #tpu.memory_space<vmem_shared>>) dst(%dma_wait3A_102 : memref<80x128xf32, #tpu.memory_space<vmem>>)
      tpu.yield
    }) : () -> ()
    %mul3A_31 = arith.constant 10112 : i32
    %mul3A_32 = arith.muli %arg0, %mul3A_31 : i32
    %add3A_33 = arith.addi %mul3A_32, %mul3A_2 : i32
    %add3A_34 = arith.constant 0 : i32
    %add3A_35 = arith.addi %add3A_33, %add3A_34 : i32
    "tpu.region"() ({
      %run_scoped3A = tpu.sem_alloc : memref<!tpu.dma_semaphore, #tpu.memory_space<semaphore_mem>>
      %dma_start3A_85 = arith.constant 0 : i32
      %dma_start3A_86 = arith.constant 0 : i32
      %dma_start3A_87 = tpu.memref_slice %arg7[%dma_start3A_85, %dma_start3A_86] : memref<80x128xf32, #tpu.memory_space<vmem>> -> memref<80x128xf32, #tpu.memory_space<vmem>>
      %dma_start3A_88 = arith.constant 0 : i32
      %dma_start3A_89 = tpu.memref_slice %arg5[%add3A_35, %dma_start3A_88] : memref<20224x128xf32, #tpu.memory_space<hbm>> -> memref<80x128xf32, #tpu.memory_space<hbm>>
      %dma_start3A_90 = arith.constant 0 : i32
      %dma_start3A_91 = tpu.memref_slice %arg5[%add3A_35, %dma_start3A_90] : memref<20224x128xf32, #tpu.memory_space<hbm>> -> memref<80x128xf32, #tpu.memory_space<hbm>>
      %dma_start3A_92 = arith.constant 0 : i32
      %dma_start3A_93 = arith.constant 0 : i32
      %dma_start3A_94 = tpu.memref_slice %arg7[%dma_start3A_92, %dma_start3A_93] : memref<80x128xf32, #tpu.memory_space<vmem>> -> memref<80x128xf32, #tpu.memory_space<vmem>>
      tpu.enqueue_dma source(%dma_start3A_94 : memref<80x128xf32, #tpu.memory_space<vmem>>) target(%dma_start3A_91 : memref<80x128xf32, #tpu.memory_space<hbm>>) target_semaphore(%run_scoped3A : memref<!tpu.dma_semaphore, #tpu.memory_space<semaphore_mem>>)
      %dma_wait3A_95 = arith.constant 0 : i32
      %dma_wait3A_96 = arith.constant 0 : i32
      %dma_wait3A_97 = tpu.memref_slice %arg7[%dma_wait3A_95, %dma_wait3A_96] : memref<80x128xf32, #tpu.memory_space<vmem>> -> memref<80x128xf32, #tpu.memory_space<vmem>>
      %dma_wait3A_98 = arith.constant 0 : i32
      %dma_wait3A_99 = tpu.memref_slice %arg5[%add3A_35, %dma_wait3A_98] : memref<20224x128xf32, #tpu.memory_space<hbm>> -> memref<80x128xf32, #tpu.memory_space<hbm>>
      %dma_wait3A_100 = arith.constant 0 : i32
      %dma_wait3A_101 = tpu.memref_slice %arg5[%add3A_35, %dma_wait3A_100] : memref<20224x128xf32, #tpu.memory_space<hbm>> -> memref<80x128xf32, #tpu.memory_space<hbm>>
      %dma_wait3A_102 = arith.constant 0 : i32
      %dma_wait3A_103 = arith.constant 0 : i32
      %dma_wait3A_104 = tpu.memref_slice %arg7[%dma_wait3A_102, %dma_wait3A_103] : memref<80x128xf32, #tpu.memory_space<vmem>> -> memref<80x128xf32, #tpu.memory_space<vmem>>
      tpu.wait_dma2 semaphore(%run_scoped3A : memref<!tpu.dma_semaphore, #tpu.memory_space<semaphore_mem>>) src(%dma_wait3A_104 : memref<80x128xf32, #tpu.memory_space<vmem>>) dst(%dma_wait3A_101 : memref<80x128xf32, #tpu.memory_space<hbm>>)
      tpu.yield
    }) : () -> ()
    %add3A_36 = arith.constant 80 : i32
    %add3A_37 = arith.addi %mul3A_2, %add3A_36 : i32
    "tpu.region"() ({
      %run_scoped3A = tpu.sem_alloc : memref<!tpu.dma_semaphore, #tpu.memory_space<semaphore_mem>>
      %dma_start3A_85 = arith.constant 0 : i32
      %dma_start3A_86 = arith.constant 0 : i32
      %dma_start3A_87 = tpu.memref_slice %arg7[%dma_start3A_85, %dma_start3A_86] : memref<80x128xf32, #tpu.memory_space<vmem>> -> memref<80x128xf32, #tpu.memory_space<vmem>>
      %dma_start3A_88 = arith.constant 0 : i32
      %dma_start3A_89 = tpu.memref_slice %arg9[%add3A_37, %dma_start3A_88] : memref<10112x128xf32, #tpu.memory_space<vmem_shared>> -> memref<80x128xf32, #tpu.memory_space<vmem_shared>>
      %dma_start3A_90 = arith.constant 0 : i32
      %dma_start3A_91 = arith.constant 0 : i32
      %dma_start3A_92 = tpu.memref_slice %arg7[%dma_start3A_90, %dma_start3A_91] : memref<80x128xf32, #tpu.memory_space<vmem>> -> memref<80x128xf32, #tpu.memory_space<vmem>>
      %dma_start3A_93 = arith.constant 0 : i32
      %dma_start3A_94 = tpu.memref_slice %arg9[%add3A_37, %dma_start3A_93] : memref<10112x128xf32, #tpu.memory_space<vmem_shared>> -> memref<80x128xf32, #tpu.memory_space<vmem_shared>>
      tpu.enqueue_dma source(%dma_start3A_94 : memref<80x128xf32, #tpu.memory_space<vmem_shared>>) target(%dma_start3A_92 : memref<80x128xf32, #tpu.memory_space<vmem>>) target_semaphore(%run_scoped3A : memref<!tpu.dma_semaphore, #tpu.memory_space<semaphore_mem>>)
      %dma_wait3A_95 = arith.constant 0 : i32
      %dma_wait3A_96 = arith.constant 0 : i32
      %dma_wait3A_97 = tpu.memref_slice %arg7[%dma_wait3A_95, %dma_wait3A_96] : memref<80x128xf32, #tpu.memory_space<vmem>> -> memref<80x128xf32, #tpu.memory_space<vmem>>
      %dma_wait3A_98 = arith.constant 0 : i32
      %dma_wait3A_99 = tpu.memref_slice %arg9[%add3A_37, %dma_wait3A_98] : memref<10112x128xf32, #tpu.memory_space<vmem_shared>> -> memref<80x128xf32, #tpu.memory_space<vmem_shared>>
      %dma_wait3A_100 = arith.constant 0 : i32
      %dma_wait3A_101 = arith.constant 0 : i32
      %dma_wait3A_102 = tpu.memref_slice %arg7[%dma_wait3A_100, %dma_wait3A_101] : memref<80x128xf32, #tpu.memory_space<vmem>> -> memref<80x128xf32, #tpu.memory_space<vmem>>
      %dma_wait3A_103 = arith.constant 0 : i32
      %dma_wait3A_104 = tpu.memref_slice %arg9[%add3A_37, %dma_wait3A_103] : memref<10112x128xf32, #tpu.memory_space<vmem_shared>> -> memref<80x128xf32, #tpu.memory_space<vmem_shared>>
      tpu.wait_dma2 semaphore(%run_scoped3A : memref<!tpu.dma_semaphore, #tpu.memory_space<semaphore_mem>>) src(%dma_wait3A_104 : memref<80x128xf32, #tpu.memory_space<vmem_shared>>) dst(%dma_wait3A_102 : memref<80x128xf32, #tpu.memory_space<vmem>>)
      tpu.yield
    }) : () -> ()
    %mul3A_38 = arith.constant 10112 : i32
    %mul3A_39 = arith.muli %arg0, %mul3A_38 : i32
    %add3A_40 = arith.addi %mul3A_39, %mul3A_2 : i32
    %add3A_41 = arith.constant 80 : i32
    %add3A_42 = arith.addi %add3A_40, %add3A_41 : i32
    "tpu.region"() ({
      %run_scoped3A = tpu.sem_alloc : memref<!tpu.dma_semaphore, #tpu.memory_space<semaphore_mem>>
      %dma_start3A_85 = arith.constant 0 : i32
      %dma_start3A_86 = arith.constant 0 : i32
      %dma_start3A_87 = tpu.memref_slice %arg7[%dma_start3A_85, %dma_start3A_86] : memref<80x128xf32, #tpu.memory_space<vmem>> -> memref<80x128xf32, #tpu.memory_space<vmem>>
      %dma_start3A_88 = arith.constant 0 : i32
      %dma_start3A_89 = tpu.memref_slice %arg5[%add3A_42, %dma_start3A_88] : memref<20224x128xf32, #tpu.memory_space<hbm>> -> memref<80x128xf32, #tpu.memory_space<hbm>>
      %dma_start3A_90 = arith.constant 0 : i32
      %dma_start3A_91 = tpu.memref_slice %arg5[%add3A_42, %dma_start3A_90] : memref<20224x128xf32, #tpu.memory_space<hbm>> -> memref<80x128xf32, #tpu.memory_space<hbm>>
      %dma_start3A_92 = arith.constant 0 : i32
      %dma_start3A_93 = arith.constant 0 : i32
      %dma_start3A_94 = tpu.memref_slice %arg7[%dma_start3A_92, %dma_start3A_93] : memref<80x128xf32, #tpu.memory_space<vmem>> -> memref<80x128xf32, #tpu.memory_space<vmem>>
      tpu.enqueue_dma source(%dma_start3A_94 : memref<80x128xf32, #tpu.memory_space<vmem>>) target(%dma_start3A_91 : memref<80x128xf32, #tpu.memory_space<hbm>>) target_semaphore(%run_scoped3A : memref<!tpu.dma_semaphore, #tpu.memory_space<semaphore_mem>>)
      %dma_wait3A_95 = arith.constant 0 : i32
      %dma_wait3A_96 = arith.constant 0 : i32
      %dma_wait3A_97 = tpu.memref_slice %arg7[%dma_wait3A_95, %dma_wait3A_96] : memref<80x128xf32, #tpu.memory_space<vmem>> -> memref<80x128xf32, #tpu.memory_space<vmem>>
      %dma_wait3A_98 = arith.constant 0 : i32
      %dma_wait3A_99 = tpu.memref_slice %arg5[%add3A_42, %dma_wait3A_98] : memref<20224x128xf32, #tpu.memory_space<hbm>> -> memref<80x128xf32, #tpu.memory_space<hbm>>
      %dma_wait3A_100 = arith.constant 0 : i32
      %dma_wait3A_101 = tpu.memref_slice %arg5[%add3A_42, %dma_wait3A_100] : memref<20224x128xf32, #tpu.memory_space<hbm>> -> memref<80x128xf32, #tpu.memory_space<hbm>>
      %dma_wait3A_102 = arith.constant 0 : i32
      %dma_wait3A_103 = arith.constant 0 : i32
      %dma_wait3A_104 = tpu.memref_slice %arg7[%dma_wait3A_102, %dma_wait3A_103] : memref<80x128xf32, #tpu.memory_space<vmem>> -> memref<80x128xf32, #tpu.memory_space<vmem>>
      tpu.wait_dma2 semaphore(%run_scoped3A : memref<!tpu.dma_semaphore, #tpu.memory_space<semaphore_mem>>) src(%dma_wait3A_104 : memref<80x128xf32, #tpu.memory_space<vmem>>) dst(%dma_wait3A_101 : memref<80x128xf32, #tpu.memory_space<hbm>>)
      tpu.yield
    }) : () -> ()
    %add3A_43 = arith.constant 160 : i32
    %add3A_44 = arith.addi %mul3A_2, %add3A_43 : i32
    "tpu.region"() ({
      %run_scoped3A = tpu.sem_alloc : memref<!tpu.dma_semaphore, #tpu.memory_space<semaphore_mem>>
      %dma_start3A_85 = arith.constant 0 : i32
      %dma_start3A_86 = arith.constant 0 : i32
      %dma_start3A_87 = tpu.memref_slice %arg7[%dma_start3A_85, %dma_start3A_86] : memref<80x128xf32, #tpu.memory_space<vmem>> -> memref<80x128xf32, #tpu.memory_space<vmem>>
      %dma_start3A_88 = arith.constant 0 : i32
      %dma_start3A_89 = tpu.memref_slice %arg9[%add3A_44, %dma_start3A_88] : memref<10112x128xf32, #tpu.memory_space<vmem_shared>> -> memref<80x128xf32, #tpu.memory_space<vmem_shared>>
      %dma_start3A_90 = arith.constant 0 : i32
      %dma_start3A_91 = arith.constant 0 : i32
      %dma_start3A_92 = tpu.memref_slice %arg7[%dma_start3A_90, %dma_start3A_91] : memref<80x128xf32, #tpu.memory_space<vmem>> -> memref<80x128xf32, #tpu.memory_space<vmem>>
      %dma_start3A_93 = arith.constant 0 : i32
      %dma_start3A_94 = tpu.memref_slice %arg9[%add3A_44, %dma_start3A_93] : memref<10112x128xf32, #tpu.memory_space<vmem_shared>> -> memref<80x128xf32, #tpu.memory_space<vmem_shared>>
      tpu.enqueue_dma source(%dma_start3A_94 : memref<80x128xf32, #tpu.memory_space<vmem_shared>>) target(%dma_start3A_92 : memref<80x128xf32, #tpu.memory_space<vmem>>) target_semaphore(%run_scoped3A : memref<!tpu.dma_semaphore, #tpu.memory_space<semaphore_mem>>)
      %dma_wait3A_95 = arith.constant 0 : i32
      %dma_wait3A_96 = arith.constant 0 : i32
      %dma_wait3A_97 = tpu.memref_slice %arg7[%dma_wait3A_95, %dma_wait3A_96] : memref<80x128xf32, #tpu.memory_space<vmem>> -> memref<80x128xf32, #tpu.memory_space<vmem>>
      %dma_wait3A_98 = arith.constant 0 : i32
      %dma_wait3A_99 = tpu.memref_slice %arg9[%add3A_44, %dma_wait3A_98] : memref<10112x128xf32, #tpu.memory_space<vmem_shared>> -> memref<80x128xf32, #tpu.memory_space<vmem_shared>>
      %dma_wait3A_100 = arith.constant 0 : i32
      %dma_wait3A_101 = arith.constant 0 : i32
      %dma_wait3A_102 = tpu.memref_slice %arg7[%dma_wait3A_100, %dma_wait3A_101] : memref<80x128xf32, #tpu.memory_space<vmem>> -> memref<80x128xf32, #tpu.memory_space<vmem>>
      %dma_wait3A_103 = arith.constant 0 : i32
      %dma_wait3A_104 = tpu.memref_slice %arg9[%add3A_44, %dma_wait3A_103] : memref<10112x128xf32, #tpu.memory_space<vmem_shared>> -> memref<80x128xf32, #tpu.memory_space<vmem_shared>>
      tpu.wait_dma2 semaphore(%run_scoped3A : memref<!tpu.dma_semaphore, #tpu.memory_space<semaphore_mem>>) src(%dma_wait3A_104 : memref<80x128xf32, #tpu.memory_space<vmem_shared>>) dst(%dma_wait3A_102 : memref<80x128xf32, #tpu.memory_space<vmem>>)
      tpu.yield
    }) : () -> ()
    %mul3A_45 = arith.constant 10112 : i32
    %mul3A_46 = arith.muli %arg0, %mul3A_45 : i32
    %add3A_47 = arith.addi %mul3A_46, %mul3A_2 : i32
    %add3A_48 = arith.constant 160 : i32
    %add3A_49 = arith.addi %add3A_47, %add3A_48 : i32
    "tpu.region"() ({
      %run_scoped3A = tpu.sem_alloc : memref<!tpu.dma_semaphore, #tpu.memory_space<semaphore_mem>>
      %dma_start3A_85 = arith.constant 0 : i32
      %dma_start3A_86 = arith.constant 0 : i32
      %dma_start3A_87 = tpu.memref_slice %arg7[%dma_start3A_85, %dma_start3A_86] : memref<80x128xf32, #tpu.memory_space<vmem>> -> memref<80x128xf32, #tpu.memory_space<vmem>>
      %dma_start3A_88 = arith.constant 0 : i32
      %dma_start3A_89 = tpu.memref_slice %arg5[%add3A_49, %dma_start3A_88] : memref<20224x128xf32, #tpu.memory_space<hbm>> -> memref<80x128xf32, #tpu.memory_space<hbm>>
      %dma_start3A_90 = arith.constant 0 : i32
      %dma_start3A_91 = tpu.memref_slice %arg5[%add3A_49, %dma_start3A_90] : memref<20224x128xf32, #tpu.memory_space<hbm>> -> memref<80x128xf32, #tpu.memory_space<hbm>>
      %dma_start3A_92 = arith.constant 0 : i32
      %dma_start3A_93 = arith.constant 0 : i32
      %dma_start3A_94 = tpu.memref_slice %arg7[%dma_start3A_92, %dma_start3A_93] : memref<80x128xf32, #tpu.memory_space<vmem>> -> memref<80x128xf32, #tpu.memory_space<vmem>>
      tpu.enqueue_dma source(%dma_start3A_94 : memref<80x128xf32, #tpu.memory_space<vmem>>) target(%dma_start3A_91 : memref<80x128xf32, #tpu.memory_space<hbm>>) target_semaphore(%run_scoped3A : memref<!tpu.dma_semaphore, #tpu.memory_space<semaphore_mem>>)
      %dma_wait3A_95 = arith.constant 0 : i32
      %dma_wait3A_96 = arith.constant 0 : i32
      %dma_wait3A_97 = tpu.memref_slice %arg7[%dma_wait3A_95, %dma_wait3A_96] : memref<80x128xf32, #tpu.memory_space<vmem>> -> memref<80x128xf32, #tpu.memory_space<vmem>>
      %dma_wait3A_98 = arith.constant 0 : i32
      %dma_wait3A_99 = tpu.memref_slice %arg5[%add3A_49, %dma_wait3A_98] : memref<20224x128xf32, #tpu.memory_space<hbm>> -> memref<80x128xf32, #tpu.memory_space<hbm>>
      %dma_wait3A_100 = arith.constant 0 : i32
      %dma_wait3A_101 = tpu.memref_slice %arg5[%add3A_49, %dma_wait3A_100] : memref<20224x128xf32, #tpu.memory_space<hbm>> -> memref<80x128xf32, #tpu.memory_space<hbm>>
      %dma_wait3A_102 = arith.constant 0 : i32
      %dma_wait3A_103 = arith.constant 0 : i32
      %dma_wait3A_104 = tpu.memref_slice %arg7[%dma_wait3A_102, %dma_wait3A_103] : memref<80x128xf32, #tpu.memory_space<vmem>> -> memref<80x128xf32, #tpu.memory_space<vmem>>
      tpu.wait_dma2 semaphore(%run_scoped3A : memref<!tpu.dma_semaphore, #tpu.memory_space<semaphore_mem>>) src(%dma_wait3A_104 : memref<80x128xf32, #tpu.memory_space<vmem>>) dst(%dma_wait3A_101 : memref<80x128xf32, #tpu.memory_space<hbm>>)
      tpu.yield
    }) : () -> ()
    %add3A_50 = arith.constant 240 : i32
    %add3A_51 = arith.addi %mul3A_2, %add3A_50 : i32
    "tpu.region"() ({
      %run_scoped3A = tpu.sem_alloc : memref<!tpu.dma_semaphore, #tpu.memory_space<semaphore_mem>>
      %dma_start3A_85 = arith.constant 0 : i32
      %dma_start3A_86 = arith.constant 0 : i32
      %dma_start3A_87 = tpu.memref_slice %arg7[%dma_start3A_85, %dma_start3A_86] : memref<80x128xf32, #tpu.memory_space<vmem>> -> memref<80x128xf32, #tpu.memory_space<vmem>>
      %dma_start3A_88 = arith.constant 0 : i32
      %dma_start3A_89 = tpu.memref_slice %arg9[%add3A_51, %dma_start3A_88] : memref<10112x128xf32, #tpu.memory_space<vmem_shared>> -> memref<80x128xf32, #tpu.memory_space<vmem_shared>>
      %dma_start3A_90 = arith.constant 0 : i32
      %dma_start3A_91 = arith.constant 0 : i32
      %dma_start3A_92 = tpu.memref_slice %arg7[%dma_start3A_90, %dma_start3A_91] : memref<80x128xf32, #tpu.memory_space<vmem>> -> memref<80x128xf32, #tpu.memory_space<vmem>>
      %dma_start3A_93 = arith.constant 0 : i32
      %dma_start3A_94 = tpu.memref_slice %arg9[%add3A_51, %dma_start3A_93] : memref<10112x128xf32, #tpu.memory_space<vmem_shared>> -> memref<80x128xf32, #tpu.memory_space<vmem_shared>>
      tpu.enqueue_dma source(%dma_start3A_94 : memref<80x128xf32, #tpu.memory_space<vmem_shared>>) target(%dma_start3A_92 : memref<80x128xf32, #tpu.memory_space<vmem>>) target_semaphore(%run_scoped3A : memref<!tpu.dma_semaphore, #tpu.memory_space<semaphore_mem>>)
      %dma_wait3A_95 = arith.constant 0 : i32
      %dma_wait3A_96 = arith.constant 0 : i32
      %dma_wait3A_97 = tpu.memref_slice %arg7[%dma_wait3A_95, %dma_wait3A_96] : memref<80x128xf32, #tpu.memory_space<vmem>> -> memref<80x128xf32, #tpu.memory_space<vmem>>
      %dma_wait3A_98 = arith.constant 0 : i32
      %dma_wait3A_99 = tpu.memref_slice %arg9[%add3A_51, %dma_wait3A_98] : memref<10112x128xf32, #tpu.memory_space<vmem_shared>> -> memref<80x128xf32, #tpu.memory_space<vmem_shared>>
      %dma_wait3A_100 = arith.constant 0 : i32
      %dma_wait3A_101 = arith.constant 0 : i32
      %dma_wait3A_102 = tpu.memref_slice %arg7[%dma_wait3A_100, %dma_wait3A_101] : memref<80x128xf32, #tpu.memory_space<vmem>> -> memref<80x128xf32, #tpu.memory_space<vmem>>
      %dma_wait3A_103 = arith.constant 0 : i32
      %dma_wait3A_104 = tpu.memref_slice %arg9[%add3A_51, %dma_wait3A_103] : memref<10112x128xf32, #tpu.memory_space<vmem_shared>> -> memref<80x128xf32, #tpu.memory_space<vmem_shared>>
      tpu.wait_dma2 semaphore(%run_scoped3A : memref<!tpu.dma_semaphore, #tpu.memory_space<semaphore_mem>>) src(%dma_wait3A_104 : memref<80x128xf32, #tpu.memory_space<vmem_shared>>) dst(%dma_wait3A_102 : memref<80x128xf32, #tpu.memory_space<vmem>>)
      tpu.yield
    }) : () -> ()
    %mul3A_52 = arith.constant 10112 : i32
    %mul3A_53 = arith.muli %arg0, %mul3A_52 : i32
    %add3A_54 = arith.addi %mul3A_53, %mul3A_2 : i32
    %add3A_55 = arith.constant 240 : i32
    %add3A_56 = arith.addi %add3A_54, %add3A_55 : i32
    "tpu.region"() ({
      %run_scoped3A = tpu.sem_alloc : memref<!tpu.dma_semaphore, #tpu.memory_space<semaphore_mem>>
      %dma_start3A_85 = arith.constant 0 : i32
      %dma_start3A_86 = arith.constant 0 : i32
      %dma_start3A_87 = tpu.memref_slice %arg7[%dma_start3A_85, %dma_start3A_86] : memref<80x128xf32, #tpu.memory_space<vmem>> -> memref<80x128xf32, #tpu.memory_space<vmem>>
      %dma_start3A_88 = arith.constant 0 : i32
      %dma_start3A_89 = tpu.memref_slice %arg5[%add3A_56, %dma_start3A_88] : memref<20224x128xf32, #tpu.memory_space<hbm>> -> memref<80x128xf32, #tpu.memory_space<hbm>>
      %dma_start3A_90 = arith.constant 0 : i32
      %dma_start3A_91 = tpu.memref_slice %arg5[%add3A_56, %dma_start3A_90] : memref<20224x128xf32, #tpu.memory_space<hbm>> -> memref<80x128xf32, #tpu.memory_space<hbm>>
      %dma_start3A_92 = arith.constant 0 : i32
      %dma_start3A_93 = arith.constant 0 : i32
      %dma_start3A_94 = tpu.memref_slice %arg7[%dma_start3A_92, %dma_start3A_93] : memref<80x128xf32, #tpu.memory_space<vmem>> -> memref<80x128xf32, #tpu.memory_space<vmem>>
      tpu.enqueue_dma source(%dma_start3A_94 : memref<80x128xf32, #tpu.memory_space<vmem>>) target(%dma_start3A_91 : memref<80x128xf32, #tpu.memory_space<hbm>>) target_semaphore(%run_scoped3A : memref<!tpu.dma_semaphore, #tpu.memory_space<semaphore_mem>>)
      %dma_wait3A_95 = arith.constant 0 : i32
      %dma_wait3A_96 = arith.constant 0 : i32
      %dma_wait3A_97 = tpu.memref_slice %arg7[%dma_wait3A_95, %dma_wait3A_96] : memref<80x128xf32, #tpu.memory_space<vmem>> -> memref<80x128xf32, #tpu.memory_space<vmem>>
      %dma_wait3A_98 = arith.constant 0 : i32
      %dma_wait3A_99 = tpu.memref_slice %arg5[%add3A_56, %dma_wait3A_98] : memref<20224x128xf32, #tpu.memory_space<hbm>> -> memref<80x128xf32, #tpu.memory_space<hbm>>
      %dma_wait3A_100 = arith.constant 0 : i32
      %dma_wait3A_101 = tpu.memref_slice %arg5[%add3A_56, %dma_wait3A_100] : memref<20224x128xf32, #tpu.memory_space<hbm>> -> memref<80x128xf32, #tpu.memory_space<hbm>>
      %dma_wait3A_102 = arith.constant 0 : i32
      %dma_wait3A_103 = arith.constant 0 : i32
      %dma_wait3A_104 = tpu.memref_slice %arg7[%dma_wait3A_102, %dma_wait3A_103] : memref<80x128xf32, #tpu.memory_space<vmem>> -> memref<80x128xf32, #tpu.memory_space<vmem>>
      tpu.wait_dma2 semaphore(%run_scoped3A : memref<!tpu.dma_semaphore, #tpu.memory_space<semaphore_mem>>) src(%dma_wait3A_104 : memref<80x128xf32, #tpu.memory_space<vmem>>) dst(%dma_wait3A_101 : memref<80x128xf32, #tpu.memory_space<hbm>>)
      tpu.yield
    }) : () -> ()
    %add3A_57 = arith.constant 320 : i32
    %add3A_58 = arith.addi %mul3A_2, %add3A_57 : i32
    "tpu.region"() ({
      %run_scoped3A = tpu.sem_alloc : memref<!tpu.dma_semaphore, #tpu.memory_space<semaphore_mem>>
      %dma_start3A_85 = arith.constant 0 : i32
      %dma_start3A_86 = arith.constant 0 : i32
      %dma_start3A_87 = tpu.memref_slice %arg7[%dma_start3A_85, %dma_start3A_86] : memref<80x128xf32, #tpu.memory_space<vmem>> -> memref<80x128xf32, #tpu.memory_space<vmem>>
      %dma_start3A_88 = arith.constant 0 : i32
      %dma_start3A_89 = tpu.memref_slice %arg9[%add3A_58, %dma_start3A_88] : memref<10112x128xf32, #tpu.memory_space<vmem_shared>> -> memref<80x128xf32, #tpu.memory_space<vmem_shared>>
      %dma_start3A_90 = arith.constant 0 : i32
      %dma_start3A_91 = arith.constant 0 : i32
      %dma_start3A_92 = tpu.memref_slice %arg7[%dma_start3A_90, %dma_start3A_91] : memref<80x128xf32, #tpu.memory_space<vmem>> -> memref<80x128xf32, #tpu.memory_space<vmem>>
      %dma_start3A_93 = arith.constant 0 : i32
      %dma_start3A_94 = tpu.memref_slice %arg9[%add3A_58, %dma_start3A_93] : memref<10112x128xf32, #tpu.memory_space<vmem_shared>> -> memref<80x128xf32, #tpu.memory_space<vmem_shared>>
      tpu.enqueue_dma source(%dma_start3A_94 : memref<80x128xf32, #tpu.memory_space<vmem_shared>>) target(%dma_start3A_92 : memref<80x128xf32, #tpu.memory_space<vmem>>) target_semaphore(%run_scoped3A : memref<!tpu.dma_semaphore, #tpu.memory_space<semaphore_mem>>)
      %dma_wait3A_95 = arith.constant 0 : i32
      %dma_wait3A_96 = arith.constant 0 : i32
      %dma_wait3A_97 = tpu.memref_slice %arg7[%dma_wait3A_95, %dma_wait3A_96] : memref<80x128xf32, #tpu.memory_space<vmem>> -> memref<80x128xf32, #tpu.memory_space<vmem>>
      %dma_wait3A_98 = arith.constant 0 : i32
      %dma_wait3A_99 = tpu.memref_slice %arg9[%add3A_58, %dma_wait3A_98] : memref<10112x128xf32, #tpu.memory_space<vmem_shared>> -> memref<80x128xf32, #tpu.memory_space<vmem_shared>>
      %dma_wait3A_100 = arith.constant 0 : i32
      %dma_wait3A_101 = arith.constant 0 : i32
      %dma_wait3A_102 = tpu.memref_slice %arg7[%dma_wait3A_100, %dma_wait3A_101] : memref<80x128xf32, #tpu.memory_space<vmem>> -> memref<80x128xf32, #tpu.memory_space<vmem>>
      %dma_wait3A_103 = arith.constant 0 : i32
      %dma_wait3A_104 = tpu.memref_slice %arg9[%add3A_58, %dma_wait3A_103] : memref<10112x128xf32, #tpu.memory_space<vmem_shared>> -> memref<80x128xf32, #tpu.memory_space<vmem_shared>>
      tpu.wait_dma2 semaphore(%run_scoped3A : memref<!tpu.dma_semaphore, #tpu.memory_space<semaphore_mem>>) src(%dma_wait3A_104 : memref<80x128xf32, #tpu.memory_space<vmem_shared>>) dst(%dma_wait3A_102 : memref<80x128xf32, #tpu.memory_space<vmem>>)
      tpu.yield
    }) : () -> ()
    %mul3A_59 = arith.constant 10112 : i32
    %mul3A_60 = arith.muli %arg0, %mul3A_59 : i32
    %add3A_61 = arith.addi %mul3A_60, %mul3A_2 : i32
    %add3A_62 = arith.constant 320 : i32
    %add3A_63 = arith.addi %add3A_61, %add3A_62 : i32
    "tpu.region"() ({
      %run_scoped3A = tpu.sem_alloc : memref<!tpu.dma_semaphore, #tpu.memory_space<semaphore_mem>>
      %dma_start3A_85 = arith.constant 0 : i32
      %dma_start3A_86 = arith.constant 0 : i32
      %dma_start3A_87 = tpu.memref_slice %arg7[%dma_start3A_85, %dma_start3A_86] : memref<80x128xf32, #tpu.memory_space<vmem>> -> memref<80x128xf32, #tpu.memory_space<vmem>>
      %dma_start3A_88 = arith.constant 0 : i32
      %dma_start3A_89 = tpu.memref_slice %arg5[%add3A_63, %dma_start3A_88] : memref<20224x128xf32, #tpu.memory_space<hbm>> -> memref<80x128xf32, #tpu.memory_space<hbm>>
      %dma_start3A_90 = arith.constant 0 : i32
      %dma_start3A_91 = tpu.memref_slice %arg5[%add3A_63, %dma_start3A_90] : memref<20224x128xf32, #tpu.memory_space<hbm>> -> memref<80x128xf32, #tpu.memory_space<hbm>>
      %dma_start3A_92 = arith.constant 0 : i32
      %dma_start3A_93 = arith.constant 0 : i32
      %dma_start3A_94 = tpu.memref_slice %arg7[%dma_start3A_92, %dma_start3A_93] : memref<80x128xf32, #tpu.memory_space<vmem>> -> memref<80x128xf32, #tpu.memory_space<vmem>>
      tpu.enqueue_dma source(%dma_start3A_94 : memref<80x128xf32, #tpu.memory_space<vmem>>) target(%dma_start3A_91 : memref<80x128xf32, #tpu.memory_space<hbm>>) target_semaphore(%run_scoped3A : memref<!tpu.dma_semaphore, #tpu.memory_space<semaphore_mem>>)
      %dma_wait3A_95 = arith.constant 0 : i32
      %dma_wait3A_96 = arith.constant 0 : i32
      %dma_wait3A_97 = tpu.memref_slice %arg7[%dma_wait3A_95, %dma_wait3A_96] : memref<80x128xf32, #tpu.memory_space<vmem>> -> memref<80x128xf32, #tpu.memory_space<vmem>>
      %dma_wait3A_98 = arith.constant 0 : i32
      %dma_wait3A_99 = tpu.memref_slice %arg5[%add3A_63, %dma_wait3A_98] : memref<20224x128xf32, #tpu.memory_space<hbm>> -> memref<80x128xf32, #tpu.memory_space<hbm>>
      %dma_wait3A_100 = arith.constant 0 : i32
      %dma_wait3A_101 = tpu.memref_slice %arg5[%add3A_63, %dma_wait3A_100] : memref<20224x128xf32, #tpu.memory_space<hbm>> -> memref<80x128xf32, #tpu.memory_space<hbm>>
      %dma_wait3A_102 = arith.constant 0 : i32
      %dma_wait3A_103 = arith.constant 0 : i32
      %dma_wait3A_104 = tpu.memref_slice %arg7[%dma_wait3A_102, %dma_wait3A_103] : memref<80x128xf32, #tpu.memory_space<vmem>> -> memref<80x128xf32, #tpu.memory_space<vmem>>
      tpu.wait_dma2 semaphore(%run_scoped3A : memref<!tpu.dma_semaphore, #tpu.memory_space<semaphore_mem>>) src(%dma_wait3A_104 : memref<80x128xf32, #tpu.memory_space<vmem>>) dst(%dma_wait3A_101 : memref<80x128xf32, #tpu.memory_space<hbm>>)
      tpu.yield
    }) : () -> ()
    %add3A_64 = arith.constant 400 : i32
    %add3A_65 = arith.addi %mul3A_2, %add3A_64 : i32
    "tpu.region"() ({
      %run_scoped3A = tpu.sem_alloc : memref<!tpu.dma_semaphore, #tpu.memory_space<semaphore_mem>>
      %dma_start3A_85 = arith.constant 0 : i32
      %dma_start3A_86 = arith.constant 0 : i32
      %dma_start3A_87 = tpu.memref_slice %arg7[%dma_start3A_85, %dma_start3A_86] : memref<80x128xf32, #tpu.memory_space<vmem>> -> memref<80x128xf32, #tpu.memory_space<vmem>>
      %dma_start3A_88 = arith.constant 0 : i32
      %dma_start3A_89 = tpu.memref_slice %arg9[%add3A_65, %dma_start3A_88] : memref<10112x128xf32, #tpu.memory_space<vmem_shared>> -> memref<80x128xf32, #tpu.memory_space<vmem_shared>>
      %dma_start3A_90 = arith.constant 0 : i32
      %dma_start3A_91 = arith.constant 0 : i32
      %dma_start3A_92 = tpu.memref_slice %arg7[%dma_start3A_90, %dma_start3A_91] : memref<80x128xf32, #tpu.memory_space<vmem>> -> memref<80x128xf32, #tpu.memory_space<vmem>>
      %dma_start3A_93 = arith.constant 0 : i32
      %dma_start3A_94 = tpu.memref_slice %arg9[%add3A_65, %dma_start3A_93] : memref<10112x128xf32, #tpu.memory_space<vmem_shared>> -> memref<80x128xf32, #tpu.memory_space<vmem_shared>>
      tpu.enqueue_dma source(%dma_start3A_94 : memref<80x128xf32, #tpu.memory_space<vmem_shared>>) target(%dma_start3A_92 : memref<80x128xf32, #tpu.memory_space<vmem>>) target_semaphore(%run_scoped3A : memref<!tpu.dma_semaphore, #tpu.memory_space<semaphore_mem>>)
      %dma_wait3A_95 = arith.constant 0 : i32
      %dma_wait3A_96 = arith.constant 0 : i32
      %dma_wait3A_97 = tpu.memref_slice %arg7[%dma_wait3A_95, %dma_wait3A_96] : memref<80x128xf32, #tpu.memory_space<vmem>> -> memref<80x128xf32, #tpu.memory_space<vmem>>
      %dma_wait3A_98 = arith.constant 0 : i32
      %dma_wait3A_99 = tpu.memref_slice %arg9[%add3A_65, %dma_wait3A_98] : memref<10112x128xf32, #tpu.memory_space<vmem_shared>> -> memref<80x128xf32, #tpu.memory_space<vmem_shared>>
      %dma_wait3A_100 = arith.constant 0 : i32
      %dma_wait3A_101 = arith.constant 0 : i32
      %dma_wait3A_102 = tpu.memref_slice %arg7[%dma_wait3A_100, %dma_wait3A_101] : memref<80x128xf32, #tpu.memory_space<vmem>> -> memref<80x128xf32, #tpu.memory_space<vmem>>
      %dma_wait3A_103 = arith.constant 0 : i32
      %dma_wait3A_104 = tpu.memref_slice %arg9[%add3A_65, %dma_wait3A_103] : memref<10112x128xf32, #tpu.memory_space<vmem_shared>> -> memref<80x128xf32, #tpu.memory_space<vmem_shared>>
      tpu.wait_dma2 semaphore(%run_scoped3A : memref<!tpu.dma_semaphore, #tpu.memory_space<semaphore_mem>>) src(%dma_wait3A_104 : memref<80x128xf32, #tpu.memory_space<vmem_shared>>) dst(%dma_wait3A_102 : memref<80x128xf32, #tpu.memory_space<vmem>>)
      tpu.yield
    }) : () -> ()
    %mul3A_66 = arith.constant 10112 : i32
    %mul3A_67 = arith.muli %arg0, %mul3A_66 : i32
    %add3A_68 = arith.addi %mul3A_67, %mul3A_2 : i32
    %add3A_69 = arith.constant 400 : i32
    %add3A_70 = arith.addi %add3A_68, %add3A_69 : i32
    "tpu.region"() ({
      %run_scoped3A = tpu.sem_alloc : memref<!tpu.dma_semaphore, #tpu.memory_space<semaphore_mem>>
      %dma_start3A_85 = arith.constant 0 : i32
      %dma_start3A_86 = arith.constant 0 : i32
      %dma_start3A_87 = tpu.memref_slice %arg7[%dma_start3A_85, %dma_start3A_86] : memref<80x128xf32, #tpu.memory_space<vmem>> -> memref<80x128xf32, #tpu.memory_space<vmem>>
      %dma_start3A_88 = arith.constant 0 : i32
      %dma_start3A_89 = tpu.memref_slice %arg5[%add3A_70, %dma_start3A_88] : memref<20224x128xf32, #tpu.memory_space<hbm>> -> memref<80x128xf32, #tpu.memory_space<hbm>>
      %dma_start3A_90 = arith.constant 0 : i32
      %dma_start3A_91 = tpu.memref_slice %arg5[%add3A_70, %dma_start3A_90] : memref<20224x128xf32, #tpu.memory_space<hbm>> -> memref<80x128xf32, #tpu.memory_space<hbm>>
      %dma_start3A_92 = arith.constant 0 : i32
      %dma_start3A_93 = arith.constant 0 : i32
      %dma_start3A_94 = tpu.memref_slice %arg7[%dma_start3A_92, %dma_start3A_93] : memref<80x128xf32, #tpu.memory_space<vmem>> -> memref<80x128xf32, #tpu.memory_space<vmem>>
      tpu.enqueue_dma source(%dma_start3A_94 : memref<80x128xf32, #tpu.memory_space<vmem>>) target(%dma_start3A_91 : memref<80x128xf32, #tpu.memory_space<hbm>>) target_semaphore(%run_scoped3A : memref<!tpu.dma_semaphore, #tpu.memory_space<semaphore_mem>>)
      %dma_wait3A_95 = arith.constant 0 : i32
      %dma_wait3A_96 = arith.constant 0 : i32
      %dma_wait3A_97 = tpu.memref_slice %arg7[%dma_wait3A_95, %dma_wait3A_96] : memref<80x128xf32, #tpu.memory_space<vmem>> -> memref<80x128xf32, #tpu.memory_space<vmem>>
      %dma_wait3A_98 = arith.constant 0 : i32
      %dma_wait3A_99 = tpu.memref_slice %arg5[%add3A_70, %dma_wait3A_98] : memref<20224x128xf32, #tpu.memory_space<hbm>> -> memref<80x128xf32, #tpu.memory_space<hbm>>
      %dma_wait3A_100 = arith.constant 0 : i32
      %dma_wait3A_101 = tpu.memref_slice %arg5[%add3A_70, %dma_wait3A_100] : memref<20224x128xf32, #tpu.memory_space<hbm>> -> memref<80x128xf32, #tpu.memory_space<hbm>>
      %dma_wait3A_102 = arith.constant 0 : i32
      %dma_wait3A_103 = arith.constant 0 : i32
      %dma_wait3A_104 = tpu.memref_slice %arg7[%dma_wait3A_102, %dma_wait3A_103] : memref<80x128xf32, #tpu.memory_space<vmem>> -> memref<80x128xf32, #tpu.memory_space<vmem>>
      tpu.wait_dma2 semaphore(%run_scoped3A : memref<!tpu.dma_semaphore, #tpu.memory_space<semaphore_mem>>) src(%dma_wait3A_104 : memref<80x128xf32, #tpu.memory_space<vmem>>) dst(%dma_wait3A_101 : memref<80x128xf32, #tpu.memory_space<hbm>>)
      tpu.yield
    }) : () -> ()
    %add3A_71 = arith.constant 480 : i32
    %add3A_72 = arith.addi %mul3A_2, %add3A_71 : i32
    "tpu.region"() ({
      %run_scoped3A = tpu.sem_alloc : memref<!tpu.dma_semaphore, #tpu.memory_space<semaphore_mem>>
      %dma_start3A_85 = arith.constant 0 : i32
      %dma_start3A_86 = arith.constant 0 : i32
      %dma_start3A_87 = tpu.memref_slice %arg7[%dma_start3A_85, %dma_start3A_86] : memref<80x128xf32, #tpu.memory_space<vmem>> -> memref<80x128xf32, #tpu.memory_space<vmem>>
      %dma_start3A_88 = arith.constant 0 : i32
      %dma_start3A_89 = tpu.memref_slice %arg9[%add3A_72, %dma_start3A_88] : memref<10112x128xf32, #tpu.memory_space<vmem_shared>> -> memref<80x128xf32, #tpu.memory_space<vmem_shared>>
      %dma_start3A_90 = arith.constant 0 : i32
      %dma_start3A_91 = arith.constant 0 : i32
      %dma_start3A_92 = tpu.memref_slice %arg7[%dma_start3A_90, %dma_start3A_91] : memref<80x128xf32, #tpu.memory_space<vmem>> -> memref<80x128xf32, #tpu.memory_space<vmem>>
      %dma_start3A_93 = arith.constant 0 : i32
      %dma_start3A_94 = tpu.memref_slice %arg9[%add3A_72, %dma_start3A_93] : memref<10112x128xf32, #tpu.memory_space<vmem_shared>> -> memref<80x128xf32, #tpu.memory_space<vmem_shared>>
      tpu.enqueue_dma source(%dma_start3A_94 : memref<80x128xf32, #tpu.memory_space<vmem_shared>>) target(%dma_start3A_92 : memref<80x128xf32, #tpu.memory_space<vmem>>) target_semaphore(%run_scoped3A : memref<!tpu.dma_semaphore, #tpu.memory_space<semaphore_mem>>)
      %dma_wait3A_95 = arith.constant 0 : i32
      %dma_wait3A_96 = arith.constant 0 : i32
      %dma_wait3A_97 = tpu.memref_slice %arg7[%dma_wait3A_95, %dma_wait3A_96] : memref<80x128xf32, #tpu.memory_space<vmem>> -> memref<80x128xf32, #tpu.memory_space<vmem>>
      %dma_wait3A_98 = arith.constant 0 : i32
      %dma_wait3A_99 = tpu.memref_slice %arg9[%add3A_72, %dma_wait3A_98] : memref<10112x128xf32, #tpu.memory_space<vmem_shared>> -> memref<80x128xf32, #tpu.memory_space<vmem_shared>>
      %dma_wait3A_100 = arith.constant 0 : i32
      %dma_wait3A_101 = arith.constant 0 : i32
      %dma_wait3A_102 = tpu.memref_slice %arg7[%dma_wait3A_100, %dma_wait3A_101] : memref<80x128xf32, #tpu.memory_space<vmem>> -> memref<80x128xf32, #tpu.memory_space<vmem>>
      %dma_wait3A_103 = arith.constant 0 : i32
      %dma_wait3A_104 = tpu.memref_slice %arg9[%add3A_72, %dma_wait3A_103] : memref<10112x128xf32, #tpu.memory_space<vmem_shared>> -> memref<80x128xf32, #tpu.memory_space<vmem_shared>>
      tpu.wait_dma2 semaphore(%run_scoped3A : memref<!tpu.dma_semaphore, #tpu.memory_space<semaphore_mem>>) src(%dma_wait3A_104 : memref<80x128xf32, #tpu.memory_space<vmem_shared>>) dst(%dma_wait3A_102 : memref<80x128xf32, #tpu.memory_space<vmem>>)
      tpu.yield
    }) : () -> ()
    %mul3A_73 = arith.constant 10112 : i32
    %mul3A_74 = arith.muli %arg0, %mul3A_73 : i32
    %add3A_75 = arith.addi %mul3A_74, %mul3A_2 : i32
    %add3A_76 = arith.constant 480 : i32
    %add3A_77 = arith.addi %add3A_75, %add3A_76 : i32
    "tpu.region"() ({
      %run_scoped3A = tpu.sem_alloc : memref<!tpu.dma_semaphore, #tpu.memory_space<semaphore_mem>>
      %dma_start3A_85 = arith.constant 0 : i32
      %dma_start3A_86 = arith.constant 0 : i32
      %dma_start3A_87 = tpu.memref_slice %arg7[%dma_start3A_85, %dma_start3A_86] : memref<80x128xf32, #tpu.memory_space<vmem>> -> memref<80x128xf32, #tpu.memory_space<vmem>>
      %dma_start3A_88 = arith.constant 0 : i32
      %dma_start3A_89 = tpu.memref_slice %arg5[%add3A_77, %dma_start3A_88] : memref<20224x128xf32, #tpu.memory_space<hbm>> -> memref<80x128xf32, #tpu.memory_space<hbm>>
      %dma_start3A_90 = arith.constant 0 : i32
      %dma_start3A_91 = tpu.memref_slice %arg5[%add3A_77, %dma_start3A_90] : memref<20224x128xf32, #tpu.memory_space<hbm>> -> memref<80x128xf32, #tpu.memory_space<hbm>>
      %dma_start3A_92 = arith.constant 0 : i32
      %dma_start3A_93 = arith.constant 0 : i32
      %dma_start3A_94 = tpu.memref_slice %arg7[%dma_start3A_92, %dma_start3A_93] : memref<80x128xf32, #tpu.memory_space<vmem>> -> memref<80x128xf32, #tpu.memory_space<vmem>>
      tpu.enqueue_dma source(%dma_start3A_94 : memref<80x128xf32, #tpu.memory_space<vmem>>) target(%dma_start3A_91 : memref<80x128xf32, #tpu.memory_space<hbm>>) target_semaphore(%run_scoped3A : memref<!tpu.dma_semaphore, #tpu.memory_space<semaphore_mem>>)
      %dma_wait3A_95 = arith.constant 0 : i32
      %dma_wait3A_96 = arith.constant 0 : i32
      %dma_wait3A_97 = tpu.memref_slice %arg7[%dma_wait3A_95, %dma_wait3A_96] : memref<80x128xf32, #tpu.memory_space<vmem>> -> memref<80x128xf32, #tpu.memory_space<vmem>>
      %dma_wait3A_98 = arith.constant 0 : i32
      %dma_wait3A_99 = tpu.memref_slice %arg5[%add3A_77, %dma_wait3A_98] : memref<20224x128xf32, #tpu.memory_space<hbm>> -> memref<80x128xf32, #tpu.memory_space<hbm>>
      %dma_wait3A_100 = arith.constant 0 : i32
      %dma_wait3A_101 = tpu.memref_slice %arg5[%add3A_77, %dma_wait3A_100] : memref<20224x128xf32, #tpu.memory_space<hbm>> -> memref<80x128xf32, #tpu.memory_space<hbm>>
      %dma_wait3A_102 = arith.constant 0 : i32
      %dma_wait3A_103 = arith.constant 0 : i32
      %dma_wait3A_104 = tpu.memref_slice %arg7[%dma_wait3A_102, %dma_wait3A_103] : memref<80x128xf32, #tpu.memory_space<vmem>> -> memref<80x128xf32, #tpu.memory_space<vmem>>
      tpu.wait_dma2 semaphore(%run_scoped3A : memref<!tpu.dma_semaphore, #tpu.memory_space<semaphore_mem>>) src(%dma_wait3A_104 : memref<80x128xf32, #tpu.memory_space<vmem>>) dst(%dma_wait3A_101 : memref<80x128xf32, #tpu.memory_space<hbm>>)
      tpu.yield
    }) : () -> ()
    %add3A_78 = arith.constant 560 : i32
    %add3A_79 = arith.addi %mul3A_2, %add3A_78 : i32
    "tpu.region"() ({
      %run_scoped3A = tpu.sem_alloc : memref<!tpu.dma_semaphore, #tpu.memory_space<semaphore_mem>>
      %dma_start3A_85 = arith.constant 0 : i32
      %dma_start3A_86 = arith.constant 0 : i32
      %dma_start3A_87 = tpu.memref_slice %arg7[%dma_start3A_85, %dma_start3A_86] : memref<80x128xf32, #tpu.memory_space<vmem>> -> memref<72x128xf32, #tpu.memory_space<vmem>>
      %dma_start3A_88 = arith.constant 0 : i32
      %dma_start3A_89 = tpu.memref_slice %arg9[%add3A_79, %dma_start3A_88] : memref<10112x128xf32, #tpu.memory_space<vmem_shared>> -> memref<72x128xf32, #tpu.memory_space<vmem_shared>>
      %dma_start3A_90 = arith.constant 0 : i32
      %dma_start3A_91 = arith.constant 0 : i32
      %dma_start3A_92 = tpu.memref_slice %arg7[%dma_start3A_90, %dma_start3A_91] : memref<80x128xf32, #tpu.memory_space<vmem>> -> memref<72x128xf32, #tpu.memory_space<vmem>>
      %dma_start3A_93 = arith.constant 0 : i32
      %dma_start3A_94 = tpu.memref_slice %arg9[%add3A_79, %dma_start3A_93] : memref<10112x128xf32, #tpu.memory_space<vmem_shared>> -> memref<72x128xf32, #tpu.memory_space<vmem_shared>>
      tpu.enqueue_dma source(%dma_start3A_94 : memref<72x128xf32, #tpu.memory_space<vmem_shared>>) target(%dma_start3A_92 : memref<72x128xf32, #tpu.memory_space<vmem>>) target_semaphore(%run_scoped3A : memref<!tpu.dma_semaphore, #tpu.memory_space<semaphore_mem>>)
      %dma_wait3A_95 = arith.constant 0 : i32
      %dma_wait3A_96 = arith.constant 0 : i32
      %dma_wait3A_97 = tpu.memref_slice %arg7[%dma_wait3A_95, %dma_wait3A_96] : memref<80x128xf32, #tpu.memory_space<vmem>> -> memref<72x128xf32, #tpu.memory_space<vmem>>
      %dma_wait3A_98 = arith.constant 0 : i32
      %dma_wait3A_99 = tpu.memref_slice %arg9[%add3A_79, %dma_wait3A_98] : memref<10112x128xf32, #tpu.memory_space<vmem_shared>> -> memref<72x128xf32, #tpu.memory_space<vmem_shared>>
      %dma_wait3A_100 = arith.constant 0 : i32
      %dma_wait3A_101 = arith.constant 0 : i32
      %dma_wait3A_102 = tpu.memref_slice %arg7[%dma_wait3A_100, %dma_wait3A_101] : memref<80x128xf32, #tpu.memory_space<vmem>> -> memref<72x128xf32, #tpu.memory_space<vmem>>
      %dma_wait3A_103 = arith.constant 0 : i32
      %dma_wait3A_104 = tpu.memref_slice %arg9[%add3A_79, %dma_wait3A_103] : memref<10112x128xf32, #tpu.memory_space<vmem_shared>> -> memref<72x128xf32, #tpu.memory_space<vmem_shared>>
      tpu.wait_dma2 semaphore(%run_scoped3A : memref<!tpu.dma_semaphore, #tpu.memory_space<semaphore_mem>>) src(%dma_wait3A_104 : memref<72x128xf32, #tpu.memory_space<vmem_shared>>) dst(%dma_wait3A_102 : memref<72x128xf32, #tpu.memory_space<vmem>>)
      tpu.yield
    }) : () -> ()
    %mul3A_80 = arith.constant 10112 : i32
    %mul3A_81 = arith.muli %arg0, %mul3A_80 : i32
    %add3A_82 = arith.addi %mul3A_81, %mul3A_2 : i32
    %add3A_83 = arith.constant 560 : i32
    %add3A_84 = arith.addi %add3A_82, %add3A_83 : i32
    "tpu.region"() ({
      %run_scoped3A = tpu.sem_alloc : memref<!tpu.dma_semaphore, #tpu.memory_space<semaphore_mem>>
      %dma_start3A_85 = arith.constant 0 : i32
      %dma_start3A_86 = arith.constant 0 : i32
      %dma_start3A_87 = tpu.memref_slice %arg7[%dma_start3A_85, %dma_start3A_86] : memref<80x128xf32, #tpu.memory_space<vmem>> -> memref<72x128xf32, #tpu.memory_space<vmem>>
      %dma_start3A_88 = arith.constant 0 : i32
      %dma_start3A_89 = tpu.memref_slice %arg5[%add3A_84, %dma_start3A_88] : memref<20224x128xf32, #tpu.memory_space<hbm>> -> memref<72x128xf32, #tpu.memory_space<hbm>>
      %dma_start3A_90 = arith.constant 0 : i32
      %dma_start3A_91 = tpu.memref_slice %arg5[%add3A_84, %dma_start3A_90] : memref<20224x128xf32, #tpu.memory_space<hbm>> -> memref<72x128xf32, #tpu.memory_space<hbm>>
      %dma_start3A_92 = arith.constant 0 : i32
      %dma_start3A_93 = arith.constant 0 : i32
      %dma_start3A_94 = tpu.memref_slice %arg7[%dma_start3A_92, %dma_start3A_93] : memref<80x128xf32, #tpu.memory_space<vmem>> -> memref<72x128xf32, #tpu.memory_space<vmem>>
      tpu.enqueue_dma source(%dma_start3A_94 : memref<72x128xf32, #tpu.memory_space<vmem>>) target(%dma_start3A_91 : memref<72x128xf32, #tpu.memory_space<hbm>>) target_semaphore(%run_scoped3A : memref<!tpu.dma_semaphore, #tpu.memory_space<semaphore_mem>>)
      %dma_wait3A_95 = arith.constant 0 : i32
      %dma_wait3A_96 = arith.constant 0 : i32
      %dma_wait3A_97 = tpu.memref_slice %arg7[%dma_wait3A_95, %dma_wait3A_96] : memref<80x128xf32, #tpu.memory_space<vmem>> -> memref<72x128xf32, #tpu.memory_space<vmem>>
      %dma_wait3A_98 = arith.constant 0 : i32
      %dma_wait3A_99 = tpu.memref_slice %arg5[%add3A_84, %dma_wait3A_98] : memref<20224x128xf32, #tpu.memory_space<hbm>> -> memref<72x128xf32, #tpu.memory_space<hbm>>
      %dma_wait3A_100 = arith.constant 0 : i32
      %dma_wait3A_101 = tpu.memref_slice %arg5[%add3A_84, %dma_wait3A_100] : memref<20224x128xf32, #tpu.memory_space<hbm>> -> memref<72x128xf32, #tpu.memory_space<hbm>>
      %dma_wait3A_102 = arith.constant 0 : i32
      %dma_wait3A_103 = arith.constant 0 : i32
      %dma_wait3A_104 = tpu.memref_slice %arg7[%dma_wait3A_102, %dma_wait3A_103] : memref<80x128xf32, #tpu.memory_space<vmem>> -> memref<72x128xf32, #tpu.memory_space<vmem>>
      tpu.wait_dma2 semaphore(%run_scoped3A : memref<!tpu.dma_semaphore, #tpu.memory_space<semaphore_mem>>) src(%dma_wait3A_104 : memref<72x128xf32, #tpu.memory_space<vmem>>) dst(%dma_wait3A_101 : memref<72x128xf32, #tpu.memory_space<hbm>>)
      tpu.yield
    }) : () -> ()
    return
  }
}

module attributes {stable_mosaic.version = 14 : i64} {
  func.func @_tc_in_body(%arg0: i32, %arg1: memref<1000x128xf32, #tpu.memory_space<vmem>>, %arg2: memref<128x128xf32, #tpu.memory_space<vmem>>, %arg3: memref<1x128xf32, #tpu.memory_space<vmem>>, %arg4: memref<128x128xf32, #tpu.memory_space<vmem>>, %arg5: memref<1000x128xf32, #tpu.memory_space<vmem>>, %arg6: memref<1000x128xf32, #tpu.memory_space<vmem>>) attributes {dimension_semantics = [#tpu.dimension_semantics<arbitrary>], iteration_bounds = array<i64: 10>, scalar_prefetch = 0 : i64, scratch_operands = 0 : i64, tpu.core_type = #tpu.core_type<tc>, window_params = [{transform_indices = @transform_0, window_bounds = array<i64: 1000, 128>}, {pipeline_mode = #tpu.pipeline_mode<synchronous>, transform_indices = @transform_1, window_bounds = array<i64: 128, 128>}, {pipeline_mode = #tpu.pipeline_mode<synchronous>, transform_indices = @transform_2, window_bounds = array<i64: 1, 128>}, {pipeline_mode = #tpu.pipeline_mode<synchronous>, transform_indices = @transform_3, window_bounds = array<i64: 128, 128>}, {transform_indices = @transform_4, window_bounds = array<i64: 1000, 128>}, {transform_indices = @transform_5, window_bounds = array<i64: 1000, 128>}]} {
    %get3A = arith.constant 0 : index
    %get3A_0 = arith.constant 0 : index
    %get3A_1 = vector.load %arg1[%get3A, %get3A_0] : memref<1000x128xf32, #tpu.memory_space<vmem>>, vector<1000x128xf32>
    %get3A_2 = arith.constant 0 : index
    %get3A_3 = arith.constant 0 : index
    %get3A_4 = vector.load %arg2[%get3A_2, %get3A_3] : memref<128x128xf32, #tpu.memory_space<vmem>>, vector<128x128xf32>
    %dot_general3A = arith.constant dense<0.000000e+00> : vector<1000x128xf32>
    %dot_general3A_5 = tpu.matmul %get3A_1, %get3A_4, %dot_general3A {dimension_numbers = #tpu.dot_dimension_numbers<[1], [0], [0], [1], [0, 0, 1, 1], [], []>, precision = #tpu.contract_precision<fp32>, transpose_lhs_hint = false} : vector<1000x128xf32>, vector<128x128xf32>, vector<1000x128xf32> -> vector<1000x128xf32>
    %swap3A = arith.constant 0 : index
    %swap3A_6 = arith.constant 0 : index
    %swap3A_7 = vector.load %arg5[%swap3A, %swap3A_6] : memref<1000x128xf32, #tpu.memory_space<vmem>>, vector<1000x128xf32>
    tpu.vector_store %arg5[%swap3A, %swap3A_6], %dot_general3A_5 {strides = array<i32>} : memref<1000x128xf32, #tpu.memory_space<vmem>>, vector<1000x128xf32>,
    %get3A_8 = arith.constant 0 : index
    %get3A_9 = arith.constant 0 : index
    %get3A_10 = vector.load %arg4[%get3A_8, %get3A_9] : memref<128x128xf32, #tpu.memory_space<vmem>>, vector<128x128xf32>
    %dot_general3A_11 = arith.constant dense<0.000000e+00> : vector<1000x128xf32>
    %dot_general3A_12 = tpu.matmul %get3A_1, %get3A_10, %dot_general3A_11 {dimension_numbers = #tpu.dot_dimension_numbers<[1], [0], [0], [1], [0, 0, 1, 1], [], []>, precision = #tpu.contract_precision<fp32>, transpose_lhs_hint = false} : vector<1000x128xf32>, vector<128x128xf32>, vector<1000x128xf32> -> vector<1000x128xf32>
    %get3A_13 = arith.constant 0 : index
    %get3A_14 = arith.constant 0 : index
    %get3A_15 = vector.load %arg3[%get3A_13, %get3A_14] : memref<1x128xf32, #tpu.memory_space<vmem>>, vector<1x128xf32>
    %add3A = vector.broadcast %get3A_15 : vector<1x128xf32> to vector<1000x128xf32>
    %add3A_16 = arith.addf %dot_general3A_12, %add3A : vector<1000x128xf32>
    %swap3A_17 = arith.constant 0 : index
    %swap3A_18 = arith.constant 0 : index
    %swap3A_19 = vector.load %arg6[%swap3A_17, %swap3A_18] : memref<1000x128xf32, #tpu.memory_space<vmem>>, vector<1000x128xf32>
    tpu.vector_store %arg6[%swap3A_17, %swap3A_18], %add3A_16 {strides = array<i32>} : memref<1000x128xf32, #tpu.memory_space<vmem>>, vector<1000x128xf32>,
    return
  }
  func.func @transform_0(%arg0: i32) -> (i32, i32) {
    %c0_i32 = arith.constant 0 : i32
    %c0_i32_0 = arith.constant 0 : i32
    return %arg0, %c0_i32 : i32, i32
  }
  func.func @transform_1(%arg0: i32) -> (i32, i32) {
    %c0_i32 = arith.constant 0 : i32
    %c0_i32_0 = arith.constant 0 : i32
    %c0_i32_1 = arith.constant 0 : i32
    return %c0_i32, %c0_i32_0 : i32, i32
  }
  func.func @transform_2(%arg0: i32) -> (i32, i32) {
    %c0_i32 = arith.constant 0 : i32
    %c0_i32_0 = arith.constant 0 : i32
    %c0_i32_1 = arith.constant 0 : i32
    return %c0_i32, %c0_i32_0 : i32, i32
  }
  func.func @transform_3(%arg0: i32) -> (i32, i32) {
    %c0_i32 = arith.constant 0 : i32
    %c0_i32_0 = arith.constant 0 : i32
    %c0_i32_1 = arith.constant 0 : i32
    return %c0_i32, %c0_i32_0 : i32, i32
  }
  func.func @transform_4(%arg0: i32) -> (i32, i32) {
    %c0_i32 = arith.constant 0 : i32
    %c0_i32_0 = arith.constant 0 : i32
    return %arg0, %c0_i32 : i32, i32
  }
  func.func @transform_5(%arg0: i32) -> (i32, i32) {
    %c0_i32 = arith.constant 0 : i32
    %c0_i32_0 = arith.constant 0 : i32
    return %arg0, %c0_i32 : i32, i32
  }
}

module attributes {stable_mosaic.version = 14 : i64} {
  func.func @_tc_comb1_body(%arg0: i32, %arg1: memref<1000x128xf32, #tpu.memory_space<vmem>>, %arg2: memref<1000x128xf32, #tpu.memory_space<vmem>>, %arg3: memref<1000x1xf32, #tpu.memory_space<vmem>>, %arg4: memref<1000x1xf32, #tpu.memory_space<vmem>>, %arg5: memref<1000x128xf32, #tpu.memory_space<vmem>>, %arg6: memref<128x128xf32, #tpu.memory_space<vmem>>, %arg7: memref<1x128xf32, #tpu.memory_space<vmem>>, %arg8: memref<128x128xf32, #tpu.memory_space<vmem>>, %arg9: memref<1000x128xf32, #tpu.memory_space<vmem>>, %arg10: memref<1000x128xf32, #tpu.memory_space<vmem>>, %arg11: memref<1000x1xf32, #tpu.memory_space<vmem>>) attributes {dimension_semantics = [#tpu.dimension_semantics<arbitrary>], iteration_bounds = array<i64: 10>, scalar_prefetch = 0 : i64, scratch_operands = 0 : i64, tpu.core_type = #tpu.core_type<tc>, window_params = [{transform_indices = @transform_0, window_bounds = array<i64: 1000, 128>}, {transform_indices = @transform_1, window_bounds = array<i64: 1000, 128>}, {transform_indices = @transform_2, window_bounds = array<i64: 1000, 1>}, {transform_indices = @transform_3, window_bounds = array<i64: 1000, 1>}, {transform_indices = @transform_4, window_bounds = array<i64: 1000, 128>}, {pipeline_mode = #tpu.pipeline_mode<synchronous>, transform_indices = @transform_5, window_bounds = array<i64: 128, 128>}, {pipeline_mode = #tpu.pipeline_mode<synchronous>, transform_indices = @transform_6, window_bounds = array<i64: 1, 128>}, {pipeline_mode = #tpu.pipeline_mode<synchronous>, transform_indices = @transform_7, window_bounds = array<i64: 128, 128>}, {transform_indices = @transform_8, window_bounds = array<i64: 1000, 128>}, {transform_indices = @transform_9, window_bounds = array<i64: 1000, 128>}, {transform_indices = @transform_10, window_bounds = array<i64: 1000, 1>}]} {
    %get3A = arith.constant 0 : index
    %get3A_0 = arith.constant 0 : index
    %get3A_1 = vector.load %arg3[%get3A, %get3A_0] : memref<1000x1xf32, #tpu.memory_space<vmem>>, vector<1000x1xf32>
    %get3A_2 = arith.constant 0 : index
    %get3A_3 = arith.constant 0 : index
    %get3A_4 = vector.load %arg4[%get3A_2, %get3A_3] : memref<1000x1xf32, #tpu.memory_space<vmem>>, vector<1000x1xf32>
    %add3A = arith.addf %get3A_1, %get3A_4 : vector<1000x1xf32>
    %max3A = arith.constant 1.000000e+00 : f32
    %max3A_5 = vector.broadcast %max3A : f32 to vector<1000x1xf32>
    %max3A_6 = arith.maximumf %add3A, %max3A_5 : vector<1000x1xf32>
    %div3A = arith.constant 1.000000e+00 : f32
    %div3A_7 = vector.broadcast %div3A : f32 to vector<1000x1xf32>
    %div3A_8 = arith.divf %div3A_7, %max3A_6 : vector<1000x1xf32>
    %get3A_9 = arith.constant 0 : index
    %get3A_10 = arith.constant 0 : index
    %get3A_11 = vector.load %arg1[%get3A_9, %get3A_10] : memref<1000x128xf32, #tpu.memory_space<vmem>>, vector<1000x128xf32>
    %get3A_12 = arith.constant 0 : index
    %get3A_13 = arith.constant 0 : index
    %get3A_14 = vector.load %arg2[%get3A_12, %get3A_13] : memref<1000x128xf32, #tpu.memory_space<vmem>>, vector<1000x128xf32>
    %add3A_15 = arith.addf %get3A_11, %get3A_14 : vector<1000x128xf32>
    %mul3A = vector.broadcast %div3A_8 : vector<1000x1xf32> to vector<1000x128xf32>
    %mul3A_16 = arith.mulf %add3A_15, %mul3A : vector<1000x128xf32>
    %get3A_17 = arith.constant 0 : index
    %get3A_18 = arith.constant 0 : index
    %get3A_19 = vector.load %arg5[%get3A_17, %get3A_18] : memref<1000x128xf32, #tpu.memory_space<vmem>>, vector<1000x128xf32>
    %add3A_20 = arith.addf %mul3A_16, %get3A_19 : vector<1000x128xf32>
    %max3A_21 = arith.constant 0.000000e+00 : f32
    %max3A_22 = vector.broadcast %max3A_21 : f32 to vector<1000x128xf32>
    %max3A_23 = arith.maximumf %add3A_20, %max3A_22 : vector<1000x128xf32>
    %get3A_24 = arith.constant 0 : index
    %get3A_25 = arith.constant 0 : index
    %get3A_26 = vector.load %arg6[%get3A_24, %get3A_25] : memref<128x128xf32, #tpu.memory_space<vmem>>, vector<128x128xf32>
    %dot_general3A = arith.constant dense<0.000000e+00> : vector<1000x128xf32>
    %dot_general3A_27 = tpu.matmul %max3A_23, %get3A_26, %dot_general3A {dimension_numbers = #tpu.dot_dimension_numbers<[1], [0], [0], [1], [0, 0, 1, 1], [], []>, precision = #tpu.contract_precision<fp32>, transpose_lhs_hint = false} : vector<1000x128xf32>, vector<128x128xf32>, vector<1000x128xf32> -> vector<1000x128xf32>
    %swap3A = arith.constant 0 : index
    %swap3A_28 = arith.constant 0 : index
    %swap3A_29 = vector.load %arg9[%swap3A, %swap3A_28] : memref<1000x128xf32, #tpu.memory_space<vmem>>, vector<1000x128xf32>
    tpu.vector_store %arg9[%swap3A, %swap3A_28], %dot_general3A_27 {strides = array<i32>} : memref<1000x128xf32, #tpu.memory_space<vmem>>, vector<1000x128xf32>,
    %get3A_30 = arith.constant 0 : index
    %get3A_31 = arith.constant 0 : index
    %get3A_32 = vector.load %arg8[%get3A_30, %get3A_31] : memref<128x128xf32, #tpu.memory_space<vmem>>, vector<128x128xf32>
    %dot_general3A_33 = arith.constant dense<0.000000e+00> : vector<1000x128xf32>
    %dot_general3A_34 = tpu.matmul %max3A_23, %get3A_32, %dot_general3A_33 {dimension_numbers = #tpu.dot_dimension_numbers<[1], [0], [0], [1], [0, 0, 1, 1], [], []>, precision = #tpu.contract_precision<fp32>, transpose_lhs_hint = false} : vector<1000x128xf32>, vector<128x128xf32>, vector<1000x128xf32> -> vector<1000x128xf32>
    %get3A_35 = arith.constant 0 : index
    %get3A_36 = arith.constant 0 : index
    %get3A_37 = vector.load %arg7[%get3A_35, %get3A_36] : memref<1x128xf32, #tpu.memory_space<vmem>>, vector<1x128xf32>
    %add3A_38 = vector.broadcast %get3A_37 : vector<1x128xf32> to vector<1000x128xf32>
    %add3A_39 = arith.addf %dot_general3A_34, %add3A_38 : vector<1000x128xf32>
    %swap3A_40 = arith.constant 0 : index
    %swap3A_41 = arith.constant 0 : index
    %swap3A_42 = vector.load %arg10[%swap3A_40, %swap3A_41] : memref<1000x128xf32, #tpu.memory_space<vmem>>, vector<1000x128xf32>
    tpu.vector_store %arg10[%swap3A_40, %swap3A_41], %add3A_39 {strides = array<i32>} : memref<1000x128xf32, #tpu.memory_space<vmem>>, vector<1000x128xf32>,
    %swap3A_43 = arith.constant 0 : index
    %swap3A_44 = arith.constant 0 : index
    %swap3A_45 = vector.load %arg11[%swap3A_43, %swap3A_44] : memref<1000x1xf32, #tpu.memory_space<vmem>>, vector<1000x1xf32>
    tpu.vector_store %arg11[%swap3A_43, %swap3A_44], %div3A_8 {strides = array<i32>} : memref<1000x1xf32, #tpu.memory_space<vmem>>, vector<1000x1xf32>,
    return
  }
  func.func @transform_0(%arg0: i32) -> (i32, i32) {
    %c0_i32 = arith.constant 0 : i32
    %c0_i32_0 = arith.constant 0 : i32
    return %arg0, %c0_i32 : i32, i32
  }
  func.func @transform_1(%arg0: i32) -> (i32, i32) {
    %c0_i32 = arith.constant 0 : i32
    %c0_i32_0 = arith.constant 0 : i32
    return %arg0, %c0_i32 : i32, i32
  }
  func.func @transform_2(%arg0: i32) -> (i32, i32) {
    %c0_i32 = arith.constant 0 : i32
    %c0_i32_0 = arith.constant 0 : i32
    return %arg0, %c0_i32 : i32, i32
  }
  func.func @transform_3(%arg0: i32) -> (i32, i32) {
    %c0_i32 = arith.constant 0 : i32
    %c0_i32_0 = arith.constant 0 : i32
    return %arg0, %c0_i32 : i32, i32
  }
  func.func @transform_4(%arg0: i32) -> (i32, i32) {
    %c0_i32 = arith.constant 0 : i32
    %c0_i32_0 = arith.constant 0 : i32
    return %arg0, %c0_i32 : i32, i32
  }
  func.func @transform_5(%arg0: i32) -> (i32, i32) {
    %c0_i32 = arith.constant 0 : i32
    %c0_i32_0 = arith.constant 0 : i32
    %c0_i32_1 = arith.constant 0 : i32
    return %c0_i32, %c0_i32_0 : i32, i32
  }
  func.func @transform_6(%arg0: i32) -> (i32, i32) {
    %c0_i32 = arith.constant 0 : i32
    %c0_i32_0 = arith.constant 0 : i32
    %c0_i32_1 = arith.constant 0 : i32
    return %c0_i32, %c0_i32_0 : i32, i32
  }
  func.func @transform_7(%arg0: i32) -> (i32, i32) {
    %c0_i32 = arith.constant 0 : i32
    %c0_i32_0 = arith.constant 0 : i32
    %c0_i32_1 = arith.constant 0 : i32
    return %c0_i32, %c0_i32_0 : i32, i32
  }
  func.func @transform_8(%arg0: i32) -> (i32, i32) {
    %c0_i32 = arith.constant 0 : i32
    %c0_i32_0 = arith.constant 0 : i32
    return %arg0, %c0_i32 : i32, i32
  }
  func.func @transform_9(%arg0: i32) -> (i32, i32) {
    %c0_i32 = arith.constant 0 : i32
    %c0_i32_0 = arith.constant 0 : i32
    return %arg0, %c0_i32 : i32, i32
  }
  func.func @transform_10(%arg0: i32) -> (i32, i32) {
    %c0_i32 = arith.constant 0 : i32
    %c0_i32_0 = arith.constant 0 : i32
    return %arg0, %c0_i32 : i32, i32
  }
}

module attributes {stable_mosaic.version = 14 : i64} {
  func.func @_tc_comb2_body(%arg0: i32, %arg1: memref<1000x128xf32, #tpu.memory_space<vmem>>, %arg2: memref<1000x128xf32, #tpu.memory_space<vmem>>, %arg3: memref<1000x1xf32, #tpu.memory_space<vmem>>, %arg4: memref<1000x128xf32, #tpu.memory_space<vmem>>, %arg5: memref<128x128xf32, #tpu.memory_space<vmem>>, %arg6: memref<1x128xf32, #tpu.memory_space<vmem>>, %arg7: memref<128x128xf32, #tpu.memory_space<vmem>>, %arg8: memref<1000x128xf32, #tpu.memory_space<vmem>>, %arg9: memref<1000x128xf32, #tpu.memory_space<vmem>>) attributes {dimension_semantics = [#tpu.dimension_semantics<arbitrary>], iteration_bounds = array<i64: 10>, scalar_prefetch = 0 : i64, scratch_operands = 0 : i64, tpu.core_type = #tpu.core_type<tc>, window_params = [{transform_indices = @transform_0, window_bounds = array<i64: 1000, 128>}, {transform_indices = @transform_1, window_bounds = array<i64: 1000, 128>}, {transform_indices = @transform_2, window_bounds = array<i64: 1000, 1>}, {transform_indices = @transform_3, window_bounds = array<i64: 1000, 128>}, {pipeline_mode = #tpu.pipeline_mode<synchronous>, transform_indices = @transform_4, window_bounds = array<i64: 128, 128>}, {pipeline_mode = #tpu.pipeline_mode<synchronous>, transform_indices = @transform_5, window_bounds = array<i64: 1, 128>}, {pipeline_mode = #tpu.pipeline_mode<synchronous>, transform_indices = @transform_6, window_bounds = array<i64: 128, 128>}, {transform_indices = @transform_7, window_bounds = array<i64: 1000, 128>}, {transform_indices = @transform_8, window_bounds = array<i64: 1000, 128>}]} {
    %get3A = arith.constant 0 : index
    %get3A_0 = arith.constant 0 : index
    %get3A_1 = vector.load %arg3[%get3A, %get3A_0] : memref<1000x1xf32, #tpu.memory_space<vmem>>, vector<1000x1xf32>
    %get3A_2 = arith.constant 0 : index
    %get3A_3 = arith.constant 0 : index
    %get3A_4 = vector.load %arg1[%get3A_2, %get3A_3] : memref<1000x128xf32, #tpu.memory_space<vmem>>, vector<1000x128xf32>
    %get3A_5 = arith.constant 0 : index
    %get3A_6 = arith.constant 0 : index
    %get3A_7 = vector.load %arg2[%get3A_5, %get3A_6] : memref<1000x128xf32, #tpu.memory_space<vmem>>, vector<1000x128xf32>
    %add3A = arith.addf %get3A_4, %get3A_7 : vector<1000x128xf32>
    %mul3A = vector.broadcast %get3A_1 : vector<1000x1xf32> to vector<1000x128xf32>
    %mul3A_8 = arith.mulf %add3A, %mul3A : vector<1000x128xf32>
    %get3A_9 = arith.constant 0 : index
    %get3A_10 = arith.constant 0 : index
    %get3A_11 = vector.load %arg4[%get3A_9, %get3A_10] : memref<1000x128xf32, #tpu.memory_space<vmem>>, vector<1000x128xf32>
    %add3A_12 = arith.addf %mul3A_8, %get3A_11 : vector<1000x128xf32>
    %max3A = arith.constant 0.000000e+00 : f32
    %max3A_13 = vector.broadcast %max3A : f32 to vector<1000x128xf32>
    %max3A_14 = arith.maximumf %add3A_12, %max3A_13 : vector<1000x128xf32>
    %get3A_15 = arith.constant 0 : index
    %get3A_16 = arith.constant 0 : index
    %get3A_17 = vector.load %arg5[%get3A_15, %get3A_16] : memref<128x128xf32, #tpu.memory_space<vmem>>, vector<128x128xf32>
    %dot_general3A = arith.constant dense<0.000000e+00> : vector<1000x128xf32>
    %dot_general3A_18 = tpu.matmul %max3A_14, %get3A_17, %dot_general3A {dimension_numbers = #tpu.dot_dimension_numbers<[1], [0], [0], [1], [0, 0, 1, 1], [], []>, precision = #tpu.contract_precision<fp32>, transpose_lhs_hint = false} : vector<1000x128xf32>, vector<128x128xf32>, vector<1000x128xf32> -> vector<1000x128xf32>
    %swap3A = arith.constant 0 : index
    %swap3A_19 = arith.constant 0 : index
    %swap3A_20 = vector.load %arg8[%swap3A, %swap3A_19] : memref<1000x128xf32, #tpu.memory_space<vmem>>, vector<1000x128xf32>
    tpu.vector_store %arg8[%swap3A, %swap3A_19], %dot_general3A_18 {strides = array<i32>} : memref<1000x128xf32, #tpu.memory_space<vmem>>, vector<1000x128xf32>,
    %get3A_21 = arith.constant 0 : index
    %get3A_22 = arith.constant 0 : index
    %get3A_23 = vector.load %arg7[%get3A_21, %get3A_22] : memref<128x128xf32, #tpu.memory_space<vmem>>, vector<128x128xf32>
    %dot_general3A_24 = arith.constant dense<0.000000e+00> : vector<1000x128xf32>
    %dot_general3A_25 = tpu.matmul %max3A_14, %get3A_23, %dot_general3A_24 {dimension_numbers = #tpu.dot_dimension_numbers<[1], [0], [0], [1], [0, 0, 1, 1], [], []>, precision = #tpu.contract_precision<fp32>, transpose_lhs_hint = false} : vector<1000x128xf32>, vector<128x128xf32>, vector<1000x128xf32> -> vector<1000x128xf32>
    %get3A_26 = arith.constant 0 : index
    %get3A_27 = arith.constant 0 : index
    %get3A_28 = vector.load %arg6[%get3A_26, %get3A_27] : memref<1x128xf32, #tpu.memory_space<vmem>>, vector<1x128xf32>
    %add3A_29 = vector.broadcast %get3A_28 : vector<1x128xf32> to vector<1000x128xf32>
    %add3A_30 = arith.addf %dot_general3A_25, %add3A_29 : vector<1000x128xf32>
    %swap3A_31 = arith.constant 0 : index
    %swap3A_32 = arith.constant 0 : index
    %swap3A_33 = vector.load %arg9[%swap3A_31, %swap3A_32] : memref<1000x128xf32, #tpu.memory_space<vmem>>, vector<1000x128xf32>
    tpu.vector_store %arg9[%swap3A_31, %swap3A_32], %add3A_30 {strides = array<i32>} : memref<1000x128xf32, #tpu.memory_space<vmem>>, vector<1000x128xf32>,
    return
  }
  func.func @transform_0(%arg0: i32) -> (i32, i32) {
    %c0_i32 = arith.constant 0 : i32
    %c0_i32_0 = arith.constant 0 : i32
    return %arg0, %c0_i32 : i32, i32
  }
  func.func @transform_1(%arg0: i32) -> (i32, i32) {
    %c0_i32 = arith.constant 0 : i32
    %c0_i32_0 = arith.constant 0 : i32
    return %arg0, %c0_i32 : i32, i32
  }
  func.func @transform_2(%arg0: i32) -> (i32, i32) {
    %c0_i32 = arith.constant 0 : i32
    %c0_i32_0 = arith.constant 0 : i32
    return %arg0, %c0_i32 : i32, i32
  }
  func.func @transform_3(%arg0: i32) -> (i32, i32) {
    %c0_i32 = arith.constant 0 : i32
    %c0_i32_0 = arith.constant 0 : i32
    return %arg0, %c0_i32 : i32, i32
  }
  func.func @transform_4(%arg0: i32) -> (i32, i32) {
    %c0_i32 = arith.constant 0 : i32
    %c0_i32_0 = arith.constant 0 : i32
    %c0_i32_1 = arith.constant 0 : i32
    return %c0_i32, %c0_i32_0 : i32, i32
  }
  func.func @transform_5(%arg0: i32) -> (i32, i32) {
    %c0_i32 = arith.constant 0 : i32
    %c0_i32_0 = arith.constant 0 : i32
    %c0_i32_1 = arith.constant 0 : i32
    return %c0_i32, %c0_i32_0 : i32, i32
  }
  func.func @transform_6(%arg0: i32) -> (i32, i32) {
    %c0_i32 = arith.constant 0 : i32
    %c0_i32_0 = arith.constant 0 : i32
    %c0_i32_1 = arith.constant 0 : i32
    return %c0_i32, %c0_i32_0 : i32, i32
  }
  func.func @transform_7(%arg0: i32) -> (i32, i32) {
    %c0_i32 = arith.constant 0 : i32
    %c0_i32_0 = arith.constant 0 : i32
    return %arg0, %c0_i32 : i32, i32
  }
  func.func @transform_8(%arg0: i32) -> (i32, i32) {
    %c0_i32 = arith.constant 0 : i32
    %c0_i32_0 = arith.constant 0 : i32
    return %arg0, %c0_i32 : i32, i32
  }
}

module attributes {stable_mosaic.version = 14 : i64} {
  func.func @_tc_final_body(%arg0: i32, %arg1: memref<1000x128xf32, #tpu.memory_space<vmem>>, %arg2: memref<1000x128xf32, #tpu.memory_space<vmem>>, %arg3: memref<1000x1xf32, #tpu.memory_space<vmem>>, %arg4: memref<1000x128xf32, #tpu.memory_space<vmem>>, %arg5: memref<1000x128xf32, #tpu.memory_space<vmem>>) attributes {dimension_semantics = [#tpu.dimension_semantics<arbitrary>], iteration_bounds = array<i64: 10>, scalar_prefetch = 0 : i64, scratch_operands = 0 : i64, tpu.core_type = #tpu.core_type<tc>, window_params = [{transform_indices = @transform_0, window_bounds = array<i64: 1000, 128>}, {transform_indices = @transform_1, window_bounds = array<i64: 1000, 128>}, {transform_indices = @transform_2, window_bounds = array<i64: 1000, 1>}, {transform_indices = @transform_3, window_bounds = array<i64: 1000, 128>}, {transform_indices = @transform_4, window_bounds = array<i64: 1000, 128>}]} {
    %get3A = arith.constant 0 : index
    %get3A_0 = arith.constant 0 : index
    %get3A_1 = vector.load %arg1[%get3A, %get3A_0] : memref<1000x128xf32, #tpu.memory_space<vmem>>, vector<1000x128xf32>
    %get3A_2 = arith.constant 0 : index
    %get3A_3 = arith.constant 0 : index
    %get3A_4 = vector.load %arg2[%get3A_2, %get3A_3] : memref<1000x128xf32, #tpu.memory_space<vmem>>, vector<1000x128xf32>
    %add3A = arith.addf %get3A_1, %get3A_4 : vector<1000x128xf32>
    %get3A_5 = arith.constant 0 : index
    %get3A_6 = arith.constant 0 : index
    %get3A_7 = vector.load %arg3[%get3A_5, %get3A_6] : memref<1000x1xf32, #tpu.memory_space<vmem>>, vector<1000x1xf32>
    %mul3A = vector.broadcast %get3A_7 : vector<1000x1xf32> to vector<1000x128xf32>
    %mul3A_8 = arith.mulf %add3A, %mul3A : vector<1000x128xf32>
    %get3A_9 = arith.constant 0 : index
    %get3A_10 = arith.constant 0 : index
    %get3A_11 = vector.load %arg4[%get3A_9, %get3A_10] : memref<1000x128xf32, #tpu.memory_space<vmem>>, vector<1000x128xf32>
    %add3A_12 = arith.addf %mul3A_8, %get3A_11 : vector<1000x128xf32>
    %swap3A = arith.constant 0 : index
    %swap3A_13 = arith.constant 0 : index
    %swap3A_14 = vector.load %arg5[%swap3A, %swap3A_13] : memref<1000x128xf32, #tpu.memory_space<vmem>>, vector<1000x128xf32>
    tpu.vector_store %arg5[%swap3A, %swap3A_13], %add3A_12 {strides = array<i32>} : memref<1000x128xf32, #tpu.memory_space<vmem>>, vector<1000x128xf32>,
    return
  }
  func.func @transform_0(%arg0: i32) -> (i32, i32) {
    %c0_i32 = arith.constant 0 : i32
    %c0_i32_0 = arith.constant 0 : i32
    return %arg0, %c0_i32 : i32, i32
  }
  func.func @transform_1(%arg0: i32) -> (i32, i32) {
    %c0_i32 = arith.constant 0 : i32
    %c0_i32_0 = arith.constant 0 : i32
    return %arg0, %c0_i32 : i32, i32
  }
  func.func @transform_2(%arg0: i32) -> (i32, i32) {
    %c0_i32 = arith.constant 0 : i32
    %c0_i32_0 = arith.constant 0 : i32
    return %arg0, %c0_i32 : i32, i32
  }
  func.func @transform_3(%arg0: i32) -> (i32, i32) {
    %c0_i32 = arith.constant 0 : i32
    %c0_i32_0 = arith.constant 0 : i32
    return %arg0, %c0_i32 : i32, i32
  }
  func.func @transform_4(%arg0: i32) -> (i32, i32) {
    %c0_i32 = arith.constant 0 : i32
    %c0_i32_0 = arith.constant 0 : i32
    return %arg0, %c0_i32 : i32, i32
  }
}

</mosaic_0001>

<sc_bundles>
// kernel: kernel.10.cloned.1.call-start
scs
__scs_entry_jumppad:
0x0: {  	(pc) =	sbr.rel $0x88, $3  }
0x1: {  	(tag) =	ssettag $0x0;
	lr =	simm.s32 $0x1  }
0x2: {  	[smem:$0x3F96] =	sst lr;
	_ =	strace $0xD0000000  }
0x3: {  	_ = 	snop  }
0x4: {  	_ = 	snop  }
0x5: {  	_ = 	snop  }
0x6: {  	_ = 	snop  }
0x7: {  	_ = 	snop  }
__scs_overlays_trampoline_lowered:
0x8: {  	[smem:$0x3FA5] =	sst s0  }
0x9: {  	[smem:$0x3FA6] =	sst s1  }
0xa: {  	[smem:$0x3FA7] =	sst s2  }
0xb: {  	[smem:$0x3FA8] =	sst s3  }
0xc: {  	[smem:$0x3FA9] =	sst s4  }
0xd: {  	[smem:$0x3FAA] =	sst s5  }
0xe: {  	[smem:$0x3FAB] =	sst s6  }
0xf: {  	[smem:$0x3FAC] =	sst s7  }
0x10: {  	[smem:$0x3FAD] =	sst s8  }
0x11: {  	[smem:$0x3FAE] =	sst s9;
	s0 =	simm.s32 @!p0 $0x0  }
0x12: {  	s1 =	sld [smem:$0x3F94];
	s0 =	simm.s32 @p0 $0x1  }
0x13: {  	[smem:$0x3FAF] =	sst s0;
	s0 =	simm.s32 @!p1 $0x0  }
0x14: {  	s2 =	sld [smem:$0x3F93];
	s0 =	simm.s32 @p1 $0x1  }
0x15: {  	[smem:$0x3FB0] =	sst s0;
	s0 =	simm.s32 @!p2 $0x0  }
0x16: {  	s3 =	sld [smem:$0x3FDB];
	s0 =	simm.s32 @p2 $0x1  }
0x17: {  	s4 =	simm.s32 $0x1BF5;
	[smem:$0x3FB2] =	sst s0  }
0x18: {  	s0 =	sld [smem:$0x3F95];
	_ =	swait.ge [sflag:s4], $0x0  }
0x19: {  	s7 =	sld [smem:$0x3F96]  }
0x1a: {  	s8 =	sadd.s32 $0xFFFFE003, lr  }
0x1b: {  	s9 =	sadd.s32 $0xFFFFFEF7, lr;
	s5 =	simm.s32 $0xFFFFFFFF;
	p2 =	slt.u32 s8, $0xFFFFF086  }
0x1c: {  	p1 =	slt.u32 s9, $0xF7A;
	s5 =	simm.s32 @!p2 $0x0  }
0x1d: {  	s5 =	simm.s32 @p1 $0x1;
	p0 =	seq.s32 s7, s2  }
0x1e: {  	s7 =	smul.u32 @!p0 $0xF7A, s2;
	p2 =	seq.s32 @!p0 s5, $0x0  }
0x1f: {  	s9 =	smul.u32 $0xF7A, s1;
	s8 =	simm.s32 @!p0 $0x1BF5;
	p2 =	por !p2, p0  }
0x20: {  	[sflag:s8] =	ssyncset.s32 @!p0 $0xFFFFF086;
	s6 =	sadd.s32 @!p0 s3, s7;
	s7 =	simm.s32 @!p0 $0x108  }
0x21: {  	s3 =	sadd.s32 s3, s9;
	s6 =	sadd.s32 @!p0 $0x88, s6;
	s7 =	simm.s32 @p2 $0x1082  }
0x22: {  	[simem:s7], [sflag:s8] =	dma.local @!p0 [hbm:s6], $0xF7A  }
0x23: {  	s9 =	sor.u32 $0xD0000000, s2;
	s6 =	simm.s32 $0x108;
	_ =	swait.ge @!p0 [sflag:s8], $0x0  }
0x24: {  	s3 =	sadd.s32 $0x88, s3;
	s6 =	simm.s32 @!p1 $0x1082;
	[sflag:s4] =	ssyncset.s32 $0xFFFFF086  }
0x25: {  	[simem:s6], [sflag:s4] =	dma.local [hbm:s3], $0xF7A  }
0x26: {  	[smem:$0x3F96] =	sst s1;
	(tag) =	ssettag s2;
	_ =	strace s9  }
0x27: {  	s1 =	sld [smem:$0x3FA6]  }
0x28: {  	s2 =	sld [smem:$0x3FA7]  }
0x29: {  	s4 =	sld [smem:$0x3FA9]  }
0x2a: {  	p0 =	seq.s32 s5, $0x0;
	s5 =	sld [smem:$0x3FAA]  }
0x2b: {  	s6 =	sld [smem:$0x3FAB]  }
0x2c: {  	s7 =	sld [smem:$0x3FAC]  }
0x2d: {  	s3 =	simm.s32 $0x108;
	s8 =	sld [smem:$0x3FAD]  }
0x2e: {  	s3 =	simm.s32 @!p0 $0x1082;
	s9 =	sld [smem:$0x3FAE]  }
0x2f: {  	lr =	sadd.s32 s0, s3;
	s0 =	sld [smem:$0x3FA5]  }
0x30: {  	s3 =	sld [smem:$0x3FA8]  }
0x31: {  	[smem:$0x3FB1] =	sst s10  }
0x32: {  	s10 =	sld [smem:$0x3FAF];
	_ =	sdelay $0x3  }
0x33: {  	p0 =	seq.s32 s10, $0x1;
	s10 =	sld [smem:$0x3FB1];
	_ =	sdelay $0x3  }
0x34: {  	[smem:$0x3FB1] =	sst s10  }
0x35: {  	s10 =	sld [smem:$0x3FB0];
	_ =	sdelay $0x3  }
0x36: {  	p1 =	seq.s32 s10, $0x1;
	s10 =	sld [smem:$0x3FB1];
	_ =	sdelay $0x3  }
0x37: {  	[smem:$0x3FB1] =	sst s10  }
0x38: {  	s10 =	sld [smem:$0x3FB2]  }
0x39: {  	_ = 	snop;
	(pc) =	sbr.ind lr, $3  }
0x3a: {  	_ = 	snop  }
0x3b: {  	_ = 	snop  }
0x3c: {  	p2 =	seq.s32 s10, $0x1;
	s10 =	sld [smem:$0x3FB1]  }
0x3d: {  	_ =	shalt  }
0x3e: {  	_ =	shalt  }
0x3f: {  	_ =	shalt  }
0x40: {  	_ =	shalt  }
0x41: {  	_ =	shalt  }
0x42: {  	_ =	shalt  }
0x43: {  	_ =	shalt  }
0x44: {  	_ =	shalt  }
0x45: {  	_ =	shalt  }
0x46: {  	_ =	shalt  }
0x47: {  	_ =	shalt  }
0x48: {  	_ =	shalt  }
0x49: {  	_ =	shalt  }
0x4a: {  	_ =	shalt  }
0x4b: {  	_ =	shalt  }
0x4c: {  	_ =	shalt  }
0x4d: {  	_ =	shalt  }
0x4e: {  	_ =	shalt  }
0x4f: {  	_ =	shalt  }
0x50: {  	_ =	shalt  }
0x51: {  	_ =	shalt  }
0x52: {  	_ =	shalt  }
0x53: {  	_ =	shalt  }
0x54: {  	_ =	shalt  }
0x55: {  	_ =	shalt  }
0x56: {  	_ =	shalt  }
0x57: {  	_ =	shalt  }
0x58: {  	_ =	shalt  }
0x59: {  	_ =	shalt  }
0x5a: {  	_ =	shalt  }
0x5b: {  	_ =	shalt  }
0x5c: {  	_ =	shalt  }
0x5d: {  	_ =	shalt  }
0x5e: {  	_ =	shalt  }
0x5f: {  	_ =	shalt  }
0x60: {  	_ =	shalt  }
0x61: {  	_ =	shalt  }
0x62: {  	_ =	shalt  }
0x63: {  	_ =	shalt  }
0x64: {  	_ =	shalt  }
0x65: {  	_ =	shalt  }
0x66: {  	_ =	shalt  }
0x67: {  	_ =	shalt  }
0x68: {  	_ =	shalt  }
0x69: {  	_ =	shalt  }
0x6a: {  	_ =	shalt  }
0x6b: {  	_ =	shalt  }
0x6c: {  	_ =	shalt  }
0x6d: {  	_ =	shalt  }
0x6e: {  	_ =	shalt  }
0x6f: {  	_ =	shalt  }
0x70: {  	_ =	shalt  }
0x71: {  	_ =	shalt  }
0x72: {  	_ =	shalt  }
0x73: {  	_ =	shalt  }
0x74: {  	_ =	shalt  }
0x75: {  	_ =	shalt  }
0x76: {  	_ =	shalt  }
0x77: {  	_ =	shalt  }
0x78: {  	_ =	shalt  }
0x79: {  	_ =	shalt  }
0x7a: {  	_ =	shalt  }
0x7b: {  	_ =	shalt  }
0x7c: {  	_ =	shalt  }
0x7d: {  	_ =	shalt  }
0x7e: {  	_ =	shalt  }
0x7f: {  	_ =	shalt  }
0x80: {  	_ =	shalt  }
0x81: {  	_ =	shalt  }
0x82: {  	_ =	shalt  }
0x83: {  	_ =	shalt  }
0x84: {  	_ =	shalt  }
0x85: {  	_ =	shalt  }
0x86: {  	_ =	shalt  }
0x87: {  	_ =	shalt  }
.Lfunc_end0:
.L_simem_size_0:
called_computation_lowered:
.L_overlay_start_0:
0x88: {  	s2 =	sld [smem:$0x3FD9]  }
0x89: {  	s3 =	sld [smem:$0x3FFE];
	_ =	sdelay $0x1  }
0x8a: {  	s1 =	srdreg.scid  }
0x8b: {  	s0 =	sand.u32 $0x1, s1  }
0x8c: {  	s17 =	sshll.u32 s0, $0xA;
	s2 =	sadd.s32 s3, s2  }
0x8d: {  	s2 =	sadd.s32 s2, s17  }
0x8e: {  	[smem:$0x3FBD] =	sst s2  }
0x8f: {  	_ = 	snop  }
0x90: {  	(tm) =	ssettm $0x1  }
0x91: {  	s18 =	sld [smem:$0x3FFB];
	_ =	sdelay $0x3  }
0x92: {  	_ =	strace s18  }
0x93: {  	s2 =	sld [smem:$0x3FFC];
	_ =	sdelay $0x3  }
0x94: {  	_ =	strace s2  }
0x95: {  	s2 =	sld [smem:$0x3FFD];
	_ =	sdelay $0x3  }
0x96: {  	_ =	strace s2  }
0x97: {  	_ =	strace $0x8FFFFFFF  }
0x98: {  	s19 =	sld [smem:$0x3FDB];
	_ =	sdelay $0x1  }
0x99: {  	s20 =	simm.s32 $_scs_section_size  }
0x9a: {  	s4 =	simm.s32 $_size__tile_overlayer_lowered;
	s5 =	simm.s32 $_tile_overlayer_lowered  }
0x9b: {  	s6 =	simm.s32 $0x1BFF;
	s21 =	sshll.u32 s5, $0x1;
	s3 =	sadd.s32 s20, s19  }
0x9c: {  	s22 =	simm.s32 $0x0;
	s4 =	sshll.u32 s4, $0x1;
	s5 =	sadd.s32 s21, s3  }
0x9d: {  	[timem:s22], [sflag:s6] =	dma.local [hbm:s5], s4  }
0x9e: {  	_ =	swait.ge [sflag:s6], s4  }
0x9f: {  	s4 =	ssub.s32 $0x0, s4;
	[sflag:s6] =	ssyncset.done $0x0  }
0xa0: {  	[sflag:s6] =	ssyncadd.s32 s4;
	_ =	sdelay $0x1  }
0xa1: {  	s23 =	simm.s32 $0x1B8B  }
0xa2: {  	_ =	swait.ge [sflag:s23], $0x1  }
0xa3: {  	[sflag:s23] =	ssyncset.done $0x0  }
0xa4: {  	[sflag:s23] =	ssyncadd.s32 $0xFFFFFFFF  }
0xa5: {  	s4 =	sld [smem:$0x0]  }
0xa6: {  	s5 =	sand.u32 $0xFFFFFFFE, s1  }
0xa7: {  	p0 =	sne.s32 s1, s5  }
0xa8: {  	s5 =	sshll.u32 @p0 s5, $0xE  }
0xa9: {  	s5 =	sadd.s32 @p0 $0x11B8D, s5;
	s6 =	sshll.u32 @p0 s4, $0x11  }
0xaa: {  	s5 =	sor.u32 @p0 s6, s5  }
0xab: {  	[sflag:s5] =	ssyncadd.remote.s32 @p0 $0x1;
	_ =	sdelay $0x1  }
0xac: {  	s5 =	simm.s32 @p0 $0x1B8D  }
0xad: {  	_ =	swait.eq @p0 [sflag:s5], $0x1  }
0xae: {  	[sflag:s5] =	ssyncadd.s32 @p0 $0xFFFFFFFF  }
0xaf: {  	s6 =	sshll.u32 @!p0 s1, $0xE  }
0xb0: {  	s6 =	sor.u32 @!p0 $0x4000, s6;
	s5 =	simm.s32 @!p0 $0x1B8D  }
0xb1: {  	s4 =	sshll.u32 @!p0 s4, $0x11;
	s6 =	sadd.s32 @!p0 $0x11B8D, s6;
	_ =	swait.eq @!p0 [sflag:s5], $0x1  }
0xb2: {  	s4 =	sor.u32 @!p0 s4, s6;
	[sflag:s5] =	ssyncadd.s32 @!p0 $0xFFFFFFFF  }
0xb3: {  	s25 =	simm.s32 $0x1B8E;
	s24 =	sld [smem:$0x3FFE];
	[sflag:s4] =	ssyncadd.remote.s32 @!p0 $0x1  }
0xb4: {  	s26 =	simm.s32 $execute0_lowered;
	[smem:$0x3FD2] =	sst s25  }
0xb5: {  	s5 =	sshll.u32 s26, $0x1;
	_ =	strace $0x80000049;
	[dreg:$0x1] =	wrdreg $0xFFFFFFFF  }
0xb6: {  	s28 =	simm.s32 $_size_execute0_lowered;
	s3 =	sadd.s32 s3, s5;
	[dreg:$0x0] =	wrdreg $0x0  }
0xb7: {  	s5 =	sshll.u32 s28, $0x1;
	[dreg:$0x2] =	wrdreg s3  }
0xb8: {  	[dreg:$0x3] =	wrdreg s5  }
0xb9: {  	[dreg:$0x4] =	wrdreg $0xC0  }
0xba: {  	_ =	task [dreg:s22], $0x5FFFF  }
0xbb: {  	[dreg:$0x1] =	wrdreg $0xFFFFFFFF  }
0xbc: {  	[dreg:$0x0] =	wrdreg $0x60  }
0xbd: {  	[dreg:$0x2] =	wrdreg s24  }
0xbe: {  	[dreg:$0x3] =	wrdreg $0x77800  }
0xbf: {  	[dreg:$0x4] =	wrdreg $0x9  }
0xc0: {  	_ =	task.clear_ibuf [dreg:s22], $0x5FFFF;
	_ =	strace $0x90000049  }
0xc1: {  	s29 =	simm.s32 $0x9;
	_ =	strace $0x8000004B  }
0xc2: {  	_ =	swait.ge [sflag:s29], $0x1  }
0xc3: {  	[sflag:s29] =	ssyncadd.s32 $0xFFFFFFFF  }
0xc4: {  	_ =	strace $0x9000004B  }
0xc5: {  	_ =	sfence  }
0xc6: {  	s30 =	sld [smem:$0x0];
	_ =	sdelay $0x2  }
0xc7: {  	s31 =	sshll.u32 s1, $0xD;
	s1 =	sshrl.u32 s1, $0x2  }
0xc8: {  	s4 =	sand.u32 $0x4000, s31;
	s1 =	sadd.s32 s1, s30  }
0xc9: {  	s0 =	sor.u32 s4, s0;
	s1 =	sshll.u32 s1, $0x11  }
0xca: {  	s0 =	sor.u32 s1, s0  }
0xcb: {  	s0 =	sadd.s32 $0x8F2B, s0  }
0xcc: {  	[sflag:s0] =	ssyncadd.remote.s32 $0x1  }
0xcd: {  	_ =	sfence.sel $0xFFFF  }
0xce: {  	[dreg:$0x0] =	wrdreg $0xFFFFFFFF;
	(pc) =	sbr.abs _section_cstart, $3  }
0xcf: {  	[dreg:$0x1] =	wrdreg $0xFFFFFFFF  }
0xd0: {  	_ =	task.clear_ibuf [dreg:s22], $0x2FFFF;
	_ =	strace $0x9FFFFFFF  }
0xd1: {  	(tm) =	ssettm $0x7FFFFFFF  }
tec
execute0_lowered:
.L_overlay_start_1:
0x0: {  	(tag) =	ssettag $0x1  }
0x1: {  	s1 =	srdreg.scid  }
0x2: {  	s0 =	stileid.u32;
	s7 =	rddreg [dreg:$0x0]  }
0x3: {  	s2 =	rddreg [dreg:$0x1];
	s3 =	simm.s32 $0x0;
	s28 =	simm.s32 $0x1  }
0x4: {  	s29 =	simm.s32 $0x50;
	s30 =	simm.s32 $0x0;
	s6 =	sand.u32 $0x1, s1  }
0x5: {  	s24 =	sshll.u32 s0, $0x1;
	s8 =	smul.u32 $0x278, s0;
	[smem:$0x7FF] =	sst s3  }
0x6: {  	s11 =	smul.u32 $0x4F000, s0;
	s5 =	sadd.s32 $0xDC600, s7;
	s1 =	sor.u32 s6, s24  }
0x7: {  	s9 =	smul.u32 $0x2780, s6;
	_ =	strace $0x8000004A;
	s25 =	ssub.s32 $0x2, s6  }
0x8: {  	s24 =	simm.s32 $0x2780;
	s4 =	smul.u32 $0x4E2, s1;
	s26 =	sshrl.u32 s11, $0x2  }
0x9: {  	s31 =	sshrl.u32 s25, $0x1;
	s8 =	sadd.s32 s8, s9;
	s6 =	sadd.s32 s26, s2  }
0xa: {  	s23 =	ssub.s32 s25, s31;
	s25 =	simm.s32 $0x2;
	s26 =	simm.s32 $0x4F80  }
0xb: {  	s10 =	sadd.s32 s4, s7;
	s4 =	sadd.s32 $0x65E00, s7;
	s8 =	sshll.u32 s8, $0x4  }
0xc: {  	s9 =	sadd.s32 $0x5000, s6;
	s11 =	sadd.s32 $0xA000, s6;
	s12 =	sadd.s32 $0xC800, s6  }
0xd: {  	s13 =	sadd.s32 $0xF000, s6;
	s14 =	sadd.s32 $0x11800, s6;
	s23 =	smax.u32 s23, $0x1  }
0xe: {  	s22 =	sadd.s32 s8, s7;
	s7 =	sadd.s32 $0x3E00, s10;
	s8 =	sadd.s32 $0x2800, s6  }
0xf: {  	s10 =	sadd.s32 $0x7800, s6;
	s15 =	sadd.s32 $0xDCC00, s22;
	s16 =	sadd.s32 $0xDD100, s22  }
0x10: {  	s17 =	sadd.s32 $0xDD600, s22;
	s18 =	sadd.s32 $0xDDB00, s22;
	s19 =	sadd.s32 $0xDE000, s22  }
0x11: {  	s20 =	sadd.s32 $0xDE500, s22;
	s21 =	sadd.s32 $0xDEA00, s22;
	s22 =	sadd.s32 $0xDEF00, s22  }
.LBB2_1:
0x12: {  	[tilespmem:s3], [sflag:$0x1] =	stream.linear.gather [hbm4b:s7+s3], $0x2710, $0x38;
	[tilespmem:$0x1B380] =	vst v63  }
0x13: {  	_ = 	snop  }
0x14: {  	[tilespmem:s24], [sflag:$0x2] =	stream.linear.gather [hbm4b:s4+s3], $0x2800, $0x38;
	[tilespmem:$0x1B380] =	vst v63  }
0x15: {  	_ =	swait.ge [sflag:s25], $0x2800  }
0x16: {  	[sflag:s25] =	ssyncset.done $0x0  }
0x17: {  	[sflag:s25] =	ssyncadd.s32 $0xFFFFD800  }
0x18: {  	[spmem:s6] =	stream.linear.scatter [tilespmem:s24], [sflag:$0x2], $0x2800, $0x38;
	[tilespmem:$0x1B380] =	vst v63  }
0x19: {  	_ =	swait.ge [sflag:s25], $0x2800  }
0x1a: {  	[sflag:s25] =	ssyncset.done $0x0  }
0x1b: {  	[sflag:s25] =	ssyncadd.s32 $0xFFFFD800  }
0x1c: {  	[spmem:s8] =	stream.linear.scatter [tilespmem:s24], [sflag:$0x2], $0x2800, $0x38;
	[tilespmem:$0x1B380] =	vst v63  }
0x1d: {  	_ =	swait.ge [sflag:s25], $0x2800  }
0x1e: {  	[sflag:s25] =	ssyncset.done $0x0  }
0x1f: {  	[sflag:s25] =	ssyncadd.s32 $0xFFFFD800  }
0x20: {  	[spmem:s9] =	stream.linear.scatter [tilespmem:s24], [sflag:$0x2], $0x2800, $0x38;
	[tilespmem:$0x1B380] =	vst v63  }
0x21: {  	_ =	swait.ge [sflag:s25], $0x2800  }
0x22: {  	[sflag:s25] =	ssyncset.done $0x0  }
0x23: {  	[sflag:s25] =	ssyncadd.s32 $0xFFFFD800  }
0x24: {  	[spmem:s10] =	stream.linear.scatter [tilespmem:s24], [sflag:$0x2], $0x2800, $0x38;
	[tilespmem:$0x1B380] =	vst v63  }
0x25: {  	_ =	swait.ge [sflag:s25], $0x2800  }
0x26: {  	[sflag:s25] =	ssyncset.done $0x0  }
0x27: {  	[sflag:s25] =	ssyncadd.s32 $0xFFFFD800  }
0x28: {  	[spmem:s11] =	stream.linear.scatter [tilespmem:s24], [sflag:$0x2], $0x2800, $0x38;
	[tilespmem:$0x1B380] =	vst v63  }
0x29: {  	_ =	swait.ge [sflag:s25], $0x2800  }
0x2a: {  	[sflag:s25] =	ssyncset.done $0x0  }
0x2b: {  	[sflag:s25] =	ssyncadd.s32 $0xFFFFD800  }
0x2c: {  	[spmem:s12] =	stream.linear.scatter [tilespmem:s24], [sflag:$0x2], $0x2800, $0x38;
	[tilespmem:$0x1B380] =	vst v63  }
0x2d: {  	_ =	swait.ge [sflag:s25], $0x2800  }
0x2e: {  	[sflag:s25] =	ssyncset.done $0x0  }
0x2f: {  	[sflag:s25] =	ssyncadd.s32 $0xFFFFD800  }
0x30: {  	[spmem:s13] =	stream.linear.scatter [tilespmem:s24], [sflag:$0x2], $0x2800, $0x38;
	[tilespmem:$0x1B380] =	vst v63  }
0x31: {  	_ =	swait.ge [sflag:s25], $0x2800  }
0x32: {  	[sflag:s25] =	ssyncset.done $0x0  }
0x33: {  	[sflag:s25] =	ssyncadd.s32 $0xFFFFD800  }
0x34: {  	[spmem:s14] =	stream.linear.scatter [tilespmem:s24], [sflag:$0x2], $0x2400, $0x38;
	[tilespmem:$0x1B380] =	vst v63  }
0x35: {  	_ =	swait.ge [sflag:s25], $0x2400  }
0x36: {  	[sflag:s25] =	ssyncset.done $0x0  }
0x37: {  	[sflag:s25] =	ssyncadd.s32 $0xFFFFDC00  }
0x38: {  	[tilespmem:s26], [sflag:$0x2] =	stream.linear.gather [hbm4b:s5+s3], $0x2800, $0x38;
	[tilespmem:$0x1B380] =	vst v63  }
0x39: {  	_ =	swait.ge [sflag:s25], $0x2800  }
0x3a: {  	[sflag:s25] =	ssyncset.done $0x0  }
0x3b: {  	[sflag:s25] =	ssyncadd.s32 $0xFFFFD800  }
0x3c: {  	_ =	swait.ge [sflag:s28], $0x2710  }
0x3d: {  	[sflag:s28] =	ssyncset.done $0x0  }
0x3e: {  	[sflag:s28] =	ssyncadd.s32 $0xFFFFD8F0  }
0x3f: {  	s31 =	simm.s32 $0x0;
	[bflag:$0x0] =	sbarrier.arrive $0xFFFF  }
0x40: {  	[spmem:s2] =	stream.indirect.scatter.add.f32 [tilespmem:s26], [sflag:$0x2], $0x80, s31, s29, $0xb8;
	[tilespmem:$0x1B380] =	vst v63  }
0x41: {  	_ =	swait.ge [sflag:s25], $0x2800  }
0x42: {  	s31 =	simm.s32 $0x140;
	[sflag:s25] =	ssyncset.done $0x0  }
.LBB2_2:
0x43: {  	s1 =	sshra.s32 s31, $0x2;
	[sflag:s25] =	ssyncadd.s32 $0xFFFFD800;
	p0 =	sne.s32 s31, $0x9B00  }
0x44: {  	[spmem:s2] =	stream.indirect.scatter.add.f32 [tilespmem:s26], [sflag:$0x2], $0x80, s1, s29, $0xb8;
	[tilespmem:$0x1B380] =	vst v63  }
.Ltmp0:
0x45: {  	_ = 	snop;
	(pc) =	sbr.rel @p0 .LBB2_2-.Ltmp0, $4  }
0x46: {  	_ = 	snop  }
0x47: {  	s31 =	sadd.s32 $0x140, s31  }
0x48: {  	_ =	swait.ge [sflag:s25], $0x2800  }
0x49: {  	[sflag:s25] =	ssyncset.done $0x0  }
0x4a: {  	[sflag:s25] =	ssyncadd.s32 $0xFFFFD800  }
0x4b: {  	[bflag:$0x0] =	sbarrier.arrive $0xFFFF  }
0x4c: {  	[tilespmem:s24], [sflag:$0x2] =	stream.linear.gather [spmem:s6], $0x2800, $0x38;
	[tilespmem:$0x1B380] =	vst v63  }
0x4d: {  	_ =	swait.ge [sflag:s25], $0x2800  }
0x4e: {  	[sflag:s25] =	ssyncset.done $0x0  }
0x4f: {  	[sflag:s25] =	ssyncadd.s32 $0xFFFFD800  }
0x50: {  	[hbm4b:s15+s3] =	stream.linear.scatter [tilespmem:s24], [sflag:$0x2], $0x2800, $0x38;
	[tilespmem:$0x1B380] =	vst v63  }
0x51: {  	_ =	swait.ge [sflag:s25], $0x2800  }
0x52: {  	[sflag:s25] =	ssyncset.done $0x0  }
0x53: {  	[sflag:s25] =	ssyncadd.s32 $0xFFFFD800  }
0x54: {  	[tilespmem:s24], [sflag:$0x2] =	stream.linear.gather [spmem:s8], $0x2800, $0x38;
	[tilespmem:$0x1B380] =	vst v63  }
0x55: {  	_ =	swait.ge [sflag:s25], $0x2800  }
0x56: {  	[sflag:s25] =	ssyncset.done $0x0  }
0x57: {  	[sflag:s25] =	ssyncadd.s32 $0xFFFFD800  }
0x58: {  	[hbm4b:s16+s3] =	stream.linear.scatter [tilespmem:s24], [sflag:$0x2], $0x2800, $0x38;
	[tilespmem:$0x1B380] =	vst v63  }
0x59: {  	_ =	swait.ge [sflag:s25], $0x2800  }
0x5a: {  	[sflag:s25] =	ssyncset.done $0x0  }
0x5b: {  	[sflag:s25] =	ssyncadd.s32 $0xFFFFD800  }
0x5c: {  	[tilespmem:s24], [sflag:$0x2] =	stream.linear.gather [spmem:s9], $0x2800, $0x38;
	[tilespmem:$0x1B380] =	vst v63  }
0x5d: {  	_ =	swait.ge [sflag:s25], $0x2800  }
0x5e: {  	[sflag:s25] =	ssyncset.done $0x0  }
0x5f: {  	[sflag:s25] =	ssyncadd.s32 $0xFFFFD800  }
0x60: {  	[hbm4b:s17+s3] =	stream.linear.scatter [tilespmem:s24], [sflag:$0x2], $0x2800, $0x38;
	[tilespmem:$0x1B380] =	vst v63  }
0x61: {  	_ =	swait.ge [sflag:s25], $0x2800  }
0x62: {  	[sflag:s25] =	ssyncset.done $0x0  }
0x63: {  	[sflag:s25] =	ssyncadd.s32 $0xFFFFD800  }
0x64: {  	[tilespmem:s24], [sflag:$0x2] =	stream.linear.gather [spmem:s10], $0x2800, $0x38;
	[tilespmem:$0x1B380] =	vst v63  }
0x65: {  	_ =	swait.ge [sflag:s25], $0x2800  }
0x66: {  	[sflag:s25] =	ssyncset.done $0x0  }
0x67: {  	[sflag:s25] =	ssyncadd.s32 $0xFFFFD800  }
0x68: {  	[hbm4b:s18+s3] =	stream.linear.scatter [tilespmem:s24], [sflag:$0x2], $0x2800, $0x38;
	[tilespmem:$0x1B380] =	vst v63  }
0x69: {  	_ =	swait.ge [sflag:s25], $0x2800  }
0x6a: {  	[sflag:s25] =	ssyncset.done $0x0  }
0x6b: {  	[sflag:s25] =	ssyncadd.s32 $0xFFFFD800  }
0x6c: {  	[tilespmem:s24], [sflag:$0x2] =	stream.linear.gather [spmem:s11], $0x2800, $0x38;
	[tilespmem:$0x1B380] =	vst v63  }
0x6d: {  	_ =	swait.ge [sflag:s25], $0x2800  }
0x6e: {  	[sflag:s25] =	ssyncset.done $0x0  }
0x6f: {  	[sflag:s25] =	ssyncadd.s32 $0xFFFFD800  }
0x70: {  	[hbm4b:s19+s3] =	stream.linear.scatter [tilespmem:s24], [sflag:$0x2], $0x2800, $0x38;
	[tilespmem:$0x1B380] =	vst v63  }
0x71: {  	_ =	swait.ge [sflag:s25], $0x2800  }
0x72: {  	[sflag:s25] =	ssyncset.done $0x0  }
0x73: {  	[sflag:s25] =	ssyncadd.s32 $0xFFFFD800  }
0x74: {  	[tilespmem:s24], [sflag:$0x2] =	stream.linear.gather [spmem:s12], $0x2800, $0x38;
	[tilespmem:$0x1B380] =	vst v63  }
0x75: {  	_ =	swait.ge [sflag:s25], $0x2800  }
0x76: {  	[sflag:s25] =	ssyncset.done $0x0  }
0x77: {  	[sflag:s25] =	ssyncadd.s32 $0xFFFFD800  }
0x78: {  	[hbm4b:s20+s3] =	stream.linear.scatter [tilespmem:s24], [sflag:$0x2], $0x2800, $0x38;
	[tilespmem:$0x1B380] =	vst v63  }
0x79: {  	_ =	swait.ge [sflag:s25], $0x2800  }
0x7a: {  	[sflag:s25] =	ssyncset.done $0x0  }
0x7b: {  	[sflag:s25] =	ssyncadd.s32 $0xFFFFD800  }
0x7c: {  	[tilespmem:s24], [sflag:$0x2] =	stream.linear.gather [spmem:s13], $0x2800, $0x38;
	[tilespmem:$0x1B380] =	vst v63  }
0x7d: {  	_ =	swait.ge [sflag:s25], $0x2800  }
0x7e: {  	[sflag:s25] =	ssyncset.done $0x0  }
0x7f: {  	[sflag:s25] =	ssyncadd.s32 $0xFFFFD800  }
0x80: {  	[hbm4b:s21+s3] =	stream.linear.scatter [tilespmem:s24], [sflag:$0x2], $0x2800, $0x38;
	[tilespmem:$0x1B380] =	vst v63  }
0x81: {  	_ =	swait.ge [sflag:s25], $0x2800  }
0x82: {  	[sflag:s25] =	ssyncset.done $0x0  }
0x83: {  	[sflag:s25] =	ssyncadd.s32 $0xFFFFD800  }
0x84: {  	[tilespmem:s24], [sflag:$0x2] =	stream.linear.gather [spmem:s14], $0x2400, $0x38;
	[tilespmem:$0x1B380] =	vst v63  }
0x85: {  	s30 =	sadd.s32 $0x1, s30;
	_ =	swait.ge [sflag:s25], $0x2400  }
0x86: {  	p0 =	sne.s32 s30, s23;
	[sflag:s25] =	ssyncset.done $0x0  }
.Ltmp1:
0x87: {  	[sflag:s25] =	ssyncadd.s32 $0xFFFFDC00;
	(pc) =	sbr.rel @p0 .LBB2_1-.Ltmp1, $4  }
0x88: {  	[hbm4b:s22+s3] =	stream.linear.scatter [tilespmem:s24], [sflag:$0x2], $0x2400, $0x38;
	[tilespmem:$0x1B380] =	vst v63  }
0x89: {  	_ =	swait.ge [sflag:s25], $0x2400  }
0x8a: {  	[sflag:s25] =	ssyncset.done $0x0  }
0x8b: {  	[sflag:s25] =	ssyncadd.s32 $0xFFFFDC00  }
0x8c: {  	_ =	sfence.sel $0x180000  }
0x8d: {  	[bflag:$0x0] =	sbarrier.arrive $0xFFFF  }
0x8e: {  	_ =	strace $0x9000004A  }
0x8f: {  	[bflag:$0x2] =	sbarrier.arrive $0xFFFF  }
0x90: {  	p0 =	sne.s32 s0, $0x0;
	s0 =	rddreg [dreg:$0x2]  }
0x91: {  	s0 =	sadd.s32 @!p0 $0x100000, s0  }
0x92: {  	[sflag:s0] =	ssyncadd.tile.s32 @!p0 $0x1;
	_ =	shalt  }
.Lfunc_end2:
_tile_overlayer_lowered:
.L_overlay_start_2:
0x93: {  	(tag) =	ssettag $0x2  }
0x94: {  	s0 =	rddreg [dreg:$0x0];
	s2 =	stileid.u32  }
0x95: {  	s1 =	rddreg [dreg:$0x1];
	p0 =	sne.s32 s2, $0x0  }
0x96: {  	s3 =	rddreg [dreg:$0x2];
	[bflag:$0x3] =	sbarrier.arrive $0xFFFF;
	s2 =	simm.s32 @!p0 $0x1C02  }
0x97: {  	[timem:s3], [sflag:s2] =	dma.local @!p0 [hbm:s0], s1  }
0x98: {  	s0 =	simm.s32 @!p0 $0x2  }
0x99: {  	_ =	swait.ge @!p0 [sflag:s0], s1  }
0x9a: {  	s1 =	ssub.s32 @!p0 $0x0, s1;
	[sflag:s0] =	ssyncset.done @!p0 $0x0  }
0x9b: {  	[sflag:s0] =	ssyncadd.s32 @!p0 s1  }
0x9c: {  	[bflag:$0x3] =	sbarrier.arrive $0xFFFF  }
0x9d: {  	_ =	shalt  }

// kernel: kernel.13.cloned.1.call-start
scs
__scs_entry_jumppad:
0x0: {  	(pc) =	sbr.rel $0x88, $3  }
0x1: {  	(tag) =	ssettag $0x0;
	lr =	simm.s32 $0x1  }
0x2: {  	[smem:$0x3F96] =	sst lr;
	_ =	strace $0xD0000000  }
0x3: {  	_ = 	snop  }
0x4: {  	_ = 	snop  }
0x5: {  	_ = 	snop  }
0x6: {  	_ = 	snop  }
0x7: {  	_ = 	snop  }
__scs_overlays_trampoline_lowered:
0x8: {  	[smem:$0x3FA5] =	sst s0  }
0x9: {  	[smem:$0x3FA6] =	sst s1  }
0xa: {  	[smem:$0x3FA7] =	sst s2  }
0xb: {  	[smem:$0x3FA8] =	sst s3  }
0xc: {  	[smem:$0x3FA9] =	sst s4  }
0xd: {  	[smem:$0x3FAA] =	sst s5  }
0xe: {  	[smem:$0x3FAB] =	sst s6  }
0xf: {  	[smem:$0x3FAC] =	sst s7  }
0x10: {  	[smem:$0x3FAD] =	sst s8  }
0x11: {  	[smem:$0x3FAE] =	sst s9;
	s0 =	simm.s32 @!p0 $0x0  }
0x12: {  	s1 =	sld [smem:$0x3F94];
	s0 =	simm.s32 @p0 $0x1  }
0x13: {  	[smem:$0x3FAF] =	sst s0;
	s0 =	simm.s32 @!p1 $0x0  }
0x14: {  	s2 =	sld [smem:$0x3F93];
	s0 =	simm.s32 @p1 $0x1  }
0x15: {  	[smem:$0x3FB0] =	sst s0;
	s0 =	simm.s32 @!p2 $0x0  }
0x16: {  	s3 =	sld [smem:$0x3FDB];
	s0 =	simm.s32 @p2 $0x1  }
0x17: {  	s4 =	simm.s32 $0x1BF5;
	[smem:$0x3FB2] =	sst s0  }
0x18: {  	s0 =	sld [smem:$0x3F95];
	_ =	swait.ge [sflag:s4], $0x0  }
0x19: {  	s7 =	sld [smem:$0x3F96]  }
0x1a: {  	s8 =	sadd.s32 $0xFFFFE003, lr  }
0x1b: {  	s9 =	sadd.s32 $0xFFFFFEF7, lr;
	s5 =	simm.s32 $0xFFFFFFFF;
	p2 =	slt.u32 s8, $0xFFFFF086  }
0x1c: {  	p1 =	slt.u32 s9, $0xF7A;
	s5 =	simm.s32 @!p2 $0x0  }
0x1d: {  	s5 =	simm.s32 @p1 $0x1;
	p0 =	seq.s32 s7, s2  }
0x1e: {  	s7 =	smul.u32 @!p0 $0xF7A, s2;
	p2 =	seq.s32 @!p0 s5, $0x0  }
0x1f: {  	s9 =	smul.u32 $0xF7A, s1;
	s8 =	simm.s32 @!p0 $0x1BF5;
	p2 =	por !p2, p0  }
0x20: {  	[sflag:s8] =	ssyncset.s32 @!p0 $0xFFFFF086;
	s6 =	sadd.s32 @!p0 s3, s7;
	s7 =	simm.s32 @!p0 $0x108  }
0x21: {  	s3 =	sadd.s32 s3, s9;
	s6 =	sadd.s32 @!p0 $0x88, s6;
	s7 =	simm.s32 @p2 $0x1082  }
0x22: {  	[simem:s7], [sflag:s8] =	dma.local @!p0 [hbm:s6], $0xF7A  }
0x23: {  	s9 =	sor.u32 $0xD0000000, s2;
	s6 =	simm.s32 $0x108;
	_ =	swait.ge @!p0 [sflag:s8], $0x0  }
0x24: {  	s3 =	sadd.s32 $0x88, s3;
	s6 =	simm.s32 @!p1 $0x1082;
	[sflag:s4] =	ssyncset.s32 $0xFFFFF086  }
0x25: {  	[simem:s6], [sflag:s4] =	dma.local [hbm:s3], $0xF7A  }
0x26: {  	[smem:$0x3F96] =	sst s1;
	(tag) =	ssettag s2;
	_ =	strace s9  }
0x27: {  	s1 =	sld [smem:$0x3FA6]  }
0x28: {  	s2 =	sld [smem:$0x3FA7]  }
0x29: {  	s4 =	sld [smem:$0x3FA9]  }
0x2a: {  	p0 =	seq.s32 s5, $0x0;
	s5 =	sld [smem:$0x3FAA]  }
0x2b: {  	s6 =	sld [smem:$0x3FAB]  }
0x2c: {  	s7 =	sld [smem:$0x3FAC]  }
0x2d: {  	s3 =	simm.s32 $0x108;
	s8 =	sld [smem:$0x3FAD]  }
0x2e: {  	s3 =	simm.s32 @!p0 $0x1082;
	s9 =	sld [smem:$0x3FAE]  }
0x2f: {  	lr =	sadd.s32 s0, s3;
	s0 =	sld [smem:$0x3FA5]  }
0x30: {  	s3 =	sld [smem:$0x3FA8]  }
0x31: {  	[smem:$0x3FB1] =	sst s10  }
0x32: {  	s10 =	sld [smem:$0x3FAF];
	_ =	sdelay $0x3  }
0x33: {  	p0 =	seq.s32 s10, $0x1;
	s10 =	sld [smem:$0x3FB1];
	_ =	sdelay $0x3  }
0x34: {  	[smem:$0x3FB1] =	sst s10  }
0x35: {  	s10 =	sld [smem:$0x3FB0];
	_ =	sdelay $0x3  }
0x36: {  	p1 =	seq.s32 s10, $0x1;
	s10 =	sld [smem:$0x3FB1];
	_ =	sdelay $0x3  }
0x37: {  	[smem:$0x3FB1] =	sst s10  }
0x38: {  	s10 =	sld [smem:$0x3FB2]  }
0x39: {  	_ = 	snop;
	(pc) =	sbr.ind lr, $3  }
0x3a: {  	_ = 	snop  }
0x3b: {  	_ = 	snop  }
0x3c: {  	p2 =	seq.s32 s10, $0x1;
	s10 =	sld [smem:$0x3FB1]  }
0x3d: {  	_ =	shalt  }
0x3e: {  	_ =	shalt  }
0x3f: {  	_ =	shalt  }
0x40: {  	_ =	shalt  }
0x41: {  	_ =	shalt  }
0x42: {  	_ =	shalt  }
0x43: {  	_ =	shalt  }
0x44: {  	_ =	shalt  }
0x45: {  	_ =	shalt  }
0x46: {  	_ =	shalt  }
0x47: {  	_ =	shalt  }
0x48: {  	_ =	shalt  }
0x49: {  	_ =	shalt  }
0x4a: {  	_ =	shalt  }
0x4b: {  	_ =	shalt  }
0x4c: {  	_ =	shalt  }
0x4d: {  	_ =	shalt  }
0x4e: {  	_ =	shalt  }
0x4f: {  	_ =	shalt  }
0x50: {  	_ =	shalt  }
0x51: {  	_ =	shalt  }
0x52: {  	_ =	shalt  }
0x53: {  	_ =	shalt  }
0x54: {  	_ =	shalt  }
0x55: {  	_ =	shalt  }
0x56: {  	_ =	shalt  }
0x57: {  	_ =	shalt  }
0x58: {  	_ =	shalt  }
0x59: {  	_ =	shalt  }
0x5a: {  	_ =	shalt  }
0x5b: {  	_ =	shalt  }
0x5c: {  	_ =	shalt  }
0x5d: {  	_ =	shalt  }
0x5e: {  	_ =	shalt  }
0x5f: {  	_ =	shalt  }
0x60: {  	_ =	shalt  }
0x61: {  	_ =	shalt  }
0x62: {  	_ =	shalt  }
0x63: {  	_ =	shalt  }
0x64: {  	_ =	shalt  }
0x65: {  	_ =	shalt  }
0x66: {  	_ =	shalt  }
0x67: {  	_ =	shalt  }
0x68: {  	_ =	shalt  }
0x69: {  	_ =	shalt  }
0x6a: {  	_ =	shalt  }
0x6b: {  	_ =	shalt  }
0x6c: {  	_ =	shalt  }
0x6d: {  	_ =	shalt  }
0x6e: {  	_ =	shalt  }
0x6f: {  	_ =	shalt  }
0x70: {  	_ =	shalt  }
0x71: {  	_ =	shalt  }
0x72: {  	_ =	shalt  }
0x73: {  	_ =	shalt  }
0x74: {  	_ =	shalt  }
0x75: {  	_ =	shalt  }
0x76: {  	_ =	shalt  }
0x77: {  	_ =	shalt  }
0x78: {  	_ =	shalt  }
0x79: {  	_ =	shalt  }
0x7a: {  	_ =	shalt  }
0x7b: {  	_ =	shalt  }
0x7c: {  	_ =	shalt  }
0x7d: {  	_ =	shalt  }
0x7e: {  	_ =	shalt  }
0x7f: {  	_ =	shalt  }
0x80: {  	_ =	shalt  }
0x81: {  	_ =	shalt  }
0x82: {  	_ =	shalt  }
0x83: {  	_ =	shalt  }
0x84: {  	_ =	shalt  }
0x85: {  	_ =	shalt  }
0x86: {  	_ =	shalt  }
0x87: {  	_ =	shalt  }
.Lfunc_end0:
.L_simem_size_0:
called_computation.1_lowered:
.L_overlay_start_0:
0x88: {  	s2 =	sld [smem:$0x3FD9]  }
0x89: {  	s3 =	sld [smem:$0x3FFE];
	_ =	sdelay $0x1  }
0x8a: {  	s1 =	srdreg.scid  }
0x8b: {  	s0 =	sand.u32 $0x1, s1  }
0x8c: {  	s16 =	sshll.u32 s0, $0xA;
	s2 =	sadd.s32 s3, s2  }
0x8d: {  	s2 =	sadd.s32 s2, s16  }
0x8e: {  	[smem:$0x3FBD] =	sst s2  }
0x8f: {  	_ = 	snop  }
0x90: {  	(tm) =	ssettm $0x1  }
0x91: {  	s17 =	sld [smem:$0x3FFB];
	_ =	sdelay $0x3  }
0x92: {  	_ =	strace s17  }
0x93: {  	s2 =	sld [smem:$0x3FFC];
	_ =	sdelay $0x3  }
0x94: {  	_ =	strace s2  }
0x95: {  	s2 =	sld [smem:$0x3FFD];
	_ =	sdelay $0x3  }
0x96: {  	_ =	strace s2  }
0x97: {  	_ =	strace $0x8FFFFFFF  }
0x98: {  	s18 =	sld [smem:$0x3FDB];
	_ =	sdelay $0x1  }
0x99: {  	s19 =	simm.s32 $_scs_section_size  }
0x9a: {  	s4 =	simm.s32 $_size__tile_overlayer_lowered;
	s5 =	simm.s32 $_tile_overlayer_lowered  }
0x9b: {  	s22 =	simm.s32 $0x1BFF;
	s21 =	sshll.u32 s5, $0x1;
	s2 =	sadd.s32 s19, s18  }
0x9c: {  	s6 =	simm.s32 $0x0;
	s20 =	sshll.u32 s4, $0x1;
	s4 =	sadd.s32 s21, s2  }
0x9d: {  	[timem:s6], [sflag:s22] =	dma.local [hbm:s4], s20  }
0x9e: {  	_ =	swait.ge [sflag:s22], s20  }
0x9f: {  	s3 =	ssub.s32 $0x0, s20;
	[sflag:s22] =	ssyncset.done $0x0  }
0xa0: {  	[sflag:s22] =	ssyncadd.s32 s3;
	_ =	sdelay $0x1  }
0xa1: {  	s23 =	simm.s32 $0x1B8B  }
0xa2: {  	_ =	swait.ge [sflag:s23], $0x1  }
0xa3: {  	[sflag:s23] =	ssyncset.done $0x0  }
0xa4: {  	s25 =	simm.s32 $0x1B8E;
	s24 =	sld [smem:$0x3FFE];
	[sflag:s23] =	ssyncadd.s32 $0xFFFFFFFF  }
0xa5: {  	s26 =	simm.s32 $execute0_lowered;
	[smem:$0x3FD2] =	sst s25  }
0xa6: {  	s4 =	sshll.u32 s26, $0x1;
	_ =	strace $0x80000046;
	[dreg:$0x1] =	wrdreg $0xFFFFFFFF  }
0xa7: {  	s28 =	simm.s32 $_size_execute0_lowered;
	s2 =	sadd.s32 s2, s4;
	[dreg:$0x0] =	wrdreg $0x0  }
0xa8: {  	s4 =	sshll.u32 s28, $0x1;
	[dreg:$0x2] =	wrdreg s2  }
0xa9: {  	[dreg:$0x3] =	wrdreg s4  }
0xaa: {  	[dreg:$0x4] =	wrdreg $0xC0  }
0xab: {  	_ =	task [dreg:s6], $0x5FFFF  }
0xac: {  	[dreg:$0x1] =	wrdreg $0xFFFFFFFF  }
0xad: {  	[dreg:$0x0] =	wrdreg $0x60  }
0xae: {  	[dreg:$0x2] =	wrdreg s24  }
0xaf: {  	[dreg:$0x3] =	wrdreg $0x9F000  }
0xb0: {  	[dreg:$0x4] =	wrdreg $0xA  }
0xb1: {  	_ =	task.clear_ibuf [dreg:s6], $0x5FFFF;
	_ =	strace $0x90000046  }
0xb2: {  	s29 =	simm.s32 $0xA;
	_ =	strace $0x80000048  }
0xb3: {  	_ =	swait.ge [sflag:s29], $0x1  }
0xb4: {  	[sflag:s29] =	ssyncadd.s32 $0xFFFFFFFF  }
0xb5: {  	_ =	strace $0x90000048  }
0xb6: {  	_ =	sfence  }
0xb7: {  	s30 =	sld [smem:$0x0];
	_ =	sdelay $0x2  }
0xb8: {  	s31 =	sshll.u32 s1, $0xD;
	s1 =	sshrl.u32 s1, $0x2  }
0xb9: {  	s3 =	sand.u32 $0x4000, s31;
	s1 =	sadd.s32 s1, s30  }
0xba: {  	s0 =	sor.u32 s3, s0;
	s1 =	sshll.u32 s1, $0x11  }
0xbb: {  	s0 =	sor.u32 s1, s0  }
0xbc: {  	s0 =	sadd.s32 $0x8F2B, s0  }
0xbd: {  	[sflag:s0] =	ssyncadd.remote.s32 $0x1  }
0xbe: {  	_ =	sfence.sel $0xFFFF  }
0xbf: {  	[dreg:$0x0] =	wrdreg $0xFFFFFFFF;
	(pc) =	sbr.abs _section_cstart, $3  }
0xc0: {  	[dreg:$0x1] =	wrdreg $0xFFFFFFFF  }
0xc1: {  	_ =	task.clear_ibuf [dreg:s6], $0x2FFFF;
	_ =	strace $0x9FFFFFFF  }
0xc2: {  	(tm) =	ssettm $0x7FFFFFFF  }
0xc3: {  	_ =	shalt  }
tec
execute0_lowered:
.L_overlay_start_1:
0x0: {  	(tag) =	ssettag $0x1  }
0x1: {  	s0 =	srdreg.scid;
	s5 =	rddreg [dreg:$0x0]  }
0x2: {  	s8 =	stileid.u32;
	s2 =	rddreg [dreg:$0x1];
	s3 =	simm.s32 $0x0  }
0x3: {  	s28 =	simm.s32 $0x4;
	s29 =	simm.s32 $0x3;
	s30 =	simm.s32 $0x50  }
0x4: {  	s31 =	simm.s32 $0x2800;
	s0 =	sand.u32 $0x1, s0;
	s1 =	sshll.u32 s8, $0x1  }
0x5: {  	s6 =	smul.u32 $0x278, s8;
	[smem:$0x7FF] =	sst s3;
	s4 =	sadd.s32 $0x17A00, s5  }
0x6: {  	s21 =	smul.u32 $0x4F000, s8;
	s22 =	sadd.s32 $0x65E00, s5;
	s1 =	sor.u32 s0, s1  }
0x7: {  	s7 =	smul.u32 $0x2780, s0;
	_ =	strace $0x80000047;
	s0 =	ssub.s32 $0x2, s0  }
0x8: {  	[dreg:$0x3] =	wrdreg s22;
	s1 =	smul.u32 $0x4E2, s1;
	s23 =	sshrl.u32 s0, $0x1  }
0x9: {  	s6 =	sadd.s32 s6, s7;
	s7 =	sshrl.u32 s21, $0x2;
	s0 =	ssub.s32 s0, s23  }
0xa: {  	s1 =	sadd.s32 s1, s5;
	s6 =	sshll.u32 s6, $0x4;
	s7 =	sadd.s32 s7, s2  }
0xb: {  	s5 =	sadd.s32 s6, s5;
	s24 =	sadd.s32 $0xDC00, s1;
	s1 =	sadd.s32 $0x3E00, s1  }
0xc: {  	s9 =	sadd.s32 $0x2800, s7;
	s10 =	sadd.s32 $0x5000, s7;
	s11 =	sadd.s32 $0x7800, s7  }
0xd: {  	s12 =	sadd.s32 $0xA000, s7;
	s13 =	sadd.s32 $0xC800, s7;
	[dreg:$0x4] =	wrdreg s24  }
0xe: {  	s14 =	sadd.s32 $0xF000, s7;
	s15 =	sadd.s32 $0x11800, s7;
	[dreg:$0x5] =	wrdreg s1  }
0xf: {  	s25 =	sadd.s32 $0x8D600, s5;
	s26 =	sadd.s32 $0x8DB00, s5;
	s18 =	sadd.s32 $0x8E000, s5  }
0x10: {  	s19 =	sadd.s32 $0x8E500, s5;
	s20 =	sadd.s32 $0x8EA00, s5;
	s21 =	sadd.s32 $0x8EF00, s5  }
0x11: {  	s22 =	sadd.s32 $0x8F400, s5;
	s23 =	sadd.s32 $0x8F900, s5;
	s24 =	smax.u32 s0, $0x1  }
0x12: {  	s1 =	simm.s32 $0x1;
	s0 =	simm.s32 $0x2;
	[dreg:$0x6] =	wrdreg s25  }
0x13: {  	[dreg:$0x7] =	wrdreg s26;
	s25 =	simm.s32 $0x5000;
	s26 =	simm.s32 $0x0  }
.LBB2_1:
0x14: {  	s5 =	rddreg [dreg:$0x4]  }
0x15: {  	[tilespmem:s25], [sflag:$0x3] =	stream.linear.gather [hbm4b:s5+s3], $0x2710, $0x38;
	[tilespmem:$0x1DB00] =	vst v63  }
0x16: {  	s16 =	rddreg [dreg:$0x5];
	s6 =	simm.s32 $0x7780  }
0x17: {  	[tilespmem:s6], [sflag:$0x3] =	stream.linear.gather [hbm4b:s16+s3], $0x2710, $0x38;
	[tilespmem:$0x1DB00] =	vst v63  }
0x18: {  	s17 =	rddreg [dreg:$0x3]  }
0x19: {  	[tilespmem:s3], [sflag:$0x4] =	stream.linear.gather [hbm4b:s17+s3], $0x2800, $0x38;
	[tilespmem:$0x1DB00] =	vst v63  }
0x1a: {  	_ =	swait.ge [sflag:s28], $0x2800  }
0x1b: {  	[sflag:s28] =	ssyncset.done $0x0  }
0x1c: {  	[sflag:s28] =	ssyncadd.s32 $0xFFFFD800  }
0x1d: {  	[spmem:s7] =	stream.linear.scatter [tilespmem:s3], [sflag:$0x4], $0x2800, $0x38;
	[tilespmem:$0x1DB00] =	vst v63  }
0x1e: {  	_ =	swait.ge [sflag:s28], $0x2800  }
0x1f: {  	[sflag:s28] =	ssyncset.done $0x0  }
0x20: {  	[sflag:s28] =	ssyncadd.s32 $0xFFFFD800  }
0x21: {  	[spmem:s9] =	stream.linear.scatter [tilespmem:s3], [sflag:$0x4], $0x2800, $0x38;
	[tilespmem:$0x1DB00] =	vst v63  }
0x22: {  	_ =	swait.ge [sflag:s28], $0x2800  }
0x23: {  	[sflag:s28] =	ssyncset.done $0x0  }
0x24: {  	[sflag:s28] =	ssyncadd.s32 $0xFFFFD800  }
0x25: {  	[spmem:s10] =	stream.linear.scatter [tilespmem:s3], [sflag:$0x4], $0x2800, $0x38;
	[tilespmem:$0x1DB00] =	vst v63  }
0x26: {  	_ =	swait.ge [sflag:s28], $0x2800  }
0x27: {  	[sflag:s28] =	ssyncset.done $0x0  }
0x28: {  	[sflag:s28] =	ssyncadd.s32 $0xFFFFD800  }
0x29: {  	[spmem:s11] =	stream.linear.scatter [tilespmem:s3], [sflag:$0x4], $0x2800, $0x38;
	[tilespmem:$0x1DB00] =	vst v63  }
0x2a: {  	_ =	swait.ge [sflag:s28], $0x2800  }
0x2b: {  	[sflag:s28] =	ssyncset.done $0x0  }
0x2c: {  	[sflag:s28] =	ssyncadd.s32 $0xFFFFD800  }
0x2d: {  	[spmem:s12] =	stream.linear.scatter [tilespmem:s3], [sflag:$0x4], $0x2800, $0x38;
	[tilespmem:$0x1DB00] =	vst v63  }
0x2e: {  	_ =	swait.ge [sflag:s28], $0x2800  }
0x2f: {  	[sflag:s28] =	ssyncset.done $0x0  }
0x30: {  	[sflag:s28] =	ssyncadd.s32 $0xFFFFD800  }
0x31: {  	[spmem:s13] =	stream.linear.scatter [tilespmem:s3], [sflag:$0x4], $0x2800, $0x38;
	[tilespmem:$0x1DB00] =	vst v63  }
0x32: {  	_ =	swait.ge [sflag:s28], $0x2800  }
0x33: {  	[sflag:s28] =	ssyncset.done $0x0  }
0x34: {  	[sflag:s28] =	ssyncadd.s32 $0xFFFFD800  }
0x35: {  	[spmem:s14] =	stream.linear.scatter [tilespmem:s3], [sflag:$0x4], $0x2800, $0x38;
	[tilespmem:$0x1DB00] =	vst v63  }
0x36: {  	_ =	swait.ge [sflag:s28], $0x2800  }
0x37: {  	[sflag:s28] =	ssyncset.done $0x0  }
0x38: {  	[sflag:s28] =	ssyncadd.s32 $0xFFFFD800  }
0x39: {  	[spmem:s15] =	stream.linear.scatter [tilespmem:s3], [sflag:$0x4], $0x2400, $0x38;
	[tilespmem:$0x1DB00] =	vst v63  }
0x3a: {  	_ =	swait.ge [sflag:s28], $0x2400  }
0x3b: {  	[sflag:s28] =	ssyncset.done $0x0  }
0x3c: {  	[sflag:s28] =	ssyncadd.s32 $0xFFFFDC00  }
0x3d: {  	_ =	swait.ge [sflag:s29], $0x2710  }
0x3e: {  	[sflag:s29] =	ssyncset.done $0x0  }
0x3f: {  	[sflag:s29] =	ssyncadd.s32 $0xFFFFD8F0  }
0x40: {  	_ =	swait.ge [sflag:s29], $0x2710  }
0x41: {  	[sflag:s29] =	ssyncset.done $0x0  }
0x42: {  	[sflag:s29] =	ssyncadd.s32 $0xFFFFD8F0  }
0x43: {  	[bflag:$0x0] =	sbarrier.arrive $0xFFFF  }
0x44: {  	[tilespmem:s3], [sflag:$0x1] =	stream.indirect.gather [hbm4b:s4+s30], $0x80, s25, s30, $0xb8;
	[tilespmem:$0x1DB00] =	vst v63  }
0x45: {  	s6 =	simm.s32 $0x5050  }
0x46: {  	[tilespmem:s31], [sflag:$0x2] =	stream.indirect.gather [hbm4b:s4+s30], $0x80, s6, s30, $0xb8;
	[tilespmem:$0x1DB00] =	vst v63  }
0x47: {  	_ =	swait.ge [sflag:s1], $0x2800  }
0x48: {  	[sflag:s1] =	ssyncset.done $0x0  }
0x49: {  	s8 =	simm.s32 $0x7780;
	[sflag:s1] =	ssyncadd.s32 $0xFFFFD800  }
0x4a: {  	[spmem:s2] =	stream.indirect.scatter.add.f32 [tilespmem:s3], [sflag:$0x4], $0x80, s8, s30, $0xb8;
	[tilespmem:$0x1DB00] =	vst v63  }
0x4b: {  	_ =	swait.ge [sflag:s28], $0x2800  }
0x4c: {  	[sflag:s28] =	ssyncset.done $0x0  }
0x4d: {  	s16 =	simm.s32 $0x50A0;
	[sflag:s28] =	ssyncadd.s32 $0xFFFFD800  }
0x4e: {  	[tilespmem:s3], [sflag:$0x1] =	stream.indirect.gather [hbm4b:s4+s30], $0x80, s16, s30, $0xb8;
	[tilespmem:$0x1DB00] =	vst v63  }
0x4f: {  	_ =	swait.ge [sflag:s0], $0x2800  }
0x50: {  	[sflag:s0] =	ssyncset.done $0x0  }
0x51: {  	s17 =	simm.s32 $0x77D0;
	[sflag:s0] =	ssyncadd.s32 $0xFFFFD800  }
0x52: {  	[spmem:s2] =	stream.indirect.scatter.add.f32 [tilespmem:s31], [sflag:$0x4], $0x80, s17, s30, $0xb8;
	[tilespmem:$0x1DB00] =	vst v63  }
0x53: {  	_ =	swait.ge [sflag:s28], $0x2800  }
0x54: {  	s5 =	simm.s32 $0xA0;
	s6 =	simm.s32 $0x500;
	[sflag:s28] =	ssyncset.done $0x0  }
.LBB2_2:
0x55: {  	s8 =	sadd.s32 $0x5050, s5  }
0x56: {  	[sflag:s28] =	ssyncadd.s32 $0xFFFFD800;
	s16 =	smov.u32 s6;
	s17 =	sadd.s32 $0x280, s6  }
0x57: {  	[tilespmem:s31], [sflag:$0x2] =	stream.indirect.gather [hbm4b:s4+s30], $0x80, s8, s30, $0xb8;
	[tilespmem:$0x1DB00] =	vst v63  }
0x58: {  	p0 =	sne.s32 s6, $0x9880;
	_ =	swait.ge [sflag:s1], $0x2800  }
0x59: {  	[sflag:s1] =	ssyncset.done $0x0  }
0x5a: {  	s6 =	sadd.s32 $0x7780, s5;
	[sflag:s1] =	ssyncadd.s32 $0xFFFFD800  }
0x5b: {  	[spmem:s2] =	stream.indirect.scatter.add.f32 [tilespmem:s3], [sflag:$0x4], $0x80, s6, s30, $0xb8;
	[tilespmem:$0x1DB00] =	vst v63  }
0x5c: {  	_ =	swait.ge [sflag:s28], $0x2800  }
0x5d: {  	[sflag:s28] =	ssyncset.done $0x0  }
0x5e: {  	s6 =	sadd.s32 $0x50A0, s5;
	[sflag:s28] =	ssyncadd.s32 $0xFFFFD800  }
0x5f: {  	[tilespmem:s3], [sflag:$0x1] =	stream.indirect.gather [hbm4b:s4+s30], $0x80, s6, s30, $0xb8;
	[tilespmem:$0x1DB00] =	vst v63  }
0x60: {  	_ =	swait.ge [sflag:s0], $0x2800  }
.Ltmp0:
0x61: {  	[sflag:s0] =	ssyncset.done $0x0;
	(pc) =	sbr.rel @p0 .LBB2_2-.Ltmp0, $4  }
0x62: {  	s5 =	sadd.s32 $0x77D0, s5;
	[sflag:s0] =	ssyncadd.s32 $0xFFFFD800  }
0x63: {  	[spmem:s2] =	stream.indirect.scatter.add.f32 [tilespmem:s31], [sflag:$0x4], $0x80, s5, s30, $0xb8;
	[tilespmem:$0x1DB00] =	vst v63  }
0x64: {  	_ =	swait.ge [sflag:s28], $0x2800  }
0x65: {  	s6 =	smov.u32 s17;
	s5 =	sshra.s32 s16, $0x2;
	[sflag:s28] =	ssyncset.done $0x0  }
0x66: {  	s6 =	sadd.s32 $0x5050, s5;
	[sflag:s28] =	ssyncadd.s32 $0xFFFFD800  }
0x67: {  	[tilespmem:s31], [sflag:$0x2] =	stream.indirect.gather [hbm4b:s4+s30], $0x80, s6, s30, $0xb8;
	[tilespmem:$0x1DB00] =	vst v63  }
0x68: {  	_ =	swait.ge [sflag:s1], $0x2800  }
0x69: {  	[sflag:s1] =	ssyncset.done $0x0  }
0x6a: {  	s16 =	sadd.s32 $0x7780, s5;
	[sflag:s1] =	ssyncadd.s32 $0xFFFFD800  }
0x6b: {  	[spmem:s2] =	stream.indirect.scatter.add.f32 [tilespmem:s3], [sflag:$0x4], $0x80, s16, s30, $0xb8;
	[tilespmem:$0x1DB00] =	vst v63  }
0x6c: {  	_ =	swait.ge [sflag:s28], $0x2800  }
0x6d: {  	[sflag:s28] =	ssyncset.done $0x0  }
0x6e: {  	s17 =	sadd.s32 $0x50A0, s5;
	[sflag:s28] =	ssyncadd.s32 $0xFFFFD800  }
0x6f: {  	[tilespmem:s3], [sflag:$0x1] =	stream.indirect.gather [hbm4b:s4+s30], $0x80, s17, s30, $0xb8;
	[tilespmem:$0x1DB00] =	vst v63  }
0x70: {  	_ =	swait.ge [sflag:s0], $0x2800  }
0x71: {  	[sflag:s0] =	ssyncset.done $0x0  }
0x72: {  	s6 =	sadd.s32 $0x77D0, s5;
	[sflag:s0] =	ssyncadd.s32 $0xFFFFD800  }
0x73: {  	[spmem:s2] =	stream.indirect.scatter.add.f32 [tilespmem:s31], [sflag:$0x4], $0x80, s6, s30, $0xb8;
	[tilespmem:$0x1DB00] =	vst v63  }
0x74: {  	_ =	swait.ge [sflag:s28], $0x2800  }
0x75: {  	[sflag:s28] =	ssyncset.done $0x0  }
0x76: {  	[sflag:s28] =	ssyncadd.s32 $0xFFFFD800  }
0x77: {  	_ =	swait.ge [sflag:s1], $0x2800  }
0x78: {  	[sflag:s1] =	ssyncset.done $0x0  }
0x79: {  	s8 =	simm.s32 $0x9E40;
	[sflag:s1] =	ssyncadd.s32 $0xFFFFD800  }
0x7a: {  	[spmem:s2] =	stream.indirect.scatter.add.f32 [tilespmem:s3], [sflag:$0x4], $0x80, s8, s30, $0xb8;
	[tilespmem:$0x1DB00] =	vst v63  }
0x7b: {  	_ =	swait.ge [sflag:s28], $0x2800  }
0x7c: {  	[sflag:s28] =	ssyncset.done $0x0  }
0x7d: {  	[sflag:s28] =	ssyncadd.s32 $0xFFFFD800  }
0x7e: {  	[bflag:$0x0] =	sbarrier.arrive $0xFFFF  }
0x7f: {  	[tilespmem:s3], [sflag:$0x4] =	stream.linear.gather [spmem:s7], $0x2800, $0x38;
	[tilespmem:$0x1DB00] =	vst v63  }
0x80: {  	_ =	swait.ge [sflag:s28], $0x2800  }
0x81: {  	[sflag:s28] =	ssyncset.done $0x0  }
0x82: {  	s16 =	rddreg [dreg:$0x6];
	[sflag:s28] =	ssyncadd.s32 $0xFFFFD800  }
0x83: {  	[hbm4b:s16+s3] =	stream.linear.scatter [tilespmem:s3], [sflag:$0x4], $0x2800, $0x38;
	[tilespmem:$0x1DB00] =	vst v63  }
0x84: {  	_ =	swait.ge [sflag:s28], $0x2800  }
0x85: {  	[sflag:s28] =	ssyncset.done $0x0  }
0x86: {  	[sflag:s28] =	ssyncadd.s32 $0xFFFFD800  }
0x87: {  	[tilespmem:s3], [sflag:$0x4] =	stream.linear.gather [spmem:s9], $0x2800, $0x38;
	[tilespmem:$0x1DB00] =	vst v63  }
0x88: {  	_ =	swait.ge [sflag:s28], $0x2800  }
0x89: {  	[sflag:s28] =	ssyncset.done $0x0  }
0x8a: {  	s17 =	rddreg [dreg:$0x7];
	[sflag:s28] =	ssyncadd.s32 $0xFFFFD800  }
0x8b: {  	[hbm4b:s17+s3] =	stream.linear.scatter [tilespmem:s3], [sflag:$0x4], $0x2800, $0x38;
	[tilespmem:$0x1DB00] =	vst v63  }
0x8c: {  	_ =	swait.ge [sflag:s28], $0x2800  }
0x8d: {  	[sflag:s28] =	ssyncset.done $0x0  }
0x8e: {  	[sflag:s28] =	ssyncadd.s32 $0xFFFFD800  }
0x8f: {  	[tilespmem:s3], [sflag:$0x4] =	stream.linear.gather [spmem:s10], $0x2800, $0x38;
	[tilespmem:$0x1DB00] =	vst v63  }
0x90: {  	_ =	swait.ge [sflag:s28], $0x2800  }
0x91: {  	[sflag:s28] =	ssyncset.done $0x0  }
0x92: {  	[sflag:s28] =	ssyncadd.s32 $0xFFFFD800  }
0x93: {  	[hbm4b:s18+s3] =	stream.linear.scatter [tilespmem:s3], [sflag:$0x4], $0x2800, $0x38;
	[tilespmem:$0x1DB00] =	vst v63  }
0x94: {  	_ =	swait.ge [sflag:s28], $0x2800  }
0x95: {  	[sflag:s28] =	ssyncset.done $0x0  }
0x96: {  	[sflag:s28] =	ssyncadd.s32 $0xFFFFD800  }
0x97: {  	[tilespmem:s3], [sflag:$0x4] =	stream.linear.gather [spmem:s11], $0x2800, $0x38;
	[tilespmem:$0x1DB00] =	vst v63  }
0x98: {  	_ =	swait.ge [sflag:s28], $0x2800  }
0x99: {  	[sflag:s28] =	ssyncset.done $0x0  }
0x9a: {  	[sflag:s28] =	ssyncadd.s32 $0xFFFFD800  }
0x9b: {  	[hbm4b:s19+s3] =	stream.linear.scatter [tilespmem:s3], [sflag:$0x4], $0x2800, $0x38;
	[tilespmem:$0x1DB00] =	vst v63  }
0x9c: {  	_ =	swait.ge [sflag:s28], $0x2800  }
0x9d: {  	[sflag:s28] =	ssyncset.done $0x0  }
0x9e: {  	[sflag:s28] =	ssyncadd.s32 $0xFFFFD800  }
0x9f: {  	[tilespmem:s3], [sflag:$0x4] =	stream.linear.gather [spmem:s12], $0x2800, $0x38;
	[tilespmem:$0x1DB00] =	vst v63  }
0xa0: {  	_ =	swait.ge [sflag:s28], $0x2800  }
0xa1: {  	[sflag:s28] =	ssyncset.done $0x0  }
0xa2: {  	[sflag:s28] =	ssyncadd.s32 $0xFFFFD800  }
0xa3: {  	[hbm4b:s20+s3] =	stream.linear.scatter [tilespmem:s3], [sflag:$0x4], $0x2800, $0x38;
	[tilespmem:$0x1DB00] =	vst v63  }
0xa4: {  	_ =	swait.ge [sflag:s28], $0x2800  }
0xa5: {  	[sflag:s28] =	ssyncset.done $0x0  }
0xa6: {  	[sflag:s28] =	ssyncadd.s32 $0xFFFFD800  }
0xa7: {  	[tilespmem:s3], [sflag:$0x4] =	stream.linear.gather [spmem:s13], $0x2800, $0x38;
	[tilespmem:$0x1DB00] =	vst v63  }
0xa8: {  	_ =	swait.ge [sflag:s28], $0x2800  }
0xa9: {  	[sflag:s28] =	ssyncset.done $0x0  }
0xaa: {  	[sflag:s28] =	ssyncadd.s32 $0xFFFFD800  }
0xab: {  	[hbm4b:s21+s3] =	stream.linear.scatter [tilespmem:s3], [sflag:$0x4], $0x2800, $0x38;
	[tilespmem:$0x1DB00] =	vst v63  }
0xac: {  	_ =	swait.ge [sflag:s28], $0x2800  }
0xad: {  	[sflag:s28] =	ssyncset.done $0x0  }
0xae: {  	[sflag:s28] =	ssyncadd.s32 $0xFFFFD800  }
0xaf: {  	[tilespmem:s3], [sflag:$0x4] =	stream.linear.gather [spmem:s14], $0x2800, $0x38;
	[tilespmem:$0x1DB00] =	vst v63  }
0xb0: {  	_ =	swait.ge [sflag:s28], $0x2800  }
0xb1: {  	[sflag:s28] =	ssyncset.done $0x0  }
0xb2: {  	[sflag:s28] =	ssyncadd.s32 $0xFFFFD800  }
0xb3: {  	[hbm4b:s22+s3] =	stream.linear.scatter [tilespmem:s3], [sflag:$0x4], $0x2800, $0x38;
	[tilespmem:$0x1DB00] =	vst v63  }
0xb4: {  	_ =	swait.ge [sflag:s28], $0x2800  }
0xb5: {  	[sflag:s28] =	ssyncset.done $0x0  }
0xb6: {  	[sflag:s28] =	ssyncadd.s32 $0xFFFFD800  }
0xb7: {  	[tilespmem:s3], [sflag:$0x4] =	stream.linear.gather [spmem:s15], $0x2400, $0x38;
	[tilespmem:$0x1DB00] =	vst v63  }
0xb8: {  	s26 =	sadd.s32 $0x1, s26;
	_ =	swait.ge [sflag:s28], $0x2400  }
0xb9: {  	p0 =	sne.s32 s26, s24;
	[sflag:s28] =	ssyncset.done $0x0  }
.Ltmp1:
0xba: {  	[sflag:s28] =	ssyncadd.s32 $0xFFFFDC00;
	(pc) =	sbr.rel @p0 .LBB2_1-.Ltmp1, $4  }
0xbb: {  	[hbm4b:s23+s3] =	stream.linear.scatter [tilespmem:s3], [sflag:$0x4], $0x2400, $0x38;
	[tilespmem:$0x1DB00] =	vst v63  }
0xbc: {  	_ =	swait.ge [sflag:s28], $0x2400  }
0xbd: {  	[sflag:s28] =	ssyncset.done $0x0  }
0xbe: {  	[sflag:s28] =	ssyncadd.s32 $0xFFFFDC00  }
0xbf: {  	_ =	sfence.sel $0x180000  }
0xc0: {  	[bflag:$0x0] =	sbarrier.arrive $0xFFFF  }
0xc1: {  	_ =	strace $0x90000047  }
0xc2: {  	s0 =	stileid.u32;
	[bflag:$0x2] =	sbarrier.arrive $0xFFFF  }
0xc3: {  	p0 =	sne.s32 s0, $0x0;
	s0 =	rddreg [dreg:$0x2]  }
0xc4: {  	s0 =	sadd.s32 @!p0 $0x100000, s0  }
0xc5: {  	[sflag:s0] =	ssyncadd.tile.s32 @!p0 $0x1;
	_ =	shalt  }
.Lfunc_end2:
_tile_overlayer_lowered:
.L_overlay_start_2:
0xc6: {  	(tag) =	ssettag $0x2  }
0xc7: {  	s0 =	rddreg [dreg:$0x0];
	s2 =	stileid.u32  }
0xc8: {  	s1 =	rddreg [dreg:$0x1];
	p0 =	sne.s32 s2, $0x0  }
0xc9: {  	s3 =	rddreg [dreg:$0x2];
	[bflag:$0x3] =	sbarrier.arrive $0xFFFF;
	s2 =	simm.s32 @!p0 $0x1C04  }
0xca: {  	[timem:s3], [sflag:s2] =	dma.local @!p0 [hbm:s0], s1  }
0xcb: {  	s0 =	simm.s32 @!p0 $0x4  }
0xcc: {  	_ =	swait.ge @!p0 [sflag:s0], s1  }
0xcd: {  	s1 =	ssub.s32 @!p0 $0x0, s1;
	[sflag:s0] =	ssyncset.done @!p0 $0x0  }
0xce: {  	[sflag:s0] =	ssyncadd.s32 @!p0 s1  }
0xcf: {  	[bflag:$0x3] =	sbarrier.arrive $0xFFFF  }
0xd0: {  	_ =	shalt  }

// kernel: kernel.16.cloned.1.call-start
scs
__scs_entry_jumppad:
0x0: {  	(pc) =	sbr.rel $0x88, $3  }
0x1: {  	(tag) =	ssettag $0x0;
	lr =	simm.s32 $0x1  }
0x2: {  	[smem:$0x3F96] =	sst lr;
	_ =	strace $0xD0000000  }
0x3: {  	_ = 	snop  }
0x4: {  	_ = 	snop  }
0x5: {  	_ = 	snop  }
0x6: {  	_ = 	snop  }
0x7: {  	_ = 	snop  }
__scs_overlays_trampoline_lowered:
0x8: {  	[smem:$0x3FA5] =	sst s0  }
0x9: {  	[smem:$0x3FA6] =	sst s1  }
0xa: {  	[smem:$0x3FA7] =	sst s2  }
0xb: {  	[smem:$0x3FA8] =	sst s3  }
0xc: {  	[smem:$0x3FA9] =	sst s4  }
0xd: {  	[smem:$0x3FAA] =	sst s5  }
0xe: {  	[smem:$0x3FAB] =	sst s6  }
0xf: {  	[smem:$0x3FAC] =	sst s7  }
0x10: {  	[smem:$0x3FAD] =	sst s8  }
0x11: {  	[smem:$0x3FAE] =	sst s9;
	s0 =	simm.s32 @!p0 $0x0  }
0x12: {  	s1 =	sld [smem:$0x3F94];
	s0 =	simm.s32 @p0 $0x1  }
0x13: {  	[smem:$0x3FAF] =	sst s0;
	s0 =	simm.s32 @!p1 $0x0  }
0x14: {  	s2 =	sld [smem:$0x3F93];
	s0 =	simm.s32 @p1 $0x1  }
0x15: {  	[smem:$0x3FB0] =	sst s0;
	s0 =	simm.s32 @!p2 $0x0  }
0x16: {  	s3 =	sld [smem:$0x3FDB];
	s0 =	simm.s32 @p2 $0x1  }
0x17: {  	s4 =	simm.s32 $0x1BF5;
	[smem:$0x3FB2] =	sst s0  }
0x18: {  	s0 =	sld [smem:$0x3F95];
	_ =	swait.ge [sflag:s4], $0x0  }
0x19: {  	s7 =	sld [smem:$0x3F96]  }
0x1a: {  	s8 =	sadd.s32 $0xFFFFE003, lr  }
0x1b: {  	s9 =	sadd.s32 $0xFFFFFEF7, lr;
	s5 =	simm.s32 $0xFFFFFFFF;
	p2 =	slt.u32 s8, $0xFFFFF086  }
0x1c: {  	p1 =	slt.u32 s9, $0xF7A;
	s5 =	simm.s32 @!p2 $0x0  }
0x1d: {  	s5 =	simm.s32 @p1 $0x1;
	p0 =	seq.s32 s7, s2  }
0x1e: {  	s7 =	smul.u32 @!p0 $0xF7A, s2;
	p2 =	seq.s32 @!p0 s5, $0x0  }
0x1f: {  	s9 =	smul.u32 $0xF7A, s1;
	s8 =	simm.s32 @!p0 $0x1BF5;
	p2 =	por !p2, p0  }
0x20: {  	[sflag:s8] =	ssyncset.s32 @!p0 $0xFFFFF086;
	s6 =	sadd.s32 @!p0 s3, s7;
	s7 =	simm.s32 @!p0 $0x108  }
0x21: {  	s3 =	sadd.s32 s3, s9;
	s6 =	sadd.s32 @!p0 $0x88, s6;
	s7 =	simm.s32 @p2 $0x1082  }
0x22: {  	[simem:s7], [sflag:s8] =	dma.local @!p0 [hbm:s6], $0xF7A  }
0x23: {  	s9 =	sor.u32 $0xD0000000, s2;
	s6 =	simm.s32 $0x108;
	_ =	swait.ge @!p0 [sflag:s8], $0x0  }
0x24: {  	s3 =	sadd.s32 $0x88, s3;
	s6 =	simm.s32 @!p1 $0x1082;
	[sflag:s4] =	ssyncset.s32 $0xFFFFF086  }
0x25: {  	[simem:s6], [sflag:s4] =	dma.local [hbm:s3], $0xF7A  }
0x26: {  	[smem:$0x3F96] =	sst s1;
	(tag) =	ssettag s2;
	_ =	strace s9  }
0x27: {  	s1 =	sld [smem:$0x3FA6]  }
0x28: {  	s2 =	sld [smem:$0x3FA7]  }
0x29: {  	s4 =	sld [smem:$0x3FA9]  }
0x2a: {  	p0 =	seq.s32 s5, $0x0;
	s5 =	sld [smem:$0x3FAA]  }
0x2b: {  	s6 =	sld [smem:$0x3FAB]  }
0x2c: {  	s7 =	sld [smem:$0x3FAC]  }
0x2d: {  	s3 =	simm.s32 $0x108;
	s8 =	sld [smem:$0x3FAD]  }
0x2e: {  	s3 =	simm.s32 @!p0 $0x1082;
	s9 =	sld [smem:$0x3FAE]  }
0x2f: {  	lr =	sadd.s32 s0, s3;
	s0 =	sld [smem:$0x3FA5]  }
0x30: {  	s3 =	sld [smem:$0x3FA8]  }
0x31: {  	[smem:$0x3FB1] =	sst s10  }
0x32: {  	s10 =	sld [smem:$0x3FAF];
	_ =	sdelay $0x3  }
0x33: {  	p0 =	seq.s32 s10, $0x1;
	s10 =	sld [smem:$0x3FB1];
	_ =	sdelay $0x3  }
0x34: {  	[smem:$0x3FB1] =	sst s10  }
0x35: {  	s10 =	sld [smem:$0x3FB0];
	_ =	sdelay $0x3  }
0x36: {  	p1 =	seq.s32 s10, $0x1;
	s10 =	sld [smem:$0x3FB1];
	_ =	sdelay $0x3  }
0x37: {  	[smem:$0x3FB1] =	sst s10  }
0x38: {  	s10 =	sld [smem:$0x3FB2]  }
0x39: {  	_ = 	snop;
	(pc) =	sbr.ind lr, $3  }
0x3a: {  	_ = 	snop  }
0x3b: {  	_ = 	snop  }
0x3c: {  	p2 =	seq.s32 s10, $0x1;
	s10 =	sld [smem:$0x3FB1]  }
0x3d: {  	_ =	shalt  }
0x3e: {  	_ =	shalt  }
0x3f: {  	_ =	shalt  }
0x40: {  	_ =	shalt  }
0x41: {  	_ =	shalt  }
0x42: {  	_ =	shalt  }
0x43: {  	_ =	shalt  }
0x44: {  	_ =	shalt  }
0x45: {  	_ =	shalt  }
0x46: {  	_ =	shalt  }
0x47: {  	_ =	shalt  }
0x48: {  	_ =	shalt  }
0x49: {  	_ =	shalt  }
0x4a: {  	_ =	shalt  }
0x4b: {  	_ =	shalt  }
0x4c: {  	_ =	shalt  }
0x4d: {  	_ =	shalt  }
0x4e: {  	_ =	shalt  }
0x4f: {  	_ =	shalt  }
0x50: {  	_ =	shalt  }
0x51: {  	_ =	shalt  }
0x52: {  	_ =	shalt  }
0x53: {  	_ =	shalt  }
0x54: {  	_ =	shalt  }
0x55: {  	_ =	shalt  }
0x56: {  	_ =	shalt  }
0x57: {  	_ =	shalt  }
0x58: {  	_ =	shalt  }
0x59: {  	_ =	shalt  }
0x5a: {  	_ =	shalt  }
0x5b: {  	_ =	shalt  }
0x5c: {  	_ =	shalt  }
0x5d: {  	_ =	shalt  }
0x5e: {  	_ =	shalt  }
0x5f: {  	_ =	shalt  }
0x60: {  	_ =	shalt  }
0x61: {  	_ =	shalt  }
0x62: {  	_ =	shalt  }
0x63: {  	_ =	shalt  }
0x64: {  	_ =	shalt  }
0x65: {  	_ =	shalt  }
0x66: {  	_ =	shalt  }
0x67: {  	_ =	shalt  }
0x68: {  	_ =	shalt  }
0x69: {  	_ =	shalt  }
0x6a: {  	_ =	shalt  }
0x6b: {  	_ =	shalt  }
0x6c: {  	_ =	shalt  }
0x6d: {  	_ =	shalt  }
0x6e: {  	_ =	shalt  }
0x6f: {  	_ =	shalt  }
0x70: {  	_ =	shalt  }
0x71: {  	_ =	shalt  }
0x72: {  	_ =	shalt  }
0x73: {  	_ =	shalt  }
0x74: {  	_ =	shalt  }
0x75: {  	_ =	shalt  }
0x76: {  	_ =	shalt  }
0x77: {  	_ =	shalt  }
0x78: {  	_ =	shalt  }
0x79: {  	_ =	shalt  }
0x7a: {  	_ =	shalt  }
0x7b: {  	_ =	shalt  }
0x7c: {  	_ =	shalt  }
0x7d: {  	_ =	shalt  }
0x7e: {  	_ =	shalt  }
0x7f: {  	_ =	shalt  }
0x80: {  	_ =	shalt  }
0x81: {  	_ =	shalt  }
0x82: {  	_ =	shalt  }
0x83: {  	_ =	shalt  }
0x84: {  	_ =	shalt  }
0x85: {  	_ =	shalt  }
0x86: {  	_ =	shalt  }
0x87: {  	_ =	shalt  }
.Lfunc_end0:
.L_simem_size_0:
called_computation.2_lowered:
.L_overlay_start_0:
0x88: {  	s2 =	sld [smem:$0x3FD9]  }
0x89: {  	s3 =	sld [smem:$0x3FFE];
	_ =	sdelay $0x1  }
0x8a: {  	s1 =	srdreg.scid  }
0x8b: {  	s0 =	sand.u32 $0x1, s1  }
0x8c: {  	s16 =	sshll.u32 s0, $0xA;
	s2 =	sadd.s32 s3, s2  }
0x8d: {  	s2 =	sadd.s32 s2, s16  }
0x8e: {  	[smem:$0x3FBD] =	sst s2  }
0x8f: {  	_ = 	snop  }
0x90: {  	(tm) =	ssettm $0x1  }
0x91: {  	s17 =	sld [smem:$0x3FFB];
	_ =	sdelay $0x3  }
0x92: {  	_ =	strace s17  }
0x93: {  	s2 =	sld [smem:$0x3FFC];
	_ =	sdelay $0x3  }
0x94: {  	_ =	strace s2  }
0x95: {  	s2 =	sld [smem:$0x3FFD];
	_ =	sdelay $0x3  }
0x96: {  	_ =	strace s2  }
0x97: {  	_ =	strace $0x8FFFFFFF  }
0x98: {  	s18 =	sld [smem:$0x3FDB];
	_ =	sdelay $0x1  }
0x99: {  	s19 =	simm.s32 $_scs_section_size  }
0x9a: {  	s4 =	simm.s32 $_size__tile_overlayer_lowered;
	s5 =	simm.s32 $_tile_overlayer_lowered  }
0x9b: {  	s22 =	simm.s32 $0x1BFF;
	s21 =	sshll.u32 s5, $0x1;
	s2 =	sadd.s32 s19, s18  }
0x9c: {  	s6 =	simm.s32 $0x0;
	s20 =	sshll.u32 s4, $0x1;
	s4 =	sadd.s32 s21, s2  }
0x9d: {  	[timem:s6], [sflag:s22] =	dma.local [hbm:s4], s20  }
0x9e: {  	_ =	swait.ge [sflag:s22], s20  }
0x9f: {  	s3 =	ssub.s32 $0x0, s20;
	[sflag:s22] =	ssyncset.done $0x0  }
0xa0: {  	[sflag:s22] =	ssyncadd.s32 s3;
	_ =	sdelay $0x1  }
0xa1: {  	s23 =	simm.s32 $0x1B8B  }
0xa2: {  	_ =	swait.ge [sflag:s23], $0x1  }
0xa3: {  	[sflag:s23] =	ssyncset.done $0x0  }
0xa4: {  	s25 =	simm.s32 $0x1B8E;
	s24 =	sld [smem:$0x3FFE];
	[sflag:s23] =	ssyncadd.s32 $0xFFFFFFFF  }
0xa5: {  	s26 =	simm.s32 $execute0_lowered;
	[smem:$0x3FD2] =	sst s25  }
0xa6: {  	s4 =	sshll.u32 s26, $0x1;
	_ =	strace $0x8000004C;
	[dreg:$0x1] =	wrdreg $0xFFFFFFFF  }
0xa7: {  	s28 =	simm.s32 $_size_execute0_lowered;
	s2 =	sadd.s32 s2, s4;
	[dreg:$0x0] =	wrdreg $0x0  }
0xa8: {  	s4 =	sshll.u32 s28, $0x1;
	[dreg:$0x2] =	wrdreg s2  }
0xa9: {  	[dreg:$0x3] =	wrdreg s4  }
0xaa: {  	[dreg:$0x4] =	wrdreg $0xC0  }
0xab: {  	_ =	task [dreg:s6], $0x5FFFF  }
0xac: {  	[dreg:$0x1] =	wrdreg $0xFFFFFFFF  }
0xad: {  	[dreg:$0x0] =	wrdreg $0x60  }
0xae: {  	[dreg:$0x2] =	wrdreg s24  }
0xaf: {  	[dreg:$0x3] =	wrdreg $0x9F000  }
0xb0: {  	[dreg:$0x4] =	wrdreg $0x9  }
0xb1: {  	_ =	task.clear_ibuf [dreg:s6], $0x5FFFF;
	_ =	strace $0x9000004C  }
0xb2: {  	s29 =	simm.s32 $0x9;
	_ =	strace $0x8000004E  }
0xb3: {  	_ =	swait.ge [sflag:s29], $0x1  }
0xb4: {  	[sflag:s29] =	ssyncadd.s32 $0xFFFFFFFF  }
0xb5: {  	_ =	strace $0x9000004E  }
0xb6: {  	_ =	sfence  }
0xb7: {  	s30 =	sld [smem:$0x0];
	_ =	sdelay $0x2  }
0xb8: {  	s31 =	sshll.u32 s1, $0xD;
	s1 =	sshrl.u32 s1, $0x2  }
0xb9: {  	s3 =	sand.u32 $0x4000, s31;
	s1 =	sadd.s32 s1, s30  }
0xba: {  	s0 =	sor.u32 s3, s0;
	s1 =	sshll.u32 s1, $0x11  }
0xbb: {  	s0 =	sor.u32 s1, s0  }
0xbc: {  	s0 =	sadd.s32 $0x8F2B, s0  }
0xbd: {  	[sflag:s0] =	ssyncadd.remote.s32 $0x1  }
0xbe: {  	_ =	sfence.sel $0xFFFF  }
0xbf: {  	[dreg:$0x0] =	wrdreg $0xFFFFFFFF;
	(pc) =	sbr.abs _section_cstart, $3  }
0xc0: {  	[dreg:$0x1] =	wrdreg $0xFFFFFFFF  }
0xc1: {  	_ =	task.clear_ibuf [dreg:s6], $0x2FFFF;
	_ =	strace $0x9FFFFFFF  }
0xc2: {  	(tm) =	ssettm $0x7FFFFFFF  }
0xc3: {  	_ =	shalt  }
tec
execute0_lowered:
.L_overlay_start_1:
0x0: {  	(tag) =	ssettag $0x1  }
0x1: {  	s0 =	srdreg.scid;
	s5 =	rddreg [dreg:$0x0]  }
0x2: {  	s8 =	stileid.u32;
	s2 =	rddreg [dreg:$0x1];
	s3 =	simm.s32 $0x0  }
0x3: {  	s28 =	simm.s32 $0x4;
	s29 =	simm.s32 $0x3;
	s30 =	simm.s32 $0x50  }
0x4: {  	s31 =	simm.s32 $0x2800;
	s0 =	sand.u32 $0x1, s0;
	s1 =	sshll.u32 s8, $0x1  }
0x5: {  	s6 =	smul.u32 $0x278, s8;
	[smem:$0x7FF] =	sst s3;
	s4 =	sadd.s32 $0x17A00, s5  }
0x6: {  	s21 =	smul.u32 $0x4F000, s8;
	s22 =	sadd.s32 $0x65E00, s5;
	s1 =	sor.u32 s0, s1  }
0x7: {  	s7 =	smul.u32 $0x2780, s0;
	_ =	strace $0x8000004D;
	s0 =	ssub.s32 $0x2, s0  }
0x8: {  	[dreg:$0x3] =	wrdreg s22;
	s1 =	smul.u32 $0x4E2, s1;
	s23 =	sshrl.u32 s0, $0x1  }
0x9: {  	s6 =	sadd.s32 s6, s7;
	s7 =	sshrl.u32 s21, $0x2;
	s0 =	ssub.s32 s0, s23  }
0xa: {  	s1 =	sadd.s32 s1, s5;
	s6 =	sshll.u32 s6, $0x4;
	s7 =	sadd.s32 s7, s2  }
0xb: {  	s5 =	sadd.s32 s6, s5;
	s24 =	sadd.s32 $0xDC00, s1;
	s1 =	sadd.s32 $0x3E00, s1  }
0xc: {  	s9 =	sadd.s32 $0x2800, s7;
	s10 =	sadd.s32 $0x5000, s7;
	s11 =	sadd.s32 $0x7800, s7  }
0xd: {  	s12 =	sadd.s32 $0xA000, s7;
	s13 =	sadd.s32 $0xC800, s7;
	[dreg:$0x4] =	wrdreg s24  }
0xe: {  	s14 =	sadd.s32 $0xF000, s7;
	s15 =	sadd.s32 $0x11800, s7;
	[dreg:$0x5] =	wrdreg s1  }
0xf: {  	s25 =	sadd.s32 $0xB4800, s5;
	s26 =	sadd.s32 $0xB4D00, s5;
	s18 =	sadd.s32 $0xB5200, s5  }
0x10: {  	s19 =	sadd.s32 $0xB5700, s5;
	s20 =	sadd.s32 $0xB5C00, s5;
	s21 =	sadd.s32 $0xB6100, s5  }
0x11: {  	s22 =	sadd.s32 $0xB6600, s5;
	s23 =	sadd.s32 $0xB6B00, s5;
	s24 =	smax.u32 s0, $0x1  }
0x12: {  	s1 =	simm.s32 $0x1;
	s0 =	simm.s32 $0x2;
	[dreg:$0x6] =	wrdreg s25  }
0x13: {  	[dreg:$0x7] =	wrdreg s26;
	s25 =	simm.s32 $0x5000;
	s26 =	simm.s32 $0x0  }
.LBB2_1:
0x14: {  	s5 =	rddreg [dreg:$0x4]  }
0x15: {  	[tilespmem:s25], [sflag:$0x3] =	stream.linear.gather [hbm4b:s5+s3], $0x2710, $0x38;
	[tilespmem:$0x1DB00] =	vst v63  }
0x16: {  	s16 =	rddreg [dreg:$0x5];
	s6 =	simm.s32 $0x7780  }
0x17: {  	[tilespmem:s6], [sflag:$0x3] =	stream.linear.gather [hbm4b:s16+s3], $0x2710, $0x38;
	[tilespmem:$0x1DB00] =	vst v63  }
0x18: {  	s17 =	rddreg [dreg:$0x3]  }
0x19: {  	[tilespmem:s3], [sflag:$0x4] =	stream.linear.gather [hbm4b:s17+s3], $0x2800, $0x38;
	[tilespmem:$0x1DB00] =	vst v63  }
0x1a: {  	_ =	swait.ge [sflag:s28], $0x2800  }
0x1b: {  	[sflag:s28] =	ssyncset.done $0x0  }
0x1c: {  	[sflag:s28] =	ssyncadd.s32 $0xFFFFD800  }
0x1d: {  	[spmem:s7] =	stream.linear.scatter [tilespmem:s3], [sflag:$0x4], $0x2800, $0x38;
	[tilespmem:$0x1DB00] =	vst v63  }
0x1e: {  	_ =	swait.ge [sflag:s28], $0x2800  }
0x1f: {  	[sflag:s28] =	ssyncset.done $0x0  }
0x20: {  	[sflag:s28] =	ssyncadd.s32 $0xFFFFD800  }
0x21: {  	[spmem:s9] =	stream.linear.scatter [tilespmem:s3], [sflag:$0x4], $0x2800, $0x38;
	[tilespmem:$0x1DB00] =	vst v63  }
0x22: {  	_ =	swait.ge [sflag:s28], $0x2800  }
0x23: {  	[sflag:s28] =	ssyncset.done $0x0  }
0x24: {  	[sflag:s28] =	ssyncadd.s32 $0xFFFFD800  }
0x25: {  	[spmem:s10] =	stream.linear.scatter [tilespmem:s3], [sflag:$0x4], $0x2800, $0x38;
	[tilespmem:$0x1DB00] =	vst v63  }
0x26: {  	_ =	swait.ge [sflag:s28], $0x2800  }
0x27: {  	[sflag:s28] =	ssyncset.done $0x0  }
0x28: {  	[sflag:s28] =	ssyncadd.s32 $0xFFFFD800  }
0x29: {  	[spmem:s11] =	stream.linear.scatter [tilespmem:s3], [sflag:$0x4], $0x2800, $0x38;
	[tilespmem:$0x1DB00] =	vst v63  }
0x2a: {  	_ =	swait.ge [sflag:s28], $0x2800  }
0x2b: {  	[sflag:s28] =	ssyncset.done $0x0  }
0x2c: {  	[sflag:s28] =	ssyncadd.s32 $0xFFFFD800  }
0x2d: {  	[spmem:s12] =	stream.linear.scatter [tilespmem:s3], [sflag:$0x4], $0x2800, $0x38;
	[tilespmem:$0x1DB00] =	vst v63  }
0x2e: {  	_ =	swait.ge [sflag:s28], $0x2800  }
0x2f: {  	[sflag:s28] =	ssyncset.done $0x0  }
0x30: {  	[sflag:s28] =	ssyncadd.s32 $0xFFFFD800  }
0x31: {  	[spmem:s13] =	stream.linear.scatter [tilespmem:s3], [sflag:$0x4], $0x2800, $0x38;
	[tilespmem:$0x1DB00] =	vst v63  }
0x32: {  	_ =	swait.ge [sflag:s28], $0x2800  }
0x33: {  	[sflag:s28] =	ssyncset.done $0x0  }
0x34: {  	[sflag:s28] =	ssyncadd.s32 $0xFFFFD800  }
0x35: {  	[spmem:s14] =	stream.linear.scatter [tilespmem:s3], [sflag:$0x4], $0x2800, $0x38;
	[tilespmem:$0x1DB00] =	vst v63  }
0x36: {  	_ =	swait.ge [sflag:s28], $0x2800  }
0x37: {  	[sflag:s28] =	ssyncset.done $0x0  }
0x38: {  	[sflag:s28] =	ssyncadd.s32 $0xFFFFD800  }
0x39: {  	[spmem:s15] =	stream.linear.scatter [tilespmem:s3], [sflag:$0x4], $0x2400, $0x38;
	[tilespmem:$0x1DB00] =	vst v63  }
0x3a: {  	_ =	swait.ge [sflag:s28], $0x2400  }
0x3b: {  	[sflag:s28] =	ssyncset.done $0x0  }
0x3c: {  	[sflag:s28] =	ssyncadd.s32 $0xFFFFDC00  }
0x3d: {  	_ =	swait.ge [sflag:s29], $0x2710  }
0x3e: {  	[sflag:s29] =	ssyncset.done $0x0  }
0x3f: {  	[sflag:s29] =	ssyncadd.s32 $0xFFFFD8F0  }
0x40: {  	_ =	swait.ge [sflag:s29], $0x2710  }
0x41: {  	[sflag:s29] =	ssyncset.done $0x0  }
0x42: {  	[sflag:s29] =	ssyncadd.s32 $0xFFFFD8F0  }
0x43: {  	[bflag:$0x0] =	sbarrier.arrive $0xFFFF  }
0x44: {  	[tilespmem:s3], [sflag:$0x1] =	stream.indirect.gather [hbm4b:s4+s30], $0x80, s25, s30, $0xb8;
	[tilespmem:$0x1DB00] =	vst v63  }
0x45: {  	s6 =	simm.s32 $0x5050  }
0x46: {  	[tilespmem:s31], [sflag:$0x2] =	stream.indirect.gather [hbm4b:s4+s30], $0x80, s6, s30, $0xb8;
	[tilespmem:$0x1DB00] =	vst v63  }
0x47: {  	_ =	swait.ge [sflag:s1], $0x2800  }
0x48: {  	[sflag:s1] =	ssyncset.done $0x0  }
0x49: {  	s8 =	simm.s32 $0x7780;
	[sflag:s1] =	ssyncadd.s32 $0xFFFFD800  }
0x4a: {  	[spmem:s2] =	stream.indirect.scatter.add.f32 [tilespmem:s3], [sflag:$0x4], $0x80, s8, s30, $0xb8;
	[tilespmem:$0x1DB00] =	vst v63  }
0x4b: {  	_ =	swait.ge [sflag:s28], $0x2800  }
0x4c: {  	[sflag:s28] =	ssyncset.done $0x0  }
0x4d: {  	s16 =	simm.s32 $0x50A0;
	[sflag:s28] =	ssyncadd.s32 $0xFFFFD800  }
0x4e: {  	[tilespmem:s3], [sflag:$0x1] =	stream.indirect.gather [hbm4b:s4+s30], $0x80, s16, s30, $0xb8;
	[tilespmem:$0x1DB00] =	vst v63  }
0x4f: {  	_ =	swait.ge [sflag:s0], $0x2800  }
0x50: {  	[sflag:s0] =	ssyncset.done $0x0  }
0x51: {  	s17 =	simm.s32 $0x77D0;
	[sflag:s0] =	ssyncadd.s32 $0xFFFFD800  }
0x52: {  	[spmem:s2] =	stream.indirect.scatter.add.f32 [tilespmem:s31], [sflag:$0x4], $0x80, s17, s30, $0xb8;
	[tilespmem:$0x1DB00] =	vst v63  }
0x53: {  	_ =	swait.ge [sflag:s28], $0x2800  }
0x54: {  	s5 =	simm.s32 $0xA0;
	s6 =	simm.s32 $0x500;
	[sflag:s28] =	ssyncset.done $0x0  }
.LBB2_2:
0x55: {  	s8 =	sadd.s32 $0x5050, s5  }
0x56: {  	[sflag:s28] =	ssyncadd.s32 $0xFFFFD800;
	s16 =	smov.u32 s6;
	s17 =	sadd.s32 $0x280, s6  }
0x57: {  	[tilespmem:s31], [sflag:$0x2] =	stream.indirect.gather [hbm4b:s4+s30], $0x80, s8, s30, $0xb8;
	[tilespmem:$0x1DB00] =	vst v63  }
0x58: {  	p0 =	sne.s32 s6, $0x9880;
	_ =	swait.ge [sflag:s1], $0x2800  }
0x59: {  	[sflag:s1] =	ssyncset.done $0x0  }
0x5a: {  	s6 =	sadd.s32 $0x7780, s5;
	[sflag:s1] =	ssyncadd.s32 $0xFFFFD800  }
0x5b: {  	[spmem:s2] =	stream.indirect.scatter.add.f32 [tilespmem:s3], [sflag:$0x4], $0x80, s6, s30, $0xb8;
	[tilespmem:$0x1DB00] =	vst v63  }
0x5c: {  	_ =	swait.ge [sflag:s28], $0x2800  }
0x5d: {  	[sflag:s28] =	ssyncset.done $0x0  }
0x5e: {  	s6 =	sadd.s32 $0x50A0, s5;
	[sflag:s28] =	ssyncadd.s32 $0xFFFFD800  }
0x5f: {  	[tilespmem:s3], [sflag:$0x1] =	stream.indirect.gather [hbm4b:s4+s30], $0x80, s6, s30, $0xb8;
	[tilespmem:$0x1DB00] =	vst v63  }
0x60: {  	_ =	swait.ge [sflag:s0], $0x2800  }
.Ltmp0:
0x61: {  	[sflag:s0] =	ssyncset.done $0x0;
	(pc) =	sbr.rel @p0 .LBB2_2-.Ltmp0, $4  }
0x62: {  	s5 =	sadd.s32 $0x77D0, s5;
	[sflag:s0] =	ssyncadd.s32 $0xFFFFD800  }
0x63: {  	[spmem:s2] =	stream.indirect.scatter.add.f32 [tilespmem:s31], [sflag:$0x4], $0x80, s5, s30, $0xb8;
	[tilespmem:$0x1DB00] =	vst v63  }
0x64: {  	_ =	swait.ge [sflag:s28], $0x2800  }
0x65: {  	s6 =	smov.u32 s17;
	s5 =	sshra.s32 s16, $0x2;
	[sflag:s28] =	ssyncset.done $0x0  }
0x66: {  	s6 =	sadd.s32 $0x5050, s5;
	[sflag:s28] =	ssyncadd.s32 $0xFFFFD800  }
0x67: {  	[tilespmem:s31], [sflag:$0x2] =	stream.indirect.gather [hbm4b:s4+s30], $0x80, s6, s30, $0xb8;
	[tilespmem:$0x1DB00] =	vst v63  }
0x68: {  	_ =	swait.ge [sflag:s1], $0x2800  }
0x69: {  	[sflag:s1] =	ssyncset.done $0x0  }
0x6a: {  	s16 =	sadd.s32 $0x7780, s5;
	[sflag:s1] =	ssyncadd.s32 $0xFFFFD800  }
0x6b: {  	[spmem:s2] =	stream.indirect.scatter.add.f32 [tilespmem:s3], [sflag:$0x4], $0x80, s16, s30, $0xb8;
	[tilespmem:$0x1DB00] =	vst v63  }
0x6c: {  	_ =	swait.ge [sflag:s28], $0x2800  }
0x6d: {  	[sflag:s28] =	ssyncset.done $0x0  }
0x6e: {  	s17 =	sadd.s32 $0x50A0, s5;
	[sflag:s28] =	ssyncadd.s32 $0xFFFFD800  }
0x6f: {  	[tilespmem:s3], [sflag:$0x1] =	stream.indirect.gather [hbm4b:s4+s30], $0x80, s17, s30, $0xb8;
	[tilespmem:$0x1DB00] =	vst v63  }
0x70: {  	_ =	swait.ge [sflag:s0], $0x2800  }
0x71: {  	[sflag:s0] =	ssyncset.done $0x0  }
0x72: {  	s6 =	sadd.s32 $0x77D0, s5;
	[sflag:s0] =	ssyncadd.s32 $0xFFFFD800  }
0x73: {  	[spmem:s2] =	stream.indirect.scatter.add.f32 [tilespmem:s31], [sflag:$0x4], $0x80, s6, s30, $0xb8;
	[tilespmem:$0x1DB00] =	vst v63  }
0x74: {  	_ =	swait.ge [sflag:s28], $0x2800  }
0x75: {  	[sflag:s28] =	ssyncset.done $0x0  }
0x76: {  	[sflag:s28] =	ssyncadd.s32 $0xFFFFD800  }
0x77: {  	_ =	swait.ge [sflag:s1], $0x2800  }
0x78: {  	[sflag:s1] =	ssyncset.done $0x0  }
0x79: {  	s8 =	simm.s32 $0x9E40;
	[sflag:s1] =	ssyncadd.s32 $0xFFFFD800  }
0x7a: {  	[spmem:s2] =	stream.indirect.scatter.add.f32 [tilespmem:s3], [sflag:$0x4], $0x80, s8, s30, $0xb8;
	[tilespmem:$0x1DB00] =	vst v63  }
0x7b: {  	_ =	swait.ge [sflag:s28], $0x2800  }
0x7c: {  	[sflag:s28] =	ssyncset.done $0x0  }
0x7d: {  	[sflag:s28] =	ssyncadd.s32 $0xFFFFD800  }
0x7e: {  	[bflag:$0x0] =	sbarrier.arrive $0xFFFF  }
0x7f: {  	[tilespmem:s3], [sflag:$0x4] =	stream.linear.gather [spmem:s7], $0x2800, $0x38;
	[tilespmem:$0x1DB00] =	vst v63  }
0x80: {  	_ =	swait.ge [sflag:s28], $0x2800  }
0x81: {  	[sflag:s28] =	ssyncset.done $0x0  }
0x82: {  	s16 =	rddreg [dreg:$0x6];
	[sflag:s28] =	ssyncadd.s32 $0xFFFFD800  }
0x83: {  	[hbm4b:s16+s3] =	stream.linear.scatter [tilespmem:s3], [sflag:$0x4], $0x2800, $0x38;
	[tilespmem:$0x1DB00] =	vst v63  }
0x84: {  	_ =	swait.ge [sflag:s28], $0x2800  }
0x85: {  	[sflag:s28] =	ssyncset.done $0x0  }
0x86: {  	[sflag:s28] =	ssyncadd.s32 $0xFFFFD800  }
0x87: {  	[tilespmem:s3], [sflag:$0x4] =	stream.linear.gather [spmem:s9], $0x2800, $0x38;
	[tilespmem:$0x1DB00] =	vst v63  }
0x88: {  	_ =	swait.ge [sflag:s28], $0x2800  }
0x89: {  	[sflag:s28] =	ssyncset.done $0x0  }
0x8a: {  	s17 =	rddreg [dreg:$0x7];
	[sflag:s28] =	ssyncadd.s32 $0xFFFFD800  }
0x8b: {  	[hbm4b:s17+s3] =	stream.linear.scatter [tilespmem:s3], [sflag:$0x4], $0x2800, $0x38;
	[tilespmem:$0x1DB00] =	vst v63  }
0x8c: {  	_ =	swait.ge [sflag:s28], $0x2800  }
0x8d: {  	[sflag:s28] =	ssyncset.done $0x0  }
0x8e: {  	[sflag:s28] =	ssyncadd.s32 $0xFFFFD800  }
0x8f: {  	[tilespmem:s3], [sflag:$0x4] =	stream.linear.gather [spmem:s10], $0x2800, $0x38;
	[tilespmem:$0x1DB00] =	vst v63  }
0x90: {  	_ =	swait.ge [sflag:s28], $0x2800  }
0x91: {  	[sflag:s28] =	ssyncset.done $0x0  }
0x92: {  	[sflag:s28] =	ssyncadd.s32 $0xFFFFD800  }
0x93: {  	[hbm4b:s18+s3] =	stream.linear.scatter [tilespmem:s3], [sflag:$0x4], $0x2800, $0x38;
	[tilespmem:$0x1DB00] =	vst v63  }
0x94: {  	_ =	swait.ge [sflag:s28], $0x2800  }
0x95: {  	[sflag:s28] =	ssyncset.done $0x0  }
0x96: {  	[sflag:s28] =	ssyncadd.s32 $0xFFFFD800  }
0x97: {  	[tilespmem:s3], [sflag:$0x4] =	stream.linear.gather [spmem:s11], $0x2800, $0x38;
	[tilespmem:$0x1DB00] =	vst v63  }
0x98: {  	_ =	swait.ge [sflag:s28], $0x2800  }
0x99: {  	[sflag:s28] =	ssyncset.done $0x0  }
0x9a: {  	[sflag:s28] =	ssyncadd.s32 $0xFFFFD800  }
0x9b: {  	[hbm4b:s19+s3] =	stream.linear.scatter [tilespmem:s3], [sflag:$0x4], $0x2800, $0x38;
	[tilespmem:$0x1DB00] =	vst v63  }
0x9c: {  	_ =	swait.ge [sflag:s28], $0x2800  }
0x9d: {  	[sflag:s28] =	ssyncset.done $0x0  }
0x9e: {  	[sflag:s28] =	ssyncadd.s32 $0xFFFFD800  }
0x9f: {  	[tilespmem:s3], [sflag:$0x4] =	stream.linear.gather [spmem:s12], $0x2800, $0x38;
	[tilespmem:$0x1DB00] =	vst v63  }
0xa0: {  	_ =	swait.ge [sflag:s28], $0x2800  }
0xa1: {  	[sflag:s28] =	ssyncset.done $0x0  }
0xa2: {  	[sflag:s28] =	ssyncadd.s32 $0xFFFFD800  }
0xa3: {  	[hbm4b:s20+s3] =	stream.linear.scatter [tilespmem:s3], [sflag:$0x4], $0x2800, $0x38;
	[tilespmem:$0x1DB00] =	vst v63  }
0xa4: {  	_ =	swait.ge [sflag:s28], $0x2800  }
0xa5: {  	[sflag:s28] =	ssyncset.done $0x0  }
0xa6: {  	[sflag:s28] =	ssyncadd.s32 $0xFFFFD800  }
0xa7: {  	[tilespmem:s3], [sflag:$0x4] =	stream.linear.gather [spmem:s13], $0x2800, $0x38;
	[tilespmem:$0x1DB00] =	vst v63  }
0xa8: {  	_ =	swait.ge [sflag:s28], $0x2800  }
0xa9: {  	[sflag:s28] =	ssyncset.done $0x0  }
0xaa: {  	[sflag:s28] =	ssyncadd.s32 $0xFFFFD800  }
0xab: {  	[hbm4b:s21+s3] =	stream.linear.scatter [tilespmem:s3], [sflag:$0x4], $0x2800, $0x38;
	[tilespmem:$0x1DB00] =	vst v63  }
0xac: {  	_ =	swait.ge [sflag:s28], $0x2800  }
0xad: {  	[sflag:s28] =	ssyncset.done $0x0  }
0xae: {  	[sflag:s28] =	ssyncadd.s32 $0xFFFFD800  }
0xaf: {  	[tilespmem:s3], [sflag:$0x4] =	stream.linear.gather [spmem:s14], $0x2800, $0x38;
	[tilespmem:$0x1DB00] =	vst v63  }
0xb0: {  	_ =	swait.ge [sflag:s28], $0x2800  }
0xb1: {  	[sflag:s28] =	ssyncset.done $0x0  }
0xb2: {  	[sflag:s28] =	ssyncadd.s32 $0xFFFFD800  }
0xb3: {  	[hbm4b:s22+s3] =	stream.linear.scatter [tilespmem:s3], [sflag:$0x4], $0x2800, $0x38;
	[tilespmem:$0x1DB00] =	vst v63  }
0xb4: {  	_ =	swait.ge [sflag:s28], $0x2800  }
0xb5: {  	[sflag:s28] =	ssyncset.done $0x0  }
0xb6: {  	[sflag:s28] =	ssyncadd.s32 $0xFFFFD800  }
0xb7: {  	[tilespmem:s3], [sflag:$0x4] =	stream.linear.gather [spmem:s15], $0x2400, $0x38;
	[tilespmem:$0x1DB00] =	vst v63  }
0xb8: {  	s26 =	sadd.s32 $0x1, s26;
	_ =	swait.ge [sflag:s28], $0x2400  }
0xb9: {  	p0 =	sne.s32 s26, s24;
	[sflag:s28] =	ssyncset.done $0x0  }
.Ltmp1:
0xba: {  	[sflag:s28] =	ssyncadd.s32 $0xFFFFDC00;
	(pc) =	sbr.rel @p0 .LBB2_1-.Ltmp1, $4  }
0xbb: {  	[hbm4b:s23+s3] =	stream.linear.scatter [tilespmem:s3], [sflag:$0x4], $0x2400, $0x38;
	[tilespmem:$0x1DB00] =	vst v63  }
0xbc: {  	_ =	swait.ge [sflag:s28], $0x2400  }
0xbd: {  	[sflag:s28] =	ssyncset.done $0x0  }
0xbe: {  	[sflag:s28] =	ssyncadd.s32 $0xFFFFDC00  }
0xbf: {  	_ =	sfence.sel $0x180000  }
0xc0: {  	[bflag:$0x0] =	sbarrier.arrive $0xFFFF  }
0xc1: {  	_ =	strace $0x9000004D  }
0xc2: {  	s0 =	stileid.u32;
	[bflag:$0x2] =	sbarrier.arrive $0xFFFF  }
0xc3: {  	p0 =	sne.s32 s0, $0x0;
	s0 =	rddreg [dreg:$0x2]  }
0xc4: {  	s0 =	sadd.s32 @!p0 $0x100000, s0  }
0xc5: {  	[sflag:s0] =	ssyncadd.tile.s32 @!p0 $0x1;
	_ =	shalt  }
.Lfunc_end2:
_tile_overlayer_lowered:
.L_overlay_start_2:
0xc6: {  	(tag) =	ssettag $0x2  }
0xc7: {  	s0 =	rddreg [dreg:$0x0];
	s2 =	stileid.u32  }
0xc8: {  	s1 =	rddreg [dreg:$0x1];
	p0 =	sne.s32 s2, $0x0  }
0xc9: {  	s3 =	rddreg [dreg:$0x2];
	[bflag:$0x3] =	sbarrier.arrive $0xFFFF;
	s2 =	simm.s32 @!p0 $0x1C04  }
0xca: {  	[timem:s3], [sflag:s2] =	dma.local @!p0 [hbm:s0], s1  }
0xcb: {  	s0 =	simm.s32 @!p0 $0x4  }
0xcc: {  	_ =	swait.ge @!p0 [sflag:s0], s1  }
0xcd: {  	s1 =	ssub.s32 @!p0 $0x0, s1;
	[sflag:s0] =	ssyncset.done @!p0 $0x0  }
0xce: {  	[sflag:s0] =	ssyncadd.s32 @!p0 s1  }
0xcf: {  	[bflag:$0x3] =	sbarrier.arrive $0xFFFF  }
0xd0: {  	_ =	shalt  }

// kernel: kernel.19.cloned.1.call-start
scs
__scs_entry_jumppad:
0x0: {  	(pc) =	sbr.rel $0x88, $3  }
0x1: {  	(tag) =	ssettag $0x0;
	lr =	simm.s32 $0x1  }
0x2: {  	[smem:$0x3F96] =	sst lr;
	_ =	strace $0xD0000000  }
0x3: {  	_ = 	snop  }
0x4: {  	_ = 	snop  }
0x5: {  	_ = 	snop  }
0x6: {  	_ = 	snop  }
0x7: {  	_ = 	snop  }
__scs_overlays_trampoline_lowered:
0x8: {  	[smem:$0x3FA5] =	sst s0  }
0x9: {  	[smem:$0x3FA6] =	sst s1  }
0xa: {  	[smem:$0x3FA7] =	sst s2  }
0xb: {  	[smem:$0x3FA8] =	sst s3  }
0xc: {  	[smem:$0x3FA9] =	sst s4  }
0xd: {  	[smem:$0x3FAA] =	sst s5  }
0xe: {  	[smem:$0x3FAB] =	sst s6  }
0xf: {  	[smem:$0x3FAC] =	sst s7  }
0x10: {  	[smem:$0x3FAD] =	sst s8  }
0x11: {  	[smem:$0x3FAE] =	sst s9;
	s0 =	simm.s32 @!p0 $0x0  }
0x12: {  	s1 =	sld [smem:$0x3F94];
	s0 =	simm.s32 @p0 $0x1  }
0x13: {  	[smem:$0x3FAF] =	sst s0;
	s0 =	simm.s32 @!p1 $0x0  }
0x14: {  	s2 =	sld [smem:$0x3F93];
	s0 =	simm.s32 @p1 $0x1  }
0x15: {  	[smem:$0x3FB0] =	sst s0;
	s0 =	simm.s32 @!p2 $0x0  }
0x16: {  	s3 =	sld [smem:$0x3FDB];
	s0 =	simm.s32 @p2 $0x1  }
0x17: {  	s4 =	simm.s32 $0x1BF5;
	[smem:$0x3FB2] =	sst s0  }
0x18: {  	s0 =	sld [smem:$0x3F95];
	_ =	swait.ge [sflag:s4], $0x0  }
0x19: {  	s7 =	sld [smem:$0x3F96]  }
0x1a: {  	s8 =	sadd.s32 $0xFFFFE003, lr  }
0x1b: {  	s9 =	sadd.s32 $0xFFFFFEF7, lr;
	s5 =	simm.s32 $0xFFFFFFFF;
	p2 =	slt.u32 s8, $0xFFFFF086  }
0x1c: {  	p1 =	slt.u32 s9, $0xF7A;
	s5 =	simm.s32 @!p2 $0x0  }
0x1d: {  	s5 =	simm.s32 @p1 $0x1;
	p0 =	seq.s32 s7, s2  }
0x1e: {  	s7 =	smul.u32 @!p0 $0xF7A, s2;
	p2 =	seq.s32 @!p0 s5, $0x0  }
0x1f: {  	s9 =	smul.u32 $0xF7A, s1;
	s8 =	simm.s32 @!p0 $0x1BF5;
	p2 =	por !p2, p0  }
0x20: {  	[sflag:s8] =	ssyncset.s32 @!p0 $0xFFFFF086;
	s6 =	sadd.s32 @!p0 s3, s7;
	s7 =	simm.s32 @!p0 $0x108  }
0x21: {  	s3 =	sadd.s32 s3, s9;
	s6 =	sadd.s32 @!p0 $0x88, s6;
	s7 =	simm.s32 @p2 $0x1082  }
0x22: {  	[simem:s7], [sflag:s8] =	dma.local @!p0 [hbm:s6], $0xF7A  }
0x23: {  	s9 =	sor.u32 $0xD0000000, s2;
	s6 =	simm.s32 $0x108;
	_ =	swait.ge @!p0 [sflag:s8], $0x0  }
0x24: {  	s3 =	sadd.s32 $0x88, s3;
	s6 =	simm.s32 @!p1 $0x1082;
	[sflag:s4] =	ssyncset.s32 $0xFFFFF086  }
0x25: {  	[simem:s6], [sflag:s4] =	dma.local [hbm:s3], $0xF7A  }
0x26: {  	[smem:$0x3F96] =	sst s1;
	(tag) =	ssettag s2;
	_ =	strace s9  }
0x27: {  	s1 =	sld [smem:$0x3FA6]  }
0x28: {  	s2 =	sld [smem:$0x3FA7]  }
0x29: {  	s4 =	sld [smem:$0x3FA9]  }
0x2a: {  	p0 =	seq.s32 s5, $0x0;
	s5 =	sld [smem:$0x3FAA]  }
0x2b: {  	s6 =	sld [smem:$0x3FAB]  }
0x2c: {  	s7 =	sld [smem:$0x3FAC]  }
0x2d: {  	s3 =	simm.s32 $0x108;
	s8 =	sld [smem:$0x3FAD]  }
0x2e: {  	s3 =	simm.s32 @!p0 $0x1082;
	s9 =	sld [smem:$0x3FAE]  }
0x2f: {  	lr =	sadd.s32 s0, s3;
	s0 =	sld [smem:$0x3FA5]  }
0x30: {  	s3 =	sld [smem:$0x3FA8]  }
0x31: {  	[smem:$0x3FB1] =	sst s10  }
0x32: {  	s10 =	sld [smem:$0x3FAF];
	_ =	sdelay $0x3  }
0x33: {  	p0 =	seq.s32 s10, $0x1;
	s10 =	sld [smem:$0x3FB1];
	_ =	sdelay $0x3  }
0x34: {  	[smem:$0x3FB1] =	sst s10  }
0x35: {  	s10 =	sld [smem:$0x3FB0];
	_ =	sdelay $0x3  }
0x36: {  	p1 =	seq.s32 s10, $0x1;
	s10 =	sld [smem:$0x3FB1];
	_ =	sdelay $0x3  }
0x37: {  	[smem:$0x3FB1] =	sst s10  }
0x38: {  	s10 =	sld [smem:$0x3FB2]  }
0x39: {  	_ = 	snop;
	(pc) =	sbr.ind lr, $3  }
0x3a: {  	_ = 	snop  }
0x3b: {  	_ = 	snop  }
0x3c: {  	p2 =	seq.s32 s10, $0x1;
	s10 =	sld [smem:$0x3FB1]  }
0x3d: {  	_ =	shalt  }
0x3e: {  	_ =	shalt  }
0x3f: {  	_ =	shalt  }
0x40: {  	_ =	shalt  }
0x41: {  	_ =	shalt  }
0x42: {  	_ =	shalt  }
0x43: {  	_ =	shalt  }
0x44: {  	_ =	shalt  }
0x45: {  	_ =	shalt  }
0x46: {  	_ =	shalt  }
0x47: {  	_ =	shalt  }
0x48: {  	_ =	shalt  }
0x49: {  	_ =	shalt  }
0x4a: {  	_ =	shalt  }
0x4b: {  	_ =	shalt  }
0x4c: {  	_ =	shalt  }
0x4d: {  	_ =	shalt  }
0x4e: {  	_ =	shalt  }
0x4f: {  	_ =	shalt  }
0x50: {  	_ =	shalt  }
0x51: {  	_ =	shalt  }
0x52: {  	_ =	shalt  }
0x53: {  	_ =	shalt  }
0x54: {  	_ =	shalt  }
0x55: {  	_ =	shalt  }
0x56: {  	_ =	shalt  }
0x57: {  	_ =	shalt  }
0x58: {  	_ =	shalt  }
0x59: {  	_ =	shalt  }
0x5a: {  	_ =	shalt  }
0x5b: {  	_ =	shalt  }
0x5c: {  	_ =	shalt  }
0x5d: {  	_ =	shalt  }
0x5e: {  	_ =	shalt  }
0x5f: {  	_ =	shalt  }
0x60: {  	_ =	shalt  }
0x61: {  	_ =	shalt  }
0x62: {  	_ =	shalt  }
0x63: {  	_ =	shalt  }
0x64: {  	_ =	shalt  }
0x65: {  	_ =	shalt  }
0x66: {  	_ =	shalt  }
0x67: {  	_ =	shalt  }
0x68: {  	_ =	shalt  }
0x69: {  	_ =	shalt  }
0x6a: {  	_ =	shalt  }
0x6b: {  	_ =	shalt  }
0x6c: {  	_ =	shalt  }
0x6d: {  	_ =	shalt  }
0x6e: {  	_ =	shalt  }
0x6f: {  	_ =	shalt  }
0x70: {  	_ =	shalt  }
0x71: {  	_ =	shalt  }
0x72: {  	_ =	shalt  }
0x73: {  	_ =	shalt  }
0x74: {  	_ =	shalt  }
0x75: {  	_ =	shalt  }
0x76: {  	_ =	shalt  }
0x77: {  	_ =	shalt  }
0x78: {  	_ =	shalt  }
0x79: {  	_ =	shalt  }
0x7a: {  	_ =	shalt  }
0x7b: {  	_ =	shalt  }
0x7c: {  	_ =	shalt  }
0x7d: {  	_ =	shalt  }
0x7e: {  	_ =	shalt  }
0x7f: {  	_ =	shalt  }
0x80: {  	_ =	shalt  }
0x81: {  	_ =	shalt  }
0x82: {  	_ =	shalt  }
0x83: {  	_ =	shalt  }
0x84: {  	_ =	shalt  }
0x85: {  	_ =	shalt  }
0x86: {  	_ =	shalt  }
0x87: {  	_ =	shalt  }
.Lfunc_end0:
.L_simem_size_0:
called_computation.3_lowered:
.L_overlay_start_0:
0x88: {  	s2 =	sld [smem:$0x3FD9]  }
0x89: {  	s3 =	sld [smem:$0x3FFE];
	_ =	sdelay $0x1  }
0x8a: {  	s1 =	srdreg.scid  }
0x8b: {  	s0 =	sand.u32 $0x1, s1  }
0x8c: {  	s16 =	sshll.u32 s0, $0xA;
	s2 =	sadd.s32 s3, s2  }
0x8d: {  	s2 =	sadd.s32 s2, s16  }
0x8e: {  	[smem:$0x3FBD] =	sst s2  }
0x8f: {  	_ = 	snop  }
0x90: {  	(tm) =	ssettm $0x1  }
0x91: {  	s17 =	sld [smem:$0x3FFB];
	_ =	sdelay $0x3  }
0x92: {  	_ =	strace s17  }
0x93: {  	s2 =	sld [smem:$0x3FFC];
	_ =	sdelay $0x3  }
0x94: {  	_ =	strace s2  }
0x95: {  	s2 =	sld [smem:$0x3FFD];
	_ =	sdelay $0x3  }
0x96: {  	_ =	strace s2  }
0x97: {  	_ =	strace $0x8FFFFFFF  }
0x98: {  	s18 =	sld [smem:$0x3FDB];
	_ =	sdelay $0x1  }
0x99: {  	s19 =	simm.s32 $_scs_section_size  }
0x9a: {  	s4 =	simm.s32 $_size__tile_overlayer_lowered;
	s5 =	simm.s32 $_tile_overlayer_lowered  }
0x9b: {  	s22 =	simm.s32 $0x1BFF;
	s21 =	sshll.u32 s5, $0x1;
	s2 =	sadd.s32 s19, s18  }
0x9c: {  	s6 =	simm.s32 $0x0;
	s20 =	sshll.u32 s4, $0x1;
	s4 =	sadd.s32 s21, s2  }
0x9d: {  	[timem:s6], [sflag:s22] =	dma.local [hbm:s4], s20  }
0x9e: {  	_ =	swait.ge [sflag:s22], s20  }
0x9f: {  	s3 =	ssub.s32 $0x0, s20;
	[sflag:s22] =	ssyncset.done $0x0  }
0xa0: {  	[sflag:s22] =	ssyncadd.s32 s3;
	_ =	sdelay $0x1  }
0xa1: {  	s23 =	simm.s32 $0x1B8B  }
0xa2: {  	_ =	swait.ge [sflag:s23], $0x1  }
0xa3: {  	[sflag:s23] =	ssyncset.done $0x0  }
0xa4: {  	s25 =	simm.s32 $0x1B8E;
	s24 =	sld [smem:$0x3FFE];
	[sflag:s23] =	ssyncadd.s32 $0xFFFFFFFF  }
0xa5: {  	s26 =	simm.s32 $execute0_lowered;
	[smem:$0x3FD2] =	sst s25  }
0xa6: {  	s4 =	sshll.u32 s26, $0x1;
	_ =	strace $0x8000004F;
	[dreg:$0x1] =	wrdreg $0xFFFFFFFF  }
0xa7: {  	s28 =	simm.s32 $_size_execute0_lowered;
	s2 =	sadd.s32 s2, s4;
	[dreg:$0x0] =	wrdreg $0x0  }
0xa8: {  	s4 =	sshll.u32 s28, $0x1;
	[dreg:$0x2] =	wrdreg s2  }
0xa9: {  	[dreg:$0x3] =	wrdreg s4  }
0xaa: {  	[dreg:$0x4] =	wrdreg $0xC0  }
0xab: {  	_ =	task [dreg:s6], $0x5FFFF  }
0xac: {  	[dreg:$0x1] =	wrdreg $0xFFFFFFFF  }
0xad: {  	[dreg:$0x0] =	wrdreg $0x60  }
0xae: {  	[dreg:$0x2] =	wrdreg s24  }
0xaf: {  	[dreg:$0x3] =	wrdreg $0x9F000  }
0xb0: {  	[dreg:$0x4] =	wrdreg $0x9  }
0xb1: {  	_ =	task.clear_ibuf [dreg:s6], $0x5FFFF;
	_ =	strace $0x9000004F  }
0xb2: {  	s29 =	simm.s32 $0x9;
	_ =	strace $0x80000051  }
0xb3: {  	_ =	swait.ge [sflag:s29], $0x1  }
0xb4: {  	[sflag:s29] =	ssyncadd.s32 $0xFFFFFFFF  }
0xb5: {  	_ =	strace $0x90000051  }
0xb6: {  	_ =	sfence  }
0xb7: {  	s30 =	sld [smem:$0x0];
	_ =	sdelay $0x2  }
0xb8: {  	s31 =	sshll.u32 s1, $0xD;
	s1 =	sshrl.u32 s1, $0x2  }
0xb9: {  	s3 =	sand.u32 $0x4000, s31;
	s1 =	sadd.s32 s1, s30  }
0xba: {  	s0 =	sor.u32 s3, s0;
	s1 =	sshll.u32 s1, $0x11  }
0xbb: {  	s0 =	sor.u32 s1, s0  }
0xbc: {  	s0 =	sadd.s32 $0x8F2B, s0  }
0xbd: {  	[sflag:s0] =	ssyncadd.remote.s32 $0x1  }
0xbe: {  	_ =	sfence.sel $0xFFFF  }
0xbf: {  	[dreg:$0x0] =	wrdreg $0xFFFFFFFF;
	(pc) =	sbr.abs _section_cstart, $3  }
0xc0: {  	[dreg:$0x1] =	wrdreg $0xFFFFFFFF  }
0xc1: {  	_ =	task.clear_ibuf [dreg:s6], $0x2FFFF;
	_ =	strace $0x9FFFFFFF  }
0xc2: {  	(tm) =	ssettm $0x7FFFFFFF  }
0xc3: {  	_ =	shalt  }
tec
execute0_lowered:
.L_overlay_start_1:
0x0: {  	(tag) =	ssettag $0x1  }
0x1: {  	s0 =	srdreg.scid;
	s5 =	rddreg [dreg:$0x0]  }
0x2: {  	s8 =	stileid.u32;
	s2 =	rddreg [dreg:$0x1];
	s3 =	simm.s32 $0x0  }
0x3: {  	s28 =	simm.s32 $0x4;
	s29 =	simm.s32 $0x3;
	s30 =	simm.s32 $0x50  }
0x4: {  	s31 =	simm.s32 $0x2800;
	s0 =	sand.u32 $0x1, s0;
	s1 =	sshll.u32 s8, $0x1  }
0x5: {  	s6 =	smul.u32 $0x278, s8;
	[smem:$0x7FF] =	sst s3;
	s4 =	sadd.s32 $0x17A00, s5  }
0x6: {  	s21 =	smul.u32 $0x4F000, s8;
	s22 =	sadd.s32 $0x65E00, s5;
	s1 =	sor.u32 s0, s1  }
0x7: {  	s7 =	smul.u32 $0x2780, s0;
	_ =	strace $0x80000050;
	s0 =	ssub.s32 $0x2, s0  }
0x8: {  	[dreg:$0x3] =	wrdreg s22;
	s1 =	smul.u32 $0x4E2, s1;
	s23 =	sshrl.u32 s0, $0x1  }
0x9: {  	s6 =	sadd.s32 s6, s7;
	s7 =	sshrl.u32 s21, $0x2;
	s0 =	ssub.s32 s0, s23  }
0xa: {  	s1 =	sadd.s32 s1, s5;
	s6 =	sshll.u32 s6, $0x4;
	s7 =	sadd.s32 s7, s2  }
0xb: {  	s5 =	sadd.s32 s6, s5;
	s24 =	sadd.s32 $0xDC00, s1;
	s1 =	sadd.s32 $0x3E00, s1  }
0xc: {  	s9 =	sadd.s32 $0x2800, s7;
	s10 =	sadd.s32 $0x5000, s7;
	s11 =	sadd.s32 $0x7800, s7  }
0xd: {  	s12 =	sadd.s32 $0xA000, s7;
	s13 =	sadd.s32 $0xC800, s7;
	[dreg:$0x4] =	wrdreg s24  }
0xe: {  	s14 =	sadd.s32 $0xF000, s7;
	s15 =	sadd.s32 $0x11800, s7;
	[dreg:$0x5] =	wrdreg s1  }
0xf: {  	s25 =	sadd.s32 $0xB4800, s5;
	s26 =	sadd.s32 $0xB4D00, s5;
	s18 =	sadd.s32 $0xB5200, s5  }
0x10: {  	s19 =	sadd.s32 $0xB5700, s5;
	s20 =	sadd.s32 $0xB5C00, s5;
	s21 =	sadd.s32 $0xB6100, s5  }
0x11: {  	s22 =	sadd.s32 $0xB6600, s5;
	s23 =	sadd.s32 $0xB6B00, s5;
	s24 =	smax.u32 s0, $0x1  }
0x12: {  	s1 =	simm.s32 $0x1;
	s0 =	simm.s32 $0x2;
	[dreg:$0x6] =	wrdreg s25  }
0x13: {  	[dreg:$0x7] =	wrdreg s26;
	s25 =	simm.s32 $0x5000;
	s26 =	simm.s32 $0x0  }
.LBB2_1:
0x14: {  	s5 =	rddreg [dreg:$0x4]  }
0x15: {  	[tilespmem:s25], [sflag:$0x3] =	stream.linear.gather [hbm4b:s5+s3], $0x2710, $0x38;
	[tilespmem:$0x1DB00] =	vst v63  }
0x16: {  	s16 =	rddreg [dreg:$0x5];
	s6 =	simm.s32 $0x7780  }
0x17: {  	[tilespmem:s6], [sflag:$0x3] =	stream.linear.gather [hbm4b:s16+s3], $0x2710, $0x38;
	[tilespmem:$0x1DB00] =	vst v63  }
0x18: {  	s17 =	rddreg [dreg:$0x3]  }
0x19: {  	[tilespmem:s3], [sflag:$0x4] =	stream.linear.gather [hbm4b:s17+s3], $0x2800, $0x38;
	[tilespmem:$0x1DB00] =	vst v63  }
0x1a: {  	_ =	swait.ge [sflag:s28], $0x2800  }
0x1b: {  	[sflag:s28] =	ssyncset.done $0x0  }
0x1c: {  	[sflag:s28] =	ssyncadd.s32 $0xFFFFD800  }
0x1d: {  	[spmem:s7] =	stream.linear.scatter [tilespmem:s3], [sflag:$0x4], $0x2800, $0x38;
	[tilespmem:$0x1DB00] =	vst v63  }
0x1e: {  	_ =	swait.ge [sflag:s28], $0x2800  }
0x1f: {  	[sflag:s28] =	ssyncset.done $0x0  }
0x20: {  	[sflag:s28] =	ssyncadd.s32 $0xFFFFD800  }
0x21: {  	[spmem:s9] =	stream.linear.scatter [tilespmem:s3], [sflag:$0x4], $0x2800, $0x38;
	[tilespmem:$0x1DB00] =	vst v63  }
0x22: {  	_ =	swait.ge [sflag:s28], $0x2800  }
0x23: {  	[sflag:s28] =	ssyncset.done $0x0  }
0x24: {  	[sflag:s28] =	ssyncadd.s32 $0xFFFFD800  }
0x25: {  	[spmem:s10] =	stream.linear.scatter [tilespmem:s3], [sflag:$0x4], $0x2800, $0x38;
	[tilespmem:$0x1DB00] =	vst v63  }
0x26: {  	_ =	swait.ge [sflag:s28], $0x2800  }
0x27: {  	[sflag:s28] =	ssyncset.done $0x0  }
0x28: {  	[sflag:s28] =	ssyncadd.s32 $0xFFFFD800  }
0x29: {  	[spmem:s11] =	stream.linear.scatter [tilespmem:s3], [sflag:$0x4], $0x2800, $0x38;
	[tilespmem:$0x1DB00] =	vst v63  }
0x2a: {  	_ =	swait.ge [sflag:s28], $0x2800  }
0x2b: {  	[sflag:s28] =	ssyncset.done $0x0  }
0x2c: {  	[sflag:s28] =	ssyncadd.s32 $0xFFFFD800  }
0x2d: {  	[spmem:s12] =	stream.linear.scatter [tilespmem:s3], [sflag:$0x4], $0x2800, $0x38;
	[tilespmem:$0x1DB00] =	vst v63  }
0x2e: {  	_ =	swait.ge [sflag:s28], $0x2800  }
0x2f: {  	[sflag:s28] =	ssyncset.done $0x0  }
0x30: {  	[sflag:s28] =	ssyncadd.s32 $0xFFFFD800  }
0x31: {  	[spmem:s13] =	stream.linear.scatter [tilespmem:s3], [sflag:$0x4], $0x2800, $0x38;
	[tilespmem:$0x1DB00] =	vst v63  }
0x32: {  	_ =	swait.ge [sflag:s28], $0x2800  }
0x33: {  	[sflag:s28] =	ssyncset.done $0x0  }
0x34: {  	[sflag:s28] =	ssyncadd.s32 $0xFFFFD800  }
0x35: {  	[spmem:s14] =	stream.linear.scatter [tilespmem:s3], [sflag:$0x4], $0x2800, $0x38;
	[tilespmem:$0x1DB00] =	vst v63  }
0x36: {  	_ =	swait.ge [sflag:s28], $0x2800  }
0x37: {  	[sflag:s28] =	ssyncset.done $0x0  }
0x38: {  	[sflag:s28] =	ssyncadd.s32 $0xFFFFD800  }
0x39: {  	[spmem:s15] =	stream.linear.scatter [tilespmem:s3], [sflag:$0x4], $0x2400, $0x38;
	[tilespmem:$0x1DB00] =	vst v63  }
0x3a: {  	_ =	swait.ge [sflag:s28], $0x2400  }
0x3b: {  	[sflag:s28] =	ssyncset.done $0x0  }
0x3c: {  	[sflag:s28] =	ssyncadd.s32 $0xFFFFDC00  }
0x3d: {  	_ =	swait.ge [sflag:s29], $0x2710  }
0x3e: {  	[sflag:s29] =	ssyncset.done $0x0  }
0x3f: {  	[sflag:s29] =	ssyncadd.s32 $0xFFFFD8F0  }
0x40: {  	_ =	swait.ge [sflag:s29], $0x2710  }
0x41: {  	[sflag:s29] =	ssyncset.done $0x0  }
0x42: {  	[sflag:s29] =	ssyncadd.s32 $0xFFFFD8F0  }
0x43: {  	[bflag:$0x0] =	sbarrier.arrive $0xFFFF  }
0x44: {  	[tilespmem:s3], [sflag:$0x1] =	stream.indirect.gather [hbm4b:s4+s30], $0x80, s25, s30, $0xb8;
	[tilespmem:$0x1DB00] =	vst v63  }
0x45: {  	s6 =	simm.s32 $0x5050  }
0x46: {  	[tilespmem:s31], [sflag:$0x2] =	stream.indirect.gather [hbm4b:s4+s30], $0x80, s6, s30, $0xb8;
	[tilespmem:$0x1DB00] =	vst v63  }
0x47: {  	_ =	swait.ge [sflag:s1], $0x2800  }
0x48: {  	[sflag:s1] =	ssyncset.done $0x0  }
0x49: {  	s8 =	simm.s32 $0x7780;
	[sflag:s1] =	ssyncadd.s32 $0xFFFFD800  }
0x4a: {  	[spmem:s2] =	stream.indirect.scatter.add.f32 [tilespmem:s3], [sflag:$0x4], $0x80, s8, s30, $0xb8;
	[tilespmem:$0x1DB00] =	vst v63  }
0x4b: {  	_ =	swait.ge [sflag:s28], $0x2800  }
0x4c: {  	[sflag:s28] =	ssyncset.done $0x0  }
0x4d: {  	s16 =	simm.s32 $0x50A0;
	[sflag:s28] =	ssyncadd.s32 $0xFFFFD800  }
0x4e: {  	[tilespmem:s3], [sflag:$0x1] =	stream.indirect.gather [hbm4b:s4+s30], $0x80, s16, s30, $0xb8;
	[tilespmem:$0x1DB00] =	vst v63  }
0x4f: {  	_ =	swait.ge [sflag:s0], $0x2800  }
0x50: {  	[sflag:s0] =	ssyncset.done $0x0  }
0x51: {  	s17 =	simm.s32 $0x77D0;
	[sflag:s0] =	ssyncadd.s32 $0xFFFFD800  }
0x52: {  	[spmem:s2] =	stream.indirect.scatter.add.f32 [tilespmem:s31], [sflag:$0x4], $0x80, s17, s30, $0xb8;
	[tilespmem:$0x1DB00] =	vst v63  }
0x53: {  	_ =	swait.ge [sflag:s28], $0x2800  }
0x54: {  	s5 =	simm.s32 $0xA0;
	s6 =	simm.s32 $0x500;
	[sflag:s28] =	ssyncset.done $0x0  }
.LBB2_2:
0x55: {  	s8 =	sadd.s32 $0x5050, s5  }
0x56: {  	[sflag:s28] =	ssyncadd.s32 $0xFFFFD800;
	s16 =	smov.u32 s6;
	s17 =	sadd.s32 $0x280, s6  }
0x57: {  	[tilespmem:s31], [sflag:$0x2] =	stream.indirect.gather [hbm4b:s4+s30], $0x80, s8, s30, $0xb8;
	[tilespmem:$0x1DB00] =	vst v63  }
0x58: {  	p0 =	sne.s32 s6, $0x9880;
	_ =	swait.ge [sflag:s1], $0x2800  }
0x59: {  	[sflag:s1] =	ssyncset.done $0x0  }
0x5a: {  	s6 =	sadd.s32 $0x7780, s5;
	[sflag:s1] =	ssyncadd.s32 $0xFFFFD800  }
0x5b: {  	[spmem:s2] =	stream.indirect.scatter.add.f32 [tilespmem:s3], [sflag:$0x4], $0x80, s6, s30, $0xb8;
	[tilespmem:$0x1DB00] =	vst v63  }
0x5c: {  	_ =	swait.ge [sflag:s28], $0x2800  }
0x5d: {  	[sflag:s28] =	ssyncset.done $0x0  }
0x5e: {  	s6 =	sadd.s32 $0x50A0, s5;
	[sflag:s28] =	ssyncadd.s32 $0xFFFFD800  }
0x5f: {  	[tilespmem:s3], [sflag:$0x1] =	stream.indirect.gather [hbm4b:s4+s30], $0x80, s6, s30, $0xb8;
	[tilespmem:$0x1DB00] =	vst v63  }
0x60: {  	_ =	swait.ge [sflag:s0], $0x2800  }
.Ltmp0:
0x61: {  	[sflag:s0] =	ssyncset.done $0x0;
	(pc) =	sbr.rel @p0 .LBB2_2-.Ltmp0, $4  }
0x62: {  	s5 =	sadd.s32 $0x77D0, s5;
	[sflag:s0] =	ssyncadd.s32 $0xFFFFD800  }
0x63: {  	[spmem:s2] =	stream.indirect.scatter.add.f32 [tilespmem:s31], [sflag:$0x4], $0x80, s5, s30, $0xb8;
	[tilespmem:$0x1DB00] =	vst v63  }
0x64: {  	_ =	swait.ge [sflag:s28], $0x2800  }
0x65: {  	s6 =	smov.u32 s17;
	s5 =	sshra.s32 s16, $0x2;
	[sflag:s28] =	ssyncset.done $0x0  }
0x66: {  	s6 =	sadd.s32 $0x5050, s5;
	[sflag:s28] =	ssyncadd.s32 $0xFFFFD800  }
0x67: {  	[tilespmem:s31], [sflag:$0x2] =	stream.indirect.gather [hbm4b:s4+s30], $0x80, s6, s30, $0xb8;
	[tilespmem:$0x1DB00] =	vst v63  }
0x68: {  	_ =	swait.ge [sflag:s1], $0x2800  }
0x69: {  	[sflag:s1] =	ssyncset.done $0x0  }
0x6a: {  	s16 =	sadd.s32 $0x7780, s5;
	[sflag:s1] =	ssyncadd.s32 $0xFFFFD800  }
0x6b: {  	[spmem:s2] =	stream.indirect.scatter.add.f32 [tilespmem:s3], [sflag:$0x4], $0x80, s16, s30, $0xb8;
	[tilespmem:$0x1DB00] =	vst v63  }
0x6c: {  	_ =	swait.ge [sflag:s28], $0x2800  }
0x6d: {  	[sflag:s28] =	ssyncset.done $0x0  }
0x6e: {  	s17 =	sadd.s32 $0x50A0, s5;
	[sflag:s28] =	ssyncadd.s32 $0xFFFFD800  }
0x6f: {  	[tilespmem:s3], [sflag:$0x1] =	stream.indirect.gather [hbm4b:s4+s30], $0x80, s17, s30, $0xb8;
	[tilespmem:$0x1DB00] =	vst v63  }
0x70: {  	_ =	swait.ge [sflag:s0], $0x2800  }
0x71: {  	[sflag:s0] =	ssyncset.done $0x0  }
0x72: {  	s6 =	sadd.s32 $0x77D0, s5;
	[sflag:s0] =	ssyncadd.s32 $0xFFFFD800  }
0x73: {  	[spmem:s2] =	stream.indirect.scatter.add.f32 [tilespmem:s31], [sflag:$0x4], $0x80, s6, s30, $0xb8;
	[tilespmem:$0x1DB00] =	vst v63  }
0x74: {  	_ =	swait.ge [sflag:s28], $0x2800  }
0x75: {  	[sflag:s28] =	ssyncset.done $0x0  }
0x76: {  	[sflag:s28] =	ssyncadd.s32 $0xFFFFD800  }
0x77: {  	_ =	swait.ge [sflag:s1], $0x2800  }
0x78: {  	[sflag:s1] =	ssyncset.done $0x0  }
0x79: {  	s8 =	simm.s32 $0x9E40;
	[sflag:s1] =	ssyncadd.s32 $0xFFFFD800  }
0x7a: {  	[spmem:s2] =	stream.indirect.scatter.add.f32 [tilespmem:s3], [sflag:$0x4], $0x80, s8, s30, $0xb8;
	[tilespmem:$0x1DB00] =	vst v63  }
0x7b: {  	_ =	swait.ge [sflag:s28], $0x2800  }
0x7c: {  	[sflag:s28] =	ssyncset.done $0x0  }
0x7d: {  	[sflag:s28] =	ssyncadd.s32 $0xFFFFD800  }
0x7e: {  	[bflag:$0x0] =	sbarrier.arrive $0xFFFF  }
0x7f: {  	[tilespmem:s3], [sflag:$0x4] =	stream.linear.gather [spmem:s7], $0x2800, $0x38;
	[tilespmem:$0x1DB00] =	vst v63  }
0x80: {  	_ =	swait.ge [sflag:s28], $0x2800  }
0x81: {  	[sflag:s28] =	ssyncset.done $0x0  }
0x82: {  	s16 =	rddreg [dreg:$0x6];
	[sflag:s28] =	ssyncadd.s32 $0xFFFFD800  }
0x83: {  	[hbm4b:s16+s3] =	stream.linear.scatter [tilespmem:s3], [sflag:$0x4], $0x2800, $0x38;
	[tilespmem:$0x1DB00] =	vst v63  }
0x84: {  	_ =	swait.ge [sflag:s28], $0x2800  }
0x85: {  	[sflag:s28] =	ssyncset.done $0x0  }
0x86: {  	[sflag:s28] =	ssyncadd.s32 $0xFFFFD800  }
0x87: {  	[tilespmem:s3], [sflag:$0x4] =	stream.linear.gather [spmem:s9], $0x2800, $0x38;
	[tilespmem:$0x1DB00] =	vst v63  }
0x88: {  	_ =	swait.ge [sflag:s28], $0x2800  }
0x89: {  	[sflag:s28] =	ssyncset.done $0x0  }
0x8a: {  	s17 =	rddreg [dreg:$0x7];
	[sflag:s28] =	ssyncadd.s32 $0xFFFFD800  }
0x8b: {  	[hbm4b:s17+s3] =	stream.linear.scatter [tilespmem:s3], [sflag:$0x4], $0x2800, $0x38;
	[tilespmem:$0x1DB00] =	vst v63  }
0x8c: {  	_ =	swait.ge [sflag:s28], $0x2800  }
0x8d: {  	[sflag:s28] =	ssyncset.done $0x0  }
0x8e: {  	[sflag:s28] =	ssyncadd.s32 $0xFFFFD800  }
0x8f: {  	[tilespmem:s3], [sflag:$0x4] =	stream.linear.gather [spmem:s10], $0x2800, $0x38;
	[tilespmem:$0x1DB00] =	vst v63  }
0x90: {  	_ =	swait.ge [sflag:s28], $0x2800  }
0x91: {  	[sflag:s28] =	ssyncset.done $0x0  }
0x92: {  	[sflag:s28] =	ssyncadd.s32 $0xFFFFD800  }
0x93: {  	[hbm4b:s18+s3] =	stream.linear.scatter [tilespmem:s3], [sflag:$0x4], $0x2800, $0x38;
	[tilespmem:$0x1DB00] =	vst v63  }
0x94: {  	_ =	swait.ge [sflag:s28], $0x2800  }
0x95: {  	[sflag:s28] =	ssyncset.done $0x0  }
0x96: {  	[sflag:s28] =	ssyncadd.s32 $0xFFFFD800  }
0x97: {  	[tilespmem:s3], [sflag:$0x4] =	stream.linear.gather [spmem:s11], $0x2800, $0x38;
	[tilespmem:$0x1DB00] =	vst v63  }
0x98: {  	_ =	swait.ge [sflag:s28], $0x2800  }
0x99: {  	[sflag:s28] =	ssyncset.done $0x0  }
0x9a: {  	[sflag:s28] =	ssyncadd.s32 $0xFFFFD800  }
0x9b: {  	[hbm4b:s19+s3] =	stream.linear.scatter [tilespmem:s3], [sflag:$0x4], $0x2800, $0x38;
	[tilespmem:$0x1DB00] =	vst v63  }
0x9c: {  	_ =	swait.ge [sflag:s28], $0x2800  }
0x9d: {  	[sflag:s28] =	ssyncset.done $0x0  }
0x9e: {  	[sflag:s28] =	ssyncadd.s32 $0xFFFFD800  }
0x9f: {  	[tilespmem:s3], [sflag:$0x4] =	stream.linear.gather [spmem:s12], $0x2800, $0x38;
	[tilespmem:$0x1DB00] =	vst v63  }
0xa0: {  	_ =	swait.ge [sflag:s28], $0x2800  }
0xa1: {  	[sflag:s28] =	ssyncset.done $0x0  }
0xa2: {  	[sflag:s28] =	ssyncadd.s32 $0xFFFFD800  }
0xa3: {  	[hbm4b:s20+s3] =	stream.linear.scatter [tilespmem:s3], [sflag:$0x4], $0x2800, $0x38;
	[tilespmem:$0x1DB00] =	vst v63  }
0xa4: {  	_ =	swait.ge [sflag:s28], $0x2800  }
0xa5: {  	[sflag:s28] =	ssyncset.done $0x0  }
0xa6: {  	[sflag:s28] =	ssyncadd.s32 $0xFFFFD800  }
0xa7: {  	[tilespmem:s3], [sflag:$0x4] =	stream.linear.gather [spmem:s13], $0x2800, $0x38;
	[tilespmem:$0x1DB00] =	vst v63  }
0xa8: {  	_ =	swait.ge [sflag:s28], $0x2800  }
0xa9: {  	[sflag:s28] =	ssyncset.done $0x0  }
0xaa: {  	[sflag:s28] =	ssyncadd.s32 $0xFFFFD800  }
0xab: {  	[hbm4b:s21+s3] =	stream.linear.scatter [tilespmem:s3], [sflag:$0x4], $0x2800, $0x38;
	[tilespmem:$0x1DB00] =	vst v63  }
0xac: {  	_ =	swait.ge [sflag:s28], $0x2800  }
0xad: {  	[sflag:s28] =	ssyncset.done $0x0  }
0xae: {  	[sflag:s28] =	ssyncadd.s32 $0xFFFFD800  }
0xaf: {  	[tilespmem:s3], [sflag:$0x4] =	stream.linear.gather [spmem:s14], $0x2800, $0x38;
	[tilespmem:$0x1DB00] =	vst v63  }
0xb0: {  	_ =	swait.ge [sflag:s28], $0x2800  }
0xb1: {  	[sflag:s28] =	ssyncset.done $0x0  }
0xb2: {  	[sflag:s28] =	ssyncadd.s32 $0xFFFFD800  }
0xb3: {  	[hbm4b:s22+s3] =	stream.linear.scatter [tilespmem:s3], [sflag:$0x4], $0x2800, $0x38;
	[tilespmem:$0x1DB00] =	vst v63  }
0xb4: {  	_ =	swait.ge [sflag:s28], $0x2800  }
0xb5: {  	[sflag:s28] =	ssyncset.done $0x0  }
0xb6: {  	[sflag:s28] =	ssyncadd.s32 $0xFFFFD800  }
0xb7: {  	[tilespmem:s3], [sflag:$0x4] =	stream.linear.gather [spmem:s15], $0x2400, $0x38;
	[tilespmem:$0x1DB00] =	vst v63  }
0xb8: {  	s26 =	sadd.s32 $0x1, s26;
	_ =	swait.ge [sflag:s28], $0x2400  }
0xb9: {  	p0 =	sne.s32 s26, s24;
	[sflag:s28] =	ssyncset.done $0x0  }
.Ltmp1:
0xba: {  	[sflag:s28] =	ssyncadd.s32 $0xFFFFDC00;
	(pc) =	sbr.rel @p0 .LBB2_1-.Ltmp1, $4  }
0xbb: {  	[hbm4b:s23+s3] =	stream.linear.scatter [tilespmem:s3], [sflag:$0x4], $0x2400, $0x38;
	[tilespmem:$0x1DB00] =	vst v63  }
0xbc: {  	_ =	swait.ge [sflag:s28], $0x2400  }
0xbd: {  	[sflag:s28] =	ssyncset.done $0x0  }
0xbe: {  	[sflag:s28] =	ssyncadd.s32 $0xFFFFDC00  }
0xbf: {  	_ =	sfence.sel $0x180000  }
0xc0: {  	[bflag:$0x0] =	sbarrier.arrive $0xFFFF  }
0xc1: {  	_ =	strace $0x90000050  }
0xc2: {  	s0 =	stileid.u32;
	[bflag:$0x2] =	sbarrier.arrive $0xFFFF  }
0xc3: {  	p0 =	sne.s32 s0, $0x0;
	s0 =	rddreg [dreg:$0x2]  }
0xc4: {  	s0 =	sadd.s32 @!p0 $0x100000, s0  }
0xc5: {  	[sflag:s0] =	ssyncadd.tile.s32 @!p0 $0x1;
	_ =	shalt  }
.Lfunc_end2:
_tile_overlayer_lowered:
.L_overlay_start_2:
0xc6: {  	(tag) =	ssettag $0x2  }
0xc7: {  	s0 =	rddreg [dreg:$0x0];
	s2 =	stileid.u32  }
0xc8: {  	s1 =	rddreg [dreg:$0x1];
	p0 =	sne.s32 s2, $0x0  }
0xc9: {  	s3 =	rddreg [dreg:$0x2];
	[bflag:$0x3] =	sbarrier.arrive $0xFFFF;
	s2 =	simm.s32 @!p0 $0x1C04  }
0xca: {  	[timem:s3], [sflag:s2] =	dma.local @!p0 [hbm:s0], s1  }
0xcb: {  	s0 =	simm.s32 @!p0 $0x4  }
0xcc: {  	_ =	swait.ge @!p0 [sflag:s0], s1  }
0xcd: {  	s1 =	ssub.s32 @!p0 $0x0, s1;
	[sflag:s0] =	ssyncset.done @!p0 $0x0  }
0xce: {  	[sflag:s0] =	ssyncadd.s32 @!p0 s1  }
0xcf: {  	[bflag:$0x3] =	sbarrier.arrive $0xFFFF  }
0xd0: {  	_ =	shalt  }

</sc_bundles>
